<compile_context>
chip_gen: v7x
topology: tpu7x:2x2x1
jax: 0.10.2.dev20260603
libtpu: 0.0.44.dev20260713+nightly
codegen_flags: <defaults>
</compile_context>

<pallas_src>
import jax
import jax.numpy as jnp
from jax import lax
from jax.experimental import pallas as pl
from jax.experimental.pallas import tpu as pltpu
from jax.experimental.pallas import tpu_sc as plsc

N_NODES = 10000
D = 128

NC = 2
NS = 16
NW = NC * NS
CHUNK = 80
GRP = 5

N_PAD = 10240
ROWS_PER_SUB = N_PAD // NS


def _sc_feat_body(x_hbm, src_hbm, dst_hbm, z_hbm, agg_out,
                  src_g, dst_g, ra_v, rb_v, agg_sh, sem_a, sem_b):
    n_groups = src_hbm.shape[1]
    cid = lax.axis_index("c")
    sid = lax.axis_index("s")
    wid = cid * NS + sid
    row0 = sid * ROWS_PER_SUB

    pltpu.sync_copy(z_hbm, ra_v)
    for k in range(ROWS_PER_SUB // CHUNK):
        pltpu.sync_copy(ra_v, agg_sh.at[pl.ds(row0 + k * CHUNK, CHUNK)])
    plsc.subcore_barrier()

    rows = (ra_v, rb_v)
    sems = (sem_a, sem_b)

    def step(b, carry):
        pltpu.sync_copy(src_hbm.at[wid, b], src_g)
        pltpu.sync_copy(dst_hbm.at[wid, b], dst_g)
        pend = [None, None]
        pend[0] = pltpu.async_copy(x_hbm.at[src_g.at[0]], rows[0], sems[0])
        for g in range(GRP):
            cur, nxt = g % 2, (g + 1) % 2
            if g + 1 < GRP:
                pend[nxt] = pltpu.async_copy(
                    x_hbm.at[src_g.at[g + 1]], rows[nxt], sems[nxt])
            pend[cur].wait()
            pltpu.sync_copy(rows[cur], agg_sh.at[dst_g.at[g]], add=True)
        return carry

    lax.fori_loop(0, n_groups, step, 0)
    plsc.subcore_barrier()
    for k in range(ROWS_PER_SUB // CHUNK):
        pltpu.sync_copy(agg_sh.at[pl.ds(row0 + k * CHUNK, CHUNK)], ra_v)
        pltpu.sync_copy(ra_v, agg_out.at[cid, pl.ds(row0 + k * CHUNK, CHUNK)])


def _sc_deg_body(dst_hbm, z_hbm, ones_hbm, deg_out, dst_g, ones_v, deg_sh, sem):
    n_groups = dst_hbm.shape[1]
    cid = lax.axis_index("c")
    sid = lax.axis_index("s")
    wid = cid * NS + sid
    row0 = sid * ROWS_PER_SUB

    pltpu.sync_copy(z_hbm, ones_v)
    for k in range(ROWS_PER_SUB // CHUNK):
        pltpu.sync_copy(ones_v, deg_sh.at[pl.ds(row0 + k * CHUNK, CHUNK)])
    pltpu.sync_copy(ones_hbm, ones_v)
    plsc.subcore_barrier()

    def step(b, carry):
        pltpu.sync_copy(dst_hbm.at[wid, b], dst_g)
        for g in range(GRP):
            pltpu.sync_copy(ones_v, deg_sh.at[dst_g.at[g]], add=True)
        return carry

    lax.fori_loop(0, n_groups, step, 0)
    plsc.subcore_barrier()
    for k in range(ROWS_PER_SUB // CHUNK):
        pltpu.sync_copy(deg_sh.at[pl.ds(row0 + k * CHUNK, CHUNK)], ones_v)
        pltpu.sync_copy(ones_v, deg_out.at[cid, pl.ds(row0 + k * CHUNK, CHUNK)])


_SC_FEAT = pl.kernel(
    _sc_feat_body,
    out_type=jax.ShapeDtypeStruct((NC, N_PAD, D), jnp.float32),
    mesh=plsc.VectorSubcoreMesh(core_axis_name="c", subcore_axis_name="s"),
    scratch_types=[
        pltpu.VMEM((GRP, CHUNK), jnp.int32),
        pltpu.VMEM((GRP, CHUNK), jnp.int32),
        pltpu.VMEM((CHUNK, D), jnp.float32),
        pltpu.VMEM((CHUNK, D), jnp.float32),
        pltpu.VMEM_SHARED((N_PAD, D), jnp.float32),
        pltpu.SemaphoreType.DMA,
        pltpu.SemaphoreType.DMA,
    ],
)

_SC_DEG = pl.kernel(
    _sc_deg_body,
    out_type=jax.ShapeDtypeStruct((NC, N_PAD, D), jnp.float32),
    mesh=plsc.VectorSubcoreMesh(core_axis_name="c", subcore_axis_name="s"),
    scratch_types=[
        pltpu.VMEM((GRP, CHUNK), jnp.int32),
        pltpu.VMEM((CHUNK, D), jnp.float32),
        pltpu.VMEM_SHARED((N_PAD, D), jnp.float32),
        pltpu.SemaphoreType.DMA,
    ],
)


def _tc_linear(agg2, deg2, xin, wlT, wrT, b, relu):
    blk = 400
    grid = (N_NODES // blk,)

    def body(agg_ref, deg_ref, x_ref, wl_ref, wr_ref, b_ref, o_ref):
        agg = agg_ref[0] + agg_ref[1]
        deg = deg_ref[0, :, 0:1] + deg_ref[1, :, 0:1]
        mean = agg * (1.0 / jnp.maximum(deg, 1.0))
        acc = jnp.dot(mean, wl_ref[...], preferred_element_type=jnp.float32)
        acc = acc + jnp.dot(x_ref[...], wr_ref[...],
                            preferred_element_type=jnp.float32)
        acc = acc + b_ref[...]
        if relu:
            acc = jnp.maximum(acc, 0.0)
        o_ref[...] = acc

    return pl.pallas_call(
        body,
        grid=grid,
        in_specs=[
            pl.BlockSpec((NC, blk, D), lambda i: (0, i, 0)),
            pl.BlockSpec((NC, blk, D), lambda i: (0, i, 0)),
            pl.BlockSpec((blk, D), lambda i: (i, 0)),
            pl.BlockSpec((D, D), lambda i: (0, 0)),
            pl.BlockSpec((D, D), lambda i: (0, 0)),
            pl.BlockSpec((1, D), lambda i: (0, 0)),
        ],
        out_specs=pl.BlockSpec((blk, D), lambda i: (i, 0)),
        out_shape=jax.ShapeDtypeStruct((N_NODES, D), jnp.float32),
    )(agg2, deg2, xin, wlT, wrT, b)


def kernel(x, edge_index, W_l1, b_l1, W_r1, W_l2, b_l2, W_r2):
    n_edges = edge_index.shape[1]
    src = edge_index[0].astype(jnp.int32)
    dst = edge_index[1].astype(jnp.int32)

    per_w = NW * GRP * CHUNK
    n_groups = -(-n_edges // per_w)
    e_pad = NW * n_groups * GRP * CHUNK - n_edges
    src_p = jnp.concatenate(
        [src, jnp.zeros((e_pad,), jnp.int32)]).reshape(NW, n_groups, GRP, CHUNK)
    dst_p = jnp.concatenate(
        [dst, jnp.full((e_pad,), N_NODES, jnp.int32)]).reshape(
            NW, n_groups, GRP, CHUNK)

    z_blk = jnp.zeros((CHUNK, D), jnp.float32)
    ones_blk = jnp.ones((CHUNK, D), jnp.float32)

    b1 = b_l1.reshape(1, D)
    b2 = b_l2.reshape(1, D)

    agg1 = _SC_FEAT(x, src_p, dst_p, z_blk)
    deg = _SC_DEG(dst_p, z_blk, ones_blk)
    h = _tc_linear(agg1, deg, x, W_l1.T, W_r1.T, b1, relu=True)
    agg2 = _SC_FEAT(h, src_p, dst_p, z_blk)
    out = _tc_linear(agg2, deg, h, W_l2.T, W_r2.T, b2, relu=False)
    return out

# --- scband reference (transcript-rebuilt; emitter-appended) ---
"""Pipeline reference for scband-graph-sageencoder-33432025432488 (READ-ONLY COPY).

The authoritative reference and input builder live on the scoring server;
editing this copy changes nothing except your own understanding.
"""

import jax, jax.numpy as jnp
import numpy as np

N_NODES = 10000
N_EDGES = 320000
D = 128


def setup_inputs(seed: int = 0) -> dict:
    key = jax.random.key(seed)
    ks = jax.random.split(key, 8)
    x = jax.random.normal(ks[0], (N_NODES, D), dtype=jnp.float32)
    edge_index = jax.random.randint(ks[1], (2, N_EDGES), 0, N_NODES, dtype=jnp.int64)
    s = 1.0 / np.sqrt(D)
    W_l1 = jax.random.uniform(ks[2], (D, D), minval=-s, maxval=s, dtype=jnp.float32)
    b_l1 = jnp.zeros((D,), dtype=jnp.float32)
    W_r1 = jax.random.uniform(ks[3], (D, D), minval=-s, maxval=s, dtype=jnp.float32)
    W_l2 = jax.random.uniform(ks[4], (D, D), minval=-s, maxval=s, dtype=jnp.float32)
    b_l2 = jnp.zeros((D,), dtype=jnp.float32)
    W_r2 = jax.random.uniform(ks[5], (D, D), minval=-s, maxval=s, dtype=jnp.float32)
    return {"x": x, "edge_index": edge_index, "W_l1": W_l1, "b_l1": b_l1, "W_r1": W_r1, "W_l2": W_l2, "b_l2": b_l2, "W_r2": W_r2}


def _sage_conv(x, src, dst, W_l, b_l, W_r):
    # message: gather source node features along each edge
    msgs = jnp.take(x, src, axis=0)
    # mean aggregation to destination nodes (scatter-add + degree normalize)
    agg = jax.ops.segment_sum(msgs, dst, num_segments=N_NODES)
    deg = jax.ops.segment_sum(jnp.ones((src.shape[0],), dtype=x.dtype), dst, num_segments=N_NODES)
    mean = agg / jnp.clip(deg, 1.0)[:, None]
    # out = lin_l(mean_aggr) + lin_r(x)  (PyG SAGEConv, aggr='mean')
    return mean @ W_l.T + b_l + x @ W_r.T


def reference(x, edge_index, W_l1, b_l1, W_r1, W_l2, b_l2, W_r2):
    src = edge_index[0]
    dst = edge_index[1]
    h = _sage_conv(x, src, dst, W_l1, b_l1, W_r1)
    h = jax.nn.relu(h)
    # dropout p=0.0 -> identity
    out = _sage_conv(h, src, dst, W_l2, b_l2, W_r2)
    return out

if __name__ == "__main__":
    import jax
    _d = setup_inputs()
    print(jax.jit(kernel)(*tuple(_d.values())))

</pallas_src>

<mosaic_0001>
#map = affine_map<(d0, d1) -> (0, 0)>
#map1 = affine_map<(d0, d1) -> (0, 0, 0, 0)>
#map2 = affine_map<(d0, d1) -> (0, 0, 0)>
module attributes {stable_mosaic.version = 14 : i64} {
  func.func @_sc_feat_body(%arg0: i32, %arg1: i32, %arg2: memref<10000x128xf32, #tpu.memory_space<hbm>>, %arg3: memref<32x25x5x80xi32, #tpu.memory_space<hbm>>, %arg4: memref<32x25x5x80xi32, #tpu.memory_space<hbm>>, %arg5: memref<80x128xf32, #tpu.memory_space<hbm>>, %arg6: memref<2x10240x128xf32, #tpu.memory_space<hbm>>, %arg7: memref<5x80xi32, #tpu.memory_space<vmem>>, %arg8: memref<5x80xi32, #tpu.memory_space<vmem>>, %arg9: memref<80x128xf32, #tpu.memory_space<vmem>>, %arg10: memref<80x128xf32, #tpu.memory_space<vmem>>, %arg11: memref<10240x128xf32, #tpu.memory_space<vmem_shared>>, %arg12: memref<!tpu.dma_semaphore, #tpu.memory_space<semaphore_mem>>, %arg13: memref<!tpu.dma_semaphore, #tpu.memory_space<semaphore_mem>>) attributes {dimension_semantics = [#tpu.dimension_semantics<core_parallel>, #tpu.dimension_semantics<subcore_parallel>], iteration_bounds = array<i64: 2, 16>, scalar_prefetch = 0 : i64, scratch_operands = 7 : i64, tpu.core_type = #tpu.core_type<sc_vector_subcore>, window_params = [{transform_indices = #map}, {transform_indices = #map1}, {transform_indices = #map1}, {transform_indices = #map}, {transform_indices = #map2}]} {
    %mul3A = arith.constant 16 : i32
    %mul3A_0 = arith.muli %arg0, %mul3A : i32
    %add3A = arith.addi %mul3A_0, %arg1 : i32
    %mul3A_1 = arith.constant 640 : i32
    %mul3A_2 = arith.muli %arg1, %mul3A_1 : i32
    "tpu.region"() ({
      %run_scoped3A = tpu.sem_alloc : memref<!tpu.dma_semaphore, #tpu.memory_space<semaphore_mem>>
      tpu.enqueue_dma source(%arg5 : memref<80x128xf32, #tpu.memory_space<hbm>>) target(%arg9 : memref<80x128xf32, #tpu.memory_space<vmem>>) target_semaphore(%run_scoped3A : memref<!tpu.dma_semaphore, #tpu.memory_space<semaphore_mem>>)
      tpu.wait_dma2 semaphore(%run_scoped3A : memref<!tpu.dma_semaphore, #tpu.memory_space<semaphore_mem>>) src(%arg5 : memref<80x128xf32, #tpu.memory_space<hbm>>) dst(%arg9 : memref<80x128xf32, #tpu.memory_space<vmem>>)
      tpu.yield
    }) : () -> ()
    %add3A_3 = arith.constant 0 : i32
    %add3A_4 = arith.addi %mul3A_2, %add3A_3 : i32
    "tpu.region"() ({
      %run_scoped3A = tpu.sem_alloc : memref<!tpu.dma_semaphore, #tpu.memory_space<semaphore_mem>>
      %dma_start3A = arith.constant 0 : i32
      %dma_start3A_57 = tpu.memref_slice %arg11[%add3A_4, %dma_start3A] : memref<10240x128xf32, #tpu.memory_space<vmem_shared>> -> memref<80x128xf32, #tpu.memory_space<vmem_shared>>
      %dma_start3A_58 = arith.constant 0 : i32
      %dma_start3A_59 = tpu.memref_slice %arg11[%add3A_4, %dma_start3A_58] : memref<10240x128xf32, #tpu.memory_space<vmem_shared>> -> memref<80x128xf32, #tpu.memory_space<vmem_shared>>
      tpu.enqueue_dma source(%arg9 : memref<80x128xf32, #tpu.memory_space<vmem>>) target(%dma_start3A_59 : memref<80x128xf32, #tpu.memory_space<vmem_shared>>) target_semaphore(%run_scoped3A : memref<!tpu.dma_semaphore, #tpu.memory_space<semaphore_mem>>)
      %dma_wait3A = arith.constant 0 : i32
      %dma_wait3A_60 = tpu.memref_slice %arg11[%add3A_4, %dma_wait3A] : memref<10240x128xf32, #tpu.memory_space<vmem_shared>> -> memref<80x128xf32, #tpu.memory_space<vmem_shared>>
      %dma_wait3A_61 = arith.constant 0 : i32
      %dma_wait3A_62 = tpu.memref_slice %arg11[%add3A_4, %dma_wait3A_61] : memref<10240x128xf32, #tpu.memory_space<vmem_shared>> -> memref<80x128xf32, #tpu.memory_space<vmem_shared>>
      tpu.wait_dma2 semaphore(%run_scoped3A : memref<!tpu.dma_semaphore, #tpu.memory_space<semaphore_mem>>) src(%arg9 : memref<80x128xf32, #tpu.memory_space<vmem>>) dst(%dma_wait3A_62 : memref<80x128xf32, #tpu.memory_space<vmem_shared>>)
      tpu.yield
    }) : () -> ()
    %add3A_5 = arith.constant 80 : i32
    %add3A_6 = arith.addi %mul3A_2, %add3A_5 : i32
    "tpu.region"() ({
      %run_scoped3A = tpu.sem_alloc : memref<!tpu.dma_semaphore, #tpu.memory_space<semaphore_mem>>
      %dma_start3A = arith.constant 0 : i32
      %dma_start3A_57 = tpu.memref_slice %arg11[%add3A_6, %dma_start3A] : memref<10240x128xf32, #tpu.memory_space<vmem_shared>> -> memref<80x128xf32, #tpu.memory_space<vmem_shared>>
      %dma_start3A_58 = arith.constant 0 : i32
      %dma_start3A_59 = tpu.memref_slice %arg11[%add3A_6, %dma_start3A_58] : memref<10240x128xf32, #tpu.memory_space<vmem_shared>> -> memref<80x128xf32, #tpu.memory_space<vmem_shared>>
      tpu.enqueue_dma source(%arg9 : memref<80x128xf32, #tpu.memory_space<vmem>>) target(%dma_start3A_59 : memref<80x128xf32, #tpu.memory_space<vmem_shared>>) target_semaphore(%run_scoped3A : memref<!tpu.dma_semaphore, #tpu.memory_space<semaphore_mem>>)
      %dma_wait3A = arith.constant 0 : i32
      %dma_wait3A_60 = tpu.memref_slice %arg11[%add3A_6, %dma_wait3A] : memref<10240x128xf32, #tpu.memory_space<vmem_shared>> -> memref<80x128xf32, #tpu.memory_space<vmem_shared>>
      %dma_wait3A_61 = arith.constant 0 : i32
      %dma_wait3A_62 = tpu.memref_slice %arg11[%add3A_6, %dma_wait3A_61] : memref<10240x128xf32, #tpu.memory_space<vmem_shared>> -> memref<80x128xf32, #tpu.memory_space<vmem_shared>>
      tpu.wait_dma2 semaphore(%run_scoped3A : memref<!tpu.dma_semaphore, #tpu.memory_space<semaphore_mem>>) src(%arg9 : memref<80x128xf32, #tpu.memory_space<vmem>>) dst(%dma_wait3A_62 : memref<80x128xf32, #tpu.memory_space<vmem_shared>>)
      tpu.yield
    }) : () -> ()
    %add3A_7 = arith.constant 160 : i32
    %add3A_8 = arith.addi %mul3A_2, %add3A_7 : i32
    "tpu.region"() ({
      %run_scoped3A = tpu.sem_alloc : memref<!tpu.dma_semaphore, #tpu.memory_space<semaphore_mem>>
      %dma_start3A = arith.constant 0 : i32
      %dma_start3A_57 = tpu.memref_slice %arg11[%add3A_8, %dma_start3A] : memref<10240x128xf32, #tpu.memory_space<vmem_shared>> -> memref<80x128xf32, #tpu.memory_space<vmem_shared>>
      %dma_start3A_58 = arith.constant 0 : i32
      %dma_start3A_59 = tpu.memref_slice %arg11[%add3A_8, %dma_start3A_58] : memref<10240x128xf32, #tpu.memory_space<vmem_shared>> -> memref<80x128xf32, #tpu.memory_space<vmem_shared>>
      tpu.enqueue_dma source(%arg9 : memref<80x128xf32, #tpu.memory_space<vmem>>) target(%dma_start3A_59 : memref<80x128xf32, #tpu.memory_space<vmem_shared>>) target_semaphore(%run_scoped3A : memref<!tpu.dma_semaphore, #tpu.memory_space<semaphore_mem>>)
      %dma_wait3A = arith.constant 0 : i32
      %dma_wait3A_60 = tpu.memref_slice %arg11[%add3A_8, %dma_wait3A] : memref<10240x128xf32, #tpu.memory_space<vmem_shared>> -> memref<80x128xf32, #tpu.memory_space<vmem_shared>>
      %dma_wait3A_61 = arith.constant 0 : i32
      %dma_wait3A_62 = tpu.memref_slice %arg11[%add3A_8, %dma_wait3A_61] : memref<10240x128xf32, #tpu.memory_space<vmem_shared>> -> memref<80x128xf32, #tpu.memory_space<vmem_shared>>
      tpu.wait_dma2 semaphore(%run_scoped3A : memref<!tpu.dma_semaphore, #tpu.memory_space<semaphore_mem>>) src(%arg9 : memref<80x128xf32, #tpu.memory_space<vmem>>) dst(%dma_wait3A_62 : memref<80x128xf32, #tpu.memory_space<vmem_shared>>)
      tpu.yield
    }) : () -> ()
    %add3A_9 = arith.constant 240 : i32
    %add3A_10 = arith.addi %mul3A_2, %add3A_9 : i32
    "tpu.region"() ({
      %run_scoped3A = tpu.sem_alloc : memref<!tpu.dma_semaphore, #tpu.memory_space<semaphore_mem>>
      %dma_start3A = arith.constant 0 : i32
      %dma_start3A_57 = tpu.memref_slice %arg11[%add3A_10, %dma_start3A] : memref<10240x128xf32, #tpu.memory_space<vmem_shared>> -> memref<80x128xf32, #tpu.memory_space<vmem_shared>>
      %dma_start3A_58 = arith.constant 0 : i32
      %dma_start3A_59 = tpu.memref_slice %arg11[%add3A_10, %dma_start3A_58] : memref<10240x128xf32, #tpu.memory_space<vmem_shared>> -> memref<80x128xf32, #tpu.memory_space<vmem_shared>>
      tpu.enqueue_dma source(%arg9 : memref<80x128xf32, #tpu.memory_space<vmem>>) target(%dma_start3A_59 : memref<80x128xf32, #tpu.memory_space<vmem_shared>>) target_semaphore(%run_scoped3A : memref<!tpu.dma_semaphore, #tpu.memory_space<semaphore_mem>>)
      %dma_wait3A = arith.constant 0 : i32
      %dma_wait3A_60 = tpu.memref_slice %arg11[%add3A_10, %dma_wait3A] : memref<10240x128xf32, #tpu.memory_space<vmem_shared>> -> memref<80x128xf32, #tpu.memory_space<vmem_shared>>
      %dma_wait3A_61 = arith.constant 0 : i32
      %dma_wait3A_62 = tpu.memref_slice %arg11[%add3A_10, %dma_wait3A_61] : memref<10240x128xf32, #tpu.memory_space<vmem_shared>> -> memref<80x128xf32, #tpu.memory_space<vmem_shared>>
      tpu.wait_dma2 semaphore(%run_scoped3A : memref<!tpu.dma_semaphore, #tpu.memory_space<semaphore_mem>>) src(%arg9 : memref<80x128xf32, #tpu.memory_space<vmem>>) dst(%dma_wait3A_62 : memref<80x128xf32, #tpu.memory_space<vmem_shared>>)
      tpu.yield
    }) : () -> ()
    %add3A_11 = arith.constant 320 : i32
    %add3A_12 = arith.addi %mul3A_2, %add3A_11 : i32
    "tpu.region"() ({
      %run_scoped3A = tpu.sem_alloc : memref<!tpu.dma_semaphore, #tpu.memory_space<semaphore_mem>>
      %dma_start3A = arith.constant 0 : i32
      %dma_start3A_57 = tpu.memref_slice %arg11[%add3A_12, %dma_start3A] : memref<10240x128xf32, #tpu.memory_space<vmem_shared>> -> memref<80x128xf32, #tpu.memory_space<vmem_shared>>
      %dma_start3A_58 = arith.constant 0 : i32
      %dma_start3A_59 = tpu.memref_slice %arg11[%add3A_12, %dma_start3A_58] : memref<10240x128xf32, #tpu.memory_space<vmem_shared>> -> memref<80x128xf32, #tpu.memory_space<vmem_shared>>
      tpu.enqueue_dma source(%arg9 : memref<80x128xf32, #tpu.memory_space<vmem>>) target(%dma_start3A_59 : memref<80x128xf32, #tpu.memory_space<vmem_shared>>) target_semaphore(%run_scoped3A : memref<!tpu.dma_semaphore, #tpu.memory_space<semaphore_mem>>)
      %dma_wait3A = arith.constant 0 : i32
      %dma_wait3A_60 = tpu.memref_slice %arg11[%add3A_12, %dma_wait3A] : memref<10240x128xf32, #tpu.memory_space<vmem_shared>> -> memref<80x128xf32, #tpu.memory_space<vmem_shared>>
      %dma_wait3A_61 = arith.constant 0 : i32
      %dma_wait3A_62 = tpu.memref_slice %arg11[%add3A_12, %dma_wait3A_61] : memref<10240x128xf32, #tpu.memory_space<vmem_shared>> -> memref<80x128xf32, #tpu.memory_space<vmem_shared>>
      tpu.wait_dma2 semaphore(%run_scoped3A : memref<!tpu.dma_semaphore, #tpu.memory_space<semaphore_mem>>) src(%arg9 : memref<80x128xf32, #tpu.memory_space<vmem>>) dst(%dma_wait3A_62 : memref<80x128xf32, #tpu.memory_space<vmem_shared>>)
      tpu.yield
    }) : () -> ()
    %add3A_13 = arith.constant 400 : i32
    %add3A_14 = arith.addi %mul3A_2, %add3A_13 : i32
    "tpu.region"() ({
      %run_scoped3A = tpu.sem_alloc : memref<!tpu.dma_semaphore, #tpu.memory_space<semaphore_mem>>
      %dma_start3A = arith.constant 0 : i32
      %dma_start3A_57 = tpu.memref_slice %arg11[%add3A_14, %dma_start3A] : memref<10240x128xf32, #tpu.memory_space<vmem_shared>> -> memref<80x128xf32, #tpu.memory_space<vmem_shared>>
      %dma_start3A_58 = arith.constant 0 : i32
      %dma_start3A_59 = tpu.memref_slice %arg11[%add3A_14, %dma_start3A_58] : memref<10240x128xf32, #tpu.memory_space<vmem_shared>> -> memref<80x128xf32, #tpu.memory_space<vmem_shared>>
      tpu.enqueue_dma source(%arg9 : memref<80x128xf32, #tpu.memory_space<vmem>>) target(%dma_start3A_59 : memref<80x128xf32, #tpu.memory_space<vmem_shared>>) target_semaphore(%run_scoped3A : memref<!tpu.dma_semaphore, #tpu.memory_space<semaphore_mem>>)
      %dma_wait3A = arith.constant 0 : i32
      %dma_wait3A_60 = tpu.memref_slice %arg11[%add3A_14, %dma_wait3A] : memref<10240x128xf32, #tpu.memory_space<vmem_shared>> -> memref<80x128xf32, #tpu.memory_space<vmem_shared>>
      %dma_wait3A_61 = arith.constant 0 : i32
      %dma_wait3A_62 = tpu.memref_slice %arg11[%add3A_14, %dma_wait3A_61] : memref<10240x128xf32, #tpu.memory_space<vmem_shared>> -> memref<80x128xf32, #tpu.memory_space<vmem_shared>>
      tpu.wait_dma2 semaphore(%run_scoped3A : memref<!tpu.dma_semaphore, #tpu.memory_space<semaphore_mem>>) src(%arg9 : memref<80x128xf32, #tpu.memory_space<vmem>>) dst(%dma_wait3A_62 : memref<80x128xf32, #tpu.memory_space<vmem_shared>>)
      tpu.yield
    }) : () -> ()
    %add3A_15 = arith.constant 480 : i32
    %add3A_16 = arith.addi %mul3A_2, %add3A_15 : i32
    "tpu.region"() ({
      %run_scoped3A = tpu.sem_alloc : memref<!tpu.dma_semaphore, #tpu.memory_space<semaphore_mem>>
      %dma_start3A = arith.constant 0 : i32
      %dma_start3A_57 = tpu.memref_slice %arg11[%add3A_16, %dma_start3A] : memref<10240x128xf32, #tpu.memory_space<vmem_shared>> -> memref<80x128xf32, #tpu.memory_space<vmem_shared>>
      %dma_start3A_58 = arith.constant 0 : i32
      %dma_start3A_59 = tpu.memref_slice %arg11[%add3A_16, %dma_start3A_58] : memref<10240x128xf32, #tpu.memory_space<vmem_shared>> -> memref<80x128xf32, #tpu.memory_space<vmem_shared>>
      tpu.enqueue_dma source(%arg9 : memref<80x128xf32, #tpu.memory_space<vmem>>) target(%dma_start3A_59 : memref<80x128xf32, #tpu.memory_space<vmem_shared>>) target_semaphore(%run_scoped3A : memref<!tpu.dma_semaphore, #tpu.memory_space<semaphore_mem>>)
      %dma_wait3A = arith.constant 0 : i32
      %dma_wait3A_60 = tpu.memref_slice %arg11[%add3A_16, %dma_wait3A] : memref<10240x128xf32, #tpu.memory_space<vmem_shared>> -> memref<80x128xf32, #tpu.memory_space<vmem_shared>>
      %dma_wait3A_61 = arith.constant 0 : i32
      %dma_wait3A_62 = tpu.memref_slice %arg11[%add3A_16, %dma_wait3A_61] : memref<10240x128xf32, #tpu.memory_space<vmem_shared>> -> memref<80x128xf32, #tpu.memory_space<vmem_shared>>
      tpu.wait_dma2 semaphore(%run_scoped3A : memref<!tpu.dma_semaphore, #tpu.memory_space<semaphore_mem>>) src(%arg9 : memref<80x128xf32, #tpu.memory_space<vmem>>) dst(%dma_wait3A_62 : memref<80x128xf32, #tpu.memory_space<vmem_shared>>)
      tpu.yield
    }) : () -> ()
    %add3A_17 = arith.constant 560 : i32
    %add3A_18 = arith.addi %mul3A_2, %add3A_17 : i32
    "tpu.region"() ({
      %run_scoped3A = tpu.sem_alloc : memref<!tpu.dma_semaphore, #tpu.memory_space<semaphore_mem>>
      %dma_start3A = arith.constant 0 : i32
      %dma_start3A_57 = tpu.memref_slice %arg11[%add3A_18, %dma_start3A] : memref<10240x128xf32, #tpu.memory_space<vmem_shared>> -> memref<80x128xf32, #tpu.memory_space<vmem_shared>>
      %dma_start3A_58 = arith.constant 0 : i32
      %dma_start3A_59 = tpu.memref_slice %arg11[%add3A_18, %dma_start3A_58] : memref<10240x128xf32, #tpu.memory_space<vmem_shared>> -> memref<80x128xf32, #tpu.memory_space<vmem_shared>>
      tpu.enqueue_dma source(%arg9 : memref<80x128xf32, #tpu.memory_space<vmem>>) target(%dma_start3A_59 : memref<80x128xf32, #tpu.memory_space<vmem_shared>>) target_semaphore(%run_scoped3A : memref<!tpu.dma_semaphore, #tpu.memory_space<semaphore_mem>>)
      %dma_wait3A = arith.constant 0 : i32
      %dma_wait3A_60 = tpu.memref_slice %arg11[%add3A_18, %dma_wait3A] : memref<10240x128xf32, #tpu.memory_space<vmem_shared>> -> memref<80x128xf32, #tpu.memory_space<vmem_shared>>
      %dma_wait3A_61 = arith.constant 0 : i32
      %dma_wait3A_62 = tpu.memref_slice %arg11[%add3A_18, %dma_wait3A_61] : memref<10240x128xf32, #tpu.memory_space<vmem_shared>> -> memref<80x128xf32, #tpu.memory_space<vmem_shared>>
      tpu.wait_dma2 semaphore(%run_scoped3A : memref<!tpu.dma_semaphore, #tpu.memory_space<semaphore_mem>>) src(%arg9 : memref<80x128xf32, #tpu.memory_space<vmem>>) dst(%dma_wait3A_62 : memref<80x128xf32, #tpu.memory_space<vmem_shared>>)
      tpu.yield
    }) : () -> ()
    %barrier3A = arith.constant 0 : index
    tpu.barrier barrier_id(%barrier3A)
    %scan3A = arith.constant 0 : i32
    %scan3A_19 = arith.constant 0 : i32
    %scan3A_20 = arith.constant 25 : i32
    %scan3A_21 = arith.addi %scan3A_19, %scan3A_20 : i32
    %scan3A_22 = arith.constant 1 : i32
    scf.for %scan3A_57 = %scan3A_19 to %scan3A_21 step %scan3A_22  : i32 {
      "tpu.region"() ({
        %run_scoped3A_130 = tpu.sem_alloc : memref<!tpu.dma_semaphore, #tpu.memory_space<semaphore_mem>>
        %dma_start3A_131 = arith.constant 0 : i32
        %dma_start3A_132 = arith.constant 0 : i32
        %dma_start3A_133 = tpu.memref_slice %arg3[%add3A, %scan3A_57, %dma_start3A_131, %dma_start3A_132] : memref<32x25x5x80xi32, #tpu.memory_space<hbm>> -> memref<1x1x5x80xi32, #tpu.memory_space<hbm>>
        %dma_start3A_134 = tpu.memref_squeeze %dma_start3A_133 : memref<1x1x5x80xi32, #tpu.memory_space<hbm>> -> memref<5x80xi32, #tpu.memory_space<hbm>>
        %dma_start3A_135 = arith.constant 0 : i32
        %dma_start3A_136 = arith.constant 0 : i32
        %dma_start3A_137 = tpu.memref_slice %arg3[%add3A, %scan3A_57, %dma_start3A_135, %dma_start3A_136] : memref<32x25x5x80xi32, #tpu.memory_space<hbm>> -> memref<1x1x5x80xi32, #tpu.memory_space<hbm>>
        %dma_start3A_138 = tpu.memref_squeeze %dma_start3A_137 : memref<1x1x5x80xi32, #tpu.memory_space<hbm>> -> memref<5x80xi32, #tpu.memory_space<hbm>>
        tpu.enqueue_dma source(%dma_start3A_138 : memref<5x80xi32, #tpu.memory_space<hbm>>) target(%arg7 : memref<5x80xi32, #tpu.memory_space<vmem>>) target_semaphore(%run_scoped3A_130 : memref<!tpu.dma_semaphore, #tpu.memory_space<semaphore_mem>>)
        %dma_wait3A_139 = arith.constant 0 : i32
        %dma_wait3A_140 = arith.constant 0 : i32
        %dma_wait3A_141 = tpu.memref_slice %arg3[%add3A, %scan3A_57, %dma_wait3A_139, %dma_wait3A_140] : memref<32x25x5x80xi32, #tpu.memory_space<hbm>> -> memref<1x1x5x80xi32, #tpu.memory_space<hbm>>
        %dma_wait3A_142 = tpu.memref_squeeze %dma_wait3A_141 : memref<1x1x5x80xi32, #tpu.memory_space<hbm>> -> memref<5x80xi32, #tpu.memory_space<hbm>>
        %dma_wait3A_143 = arith.constant 0 : i32
        %dma_wait3A_144 = arith.constant 0 : i32
        %dma_wait3A_145 = tpu.memref_slice %arg3[%add3A, %scan3A_57, %dma_wait3A_143, %dma_wait3A_144] : memref<32x25x5x80xi32, #tpu.memory_space<hbm>> -> memref<1x1x5x80xi32, #tpu.memory_space<hbm>>
        %dma_wait3A_146 = tpu.memref_squeeze %dma_wait3A_145 : memref<1x1x5x80xi32, #tpu.memory_space<hbm>> -> memref<5x80xi32, #tpu.memory_space<hbm>>
        tpu.wait_dma2 semaphore(%run_scoped3A_130 : memref<!tpu.dma_semaphore, #tpu.memory_space<semaphore_mem>>) src(%dma_wait3A_146 : memref<5x80xi32, #tpu.memory_space<hbm>>) dst(%arg7 : memref<5x80xi32, #tpu.memory_space<vmem>>)
        tpu.yield
      }) : () -> ()
      "tpu.region"() ({
        %run_scoped3A_130 = tpu.sem_alloc : memref<!tpu.dma_semaphore, #tpu.memory_space<semaphore_mem>>
        %dma_start3A_131 = arith.constant 0 : i32
        %dma_start3A_132 = arith.constant 0 : i32
        %dma_start3A_133 = tpu.memref_slice %arg4[%add3A, %scan3A_57, %dma_start3A_131, %dma_start3A_132] : memref<32x25x5x80xi32, #tpu.memory_space<hbm>> -> memref<1x1x5x80xi32, #tpu.memory_space<hbm>>
        %dma_start3A_134 = tpu.memref_squeeze %dma_start3A_133 : memref<1x1x5x80xi32, #tpu.memory_space<hbm>> -> memref<5x80xi32, #tpu.memory_space<hbm>>
        %dma_start3A_135 = arith.constant 0 : i32
        %dma_start3A_136 = arith.constant 0 : i32
        %dma_start3A_137 = tpu.memref_slice %arg4[%add3A, %scan3A_57, %dma_start3A_135, %dma_start3A_136] : memref<32x25x5x80xi32, #tpu.memory_space<hbm>> -> memref<1x1x5x80xi32, #tpu.memory_space<hbm>>
        %dma_start3A_138 = tpu.memref_squeeze %dma_start3A_137 : memref<1x1x5x80xi32, #tpu.memory_space<hbm>> -> memref<5x80xi32, #tpu.memory_space<hbm>>
        tpu.enqueue_dma source(%dma_start3A_138 : memref<5x80xi32, #tpu.memory_space<hbm>>) target(%arg8 : memref<5x80xi32, #tpu.memory_space<vmem>>) target_semaphore(%run_scoped3A_130 : memref<!tpu.dma_semaphore, #tpu.memory_space<semaphore_mem>>)
        %dma_wait3A_139 = arith.constant 0 : i32
        %dma_wait3A_140 = arith.constant 0 : i32
        %dma_wait3A_141 = tpu.memref_slice %arg4[%add3A, %scan3A_57, %dma_wait3A_139, %dma_wait3A_140] : memref<32x25x5x80xi32, #tpu.memory_space<hbm>> -> memref<1x1x5x80xi32, #tpu.memory_space<hbm>>
        %dma_wait3A_142 = tpu.memref_squeeze %dma_wait3A_141 : memref<1x1x5x80xi32, #tpu.memory_space<hbm>> -> memref<5x80xi32, #tpu.memory_space<hbm>>
        %dma_wait3A_143 = arith.constant 0 : i32
        %dma_wait3A_144 = arith.constant 0 : i32
        %dma_wait3A_145 = tpu.memref_slice %arg4[%add3A, %scan3A_57, %dma_wait3A_143, %dma_wait3A_144] : memref<32x25x5x80xi32, #tpu.memory_space<hbm>> -> memref<1x1x5x80xi32, #tpu.memory_space<hbm>>
        %dma_wait3A_146 = tpu.memref_squeeze %dma_wait3A_145 : memref<1x1x5x80xi32, #tpu.memory_space<hbm>> -> memref<5x80xi32, #tpu.memory_space<hbm>>
        tpu.wait_dma2 semaphore(%run_scoped3A_130 : memref<!tpu.dma_semaphore, #tpu.memory_space<semaphore_mem>>) src(%dma_wait3A_146 : memref<5x80xi32, #tpu.memory_space<hbm>>) dst(%arg8 : memref<5x80xi32, #tpu.memory_space<vmem>>)
        tpu.yield
      }) : () -> ()
      %dma_start3A = arith.constant 0 : i32
      %dma_start3A_58 = arith.constant 0 : i32
      %dma_start3A_59 = tpu.memref_slice %arg7[%dma_start3A, %dma_start3A_58] : memref<5x80xi32, #tpu.memory_space<vmem>> -> memref<1x80xi32, #tpu.memory_space<vmem>>
      %dma_start3A_60 = tpu.memref_squeeze %dma_start3A_59 : memref<1x80xi32, #tpu.memory_space<vmem>> -> memref<80xi32, #tpu.memory_space<vmem>>
      %dma_start3A_61 = arith.constant 0 : i32
      %dma_start3A_62 = arith.constant 0 : i32
      %dma_start3A_63 = tpu.memref_slice %arg2[%dma_start3A_61, %dma_start3A_62] : memref<10000x128xf32, #tpu.memory_space<hbm>> -> memref<10000x128xf32, #tpu.memory_space<hbm>>
      tpu.enqueue_indirect_dma source(%dma_start3A_63 : memref<10000x128xf32, #tpu.memory_space<hbm>>) target(%arg9 : memref<80x128xf32, #tpu.memory_space<vmem>>) offsets(%dma_start3A_60 : memref<80xi32, #tpu.memory_space<vmem>>) semaphore(%arg12 : memref<!tpu.dma_semaphore, #tpu.memory_space<semaphore_mem>>)
      %dma_start3A_64 = arith.constant 1 : i32
      %dma_start3A_65 = arith.constant 0 : i32
      %dma_start3A_66 = tpu.memref_slice %arg7[%dma_start3A_64, %dma_start3A_65] : memref<5x80xi32, #tpu.memory_space<vmem>> -> memref<1x80xi32, #tpu.memory_space<vmem>>
      %dma_start3A_67 = tpu.memref_squeeze %dma_start3A_66 : memref<1x80xi32, #tpu.memory_space<vmem>> -> memref<80xi32, #tpu.memory_space<vmem>>
      %dma_start3A_68 = arith.constant 0 : i32
      %dma_start3A_69 = arith.constant 0 : i32
      %dma_start3A_70 = tpu.memref_slice %arg2[%dma_start3A_68, %dma_start3A_69] : memref<10000x128xf32, #tpu.memory_space<hbm>> -> memref<10000x128xf32, #tpu.memory_space<hbm>>
      tpu.enqueue_indirect_dma source(%dma_start3A_70 : memref<10000x128xf32, #tpu.memory_space<hbm>>) target(%arg10 : memref<80x128xf32, #tpu.memory_space<vmem>>) offsets(%dma_start3A_67 : memref<80xi32, #tpu.memory_space<vmem>>) semaphore(%arg13 : memref<!tpu.dma_semaphore, #tpu.memory_space<semaphore_mem>>)
      %dma_wait3A = arith.constant 0 : i32
      %dma_wait3A_71 = arith.constant 0 : i32
      %dma_wait3A_72 = tpu.memref_slice %arg7[%dma_wait3A, %dma_wait3A_71] : memref<5x80xi32, #tpu.memory_space<vmem>> -> memref<1x80xi32, #tpu.memory_space<vmem>>
      %dma_wait3A_73 = tpu.memref_squeeze %dma_wait3A_72 : memref<1x80xi32, #tpu.memory_space<vmem>> -> memref<80xi32, #tpu.memory_space<vmem>>
      %dma_wait3A_74 = arith.constant 0 : i32
      %dma_wait3A_75 = arith.constant 0 : i32
      %dma_wait3A_76 = tpu.memref_slice %arg2[%dma_wait3A_74, %dma_wait3A_75] : memref<10000x128xf32, #tpu.memory_space<hbm>> -> memref<10000x128xf32, #tpu.memory_space<hbm>>
      tpu.wait_indirect_dma semaphore(%arg12 : memref<!tpu.dma_semaphore, #tpu.memory_space<semaphore_mem>>) src(%dma_wait3A_76 : memref<10000x128xf32, #tpu.memory_space<hbm>>) dst(%arg9 : memref<80x128xf32, #tpu.memory_space<vmem>>)
      %run_scoped3A = arith.constant 0 : i32
      "tpu.region"() ({
        %run_scoped3A_130 = tpu.sem_alloc : memref<!tpu.dma_semaphore, #tpu.memory_space<semaphore_mem>>
        %dma_start3A_131 = arith.constant 0 : i32
        %dma_start3A_132 = tpu.memref_slice %arg8[%run_scoped3A, %dma_start3A_131] : memref<5x80xi32, #tpu.memory_space<vmem>> -> memref<1x80xi32, #tpu.memory_space<vmem>>
        %dma_start3A_133 = tpu.memref_squeeze %dma_start3A_132 : memref<1x80xi32, #tpu.memory_space<vmem>> -> memref<80xi32, #tpu.memory_space<vmem>>
        %dma_start3A_134 = arith.constant 0 : i32
        %dma_start3A_135 = arith.constant 0 : i32
        %dma_start3A_136 = tpu.memref_slice %arg11[%dma_start3A_134, %dma_start3A_135] : memref<10240x128xf32, #tpu.memory_space<vmem_shared>> -> memref<10240x128xf32, #tpu.memory_space<vmem_shared>>
        tpu.enqueue_indirect_dma source(%arg9 : memref<80x128xf32, #tpu.memory_space<vmem>>) target(%dma_start3A_136 : memref<10240x128xf32, #tpu.memory_space<vmem_shared>>) offsets(%dma_start3A_133 : memref<80xi32, #tpu.memory_space<vmem>>) semaphore(%run_scoped3A_130 : memref<!tpu.dma_semaphore, #tpu.memory_space<semaphore_mem>>) {add = true}
        %dma_wait3A_137 = arith.constant 0 : i32
        %dma_wait3A_138 = tpu.memref_slice %arg8[%run_scoped3A, %dma_wait3A_137] : memref<5x80xi32, #tpu.memory_space<vmem>> -> memref<1x80xi32, #tpu.memory_space<vmem>>
        %dma_wait3A_139 = tpu.memref_squeeze %dma_wait3A_138 : memref<1x80xi32, #tpu.memory_space<vmem>> -> memref<80xi32, #tpu.memory_space<vmem>>
        %dma_wait3A_140 = arith.constant 0 : i32
        %dma_wait3A_141 = arith.constant 0 : i32
        %dma_wait3A_142 = tpu.memref_slice %arg11[%dma_wait3A_140, %dma_wait3A_141] : memref<10240x128xf32, #tpu.memory_space<vmem_shared>> -> memref<10240x128xf32, #tpu.memory_space<vmem_shared>>
        tpu.wait_indirect_dma semaphore(%run_scoped3A_130 : memref<!tpu.dma_semaphore, #tpu.memory_space<semaphore_mem>>) src(%arg9 : memref<80x128xf32, #tpu.memory_space<vmem>>) dst(%dma_wait3A_142 : memref<10240x128xf32, #tpu.memory_space<vmem_shared>>)
        tpu.yield
      }) : () -> ()
      %dma_start3A_77 = arith.constant 2 : i32
      %dma_start3A_78 = arith.constant 0 : i32
      %dma_start3A_79 = tpu.memref_slice %arg7[%dma_start3A_77, %dma_start3A_78] : memref<5x80xi32, #tpu.memory_space<vmem>> -> memref<1x80xi32, #tpu.memory_space<vmem>>
      %dma_start3A_80 = tpu.memref_squeeze %dma_start3A_79 : memref<1x80xi32, #tpu.memory_space<vmem>> -> memref<80xi32, #tpu.memory_space<vmem>>
      %dma_start3A_81 = arith.constant 0 : i32
      %dma_start3A_82 = arith.constant 0 : i32
      %dma_start3A_83 = tpu.memref_slice %arg2[%dma_start3A_81, %dma_start3A_82] : memref<10000x128xf32, #tpu.memory_space<hbm>> -> memref<10000x128xf32, #tpu.memory_space<hbm>>
      tpu.enqueue_indirect_dma source(%dma_start3A_83 : memref<10000x128xf32, #tpu.memory_space<hbm>>) target(%arg9 : memref<80x128xf32, #tpu.memory_space<vmem>>) offsets(%dma_start3A_80 : memref<80xi32, #tpu.memory_space<vmem>>) semaphore(%arg12 : memref<!tpu.dma_semaphore, #tpu.memory_space<semaphore_mem>>)
      %dma_wait3A_84 = arith.constant 1 : i32
      %dma_wait3A_85 = arith.constant 0 : i32
      %dma_wait3A_86 = tpu.memref_slice %arg7[%dma_wait3A_84, %dma_wait3A_85] : memref<5x80xi32, #tpu.memory_space<vmem>> -> memref<1x80xi32, #tpu.memory_space<vmem>>
      %dma_wait3A_87 = tpu.memref_squeeze %dma_wait3A_86 : memref<1x80xi32, #tpu.memory_space<vmem>> -> memref<80xi32, #tpu.memory_space<vmem>>
      %dma_wait3A_88 = arith.constant 0 : i32
      %dma_wait3A_89 = arith.constant 0 : i32
      %dma_wait3A_90 = tpu.memref_slice %arg2[%dma_wait3A_88, %dma_wait3A_89] : memref<10000x128xf32, #tpu.memory_space<hbm>> -> memref<10000x128xf32, #tpu.memory_space<hbm>>
      tpu.wait_indirect_dma semaphore(%arg13 : memref<!tpu.dma_semaphore, #tpu.memory_space<semaphore_mem>>) src(%dma_wait3A_90 : memref<10000x128xf32, #tpu.memory_space<hbm>>) dst(%arg10 : memref<80x128xf32, #tpu.memory_space<vmem>>)
      %run_scoped3A_91 = arith.constant 1 : i32
      "tpu.region"() ({
        %run_scoped3A_130 = tpu.sem_alloc : memref<!tpu.dma_semaphore, #tpu.memory_space<semaphore_mem>>
        %dma_start3A_131 = arith.constant 0 : i32
        %dma_start3A_132 = tpu.memref_slice %arg8[%run_scoped3A_91, %dma_start3A_131] : memref<5x80xi32, #tpu.memory_space<vmem>> -> memref<1x80xi32, #tpu.memory_space<vmem>>
        %dma_start3A_133 = tpu.memref_squeeze %dma_start3A_132 : memref<1x80xi32, #tpu.memory_space<vmem>> -> memref<80xi32, #tpu.memory_space<vmem>>
        %dma_start3A_134 = arith.constant 0 : i32
        %dma_start3A_135 = arith.constant 0 : i32
        %dma_start3A_136 = tpu.memref_slice %arg11[%dma_start3A_134, %dma_start3A_135] : memref<10240x128xf32, #tpu.memory_space<vmem_shared>> -> memref<10240x128xf32, #tpu.memory_space<vmem_shared>>
        tpu.enqueue_indirect_dma source(%arg10 : memref<80x128xf32, #tpu.memory_space<vmem>>) target(%dma_start3A_136 : memref<10240x128xf32, #tpu.memory_space<vmem_shared>>) offsets(%dma_start3A_133 : memref<80xi32, #tpu.memory_space<vmem>>) semaphore(%run_scoped3A_130 : memref<!tpu.dma_semaphore, #tpu.memory_space<semaphore_mem>>) {add = true}
        %dma_wait3A_137 = arith.constant 0 : i32
        %dma_wait3A_138 = tpu.memref_slice %arg8[%run_scoped3A_91, %dma_wait3A_137] : memref<5x80xi32, #tpu.memory_space<vmem>> -> memref<1x80xi32, #tpu.memory_space<vmem>>
        %dma_wait3A_139 = tpu.memref_squeeze %dma_wait3A_138 : memref<1x80xi32, #tpu.memory_space<vmem>> -> memref<80xi32, #tpu.memory_space<vmem>>
        %dma_wait3A_140 = arith.constant 0 : i32
        %dma_wait3A_141 = arith.constant 0 : i32
        %dma_wait3A_142 = tpu.memref_slice %arg11[%dma_wait3A_140, %dma_wait3A_141] : memref<10240x128xf32, #tpu.memory_space<vmem_shared>> -> memref<10240x128xf32, #tpu.memory_space<vmem_shared>>
        tpu.wait_indirect_dma semaphore(%run_scoped3A_130 : memref<!tpu.dma_semaphore, #tpu.memory_space<semaphore_mem>>) src(%arg10 : memref<80x128xf32, #tpu.memory_space<vmem>>) dst(%dma_wait3A_142 : memref<10240x128xf32, #tpu.memory_space<vmem_shared>>)
        tpu.yield
      }) : () -> ()
      %dma_start3A_92 = arith.constant 3 : i32
      %dma_start3A_93 = arith.constant 0 : i32
      %dma_start3A_94 = tpu.memref_slice %arg7[%dma_start3A_92, %dma_start3A_93] : memref<5x80xi32, #tpu.memory_space<vmem>> -> memref<1x80xi32, #tpu.memory_space<vmem>>
      %dma_start3A_95 = tpu.memref_squeeze %dma_start3A_94 : memref<1x80xi32, #tpu.memory_space<vmem>> -> memref<80xi32, #tpu.memory_space<vmem>>
      %dma_start3A_96 = arith.constant 0 : i32
      %dma_start3A_97 = arith.constant 0 : i32
      %dma_start3A_98 = tpu.memref_slice %arg2[%dma_start3A_96, %dma_start3A_97] : memref<10000x128xf32, #tpu.memory_space<hbm>> -> memref<10000x128xf32, #tpu.memory_space<hbm>>
      tpu.enqueue_indirect_dma source(%dma_start3A_98 : memref<10000x128xf32, #tpu.memory_space<hbm>>) target(%arg10 : memref<80x128xf32, #tpu.memory_space<vmem>>) offsets(%dma_start3A_95 : memref<80xi32, #tpu.memory_space<vmem>>) semaphore(%arg13 : memref<!tpu.dma_semaphore, #tpu.memory_space<semaphore_mem>>)
      %dma_wait3A_99 = arith.constant 2 : i32
      %dma_wait3A_100 = arith.constant 0 : i32
      %dma_wait3A_101 = tpu.memref_slice %arg7[%dma_wait3A_99, %dma_wait3A_100] : memref<5x80xi32, #tpu.memory_space<vmem>> -> memref<1x80xi32, #tpu.memory_space<vmem>>
      %dma_wait3A_102 = tpu.memref_squeeze %dma_wait3A_101 : memref<1x80xi32, #tpu.memory_space<vmem>> -> memref<80xi32, #tpu.memory_space<vmem>>
      %dma_wait3A_103 = arith.constant 0 : i32
      %dma_wait3A_104 = arith.constant 0 : i32
      %dma_wait3A_105 = tpu.memref_slice %arg2[%dma_wait3A_103, %dma_wait3A_104] : memref<10000x128xf32, #tpu.memory_space<hbm>> -> memref<10000x128xf32, #tpu.memory_space<hbm>>
      tpu.wait_indirect_dma semaphore(%arg12 : memref<!tpu.dma_semaphore, #tpu.memory_space<semaphore_mem>>) src(%dma_wait3A_105 : memref<10000x128xf32, #tpu.memory_space<hbm>>) dst(%arg9 : memref<80x128xf32, #tpu.memory_space<vmem>>)
      %run_scoped3A_106 = arith.constant 2 : i32
      "tpu.region"() ({
        %run_scoped3A_130 = tpu.sem_alloc : memref<!tpu.dma_semaphore, #tpu.memory_space<semaphore_mem>>
        %dma_start3A_131 = arith.constant 0 : i32
        %dma_start3A_132 = tpu.memref_slice %arg8[%run_scoped3A_106, %dma_start3A_131] : memref<5x80xi32, #tpu.memory_space<vmem>> -> memref<1x80xi32, #tpu.memory_space<vmem>>
        %dma_start3A_133 = tpu.memref_squeeze %dma_start3A_132 : memref<1x80xi32, #tpu.memory_space<vmem>> -> memref<80xi32, #tpu.memory_space<vmem>>
        %dma_start3A_134 = arith.constant 0 : i32
        %dma_start3A_135 = arith.constant 0 : i32
        %dma_start3A_136 = tpu.memref_slice %arg11[%dma_start3A_134, %dma_start3A_135] : memref<10240x128xf32, #tpu.memory_space<vmem_shared>> -> memref<10240x128xf32, #tpu.memory_space<vmem_shared>>
        tpu.enqueue_indirect_dma source(%arg9 : memref<80x128xf32, #tpu.memory_space<vmem>>) target(%dma_start3A_136 : memref<10240x128xf32, #tpu.memory_space<vmem_shared>>) offsets(%dma_start3A_133 : memref<80xi32, #tpu.memory_space<vmem>>) semaphore(%run_scoped3A_130 : memref<!tpu.dma_semaphore, #tpu.memory_space<semaphore_mem>>) {add = true}
        %dma_wait3A_137 = arith.constant 0 : i32
        %dma_wait3A_138 = tpu.memref_slice %arg8[%run_scoped3A_106, %dma_wait3A_137] : memref<5x80xi32, #tpu.memory_space<vmem>> -> memref<1x80xi32, #tpu.memory_space<vmem>>
        %dma_wait3A_139 = tpu.memref_squeeze %dma_wait3A_138 : memref<1x80xi32, #tpu.memory_space<vmem>> -> memref<80xi32, #tpu.memory_space<vmem>>
        %dma_wait3A_140 = arith.constant 0 : i32
        %dma_wait3A_141 = arith.constant 0 : i32
        %dma_wait3A_142 = tpu.memref_slice %arg11[%dma_wait3A_140, %dma_wait3A_141] : memref<10240x128xf32, #tpu.memory_space<vmem_shared>> -> memref<10240x128xf32, #tpu.memory_space<vmem_shared>>
        tpu.wait_indirect_dma semaphore(%run_scoped3A_130 : memref<!tpu.dma_semaphore, #tpu.memory_space<semaphore_mem>>) src(%arg9 : memref<80x128xf32, #tpu.memory_space<vmem>>) dst(%dma_wait3A_142 : memref<10240x128xf32, #tpu.memory_space<vmem_shared>>)
        tpu.yield
      }) : () -> ()
      %dma_start3A_107 = arith.constant 4 : i32
      %dma_start3A_108 = arith.constant 0 : i32
      %dma_start3A_109 = tpu.memref_slice %arg7[%dma_start3A_107, %dma_start3A_108] : memref<5x80xi32, #tpu.memory_space<vmem>> -> memref<1x80xi32, #tpu.memory_space<vmem>>
      %dma_start3A_110 = tpu.memref_squeeze %dma_start3A_109 : memref<1x80xi32, #tpu.memory_space<vmem>> -> memref<80xi32, #tpu.memory_space<vmem>>
      %dma_start3A_111 = arith.constant 0 : i32
      %dma_start3A_112 = arith.constant 0 : i32
      %dma_start3A_113 = tpu.memref_slice %arg2[%dma_start3A_111, %dma_start3A_112] : memref<10000x128xf32, #tpu.memory_space<hbm>> -> memref<10000x128xf32, #tpu.memory_space<hbm>>
      tpu.enqueue_indirect_dma source(%dma_start3A_113 : memref<10000x128xf32, #tpu.memory_space<hbm>>) target(%arg9 : memref<80x128xf32, #tpu.memory_space<vmem>>) offsets(%dma_start3A_110 : memref<80xi32, #tpu.memory_space<vmem>>) semaphore(%arg12 : memref<!tpu.dma_semaphore, #tpu.memory_space<semaphore_mem>>)
      %dma_wait3A_114 = arith.constant 3 : i32
      %dma_wait3A_115 = arith.constant 0 : i32
      %dma_wait3A_116 = tpu.memref_slice %arg7[%dma_wait3A_114, %dma_wait3A_115] : memref<5x80xi32, #tpu.memory_space<vmem>> -> memref<1x80xi32, #tpu.memory_space<vmem>>
      %dma_wait3A_117 = tpu.memref_squeeze %dma_wait3A_116 : memref<1x80xi32, #tpu.memory_space<vmem>> -> memref<80xi32, #tpu.memory_space<vmem>>
      %dma_wait3A_118 = arith.constant 0 : i32
      %dma_wait3A_119 = arith.constant 0 : i32
      %dma_wait3A_120 = tpu.memref_slice %arg2[%dma_wait3A_118, %dma_wait3A_119] : memref<10000x128xf32, #tpu.memory_space<hbm>> -> memref<10000x128xf32, #tpu.memory_space<hbm>>
      tpu.wait_indirect_dma semaphore(%arg13 : memref<!tpu.dma_semaphore, #tpu.memory_space<semaphore_mem>>) src(%dma_wait3A_120 : memref<10000x128xf32, #tpu.memory_space<hbm>>) dst(%arg10 : memref<80x128xf32, #tpu.memory_space<vmem>>)
      %run_scoped3A_121 = arith.constant 3 : i32
      "tpu.region"() ({
        %run_scoped3A_130 = tpu.sem_alloc : memref<!tpu.dma_semaphore, #tpu.memory_space<semaphore_mem>>
        %dma_start3A_131 = arith.constant 0 : i32
        %dma_start3A_132 = tpu.memref_slice %arg8[%run_scoped3A_121, %dma_start3A_131] : memref<5x80xi32, #tpu.memory_space<vmem>> -> memref<1x80xi32, #tpu.memory_space<vmem>>
        %dma_start3A_133 = tpu.memref_squeeze %dma_start3A_132 : memref<1x80xi32, #tpu.memory_space<vmem>> -> memref<80xi32, #tpu.memory_space<vmem>>
        %dma_start3A_134 = arith.constant 0 : i32
        %dma_start3A_135 = arith.constant 0 : i32
        %dma_start3A_136 = tpu.memref_slice %arg11[%dma_start3A_134, %dma_start3A_135] : memref<10240x128xf32, #tpu.memory_space<vmem_shared>> -> memref<10240x128xf32, #tpu.memory_space<vmem_shared>>
        tpu.enqueue_indirect_dma source(%arg10 : memref<80x128xf32, #tpu.memory_space<vmem>>) target(%dma_start3A_136 : memref<10240x128xf32, #tpu.memory_space<vmem_shared>>) offsets(%dma_start3A_133 : memref<80xi32, #tpu.memory_space<vmem>>) semaphore(%run_scoped3A_130 : memref<!tpu.dma_semaphore, #tpu.memory_space<semaphore_mem>>) {add = true}
        %dma_wait3A_137 = arith.constant 0 : i32
        %dma_wait3A_138 = tpu.memref_slice %arg8[%run_scoped3A_121, %dma_wait3A_137] : memref<5x80xi32, #tpu.memory_space<vmem>> -> memref<1x80xi32, #tpu.memory_space<vmem>>
        %dma_wait3A_139 = tpu.memref_squeeze %dma_wait3A_138 : memref<1x80xi32, #tpu.memory_space<vmem>> -> memref<80xi32, #tpu.memory_space<vmem>>
        %dma_wait3A_140 = arith.constant 0 : i32
        %dma_wait3A_141 = arith.constant 0 : i32
        %dma_wait3A_142 = tpu.memref_slice %arg11[%dma_wait3A_140, %dma_wait3A_141] : memref<10240x128xf32, #tpu.memory_space<vmem_shared>> -> memref<10240x128xf32, #tpu.memory_space<vmem_shared>>
        tpu.wait_indirect_dma semaphore(%run_scoped3A_130 : memref<!tpu.dma_semaphore, #tpu.memory_space<semaphore_mem>>) src(%arg10 : memref<80x128xf32, #tpu.memory_space<vmem>>) dst(%dma_wait3A_142 : memref<10240x128xf32, #tpu.memory_space<vmem_shared>>)
        tpu.yield
      }) : () -> ()
      %dma_wait3A_122 = arith.constant 4 : i32
      %dma_wait3A_123 = arith.constant 0 : i32
      %dma_wait3A_124 = tpu.memref_slice %arg7[%dma_wait3A_122, %dma_wait3A_123] : memref<5x80xi32, #tpu.memory_space<vmem>> -> memref<1x80xi32, #tpu.memory_space<vmem>>
      %dma_wait3A_125 = tpu.memref_squeeze %dma_wait3A_124 : memref<1x80xi32, #tpu.memory_space<vmem>> -> memref<80xi32, #tpu.memory_space<vmem>>
      %dma_wait3A_126 = arith.constant 0 : i32
      %dma_wait3A_127 = arith.constant 0 : i32
      %dma_wait3A_128 = tpu.memref_slice %arg2[%dma_wait3A_126, %dma_wait3A_127] : memref<10000x128xf32, #tpu.memory_space<hbm>> -> memref<10000x128xf32, #tpu.memory_space<hbm>>
      tpu.wait_indirect_dma semaphore(%arg12 : memref<!tpu.dma_semaphore, #tpu.memory_space<semaphore_mem>>) src(%dma_wait3A_128 : memref<10000x128xf32, #tpu.memory_space<hbm>>) dst(%arg9 : memref<80x128xf32, #tpu.memory_space<vmem>>)
      %run_scoped3A_129 = arith.constant 4 : i32
      "tpu.region"() ({
        %run_scoped3A_130 = tpu.sem_alloc : memref<!tpu.dma_semaphore, #tpu.memory_space<semaphore_mem>>
        %dma_start3A_131 = arith.constant 0 : i32
        %dma_start3A_132 = tpu.memref_slice %arg8[%run_scoped3A_129, %dma_start3A_131] : memref<5x80xi32, #tpu.memory_space<vmem>> -> memref<1x80xi32, #tpu.memory_space<vmem>>
        %dma_start3A_133 = tpu.memref_squeeze %dma_start3A_132 : memref<1x80xi32, #tpu.memory_space<vmem>> -> memref<80xi32, #tpu.memory_space<vmem>>
        %dma_start3A_134 = arith.constant 0 : i32
        %dma_start3A_135 = arith.constant 0 : i32
        %dma_start3A_136 = tpu.memref_slice %arg11[%dma_start3A_134, %dma_start3A_135] : memref<10240x128xf32, #tpu.memory_space<vmem_shared>> -> memref<10240x128xf32, #tpu.memory_space<vmem_shared>>
        tpu.enqueue_indirect_dma source(%arg9 : memref<80x128xf32, #tpu.memory_space<vmem>>) target(%dma_start3A_136 : memref<10240x128xf32, #tpu.memory_space<vmem_shared>>) offsets(%dma_start3A_133 : memref<80xi32, #tpu.memory_space<vmem>>) semaphore(%run_scoped3A_130 : memref<!tpu.dma_semaphore, #tpu.memory_space<semaphore_mem>>) {add = true}
        %dma_wait3A_137 = arith.constant 0 : i32
        %dma_wait3A_138 = tpu.memref_slice %arg8[%run_scoped3A_129, %dma_wait3A_137] : memref<5x80xi32, #tpu.memory_space<vmem>> -> memref<1x80xi32, #tpu.memory_space<vmem>>
        %dma_wait3A_139 = tpu.memref_squeeze %dma_wait3A_138 : memref<1x80xi32, #tpu.memory_space<vmem>> -> memref<80xi32, #tpu.memory_space<vmem>>
        %dma_wait3A_140 = arith.constant 0 : i32
        %dma_wait3A_141 = arith.constant 0 : i32
        %dma_wait3A_142 = tpu.memref_slice %arg11[%dma_wait3A_140, %dma_wait3A_141] : memref<10240x128xf32, #tpu.memory_space<vmem_shared>> -> memref<10240x128xf32, #tpu.memory_space<vmem_shared>>
        tpu.wait_indirect_dma semaphore(%run_scoped3A_130 : memref<!tpu.dma_semaphore, #tpu.memory_space<semaphore_mem>>) src(%arg9 : memref<80x128xf32, #tpu.memory_space<vmem>>) dst(%dma_wait3A_142 : memref<10240x128xf32, #tpu.memory_space<vmem_shared>>)
        tpu.yield
      }) : () -> ()
    }
    %scan3A_23 = arith.constant 25 : i32
    %barrier3A_24 = arith.constant 0 : index
    tpu.barrier barrier_id(%barrier3A_24)
    %add3A_25 = arith.constant 0 : i32
    %add3A_26 = arith.addi %mul3A_2, %add3A_25 : i32
    "tpu.region"() ({
      %run_scoped3A = tpu.sem_alloc : memref<!tpu.dma_semaphore, #tpu.memory_space<semaphore_mem>>
      %dma_start3A = arith.constant 0 : i32
      %dma_start3A_57 = tpu.memref_slice %arg11[%add3A_26, %dma_start3A] : memref<10240x128xf32, #tpu.memory_space<vmem_shared>> -> memref<80x128xf32, #tpu.memory_space<vmem_shared>>
      %dma_start3A_58 = arith.constant 0 : i32
      %dma_start3A_59 = tpu.memref_slice %arg11[%add3A_26, %dma_start3A_58] : memref<10240x128xf32, #tpu.memory_space<vmem_shared>> -> memref<80x128xf32, #tpu.memory_space<vmem_shared>>
      tpu.enqueue_dma source(%dma_start3A_59 : memref<80x128xf32, #tpu.memory_space<vmem_shared>>) target(%arg9 : memref<80x128xf32, #tpu.memory_space<vmem>>) target_semaphore(%run_scoped3A : memref<!tpu.dma_semaphore, #tpu.memory_space<semaphore_mem>>)
      %dma_wait3A = arith.constant 0 : i32
      %dma_wait3A_60 = tpu.memref_slice %arg11[%add3A_26, %dma_wait3A] : memref<10240x128xf32, #tpu.memory_space<vmem_shared>> -> memref<80x128xf32, #tpu.memory_space<vmem_shared>>
      %dma_wait3A_61 = arith.constant 0 : i32
      %dma_wait3A_62 = tpu.memref_slice %arg11[%add3A_26, %dma_wait3A_61] : memref<10240x128xf32, #tpu.memory_space<vmem_shared>> -> memref<80x128xf32, #tpu.memory_space<vmem_shared>>
      tpu.wait_dma2 semaphore(%run_scoped3A : memref<!tpu.dma_semaphore, #tpu.memory_space<semaphore_mem>>) src(%dma_wait3A_62 : memref<80x128xf32, #tpu.memory_space<vmem_shared>>) dst(%arg9 : memref<80x128xf32, #tpu.memory_space<vmem>>)
      tpu.yield
    }) : () -> ()
    %add3A_27 = arith.constant 0 : i32
    %add3A_28 = arith.addi %mul3A_2, %add3A_27 : i32
    "tpu.region"() ({
      %run_scoped3A = tpu.sem_alloc : memref<!tpu.dma_semaphore, #tpu.memory_space<semaphore_mem>>
      %dma_start3A = arith.constant 0 : i32
      %dma_start3A_57 = tpu.memref_slice %arg6[%arg0, %add3A_28, %dma_start3A] : memref<2x10240x128xf32, #tpu.memory_space<hbm>> -> memref<1x80x128xf32, #tpu.memory_space<hbm>>
      %dma_start3A_58 = tpu.memref_squeeze %dma_start3A_57 : memref<1x80x128xf32, #tpu.memory_space<hbm>> -> memref<80x128xf32, #tpu.memory_space<hbm>>
      %dma_start3A_59 = arith.constant 0 : i32
      %dma_start3A_60 = tpu.memref_slice %arg6[%arg0, %add3A_28, %dma_start3A_59] : memref<2x10240x128xf32, #tpu.memory_space<hbm>> -> memref<1x80x128xf32, #tpu.memory_space<hbm>>
      %dma_start3A_61 = tpu.memref_squeeze %dma_start3A_60 : memref<1x80x128xf32, #tpu.memory_space<hbm>> -> memref<80x128xf32, #tpu.memory_space<hbm>>
      tpu.enqueue_dma source(%arg9 : memref<80x128xf32, #tpu.memory_space<vmem>>) target(%dma_start3A_61 : memref<80x128xf32, #tpu.memory_space<hbm>>) target_semaphore(%run_scoped3A : memref<!tpu.dma_semaphore, #tpu.memory_space<semaphore_mem>>)
      %dma_wait3A = arith.constant 0 : i32
      %dma_wait3A_62 = tpu.memref_slice %arg6[%arg0, %add3A_28, %dma_wait3A] : memref<2x10240x128xf32, #tpu.memory_space<hbm>> -> memref<1x80x128xf32, #tpu.memory_space<hbm>>
      %dma_wait3A_63 = tpu.memref_squeeze %dma_wait3A_62 : memref<1x80x128xf32, #tpu.memory_space<hbm>> -> memref<80x128xf32, #tpu.memory_space<hbm>>
      %dma_wait3A_64 = arith.constant 0 : i32
      %dma_wait3A_65 = tpu.memref_slice %arg6[%arg0, %add3A_28, %dma_wait3A_64] : memref<2x10240x128xf32, #tpu.memory_space<hbm>> -> memref<1x80x128xf32, #tpu.memory_space<hbm>>
      %dma_wait3A_66 = tpu.memref_squeeze %dma_wait3A_65 : memref<1x80x128xf32, #tpu.memory_space<hbm>> -> memref<80x128xf32, #tpu.memory_space<hbm>>
      tpu.wait_dma2 semaphore(%run_scoped3A : memref<!tpu.dma_semaphore, #tpu.memory_space<semaphore_mem>>) src(%arg9 : memref<80x128xf32, #tpu.memory_space<vmem>>) dst(%dma_wait3A_66 : memref<80x128xf32, #tpu.memory_space<hbm>>)
      tpu.yield
    }) : () -> ()
    %add3A_29 = arith.constant 80 : i32
    %add3A_30 = arith.addi %mul3A_2, %add3A_29 : i32
    "tpu.region"() ({
      %run_scoped3A = tpu.sem_alloc : memref<!tpu.dma_semaphore, #tpu.memory_space<semaphore_mem>>
      %dma_start3A = arith.constant 0 : i32
      %dma_start3A_57 = tpu.memref_slice %arg11[%add3A_30, %dma_start3A] : memref<10240x128xf32, #tpu.memory_space<vmem_shared>> -> memref<80x128xf32, #tpu.memory_space<vmem_shared>>
      %dma_start3A_58 = arith.constant 0 : i32
      %dma_start3A_59 = tpu.memref_slice %arg11[%add3A_30, %dma_start3A_58] : memref<10240x128xf32, #tpu.memory_space<vmem_shared>> -> memref<80x128xf32, #tpu.memory_space<vmem_shared>>
      tpu.enqueue_dma source(%dma_start3A_59 : memref<80x128xf32, #tpu.memory_space<vmem_shared>>) target(%arg9 : memref<80x128xf32, #tpu.memory_space<vmem>>) target_semaphore(%run_scoped3A : memref<!tpu.dma_semaphore, #tpu.memory_space<semaphore_mem>>)
      %dma_wait3A = arith.constant 0 : i32
      %dma_wait3A_60 = tpu.memref_slice %arg11[%add3A_30, %dma_wait3A] : memref<10240x128xf32, #tpu.memory_space<vmem_shared>> -> memref<80x128xf32, #tpu.memory_space<vmem_shared>>
      %dma_wait3A_61 = arith.constant 0 : i32
      %dma_wait3A_62 = tpu.memref_slice %arg11[%add3A_30, %dma_wait3A_61] : memref<10240x128xf32, #tpu.memory_space<vmem_shared>> -> memref<80x128xf32, #tpu.memory_space<vmem_shared>>
      tpu.wait_dma2 semaphore(%run_scoped3A : memref<!tpu.dma_semaphore, #tpu.memory_space<semaphore_mem>>) src(%dma_wait3A_62 : memref<80x128xf32, #tpu.memory_space<vmem_shared>>) dst(%arg9 : memref<80x128xf32, #tpu.memory_space<vmem>>)
      tpu.yield
    }) : () -> ()
    %add3A_31 = arith.constant 80 : i32
    %add3A_32 = arith.addi %mul3A_2, %add3A_31 : i32
    "tpu.region"() ({
      %run_scoped3A = tpu.sem_alloc : memref<!tpu.dma_semaphore, #tpu.memory_space<semaphore_mem>>
      %dma_start3A = arith.constant 0 : i32
      %dma_start3A_57 = tpu.memref_slice %arg6[%arg0, %add3A_32, %dma_start3A] : memref<2x10240x128xf32, #tpu.memory_space<hbm>> -> memref<1x80x128xf32, #tpu.memory_space<hbm>>
      %dma_start3A_58 = tpu.memref_squeeze %dma_start3A_57 : memref<1x80x128xf32, #tpu.memory_space<hbm>> -> memref<80x128xf32, #tpu.memory_space<hbm>>
      %dma_start3A_59 = arith.constant 0 : i32
      %dma_start3A_60 = tpu.memref_slice %arg6[%arg0, %add3A_32, %dma_start3A_59] : memref<2x10240x128xf32, #tpu.memory_space<hbm>> -> memref<1x80x128xf32, #tpu.memory_space<hbm>>
      %dma_start3A_61 = tpu.memref_squeeze %dma_start3A_60 : memref<1x80x128xf32, #tpu.memory_space<hbm>> -> memref<80x128xf32, #tpu.memory_space<hbm>>
      tpu.enqueue_dma source(%arg9 : memref<80x128xf32, #tpu.memory_space<vmem>>) target(%dma_start3A_61 : memref<80x128xf32, #tpu.memory_space<hbm>>) target_semaphore(%run_scoped3A : memref<!tpu.dma_semaphore, #tpu.memory_space<semaphore_mem>>)
      %dma_wait3A = arith.constant 0 : i32
      %dma_wait3A_62 = tpu.memref_slice %arg6[%arg0, %add3A_32, %dma_wait3A] : memref<2x10240x128xf32, #tpu.memory_space<hbm>> -> memref<1x80x128xf32, #tpu.memory_space<hbm>>
      %dma_wait3A_63 = tpu.memref_squeeze %dma_wait3A_62 : memref<1x80x128xf32, #tpu.memory_space<hbm>> -> memref<80x128xf32, #tpu.memory_space<hbm>>
      %dma_wait3A_64 = arith.constant 0 : i32
      %dma_wait3A_65 = tpu.memref_slice %arg6[%arg0, %add3A_32, %dma_wait3A_64] : memref<2x10240x128xf32, #tpu.memory_space<hbm>> -> memref<1x80x128xf32, #tpu.memory_space<hbm>>
      %dma_wait3A_66 = tpu.memref_squeeze %dma_wait3A_65 : memref<1x80x128xf32, #tpu.memory_space<hbm>> -> memref<80x128xf32, #tpu.memory_space<hbm>>
      tpu.wait_dma2 semaphore(%run_scoped3A : memref<!tpu.dma_semaphore, #tpu.memory_space<semaphore_mem>>) src(%arg9 : memref<80x128xf32, #tpu.memory_space<vmem>>) dst(%dma_wait3A_66 : memref<80x128xf32, #tpu.memory_space<hbm>>)
      tpu.yield
    }) : () -> ()
    %add3A_33 = arith.constant 160 : i32
    %add3A_34 = arith.addi %mul3A_2, %add3A_33 : i32
    "tpu.region"() ({
      %run_scoped3A = tpu.sem_alloc : memref<!tpu.dma_semaphore, #tpu.memory_space<semaphore_mem>>
      %dma_start3A = arith.constant 0 : i32
      %dma_start3A_57 = tpu.memref_slice %arg11[%add3A_34, %dma_start3A] : memref<10240x128xf32, #tpu.memory_space<vmem_shared>> -> memref<80x128xf32, #tpu.memory_space<vmem_shared>>
      %dma_start3A_58 = arith.constant 0 : i32
      %dma_start3A_59 = tpu.memref_slice %arg11[%add3A_34, %dma_start3A_58] : memref<10240x128xf32, #tpu.memory_space<vmem_shared>> -> memref<80x128xf32, #tpu.memory_space<vmem_shared>>
      tpu.enqueue_dma source(%dma_start3A_59 : memref<80x128xf32, #tpu.memory_space<vmem_shared>>) target(%arg9 : memref<80x128xf32, #tpu.memory_space<vmem>>) target_semaphore(%run_scoped3A : memref<!tpu.dma_semaphore, #tpu.memory_space<semaphore_mem>>)
      %dma_wait3A = arith.constant 0 : i32
      %dma_wait3A_60 = tpu.memref_slice %arg11[%add3A_34, %dma_wait3A] : memref<10240x128xf32, #tpu.memory_space<vmem_shared>> -> memref<80x128xf32, #tpu.memory_space<vmem_shared>>
      %dma_wait3A_61 = arith.constant 0 : i32
      %dma_wait3A_62 = tpu.memref_slice %arg11[%add3A_34, %dma_wait3A_61] : memref<10240x128xf32, #tpu.memory_space<vmem_shared>> -> memref<80x128xf32, #tpu.memory_space<vmem_shared>>
      tpu.wait_dma2 semaphore(%run_scoped3A : memref<!tpu.dma_semaphore, #tpu.memory_space<semaphore_mem>>) src(%dma_wait3A_62 : memref<80x128xf32, #tpu.memory_space<vmem_shared>>) dst(%arg9 : memref<80x128xf32, #tpu.memory_space<vmem>>)
      tpu.yield
    }) : () -> ()
    %add3A_35 = arith.constant 160 : i32
    %add3A_36 = arith.addi %mul3A_2, %add3A_35 : i32
    "tpu.region"() ({
      %run_scoped3A = tpu.sem_alloc : memref<!tpu.dma_semaphore, #tpu.memory_space<semaphore_mem>>
      %dma_start3A = arith.constant 0 : i32
      %dma_start3A_57 = tpu.memref_slice %arg6[%arg0, %add3A_36, %dma_start3A] : memref<2x10240x128xf32, #tpu.memory_space<hbm>> -> memref<1x80x128xf32, #tpu.memory_space<hbm>>
      %dma_start3A_58 = tpu.memref_squeeze %dma_start3A_57 : memref<1x80x128xf32, #tpu.memory_space<hbm>> -> memref<80x128xf32, #tpu.memory_space<hbm>>
      %dma_start3A_59 = arith.constant 0 : i32
      %dma_start3A_60 = tpu.memref_slice %arg6[%arg0, %add3A_36, %dma_start3A_59] : memref<2x10240x128xf32, #tpu.memory_space<hbm>> -> memref<1x80x128xf32, #tpu.memory_space<hbm>>
      %dma_start3A_61 = tpu.memref_squeeze %dma_start3A_60 : memref<1x80x128xf32, #tpu.memory_space<hbm>> -> memref<80x128xf32, #tpu.memory_space<hbm>>
      tpu.enqueue_dma source(%arg9 : memref<80x128xf32, #tpu.memory_space<vmem>>) target(%dma_start3A_61 : memref<80x128xf32, #tpu.memory_space<hbm>>) target_semaphore(%run_scoped3A : memref<!tpu.dma_semaphore, #tpu.memory_space<semaphore_mem>>)
      %dma_wait3A = arith.constant 0 : i32
      %dma_wait3A_62 = tpu.memref_slice %arg6[%arg0, %add3A_36, %dma_wait3A] : memref<2x10240x128xf32, #tpu.memory_space<hbm>> -> memref<1x80x128xf32, #tpu.memory_space<hbm>>
      %dma_wait3A_63 = tpu.memref_squeeze %dma_wait3A_62 : memref<1x80x128xf32, #tpu.memory_space<hbm>> -> memref<80x128xf32, #tpu.memory_space<hbm>>
      %dma_wait3A_64 = arith.constant 0 : i32
      %dma_wait3A_65 = tpu.memref_slice %arg6[%arg0, %add3A_36, %dma_wait3A_64] : memref<2x10240x128xf32, #tpu.memory_space<hbm>> -> memref<1x80x128xf32, #tpu.memory_space<hbm>>
      %dma_wait3A_66 = tpu.memref_squeeze %dma_wait3A_65 : memref<1x80x128xf32, #tpu.memory_space<hbm>> -> memref<80x128xf32, #tpu.memory_space<hbm>>
      tpu.wait_dma2 semaphore(%run_scoped3A : memref<!tpu.dma_semaphore, #tpu.memory_space<semaphore_mem>>) src(%arg9 : memref<80x128xf32, #tpu.memory_space<vmem>>) dst(%dma_wait3A_66 : memref<80x128xf32, #tpu.memory_space<hbm>>)
      tpu.yield
    }) : () -> ()
    %add3A_37 = arith.constant 240 : i32
    %add3A_38 = arith.addi %mul3A_2, %add3A_37 : i32
    "tpu.region"() ({
      %run_scoped3A = tpu.sem_alloc : memref<!tpu.dma_semaphore, #tpu.memory_space<semaphore_mem>>
      %dma_start3A = arith.constant 0 : i32
      %dma_start3A_57 = tpu.memref_slice %arg11[%add3A_38, %dma_start3A] : memref<10240x128xf32, #tpu.memory_space<vmem_shared>> -> memref<80x128xf32, #tpu.memory_space<vmem_shared>>
      %dma_start3A_58 = arith.constant 0 : i32
      %dma_start3A_59 = tpu.memref_slice %arg11[%add3A_38, %dma_start3A_58] : memref<10240x128xf32, #tpu.memory_space<vmem_shared>> -> memref<80x128xf32, #tpu.memory_space<vmem_shared>>
      tpu.enqueue_dma source(%dma_start3A_59 : memref<80x128xf32, #tpu.memory_space<vmem_shared>>) target(%arg9 : memref<80x128xf32, #tpu.memory_space<vmem>>) target_semaphore(%run_scoped3A : memref<!tpu.dma_semaphore, #tpu.memory_space<semaphore_mem>>)
      %dma_wait3A = arith.constant 0 : i32
      %dma_wait3A_60 = tpu.memref_slice %arg11[%add3A_38, %dma_wait3A] : memref<10240x128xf32, #tpu.memory_space<vmem_shared>> -> memref<80x128xf32, #tpu.memory_space<vmem_shared>>
      %dma_wait3A_61 = arith.constant 0 : i32
      %dma_wait3A_62 = tpu.memref_slice %arg11[%add3A_38, %dma_wait3A_61] : memref<10240x128xf32, #tpu.memory_space<vmem_shared>> -> memref<80x128xf32, #tpu.memory_space<vmem_shared>>
      tpu.wait_dma2 semaphore(%run_scoped3A : memref<!tpu.dma_semaphore, #tpu.memory_space<semaphore_mem>>) src(%dma_wait3A_62 : memref<80x128xf32, #tpu.memory_space<vmem_shared>>) dst(%arg9 : memref<80x128xf32, #tpu.memory_space<vmem>>)
      tpu.yield
    }) : () -> ()
    %add3A_39 = arith.constant 240 : i32
    %add3A_40 = arith.addi %mul3A_2, %add3A_39 : i32
    "tpu.region"() ({
      %run_scoped3A = tpu.sem_alloc : memref<!tpu.dma_semaphore, #tpu.memory_space<semaphore_mem>>
      %dma_start3A = arith.constant 0 : i32
      %dma_start3A_57 = tpu.memref_slice %arg6[%arg0, %add3A_40, %dma_start3A] : memref<2x10240x128xf32, #tpu.memory_space<hbm>> -> memref<1x80x128xf32, #tpu.memory_space<hbm>>
      %dma_start3A_58 = tpu.memref_squeeze %dma_start3A_57 : memref<1x80x128xf32, #tpu.memory_space<hbm>> -> memref<80x128xf32, #tpu.memory_space<hbm>>
      %dma_start3A_59 = arith.constant 0 : i32
      %dma_start3A_60 = tpu.memref_slice %arg6[%arg0, %add3A_40, %dma_start3A_59] : memref<2x10240x128xf32, #tpu.memory_space<hbm>> -> memref<1x80x128xf32, #tpu.memory_space<hbm>>
      %dma_start3A_61 = tpu.memref_squeeze %dma_start3A_60 : memref<1x80x128xf32, #tpu.memory_space<hbm>> -> memref<80x128xf32, #tpu.memory_space<hbm>>
      tpu.enqueue_dma source(%arg9 : memref<80x128xf32, #tpu.memory_space<vmem>>) target(%dma_start3A_61 : memref<80x128xf32, #tpu.memory_space<hbm>>) target_semaphore(%run_scoped3A : memref<!tpu.dma_semaphore, #tpu.memory_space<semaphore_mem>>)
      %dma_wait3A = arith.constant 0 : i32
      %dma_wait3A_62 = tpu.memref_slice %arg6[%arg0, %add3A_40, %dma_wait3A] : memref<2x10240x128xf32, #tpu.memory_space<hbm>> -> memref<1x80x128xf32, #tpu.memory_space<hbm>>
      %dma_wait3A_63 = tpu.memref_squeeze %dma_wait3A_62 : memref<1x80x128xf32, #tpu.memory_space<hbm>> -> memref<80x128xf32, #tpu.memory_space<hbm>>
      %dma_wait3A_64 = arith.constant 0 : i32
      %dma_wait3A_65 = tpu.memref_slice %arg6[%arg0, %add3A_40, %dma_wait3A_64] : memref<2x10240x128xf32, #tpu.memory_space<hbm>> -> memref<1x80x128xf32, #tpu.memory_space<hbm>>
      %dma_wait3A_66 = tpu.memref_squeeze %dma_wait3A_65 : memref<1x80x128xf32, #tpu.memory_space<hbm>> -> memref<80x128xf32, #tpu.memory_space<hbm>>
      tpu.wait_dma2 semaphore(%run_scoped3A : memref<!tpu.dma_semaphore, #tpu.memory_space<semaphore_mem>>) src(%arg9 : memref<80x128xf32, #tpu.memory_space<vmem>>) dst(%dma_wait3A_66 : memref<80x128xf32, #tpu.memory_space<hbm>>)
      tpu.yield
    }) : () -> ()
    %add3A_41 = arith.constant 320 : i32
    %add3A_42 = arith.addi %mul3A_2, %add3A_41 : i32
    "tpu.region"() ({
      %run_scoped3A = tpu.sem_alloc : memref<!tpu.dma_semaphore, #tpu.memory_space<semaphore_mem>>
      %dma_start3A = arith.constant 0 : i32
      %dma_start3A_57 = tpu.memref_slice %arg11[%add3A_42, %dma_start3A] : memref<10240x128xf32, #tpu.memory_space<vmem_shared>> -> memref<80x128xf32, #tpu.memory_space<vmem_shared>>
      %dma_start3A_58 = arith.constant 0 : i32
      %dma_start3A_59 = tpu.memref_slice %arg11[%add3A_42, %dma_start3A_58] : memref<10240x128xf32, #tpu.memory_space<vmem_shared>> -> memref<80x128xf32, #tpu.memory_space<vmem_shared>>
      tpu.enqueue_dma source(%dma_start3A_59 : memref<80x128xf32, #tpu.memory_space<vmem_shared>>) target(%arg9 : memref<80x128xf32, #tpu.memory_space<vmem>>) target_semaphore(%run_scoped3A : memref<!tpu.dma_semaphore, #tpu.memory_space<semaphore_mem>>)
      %dma_wait3A = arith.constant 0 : i32
      %dma_wait3A_60 = tpu.memref_slice %arg11[%add3A_42, %dma_wait3A] : memref<10240x128xf32, #tpu.memory_space<vmem_shared>> -> memref<80x128xf32, #tpu.memory_space<vmem_shared>>
      %dma_wait3A_61 = arith.constant 0 : i32
      %dma_wait3A_62 = tpu.memref_slice %arg11[%add3A_42, %dma_wait3A_61] : memref<10240x128xf32, #tpu.memory_space<vmem_shared>> -> memref<80x128xf32, #tpu.memory_space<vmem_shared>>
      tpu.wait_dma2 semaphore(%run_scoped3A : memref<!tpu.dma_semaphore, #tpu.memory_space<semaphore_mem>>) src(%dma_wait3A_62 : memref<80x128xf32, #tpu.memory_space<vmem_shared>>) dst(%arg9 : memref<80x128xf32, #tpu.memory_space<vmem>>)
      tpu.yield
    }) : () -> ()
    %add3A_43 = arith.constant 320 : i32
    %add3A_44 = arith.addi %mul3A_2, %add3A_43 : i32
    "tpu.region"() ({
      %run_scoped3A = tpu.sem_alloc : memref<!tpu.dma_semaphore, #tpu.memory_space<semaphore_mem>>
      %dma_start3A = arith.constant 0 : i32
      %dma_start3A_57 = tpu.memref_slice %arg6[%arg0, %add3A_44, %dma_start3A] : memref<2x10240x128xf32, #tpu.memory_space<hbm>> -> memref<1x80x128xf32, #tpu.memory_space<hbm>>
      %dma_start3A_58 = tpu.memref_squeeze %dma_start3A_57 : memref<1x80x128xf32, #tpu.memory_space<hbm>> -> memref<80x128xf32, #tpu.memory_space<hbm>>
      %dma_start3A_59 = arith.constant 0 : i32
      %dma_start3A_60 = tpu.memref_slice %arg6[%arg0, %add3A_44, %dma_start3A_59] : memref<2x10240x128xf32, #tpu.memory_space<hbm>> -> memref<1x80x128xf32, #tpu.memory_space<hbm>>
      %dma_start3A_61 = tpu.memref_squeeze %dma_start3A_60 : memref<1x80x128xf32, #tpu.memory_space<hbm>> -> memref<80x128xf32, #tpu.memory_space<hbm>>
      tpu.enqueue_dma source(%arg9 : memref<80x128xf32, #tpu.memory_space<vmem>>) target(%dma_start3A_61 : memref<80x128xf32, #tpu.memory_space<hbm>>) target_semaphore(%run_scoped3A : memref<!tpu.dma_semaphore, #tpu.memory_space<semaphore_mem>>)
      %dma_wait3A = arith.constant 0 : i32
      %dma_wait3A_62 = tpu.memref_slice %arg6[%arg0, %add3A_44, %dma_wait3A] : memref<2x10240x128xf32, #tpu.memory_space<hbm>> -> memref<1x80x128xf32, #tpu.memory_space<hbm>>
      %dma_wait3A_63 = tpu.memref_squeeze %dma_wait3A_62 : memref<1x80x128xf32, #tpu.memory_space<hbm>> -> memref<80x128xf32, #tpu.memory_space<hbm>>
      %dma_wait3A_64 = arith.constant 0 : i32
      %dma_wait3A_65 = tpu.memref_slice %arg6[%arg0, %add3A_44, %dma_wait3A_64] : memref<2x10240x128xf32, #tpu.memory_space<hbm>> -> memref<1x80x128xf32, #tpu.memory_space<hbm>>
      %dma_wait3A_66 = tpu.memref_squeeze %dma_wait3A_65 : memref<1x80x128xf32, #tpu.memory_space<hbm>> -> memref<80x128xf32, #tpu.memory_space<hbm>>
      tpu.wait_dma2 semaphore(%run_scoped3A : memref<!tpu.dma_semaphore, #tpu.memory_space<semaphore_mem>>) src(%arg9 : memref<80x128xf32, #tpu.memory_space<vmem>>) dst(%dma_wait3A_66 : memref<80x128xf32, #tpu.memory_space<hbm>>)
      tpu.yield
    }) : () -> ()
    %add3A_45 = arith.constant 400 : i32
    %add3A_46 = arith.addi %mul3A_2, %add3A_45 : i32
    "tpu.region"() ({
      %run_scoped3A = tpu.sem_alloc : memref<!tpu.dma_semaphore, #tpu.memory_space<semaphore_mem>>
      %dma_start3A = arith.constant 0 : i32
      %dma_start3A_57 = tpu.memref_slice %arg11[%add3A_46, %dma_start3A] : memref<10240x128xf32, #tpu.memory_space<vmem_shared>> -> memref<80x128xf32, #tpu.memory_space<vmem_shared>>
      %dma_start3A_58 = arith.constant 0 : i32
      %dma_start3A_59 = tpu.memref_slice %arg11[%add3A_46, %dma_start3A_58] : memref<10240x128xf32, #tpu.memory_space<vmem_shared>> -> memref<80x128xf32, #tpu.memory_space<vmem_shared>>
      tpu.enqueue_dma source(%dma_start3A_59 : memref<80x128xf32, #tpu.memory_space<vmem_shared>>) target(%arg9 : memref<80x128xf32, #tpu.memory_space<vmem>>) target_semaphore(%run_scoped3A : memref<!tpu.dma_semaphore, #tpu.memory_space<semaphore_mem>>)
      %dma_wait3A = arith.constant 0 : i32
      %dma_wait3A_60 = tpu.memref_slice %arg11[%add3A_46, %dma_wait3A] : memref<10240x128xf32, #tpu.memory_space<vmem_shared>> -> memref<80x128xf32, #tpu.memory_space<vmem_shared>>
      %dma_wait3A_61 = arith.constant 0 : i32
      %dma_wait3A_62 = tpu.memref_slice %arg11[%add3A_46, %dma_wait3A_61] : memref<10240x128xf32, #tpu.memory_space<vmem_shared>> -> memref<80x128xf32, #tpu.memory_space<vmem_shared>>
      tpu.wait_dma2 semaphore(%run_scoped3A : memref<!tpu.dma_semaphore, #tpu.memory_space<semaphore_mem>>) src(%dma_wait3A_62 : memref<80x128xf32, #tpu.memory_space<vmem_shared>>) dst(%arg9 : memref<80x128xf32, #tpu.memory_space<vmem>>)
      tpu.yield
    }) : () -> ()
    %add3A_47 = arith.constant 400 : i32
    %add3A_48 = arith.addi %mul3A_2, %add3A_47 : i32
    "tpu.region"() ({
      %run_scoped3A = tpu.sem_alloc : memref<!tpu.dma_semaphore, #tpu.memory_space<semaphore_mem>>
      %dma_start3A = arith.constant 0 : i32
      %dma_start3A_57 = tpu.memref_slice %arg6[%arg0, %add3A_48, %dma_start3A] : memref<2x10240x128xf32, #tpu.memory_space<hbm>> -> memref<1x80x128xf32, #tpu.memory_space<hbm>>
      %dma_start3A_58 = tpu.memref_squeeze %dma_start3A_57 : memref<1x80x128xf32, #tpu.memory_space<hbm>> -> memref<80x128xf32, #tpu.memory_space<hbm>>
      %dma_start3A_59 = arith.constant 0 : i32
      %dma_start3A_60 = tpu.memref_slice %arg6[%arg0, %add3A_48, %dma_start3A_59] : memref<2x10240x128xf32, #tpu.memory_space<hbm>> -> memref<1x80x128xf32, #tpu.memory_space<hbm>>
      %dma_start3A_61 = tpu.memref_squeeze %dma_start3A_60 : memref<1x80x128xf32, #tpu.memory_space<hbm>> -> memref<80x128xf32, #tpu.memory_space<hbm>>
      tpu.enqueue_dma source(%arg9 : memref<80x128xf32, #tpu.memory_space<vmem>>) target(%dma_start3A_61 : memref<80x128xf32, #tpu.memory_space<hbm>>) target_semaphore(%run_scoped3A : memref<!tpu.dma_semaphore, #tpu.memory_space<semaphore_mem>>)
      %dma_wait3A = arith.constant 0 : i32
      %dma_wait3A_62 = tpu.memref_slice %arg6[%arg0, %add3A_48, %dma_wait3A] : memref<2x10240x128xf32, #tpu.memory_space<hbm>> -> memref<1x80x128xf32, #tpu.memory_space<hbm>>
      %dma_wait3A_63 = tpu.memref_squeeze %dma_wait3A_62 : memref<1x80x128xf32, #tpu.memory_space<hbm>> -> memref<80x128xf32, #tpu.memory_space<hbm>>
      %dma_wait3A_64 = arith.constant 0 : i32
      %dma_wait3A_65 = tpu.memref_slice %arg6[%arg0, %add3A_48, %dma_wait3A_64] : memref<2x10240x128xf32, #tpu.memory_space<hbm>> -> memref<1x80x128xf32, #tpu.memory_space<hbm>>
      %dma_wait3A_66 = tpu.memref_squeeze %dma_wait3A_65 : memref<1x80x128xf32, #tpu.memory_space<hbm>> -> memref<80x128xf32, #tpu.memory_space<hbm>>
      tpu.wait_dma2 semaphore(%run_scoped3A : memref<!tpu.dma_semaphore, #tpu.memory_space<semaphore_mem>>) src(%arg9 : memref<80x128xf32, #tpu.memory_space<vmem>>) dst(%dma_wait3A_66 : memref<80x128xf32, #tpu.memory_space<hbm>>)
      tpu.yield
    }) : () -> ()
    %add3A_49 = arith.constant 480 : i32
    %add3A_50 = arith.addi %mul3A_2, %add3A_49 : i32
    "tpu.region"() ({
      %run_scoped3A = tpu.sem_alloc : memref<!tpu.dma_semaphore, #tpu.memory_space<semaphore_mem>>
      %dma_start3A = arith.constant 0 : i32
      %dma_start3A_57 = tpu.memref_slice %arg11[%add3A_50, %dma_start3A] : memref<10240x128xf32, #tpu.memory_space<vmem_shared>> -> memref<80x128xf32, #tpu.memory_space<vmem_shared>>
      %dma_start3A_58 = arith.constant 0 : i32
      %dma_start3A_59 = tpu.memref_slice %arg11[%add3A_50, %dma_start3A_58] : memref<10240x128xf32, #tpu.memory_space<vmem_shared>> -> memref<80x128xf32, #tpu.memory_space<vmem_shared>>
      tpu.enqueue_dma source(%dma_start3A_59 : memref<80x128xf32, #tpu.memory_space<vmem_shared>>) target(%arg9 : memref<80x128xf32, #tpu.memory_space<vmem>>) target_semaphore(%run_scoped3A : memref<!tpu.dma_semaphore, #tpu.memory_space<semaphore_mem>>)
      %dma_wait3A = arith.constant 0 : i32
      %dma_wait3A_60 = tpu.memref_slice %arg11[%add3A_50, %dma_wait3A] : memref<10240x128xf32, #tpu.memory_space<vmem_shared>> -> memref<80x128xf32, #tpu.memory_space<vmem_shared>>
      %dma_wait3A_61 = arith.constant 0 : i32
      %dma_wait3A_62 = tpu.memref_slice %arg11[%add3A_50, %dma_wait3A_61] : memref<10240x128xf32, #tpu.memory_space<vmem_shared>> -> memref<80x128xf32, #tpu.memory_space<vmem_shared>>
      tpu.wait_dma2 semaphore(%run_scoped3A : memref<!tpu.dma_semaphore, #tpu.memory_space<semaphore_mem>>) src(%dma_wait3A_62 : memref<80x128xf32, #tpu.memory_space<vmem_shared>>) dst(%arg9 : memref<80x128xf32, #tpu.memory_space<vmem>>)
      tpu.yield
    }) : () -> ()
    %add3A_51 = arith.constant 480 : i32
    %add3A_52 = arith.addi %mul3A_2, %add3A_51 : i32
    "tpu.region"() ({
      %run_scoped3A = tpu.sem_alloc : memref<!tpu.dma_semaphore, #tpu.memory_space<semaphore_mem>>
      %dma_start3A = arith.constant 0 : i32
      %dma_start3A_57 = tpu.memref_slice %arg6[%arg0, %add3A_52, %dma_start3A] : memref<2x10240x128xf32, #tpu.memory_space<hbm>> -> memref<1x80x128xf32, #tpu.memory_space<hbm>>
      %dma_start3A_58 = tpu.memref_squeeze %dma_start3A_57 : memref<1x80x128xf32, #tpu.memory_space<hbm>> -> memref<80x128xf32, #tpu.memory_space<hbm>>
      %dma_start3A_59 = arith.constant 0 : i32
      %dma_start3A_60 = tpu.memref_slice %arg6[%arg0, %add3A_52, %dma_start3A_59] : memref<2x10240x128xf32, #tpu.memory_space<hbm>> -> memref<1x80x128xf32, #tpu.memory_space<hbm>>
      %dma_start3A_61 = tpu.memref_squeeze %dma_start3A_60 : memref<1x80x128xf32, #tpu.memory_space<hbm>> -> memref<80x128xf32, #tpu.memory_space<hbm>>
      tpu.enqueue_dma source(%arg9 : memref<80x128xf32, #tpu.memory_space<vmem>>) target(%dma_start3A_61 : memref<80x128xf32, #tpu.memory_space<hbm>>) target_semaphore(%run_scoped3A : memref<!tpu.dma_semaphore, #tpu.memory_space<semaphore_mem>>)
      %dma_wait3A = arith.constant 0 : i32
      %dma_wait3A_62 = tpu.memref_slice %arg6[%arg0, %add3A_52, %dma_wait3A] : memref<2x10240x128xf32, #tpu.memory_space<hbm>> -> memref<1x80x128xf32, #tpu.memory_space<hbm>>
      %dma_wait3A_63 = tpu.memref_squeeze %dma_wait3A_62 : memref<1x80x128xf32, #tpu.memory_space<hbm>> -> memref<80x128xf32, #tpu.memory_space<hbm>>
      %dma_wait3A_64 = arith.constant 0 : i32
      %dma_wait3A_65 = tpu.memref_slice %arg6[%arg0, %add3A_52, %dma_wait3A_64] : memref<2x10240x128xf32, #tpu.memory_space<hbm>> -> memref<1x80x128xf32, #tpu.memory_space<hbm>>
      %dma_wait3A_66 = tpu.memref_squeeze %dma_wait3A_65 : memref<1x80x128xf32, #tpu.memory_space<hbm>> -> memref<80x128xf32, #tpu.memory_space<hbm>>
      tpu.wait_dma2 semaphore(%run_scoped3A : memref<!tpu.dma_semaphore, #tpu.memory_space<semaphore_mem>>) src(%arg9 : memref<80x128xf32, #tpu.memory_space<vmem>>) dst(%dma_wait3A_66 : memref<80x128xf32, #tpu.memory_space<hbm>>)
      tpu.yield
    }) : () -> ()
    %add3A_53 = arith.constant 560 : i32
    %add3A_54 = arith.addi %mul3A_2, %add3A_53 : i32
    "tpu.region"() ({
      %run_scoped3A = tpu.sem_alloc : memref<!tpu.dma_semaphore, #tpu.memory_space<semaphore_mem>>
      %dma_start3A = arith.constant 0 : i32
      %dma_start3A_57 = tpu.memref_slice %arg11[%add3A_54, %dma_start3A] : memref<10240x128xf32, #tpu.memory_space<vmem_shared>> -> memref<80x128xf32, #tpu.memory_space<vmem_shared>>
      %dma_start3A_58 = arith.constant 0 : i32
      %dma_start3A_59 = tpu.memref_slice %arg11[%add3A_54, %dma_start3A_58] : memref<10240x128xf32, #tpu.memory_space<vmem_shared>> -> memref<80x128xf32, #tpu.memory_space<vmem_shared>>
      tpu.enqueue_dma source(%dma_start3A_59 : memref<80x128xf32, #tpu.memory_space<vmem_shared>>) target(%arg9 : memref<80x128xf32, #tpu.memory_space<vmem>>) target_semaphore(%run_scoped3A : memref<!tpu.dma_semaphore, #tpu.memory_space<semaphore_mem>>)
      %dma_wait3A = arith.constant 0 : i32
      %dma_wait3A_60 = tpu.memref_slice %arg11[%add3A_54, %dma_wait3A] : memref<10240x128xf32, #tpu.memory_space<vmem_shared>> -> memref<80x128xf32, #tpu.memory_space<vmem_shared>>
      %dma_wait3A_61 = arith.constant 0 : i32
      %dma_wait3A_62 = tpu.memref_slice %arg11[%add3A_54, %dma_wait3A_61] : memref<10240x128xf32, #tpu.memory_space<vmem_shared>> -> memref<80x128xf32, #tpu.memory_space<vmem_shared>>
      tpu.wait_dma2 semaphore(%run_scoped3A : memref<!tpu.dma_semaphore, #tpu.memory_space<semaphore_mem>>) src(%dma_wait3A_62 : memref<80x128xf32, #tpu.memory_space<vmem_shared>>) dst(%arg9 : memref<80x128xf32, #tpu.memory_space<vmem>>)
      tpu.yield
    }) : () -> ()
    %add3A_55 = arith.constant 560 : i32
    %add3A_56 = arith.addi %mul3A_2, %add3A_55 : i32
    "tpu.region"() ({
      %run_scoped3A = tpu.sem_alloc : memref<!tpu.dma_semaphore, #tpu.memory_space<semaphore_mem>>
      %dma_start3A = arith.constant 0 : i32
      %dma_start3A_57 = tpu.memref_slice %arg6[%arg0, %add3A_56, %dma_start3A] : memref<2x10240x128xf32, #tpu.memory_space<hbm>> -> memref<1x80x128xf32, #tpu.memory_space<hbm>>
      %dma_start3A_58 = tpu.memref_squeeze %dma_start3A_57 : memref<1x80x128xf32, #tpu.memory_space<hbm>> -> memref<80x128xf32, #tpu.memory_space<hbm>>
      %dma_start3A_59 = arith.constant 0 : i32
      %dma_start3A_60 = tpu.memref_slice %arg6[%arg0, %add3A_56, %dma_start3A_59] : memref<2x10240x128xf32, #tpu.memory_space<hbm>> -> memref<1x80x128xf32, #tpu.memory_space<hbm>>
      %dma_start3A_61 = tpu.memref_squeeze %dma_start3A_60 : memref<1x80x128xf32, #tpu.memory_space<hbm>> -> memref<80x128xf32, #tpu.memory_space<hbm>>
      tpu.enqueue_dma source(%arg9 : memref<80x128xf32, #tpu.memory_space<vmem>>) target(%dma_start3A_61 : memref<80x128xf32, #tpu.memory_space<hbm>>) target_semaphore(%run_scoped3A : memref<!tpu.dma_semaphore, #tpu.memory_space<semaphore_mem>>)
      %dma_wait3A = arith.constant 0 : i32
      %dma_wait3A_62 = tpu.memref_slice %arg6[%arg0, %add3A_56, %dma_wait3A] : memref<2x10240x128xf32, #tpu.memory_space<hbm>> -> memref<1x80x128xf32, #tpu.memory_space<hbm>>
      %dma_wait3A_63 = tpu.memref_squeeze %dma_wait3A_62 : memref<1x80x128xf32, #tpu.memory_space<hbm>> -> memref<80x128xf32, #tpu.memory_space<hbm>>
      %dma_wait3A_64 = arith.constant 0 : i32
      %dma_wait3A_65 = tpu.memref_slice %arg6[%arg0, %add3A_56, %dma_wait3A_64] : memref<2x10240x128xf32, #tpu.memory_space<hbm>> -> memref<1x80x128xf32, #tpu.memory_space<hbm>>
      %dma_wait3A_66 = tpu.memref_squeeze %dma_wait3A_65 : memref<1x80x128xf32, #tpu.memory_space<hbm>> -> memref<80x128xf32, #tpu.memory_space<hbm>>
      tpu.wait_dma2 semaphore(%run_scoped3A : memref<!tpu.dma_semaphore, #tpu.memory_space<semaphore_mem>>) src(%arg9 : memref<80x128xf32, #tpu.memory_space<vmem>>) dst(%dma_wait3A_66 : memref<80x128xf32, #tpu.memory_space<hbm>>)
      tpu.yield
    }) : () -> ()
    return
  }
}

#map = affine_map<(d0, d1) -> (0, 0)>
#map1 = affine_map<(d0, d1) -> (0, 0, 0, 0)>
#map2 = affine_map<(d0, d1) -> (0, 0, 0)>
module attributes {stable_mosaic.version = 14 : i64} {
  func.func @_sc_feat_body(%arg0: i32, %arg1: i32, %arg2: memref<10000x128xf32, #tpu.memory_space<hbm>>, %arg3: memref<32x25x5x80xi32, #tpu.memory_space<hbm>>, %arg4: memref<32x25x5x80xi32, #tpu.memory_space<hbm>>, %arg5: memref<80x128xf32, #tpu.memory_space<hbm>>, %arg6: memref<2x10240x128xf32, #tpu.memory_space<hbm>>, %arg7: memref<5x80xi32, #tpu.memory_space<vmem>>, %arg8: memref<5x80xi32, #tpu.memory_space<vmem>>, %arg9: memref<80x128xf32, #tpu.memory_space<vmem>>, %arg10: memref<80x128xf32, #tpu.memory_space<vmem>>, %arg11: memref<10240x128xf32, #tpu.memory_space<vmem_shared>>, %arg12: memref<!tpu.dma_semaphore, #tpu.memory_space<semaphore_mem>>, %arg13: memref<!tpu.dma_semaphore, #tpu.memory_space<semaphore_mem>>) attributes {dimension_semantics = [#tpu.dimension_semantics<core_parallel>, #tpu.dimension_semantics<subcore_parallel>], iteration_bounds = array<i64: 2, 16>, scalar_prefetch = 0 : i64, scratch_operands = 7 : i64, tpu.core_type = #tpu.core_type<sc_vector_subcore>, window_params = [{transform_indices = #map}, {transform_indices = #map1}, {transform_indices = #map1}, {transform_indices = #map}, {transform_indices = #map2}]} {
    %mul3A = arith.constant 16 : i32
    %mul3A_0 = arith.muli %arg0, %mul3A : i32
    %add3A = arith.addi %mul3A_0, %arg1 : i32
    %mul3A_1 = arith.constant 640 : i32
    %mul3A_2 = arith.muli %arg1, %mul3A_1 : i32
    "tpu.region"() ({
      %run_scoped3A = tpu.sem_alloc : memref<!tpu.dma_semaphore, #tpu.memory_space<semaphore_mem>>
      tpu.enqueue_dma source(%arg5 : memref<80x128xf32, #tpu.memory_space<hbm>>) target(%arg9 : memref<80x128xf32, #tpu.memory_space<vmem>>) target_semaphore(%run_scoped3A : memref<!tpu.dma_semaphore, #tpu.memory_space<semaphore_mem>>)
      tpu.wait_dma2 semaphore(%run_scoped3A : memref<!tpu.dma_semaphore, #tpu.memory_space<semaphore_mem>>) src(%arg5 : memref<80x128xf32, #tpu.memory_space<hbm>>) dst(%arg9 : memref<80x128xf32, #tpu.memory_space<vmem>>)
      tpu.yield
    }) : () -> ()
    %add3A_3 = arith.constant 0 : i32
    %add3A_4 = arith.addi %mul3A_2, %add3A_3 : i32
    "tpu.region"() ({
      %run_scoped3A = tpu.sem_alloc : memref<!tpu.dma_semaphore, #tpu.memory_space<semaphore_mem>>
      %dma_start3A = arith.constant 0 : i32
      %dma_start3A_57 = tpu.memref_slice %arg11[%add3A_4, %dma_start3A] : memref<10240x128xf32, #tpu.memory_space<vmem_shared>> -> memref<80x128xf32, #tpu.memory_space<vmem_shared>>
      %dma_start3A_58 = arith.constant 0 : i32
      %dma_start3A_59 = tpu.memref_slice %arg11[%add3A_4, %dma_start3A_58] : memref<10240x128xf32, #tpu.memory_space<vmem_shared>> -> memref<80x128xf32, #tpu.memory_space<vmem_shared>>
      tpu.enqueue_dma source(%arg9 : memref<80x128xf32, #tpu.memory_space<vmem>>) target(%dma_start3A_59 : memref<80x128xf32, #tpu.memory_space<vmem_shared>>) target_semaphore(%run_scoped3A : memref<!tpu.dma_semaphore, #tpu.memory_space<semaphore_mem>>)
      %dma_wait3A = arith.constant 0 : i32
      %dma_wait3A_60 = tpu.memref_slice %arg11[%add3A_4, %dma_wait3A] : memref<10240x128xf32, #tpu.memory_space<vmem_shared>> -> memref<80x128xf32, #tpu.memory_space<vmem_shared>>
      %dma_wait3A_61 = arith.constant 0 : i32
      %dma_wait3A_62 = tpu.memref_slice %arg11[%add3A_4, %dma_wait3A_61] : memref<10240x128xf32, #tpu.memory_space<vmem_shared>> -> memref<80x128xf32, #tpu.memory_space<vmem_shared>>
      tpu.wait_dma2 semaphore(%run_scoped3A : memref<!tpu.dma_semaphore, #tpu.memory_space<semaphore_mem>>) src(%arg9 : memref<80x128xf32, #tpu.memory_space<vmem>>) dst(%dma_wait3A_62 : memref<80x128xf32, #tpu.memory_space<vmem_shared>>)
      tpu.yield
    }) : () -> ()
    %add3A_5 = arith.constant 80 : i32
    %add3A_6 = arith.addi %mul3A_2, %add3A_5 : i32
    "tpu.region"() ({
      %run_scoped3A = tpu.sem_alloc : memref<!tpu.dma_semaphore, #tpu.memory_space<semaphore_mem>>
      %dma_start3A = arith.constant 0 : i32
      %dma_start3A_57 = tpu.memref_slice %arg11[%add3A_6, %dma_start3A] : memref<10240x128xf32, #tpu.memory_space<vmem_shared>> -> memref<80x128xf32, #tpu.memory_space<vmem_shared>>
      %dma_start3A_58 = arith.constant 0 : i32
      %dma_start3A_59 = tpu.memref_slice %arg11[%add3A_6, %dma_start3A_58] : memref<10240x128xf32, #tpu.memory_space<vmem_shared>> -> memref<80x128xf32, #tpu.memory_space<vmem_shared>>
      tpu.enqueue_dma source(%arg9 : memref<80x128xf32, #tpu.memory_space<vmem>>) target(%dma_start3A_59 : memref<80x128xf32, #tpu.memory_space<vmem_shared>>) target_semaphore(%run_scoped3A : memref<!tpu.dma_semaphore, #tpu.memory_space<semaphore_mem>>)
      %dma_wait3A = arith.constant 0 : i32
      %dma_wait3A_60 = tpu.memref_slice %arg11[%add3A_6, %dma_wait3A] : memref<10240x128xf32, #tpu.memory_space<vmem_shared>> -> memref<80x128xf32, #tpu.memory_space<vmem_shared>>
      %dma_wait3A_61 = arith.constant 0 : i32
      %dma_wait3A_62 = tpu.memref_slice %arg11[%add3A_6, %dma_wait3A_61] : memref<10240x128xf32, #tpu.memory_space<vmem_shared>> -> memref<80x128xf32, #tpu.memory_space<vmem_shared>>
      tpu.wait_dma2 semaphore(%run_scoped3A : memref<!tpu.dma_semaphore, #tpu.memory_space<semaphore_mem>>) src(%arg9 : memref<80x128xf32, #tpu.memory_space<vmem>>) dst(%dma_wait3A_62 : memref<80x128xf32, #tpu.memory_space<vmem_shared>>)
      tpu.yield
    }) : () -> ()
    %add3A_7 = arith.constant 160 : i32
    %add3A_8 = arith.addi %mul3A_2, %add3A_7 : i32
    "tpu.region"() ({
      %run_scoped3A = tpu.sem_alloc : memref<!tpu.dma_semaphore, #tpu.memory_space<semaphore_mem>>
      %dma_start3A = arith.constant 0 : i32
      %dma_start3A_57 = tpu.memref_slice %arg11[%add3A_8, %dma_start3A] : memref<10240x128xf32, #tpu.memory_space<vmem_shared>> -> memref<80x128xf32, #tpu.memory_space<vmem_shared>>
      %dma_start3A_58 = arith.constant 0 : i32
      %dma_start3A_59 = tpu.memref_slice %arg11[%add3A_8, %dma_start3A_58] : memref<10240x128xf32, #tpu.memory_space<vmem_shared>> -> memref<80x128xf32, #tpu.memory_space<vmem_shared>>
      tpu.enqueue_dma source(%arg9 : memref<80x128xf32, #tpu.memory_space<vmem>>) target(%dma_start3A_59 : memref<80x128xf32, #tpu.memory_space<vmem_shared>>) target_semaphore(%run_scoped3A : memref<!tpu.dma_semaphore, #tpu.memory_space<semaphore_mem>>)
      %dma_wait3A = arith.constant 0 : i32
      %dma_wait3A_60 = tpu.memref_slice %arg11[%add3A_8, %dma_wait3A] : memref<10240x128xf32, #tpu.memory_space<vmem_shared>> -> memref<80x128xf32, #tpu.memory_space<vmem_shared>>
      %dma_wait3A_61 = arith.constant 0 : i32
      %dma_wait3A_62 = tpu.memref_slice %arg11[%add3A_8, %dma_wait3A_61] : memref<10240x128xf32, #tpu.memory_space<vmem_shared>> -> memref<80x128xf32, #tpu.memory_space<vmem_shared>>
      tpu.wait_dma2 semaphore(%run_scoped3A : memref<!tpu.dma_semaphore, #tpu.memory_space<semaphore_mem>>) src(%arg9 : memref<80x128xf32, #tpu.memory_space<vmem>>) dst(%dma_wait3A_62 : memref<80x128xf32, #tpu.memory_space<vmem_shared>>)
      tpu.yield
    }) : () -> ()
    %add3A_9 = arith.constant 240 : i32
    %add3A_10 = arith.addi %mul3A_2, %add3A_9 : i32
    "tpu.region"() ({
      %run_scoped3A = tpu.sem_alloc : memref<!tpu.dma_semaphore, #tpu.memory_space<semaphore_mem>>
      %dma_start3A = arith.constant 0 : i32
      %dma_start3A_57 = tpu.memref_slice %arg11[%add3A_10, %dma_start3A] : memref<10240x128xf32, #tpu.memory_space<vmem_shared>> -> memref<80x128xf32, #tpu.memory_space<vmem_shared>>
      %dma_start3A_58 = arith.constant 0 : i32
      %dma_start3A_59 = tpu.memref_slice %arg11[%add3A_10, %dma_start3A_58] : memref<10240x128xf32, #tpu.memory_space<vmem_shared>> -> memref<80x128xf32, #tpu.memory_space<vmem_shared>>
      tpu.enqueue_dma source(%arg9 : memref<80x128xf32, #tpu.memory_space<vmem>>) target(%dma_start3A_59 : memref<80x128xf32, #tpu.memory_space<vmem_shared>>) target_semaphore(%run_scoped3A : memref<!tpu.dma_semaphore, #tpu.memory_space<semaphore_mem>>)
      %dma_wait3A = arith.constant 0 : i32
      %dma_wait3A_60 = tpu.memref_slice %arg11[%add3A_10, %dma_wait3A] : memref<10240x128xf32, #tpu.memory_space<vmem_shared>> -> memref<80x128xf32, #tpu.memory_space<vmem_shared>>
      %dma_wait3A_61 = arith.constant 0 : i32
      %dma_wait3A_62 = tpu.memref_slice %arg11[%add3A_10, %dma_wait3A_61] : memref<10240x128xf32, #tpu.memory_space<vmem_shared>> -> memref<80x128xf32, #tpu.memory_space<vmem_shared>>
      tpu.wait_dma2 semaphore(%run_scoped3A : memref<!tpu.dma_semaphore, #tpu.memory_space<semaphore_mem>>) src(%arg9 : memref<80x128xf32, #tpu.memory_space<vmem>>) dst(%dma_wait3A_62 : memref<80x128xf32, #tpu.memory_space<vmem_shared>>)
      tpu.yield
    }) : () -> ()
    %add3A_11 = arith.constant 320 : i32
    %add3A_12 = arith.addi %mul3A_2, %add3A_11 : i32
    "tpu.region"() ({
      %run_scoped3A = tpu.sem_alloc : memref<!tpu.dma_semaphore, #tpu.memory_space<semaphore_mem>>
      %dma_start3A = arith.constant 0 : i32
      %dma_start3A_57 = tpu.memref_slice %arg11[%add3A_12, %dma_start3A] : memref<10240x128xf32, #tpu.memory_space<vmem_shared>> -> memref<80x128xf32, #tpu.memory_space<vmem_shared>>
      %dma_start3A_58 = arith.constant 0 : i32
      %dma_start3A_59 = tpu.memref_slice %arg11[%add3A_12, %dma_start3A_58] : memref<10240x128xf32, #tpu.memory_space<vmem_shared>> -> memref<80x128xf32, #tpu.memory_space<vmem_shared>>
      tpu.enqueue_dma source(%arg9 : memref<80x128xf32, #tpu.memory_space<vmem>>) target(%dma_start3A_59 : memref<80x128xf32, #tpu.memory_space<vmem_shared>>) target_semaphore(%run_scoped3A : memref<!tpu.dma_semaphore, #tpu.memory_space<semaphore_mem>>)
      %dma_wait3A = arith.constant 0 : i32
      %dma_wait3A_60 = tpu.memref_slice %arg11[%add3A_12, %dma_wait3A] : memref<10240x128xf32, #tpu.memory_space<vmem_shared>> -> memref<80x128xf32, #tpu.memory_space<vmem_shared>>
      %dma_wait3A_61 = arith.constant 0 : i32
      %dma_wait3A_62 = tpu.memref_slice %arg11[%add3A_12, %dma_wait3A_61] : memref<10240x128xf32, #tpu.memory_space<vmem_shared>> -> memref<80x128xf32, #tpu.memory_space<vmem_shared>>
      tpu.wait_dma2 semaphore(%run_scoped3A : memref<!tpu.dma_semaphore, #tpu.memory_space<semaphore_mem>>) src(%arg9 : memref<80x128xf32, #tpu.memory_space<vmem>>) dst(%dma_wait3A_62 : memref<80x128xf32, #tpu.memory_space<vmem_shared>>)
      tpu.yield
    }) : () -> ()
    %add3A_13 = arith.constant 400 : i32
    %add3A_14 = arith.addi %mul3A_2, %add3A_13 : i32
    "tpu.region"() ({
      %run_scoped3A = tpu.sem_alloc : memref<!tpu.dma_semaphore, #tpu.memory_space<semaphore_mem>>
      %dma_start3A = arith.constant 0 : i32
      %dma_start3A_57 = tpu.memref_slice %arg11[%add3A_14, %dma_start3A] : memref<10240x128xf32, #tpu.memory_space<vmem_shared>> -> memref<80x128xf32, #tpu.memory_space<vmem_shared>>
      %dma_start3A_58 = arith.constant 0 : i32
      %dma_start3A_59 = tpu.memref_slice %arg11[%add3A_14, %dma_start3A_58] : memref<10240x128xf32, #tpu.memory_space<vmem_shared>> -> memref<80x128xf32, #tpu.memory_space<vmem_shared>>
      tpu.enqueue_dma source(%arg9 : memref<80x128xf32, #tpu.memory_space<vmem>>) target(%dma_start3A_59 : memref<80x128xf32, #tpu.memory_space<vmem_shared>>) target_semaphore(%run_scoped3A : memref<!tpu.dma_semaphore, #tpu.memory_space<semaphore_mem>>)
      %dma_wait3A = arith.constant 0 : i32
      %dma_wait3A_60 = tpu.memref_slice %arg11[%add3A_14, %dma_wait3A] : memref<10240x128xf32, #tpu.memory_space<vmem_shared>> -> memref<80x128xf32, #tpu.memory_space<vmem_shared>>
      %dma_wait3A_61 = arith.constant 0 : i32
      %dma_wait3A_62 = tpu.memref_slice %arg11[%add3A_14, %dma_wait3A_61] : memref<10240x128xf32, #tpu.memory_space<vmem_shared>> -> memref<80x128xf32, #tpu.memory_space<vmem_shared>>
      tpu.wait_dma2 semaphore(%run_scoped3A : memref<!tpu.dma_semaphore, #tpu.memory_space<semaphore_mem>>) src(%arg9 : memref<80x128xf32, #tpu.memory_space<vmem>>) dst(%dma_wait3A_62 : memref<80x128xf32, #tpu.memory_space<vmem_shared>>)
      tpu.yield
    }) : () -> ()
    %add3A_15 = arith.constant 480 : i32
    %add3A_16 = arith.addi %mul3A_2, %add3A_15 : i32
    "tpu.region"() ({
      %run_scoped3A = tpu.sem_alloc : memref<!tpu.dma_semaphore, #tpu.memory_space<semaphore_mem>>
      %dma_start3A = arith.constant 0 : i32
      %dma_start3A_57 = tpu.memref_slice %arg11[%add3A_16, %dma_start3A] : memref<10240x128xf32, #tpu.memory_space<vmem_shared>> -> memref<80x128xf32, #tpu.memory_space<vmem_shared>>
      %dma_start3A_58 = arith.constant 0 : i32
      %dma_start3A_59 = tpu.memref_slice %arg11[%add3A_16, %dma_start3A_58] : memref<10240x128xf32, #tpu.memory_space<vmem_shared>> -> memref<80x128xf32, #tpu.memory_space<vmem_shared>>
      tpu.enqueue_dma source(%arg9 : memref<80x128xf32, #tpu.memory_space<vmem>>) target(%dma_start3A_59 : memref<80x128xf32, #tpu.memory_space<vmem_shared>>) target_semaphore(%run_scoped3A : memref<!tpu.dma_semaphore, #tpu.memory_space<semaphore_mem>>)
      %dma_wait3A = arith.constant 0 : i32
      %dma_wait3A_60 = tpu.memref_slice %arg11[%add3A_16, %dma_wait3A] : memref<10240x128xf32, #tpu.memory_space<vmem_shared>> -> memref<80x128xf32, #tpu.memory_space<vmem_shared>>
      %dma_wait3A_61 = arith.constant 0 : i32
      %dma_wait3A_62 = tpu.memref_slice %arg11[%add3A_16, %dma_wait3A_61] : memref<10240x128xf32, #tpu.memory_space<vmem_shared>> -> memref<80x128xf32, #tpu.memory_space<vmem_shared>>
      tpu.wait_dma2 semaphore(%run_scoped3A : memref<!tpu.dma_semaphore, #tpu.memory_space<semaphore_mem>>) src(%arg9 : memref<80x128xf32, #tpu.memory_space<vmem>>) dst(%dma_wait3A_62 : memref<80x128xf32, #tpu.memory_space<vmem_shared>>)
      tpu.yield
    }) : () -> ()
    %add3A_17 = arith.constant 560 : i32
    %add3A_18 = arith.addi %mul3A_2, %add3A_17 : i32
    "tpu.region"() ({
      %run_scoped3A = tpu.sem_alloc : memref<!tpu.dma_semaphore, #tpu.memory_space<semaphore_mem>>
      %dma_start3A = arith.constant 0 : i32
      %dma_start3A_57 = tpu.memref_slice %arg11[%add3A_18, %dma_start3A] : memref<10240x128xf32, #tpu.memory_space<vmem_shared>> -> memref<80x128xf32, #tpu.memory_space<vmem_shared>>
      %dma_start3A_58 = arith.constant 0 : i32
      %dma_start3A_59 = tpu.memref_slice %arg11[%add3A_18, %dma_start3A_58] : memref<10240x128xf32, #tpu.memory_space<vmem_shared>> -> memref<80x128xf32, #tpu.memory_space<vmem_shared>>
      tpu.enqueue_dma source(%arg9 : memref<80x128xf32, #tpu.memory_space<vmem>>) target(%dma_start3A_59 : memref<80x128xf32, #tpu.memory_space<vmem_shared>>) target_semaphore(%run_scoped3A : memref<!tpu.dma_semaphore, #tpu.memory_space<semaphore_mem>>)
      %dma_wait3A = arith.constant 0 : i32
      %dma_wait3A_60 = tpu.memref_slice %arg11[%add3A_18, %dma_wait3A] : memref<10240x128xf32, #tpu.memory_space<vmem_shared>> -> memref<80x128xf32, #tpu.memory_space<vmem_shared>>
      %dma_wait3A_61 = arith.constant 0 : i32
      %dma_wait3A_62 = tpu.memref_slice %arg11[%add3A_18, %dma_wait3A_61] : memref<10240x128xf32, #tpu.memory_space<vmem_shared>> -> memref<80x128xf32, #tpu.memory_space<vmem_shared>>
      tpu.wait_dma2 semaphore(%run_scoped3A : memref<!tpu.dma_semaphore, #tpu.memory_space<semaphore_mem>>) src(%arg9 : memref<80x128xf32, #tpu.memory_space<vmem>>) dst(%dma_wait3A_62 : memref<80x128xf32, #tpu.memory_space<vmem_shared>>)
      tpu.yield
    }) : () -> ()
    %barrier3A = arith.constant 0 : index
    tpu.barrier barrier_id(%barrier3A)
    %scan3A = arith.constant 0 : i32
    %scan3A_19 = arith.constant 0 : i32
    %scan3A_20 = arith.constant 25 : i32
    %scan3A_21 = arith.addi %scan3A_19, %scan3A_20 : i32
    %scan3A_22 = arith.constant 1 : i32
    scf.for %scan3A_57 = %scan3A_19 to %scan3A_21 step %scan3A_22  : i32 {
      "tpu.region"() ({
        %run_scoped3A_130 = tpu.sem_alloc : memref<!tpu.dma_semaphore, #tpu.memory_space<semaphore_mem>>
        %dma_start3A_131 = arith.constant 0 : i32
        %dma_start3A_132 = arith.constant 0 : i32
        %dma_start3A_133 = tpu.memref_slice %arg3[%add3A, %scan3A_57, %dma_start3A_131, %dma_start3A_132] : memref<32x25x5x80xi32, #tpu.memory_space<hbm>> -> memref<1x1x5x80xi32, #tpu.memory_space<hbm>>
        %dma_start3A_134 = tpu.memref_squeeze %dma_start3A_133 : memref<1x1x5x80xi32, #tpu.memory_space<hbm>> -> memref<5x80xi32, #tpu.memory_space<hbm>>
        %dma_start3A_135 = arith.constant 0 : i32
        %dma_start3A_136 = arith.constant 0 : i32
        %dma_start3A_137 = tpu.memref_slice %arg3[%add3A, %scan3A_57, %dma_start3A_135, %dma_start3A_136] : memref<32x25x5x80xi32, #tpu.memory_space<hbm>> -> memref<1x1x5x80xi32, #tpu.memory_space<hbm>>
        %dma_start3A_138 = tpu.memref_squeeze %dma_start3A_137 : memref<1x1x5x80xi32, #tpu.memory_space<hbm>> -> memref<5x80xi32, #tpu.memory_space<hbm>>
        tpu.enqueue_dma source(%dma_start3A_138 : memref<5x80xi32, #tpu.memory_space<hbm>>) target(%arg7 : memref<5x80xi32, #tpu.memory_space<vmem>>) target_semaphore(%run_scoped3A_130 : memref<!tpu.dma_semaphore, #tpu.memory_space<semaphore_mem>>)
        %dma_wait3A_139 = arith.constant 0 : i32
        %dma_wait3A_140 = arith.constant 0 : i32
        %dma_wait3A_141 = tpu.memref_slice %arg3[%add3A, %scan3A_57, %dma_wait3A_139, %dma_wait3A_140] : memref<32x25x5x80xi32, #tpu.memory_space<hbm>> -> memref<1x1x5x80xi32, #tpu.memory_space<hbm>>
        %dma_wait3A_142 = tpu.memref_squeeze %dma_wait3A_141 : memref<1x1x5x80xi32, #tpu.memory_space<hbm>> -> memref<5x80xi32, #tpu.memory_space<hbm>>
        %dma_wait3A_143 = arith.constant 0 : i32
        %dma_wait3A_144 = arith.constant 0 : i32
        %dma_wait3A_145 = tpu.memref_slice %arg3[%add3A, %scan3A_57, %dma_wait3A_143, %dma_wait3A_144] : memref<32x25x5x80xi32, #tpu.memory_space<hbm>> -> memref<1x1x5x80xi32, #tpu.memory_space<hbm>>
        %dma_wait3A_146 = tpu.memref_squeeze %dma_wait3A_145 : memref<1x1x5x80xi32, #tpu.memory_space<hbm>> -> memref<5x80xi32, #tpu.memory_space<hbm>>
        tpu.wait_dma2 semaphore(%run_scoped3A_130 : memref<!tpu.dma_semaphore, #tpu.memory_space<semaphore_mem>>) src(%dma_wait3A_146 : memref<5x80xi32, #tpu.memory_space<hbm>>) dst(%arg7 : memref<5x80xi32, #tpu.memory_space<vmem>>)
        tpu.yield
      }) : () -> ()
      "tpu.region"() ({
        %run_scoped3A_130 = tpu.sem_alloc : memref<!tpu.dma_semaphore, #tpu.memory_space<semaphore_mem>>
        %dma_start3A_131 = arith.constant 0 : i32
        %dma_start3A_132 = arith.constant 0 : i32
        %dma_start3A_133 = tpu.memref_slice %arg4[%add3A, %scan3A_57, %dma_start3A_131, %dma_start3A_132] : memref<32x25x5x80xi32, #tpu.memory_space<hbm>> -> memref<1x1x5x80xi32, #tpu.memory_space<hbm>>
        %dma_start3A_134 = tpu.memref_squeeze %dma_start3A_133 : memref<1x1x5x80xi32, #tpu.memory_space<hbm>> -> memref<5x80xi32, #tpu.memory_space<hbm>>
        %dma_start3A_135 = arith.constant 0 : i32
        %dma_start3A_136 = arith.constant 0 : i32
        %dma_start3A_137 = tpu.memref_slice %arg4[%add3A, %scan3A_57, %dma_start3A_135, %dma_start3A_136] : memref<32x25x5x80xi32, #tpu.memory_space<hbm>> -> memref<1x1x5x80xi32, #tpu.memory_space<hbm>>
        %dma_start3A_138 = tpu.memref_squeeze %dma_start3A_137 : memref<1x1x5x80xi32, #tpu.memory_space<hbm>> -> memref<5x80xi32, #tpu.memory_space<hbm>>
        tpu.enqueue_dma source(%dma_start3A_138 : memref<5x80xi32, #tpu.memory_space<hbm>>) target(%arg8 : memref<5x80xi32, #tpu.memory_space<vmem>>) target_semaphore(%run_scoped3A_130 : memref<!tpu.dma_semaphore, #tpu.memory_space<semaphore_mem>>)
        %dma_wait3A_139 = arith.constant 0 : i32
        %dma_wait3A_140 = arith.constant 0 : i32
        %dma_wait3A_141 = tpu.memref_slice %arg4[%add3A, %scan3A_57, %dma_wait3A_139, %dma_wait3A_140] : memref<32x25x5x80xi32, #tpu.memory_space<hbm>> -> memref<1x1x5x80xi32, #tpu.memory_space<hbm>>
        %dma_wait3A_142 = tpu.memref_squeeze %dma_wait3A_141 : memref<1x1x5x80xi32, #tpu.memory_space<hbm>> -> memref<5x80xi32, #tpu.memory_space<hbm>>
        %dma_wait3A_143 = arith.constant 0 : i32
        %dma_wait3A_144 = arith.constant 0 : i32
        %dma_wait3A_145 = tpu.memref_slice %arg4[%add3A, %scan3A_57, %dma_wait3A_143, %dma_wait3A_144] : memref<32x25x5x80xi32, #tpu.memory_space<hbm>> -> memref<1x1x5x80xi32, #tpu.memory_space<hbm>>
        %dma_wait3A_146 = tpu.memref_squeeze %dma_wait3A_145 : memref<1x1x5x80xi32, #tpu.memory_space<hbm>> -> memref<5x80xi32, #tpu.memory_space<hbm>>
        tpu.wait_dma2 semaphore(%run_scoped3A_130 : memref<!tpu.dma_semaphore, #tpu.memory_space<semaphore_mem>>) src(%dma_wait3A_146 : memref<5x80xi32, #tpu.memory_space<hbm>>) dst(%arg8 : memref<5x80xi32, #tpu.memory_space<vmem>>)
        tpu.yield
      }) : () -> ()
      %dma_start3A = arith.constant 0 : i32
      %dma_start3A_58 = arith.constant 0 : i32
      %dma_start3A_59 = tpu.memref_slice %arg7[%dma_start3A, %dma_start3A_58] : memref<5x80xi32, #tpu.memory_space<vmem>> -> memref<1x80xi32, #tpu.memory_space<vmem>>
      %dma_start3A_60 = tpu.memref_squeeze %dma_start3A_59 : memref<1x80xi32, #tpu.memory_space<vmem>> -> memref<80xi32, #tpu.memory_space<vmem>>
      %dma_start3A_61 = arith.constant 0 : i32
      %dma_start3A_62 = arith.constant 0 : i32
      %dma_start3A_63 = tpu.memref_slice %arg2[%dma_start3A_61, %dma_start3A_62] : memref<10000x128xf32, #tpu.memory_space<hbm>> -> memref<10000x128xf32, #tpu.memory_space<hbm>>
      tpu.enqueue_indirect_dma source(%dma_start3A_63 : memref<10000x128xf32, #tpu.memory_space<hbm>>) target(%arg9 : memref<80x128xf32, #tpu.memory_space<vmem>>) offsets(%dma_start3A_60 : memref<80xi32, #tpu.memory_space<vmem>>) semaphore(%arg12 : memref<!tpu.dma_semaphore, #tpu.memory_space<semaphore_mem>>)
      %dma_start3A_64 = arith.constant 1 : i32
      %dma_start3A_65 = arith.constant 0 : i32
      %dma_start3A_66 = tpu.memref_slice %arg7[%dma_start3A_64, %dma_start3A_65] : memref<5x80xi32, #tpu.memory_space<vmem>> -> memref<1x80xi32, #tpu.memory_space<vmem>>
      %dma_start3A_67 = tpu.memref_squeeze %dma_start3A_66 : memref<1x80xi32, #tpu.memory_space<vmem>> -> memref<80xi32, #tpu.memory_space<vmem>>
      %dma_start3A_68 = arith.constant 0 : i32
      %dma_start3A_69 = arith.constant 0 : i32
      %dma_start3A_70 = tpu.memref_slice %arg2[%dma_start3A_68, %dma_start3A_69] : memref<10000x128xf32, #tpu.memory_space<hbm>> -> memref<10000x128xf32, #tpu.memory_space<hbm>>
      tpu.enqueue_indirect_dma source(%dma_start3A_70 : memref<10000x128xf32, #tpu.memory_space<hbm>>) target(%arg10 : memref<80x128xf32, #tpu.memory_space<vmem>>) offsets(%dma_start3A_67 : memref<80xi32, #tpu.memory_space<vmem>>) semaphore(%arg13 : memref<!tpu.dma_semaphore, #tpu.memory_space<semaphore_mem>>)
      %dma_wait3A = arith.constant 0 : i32
      %dma_wait3A_71 = arith.constant 0 : i32
      %dma_wait3A_72 = tpu.memref_slice %arg7[%dma_wait3A, %dma_wait3A_71] : memref<5x80xi32, #tpu.memory_space<vmem>> -> memref<1x80xi32, #tpu.memory_space<vmem>>
      %dma_wait3A_73 = tpu.memref_squeeze %dma_wait3A_72 : memref<1x80xi32, #tpu.memory_space<vmem>> -> memref<80xi32, #tpu.memory_space<vmem>>
      %dma_wait3A_74 = arith.constant 0 : i32
      %dma_wait3A_75 = arith.constant 0 : i32
      %dma_wait3A_76 = tpu.memref_slice %arg2[%dma_wait3A_74, %dma_wait3A_75] : memref<10000x128xf32, #tpu.memory_space<hbm>> -> memref<10000x128xf32, #tpu.memory_space<hbm>>
      tpu.wait_indirect_dma semaphore(%arg12 : memref<!tpu.dma_semaphore, #tpu.memory_space<semaphore_mem>>) src(%dma_wait3A_76 : memref<10000x128xf32, #tpu.memory_space<hbm>>) dst(%arg9 : memref<80x128xf32, #tpu.memory_space<vmem>>)
      %run_scoped3A = arith.constant 0 : i32
      "tpu.region"() ({
        %run_scoped3A_130 = tpu.sem_alloc : memref<!tpu.dma_semaphore, #tpu.memory_space<semaphore_mem>>
        %dma_start3A_131 = arith.constant 0 : i32
        %dma_start3A_132 = tpu.memref_slice %arg8[%run_scoped3A, %dma_start3A_131] : memref<5x80xi32, #tpu.memory_space<vmem>> -> memref<1x80xi32, #tpu.memory_space<vmem>>
        %dma_start3A_133 = tpu.memref_squeeze %dma_start3A_132 : memref<1x80xi32, #tpu.memory_space<vmem>> -> memref<80xi32, #tpu.memory_space<vmem>>
        %dma_start3A_134 = arith.constant 0 : i32
        %dma_start3A_135 = arith.constant 0 : i32
        %dma_start3A_136 = tpu.memref_slice %arg11[%dma_start3A_134, %dma_start3A_135] : memref<10240x128xf32, #tpu.memory_space<vmem_shared>> -> memref<10240x128xf32, #tpu.memory_space<vmem_shared>>
        tpu.enqueue_indirect_dma source(%arg9 : memref<80x128xf32, #tpu.memory_space<vmem>>) target(%dma_start3A_136 : memref<10240x128xf32, #tpu.memory_space<vmem_shared>>) offsets(%dma_start3A_133 : memref<80xi32, #tpu.memory_space<vmem>>) semaphore(%run_scoped3A_130 : memref<!tpu.dma_semaphore, #tpu.memory_space<semaphore_mem>>) {add = true}
        %dma_wait3A_137 = arith.constant 0 : i32
        %dma_wait3A_138 = tpu.memref_slice %arg8[%run_scoped3A, %dma_wait3A_137] : memref<5x80xi32, #tpu.memory_space<vmem>> -> memref<1x80xi32, #tpu.memory_space<vmem>>
        %dma_wait3A_139 = tpu.memref_squeeze %dma_wait3A_138 : memref<1x80xi32, #tpu.memory_space<vmem>> -> memref<80xi32, #tpu.memory_space<vmem>>
        %dma_wait3A_140 = arith.constant 0 : i32
        %dma_wait3A_141 = arith.constant 0 : i32
        %dma_wait3A_142 = tpu.memref_slice %arg11[%dma_wait3A_140, %dma_wait3A_141] : memref<10240x128xf32, #tpu.memory_space<vmem_shared>> -> memref<10240x128xf32, #tpu.memory_space<vmem_shared>>
        tpu.wait_indirect_dma semaphore(%run_scoped3A_130 : memref<!tpu.dma_semaphore, #tpu.memory_space<semaphore_mem>>) src(%arg9 : memref<80x128xf32, #tpu.memory_space<vmem>>) dst(%dma_wait3A_142 : memref<10240x128xf32, #tpu.memory_space<vmem_shared>>)
        tpu.yield
      }) : () -> ()
      %dma_start3A_77 = arith.constant 2 : i32
      %dma_start3A_78 = arith.constant 0 : i32
      %dma_start3A_79 = tpu.memref_slice %arg7[%dma_start3A_77, %dma_start3A_78] : memref<5x80xi32, #tpu.memory_space<vmem>> -> memref<1x80xi32, #tpu.memory_space<vmem>>
      %dma_start3A_80 = tpu.memref_squeeze %dma_start3A_79 : memref<1x80xi32, #tpu.memory_space<vmem>> -> memref<80xi32, #tpu.memory_space<vmem>>
      %dma_start3A_81 = arith.constant 0 : i32
      %dma_start3A_82 = arith.constant 0 : i32
      %dma_start3A_83 = tpu.memref_slice %arg2[%dma_start3A_81, %dma_start3A_82] : memref<10000x128xf32, #tpu.memory_space<hbm>> -> memref<10000x128xf32, #tpu.memory_space<hbm>>
      tpu.enqueue_indirect_dma source(%dma_start3A_83 : memref<10000x128xf32, #tpu.memory_space<hbm>>) target(%arg9 : memref<80x128xf32, #tpu.memory_space<vmem>>) offsets(%dma_start3A_80 : memref<80xi32, #tpu.memory_space<vmem>>) semaphore(%arg12 : memref<!tpu.dma_semaphore, #tpu.memory_space<semaphore_mem>>)
      %dma_wait3A_84 = arith.constant 1 : i32
      %dma_wait3A_85 = arith.constant 0 : i32
      %dma_wait3A_86 = tpu.memref_slice %arg7[%dma_wait3A_84, %dma_wait3A_85] : memref<5x80xi32, #tpu.memory_space<vmem>> -> memref<1x80xi32, #tpu.memory_space<vmem>>
      %dma_wait3A_87 = tpu.memref_squeeze %dma_wait3A_86 : memref<1x80xi32, #tpu.memory_space<vmem>> -> memref<80xi32, #tpu.memory_space<vmem>>
      %dma_wait3A_88 = arith.constant 0 : i32
      %dma_wait3A_89 = arith.constant 0 : i32
      %dma_wait3A_90 = tpu.memref_slice %arg2[%dma_wait3A_88, %dma_wait3A_89] : memref<10000x128xf32, #tpu.memory_space<hbm>> -> memref<10000x128xf32, #tpu.memory_space<hbm>>
      tpu.wait_indirect_dma semaphore(%arg13 : memref<!tpu.dma_semaphore, #tpu.memory_space<semaphore_mem>>) src(%dma_wait3A_90 : memref<10000x128xf32, #tpu.memory_space<hbm>>) dst(%arg10 : memref<80x128xf32, #tpu.memory_space<vmem>>)
      %run_scoped3A_91 = arith.constant 1 : i32
      "tpu.region"() ({
        %run_scoped3A_130 = tpu.sem_alloc : memref<!tpu.dma_semaphore, #tpu.memory_space<semaphore_mem>>
        %dma_start3A_131 = arith.constant 0 : i32
        %dma_start3A_132 = tpu.memref_slice %arg8[%run_scoped3A_91, %dma_start3A_131] : memref<5x80xi32, #tpu.memory_space<vmem>> -> memref<1x80xi32, #tpu.memory_space<vmem>>
        %dma_start3A_133 = tpu.memref_squeeze %dma_start3A_132 : memref<1x80xi32, #tpu.memory_space<vmem>> -> memref<80xi32, #tpu.memory_space<vmem>>
        %dma_start3A_134 = arith.constant 0 : i32
        %dma_start3A_135 = arith.constant 0 : i32
        %dma_start3A_136 = tpu.memref_slice %arg11[%dma_start3A_134, %dma_start3A_135] : memref<10240x128xf32, #tpu.memory_space<vmem_shared>> -> memref<10240x128xf32, #tpu.memory_space<vmem_shared>>
        tpu.enqueue_indirect_dma source(%arg10 : memref<80x128xf32, #tpu.memory_space<vmem>>) target(%dma_start3A_136 : memref<10240x128xf32, #tpu.memory_space<vmem_shared>>) offsets(%dma_start3A_133 : memref<80xi32, #tpu.memory_space<vmem>>) semaphore(%run_scoped3A_130 : memref<!tpu.dma_semaphore, #tpu.memory_space<semaphore_mem>>) {add = true}
        %dma_wait3A_137 = arith.constant 0 : i32
        %dma_wait3A_138 = tpu.memref_slice %arg8[%run_scoped3A_91, %dma_wait3A_137] : memref<5x80xi32, #tpu.memory_space<vmem>> -> memref<1x80xi32, #tpu.memory_space<vmem>>
        %dma_wait3A_139 = tpu.memref_squeeze %dma_wait3A_138 : memref<1x80xi32, #tpu.memory_space<vmem>> -> memref<80xi32, #tpu.memory_space<vmem>>
        %dma_wait3A_140 = arith.constant 0 : i32
        %dma_wait3A_141 = arith.constant 0 : i32
        %dma_wait3A_142 = tpu.memref_slice %arg11[%dma_wait3A_140, %dma_wait3A_141] : memref<10240x128xf32, #tpu.memory_space<vmem_shared>> -> memref<10240x128xf32, #tpu.memory_space<vmem_shared>>
        tpu.wait_indirect_dma semaphore(%run_scoped3A_130 : memref<!tpu.dma_semaphore, #tpu.memory_space<semaphore_mem>>) src(%arg10 : memref<80x128xf32, #tpu.memory_space<vmem>>) dst(%dma_wait3A_142 : memref<10240x128xf32, #tpu.memory_space<vmem_shared>>)
        tpu.yield
      }) : () -> ()
      %dma_start3A_92 = arith.constant 3 : i32
      %dma_start3A_93 = arith.constant 0 : i32
      %dma_start3A_94 = tpu.memref_slice %arg7[%dma_start3A_92, %dma_start3A_93] : memref<5x80xi32, #tpu.memory_space<vmem>> -> memref<1x80xi32, #tpu.memory_space<vmem>>
      %dma_start3A_95 = tpu.memref_squeeze %dma_start3A_94 : memref<1x80xi32, #tpu.memory_space<vmem>> -> memref<80xi32, #tpu.memory_space<vmem>>
      %dma_start3A_96 = arith.constant 0 : i32
      %dma_start3A_97 = arith.constant 0 : i32
      %dma_start3A_98 = tpu.memref_slice %arg2[%dma_start3A_96, %dma_start3A_97] : memref<10000x128xf32, #tpu.memory_space<hbm>> -> memref<10000x128xf32, #tpu.memory_space<hbm>>
      tpu.enqueue_indirect_dma source(%dma_start3A_98 : memref<10000x128xf32, #tpu.memory_space<hbm>>) target(%arg10 : memref<80x128xf32, #tpu.memory_space<vmem>>) offsets(%dma_start3A_95 : memref<80xi32, #tpu.memory_space<vmem>>) semaphore(%arg13 : memref<!tpu.dma_semaphore, #tpu.memory_space<semaphore_mem>>)
      %dma_wait3A_99 = arith.constant 2 : i32
      %dma_wait3A_100 = arith.constant 0 : i32
      %dma_wait3A_101 = tpu.memref_slice %arg7[%dma_wait3A_99, %dma_wait3A_100] : memref<5x80xi32, #tpu.memory_space<vmem>> -> memref<1x80xi32, #tpu.memory_space<vmem>>
      %dma_wait3A_102 = tpu.memref_squeeze %dma_wait3A_101 : memref<1x80xi32, #tpu.memory_space<vmem>> -> memref<80xi32, #tpu.memory_space<vmem>>
      %dma_wait3A_103 = arith.constant 0 : i32
      %dma_wait3A_104 = arith.constant 0 : i32
      %dma_wait3A_105 = tpu.memref_slice %arg2[%dma_wait3A_103, %dma_wait3A_104] : memref<10000x128xf32, #tpu.memory_space<hbm>> -> memref<10000x128xf32, #tpu.memory_space<hbm>>
      tpu.wait_indirect_dma semaphore(%arg12 : memref<!tpu.dma_semaphore, #tpu.memory_space<semaphore_mem>>) src(%dma_wait3A_105 : memref<10000x128xf32, #tpu.memory_space<hbm>>) dst(%arg9 : memref<80x128xf32, #tpu.memory_space<vmem>>)
      %run_scoped3A_106 = arith.constant 2 : i32
      "tpu.region"() ({
        %run_scoped3A_130 = tpu.sem_alloc : memref<!tpu.dma_semaphore, #tpu.memory_space<semaphore_mem>>
        %dma_start3A_131 = arith.constant 0 : i32
        %dma_start3A_132 = tpu.memref_slice %arg8[%run_scoped3A_106, %dma_start3A_131] : memref<5x80xi32, #tpu.memory_space<vmem>> -> memref<1x80xi32, #tpu.memory_space<vmem>>
        %dma_start3A_133 = tpu.memref_squeeze %dma_start3A_132 : memref<1x80xi32, #tpu.memory_space<vmem>> -> memref<80xi32, #tpu.memory_space<vmem>>
        %dma_start3A_134 = arith.constant 0 : i32
        %dma_start3A_135 = arith.constant 0 : i32
        %dma_start3A_136 = tpu.memref_slice %arg11[%dma_start3A_134, %dma_start3A_135] : memref<10240x128xf32, #tpu.memory_space<vmem_shared>> -> memref<10240x128xf32, #tpu.memory_space<vmem_shared>>
        tpu.enqueue_indirect_dma source(%arg9 : memref<80x128xf32, #tpu.memory_space<vmem>>) target(%dma_start3A_136 : memref<10240x128xf32, #tpu.memory_space<vmem_shared>>) offsets(%dma_start3A_133 : memref<80xi32, #tpu.memory_space<vmem>>) semaphore(%run_scoped3A_130 : memref<!tpu.dma_semaphore, #tpu.memory_space<semaphore_mem>>) {add = true}
        %dma_wait3A_137 = arith.constant 0 : i32
        %dma_wait3A_138 = tpu.memref_slice %arg8[%run_scoped3A_106, %dma_wait3A_137] : memref<5x80xi32, #tpu.memory_space<vmem>> -> memref<1x80xi32, #tpu.memory_space<vmem>>
        %dma_wait3A_139 = tpu.memref_squeeze %dma_wait3A_138 : memref<1x80xi32, #tpu.memory_space<vmem>> -> memref<80xi32, #tpu.memory_space<vmem>>
        %dma_wait3A_140 = arith.constant 0 : i32
        %dma_wait3A_141 = arith.constant 0 : i32
        %dma_wait3A_142 = tpu.memref_slice %arg11[%dma_wait3A_140, %dma_wait3A_141] : memref<10240x128xf32, #tpu.memory_space<vmem_shared>> -> memref<10240x128xf32, #tpu.memory_space<vmem_shared>>
        tpu.wait_indirect_dma semaphore(%run_scoped3A_130 : memref<!tpu.dma_semaphore, #tpu.memory_space<semaphore_mem>>) src(%arg9 : memref<80x128xf32, #tpu.memory_space<vmem>>) dst(%dma_wait3A_142 : memref<10240x128xf32, #tpu.memory_space<vmem_shared>>)
        tpu.yield
      }) : () -> ()
      %dma_start3A_107 = arith.constant 4 : i32
      %dma_start3A_108 = arith.constant 0 : i32
      %dma_start3A_109 = tpu.memref_slice %arg7[%dma_start3A_107, %dma_start3A_108] : memref<5x80xi32, #tpu.memory_space<vmem>> -> memref<1x80xi32, #tpu.memory_space<vmem>>
      %dma_start3A_110 = tpu.memref_squeeze %dma_start3A_109 : memref<1x80xi32, #tpu.memory_space<vmem>> -> memref<80xi32, #tpu.memory_space<vmem>>
      %dma_start3A_111 = arith.constant 0 : i32
      %dma_start3A_112 = arith.constant 0 : i32
      %dma_start3A_113 = tpu.memref_slice %arg2[%dma_start3A_111, %dma_start3A_112] : memref<10000x128xf32, #tpu.memory_space<hbm>> -> memref<10000x128xf32, #tpu.memory_space<hbm>>
      tpu.enqueue_indirect_dma source(%dma_start3A_113 : memref<10000x128xf32, #tpu.memory_space<hbm>>) target(%arg9 : memref<80x128xf32, #tpu.memory_space<vmem>>) offsets(%dma_start3A_110 : memref<80xi32, #tpu.memory_space<vmem>>) semaphore(%arg12 : memref<!tpu.dma_semaphore, #tpu.memory_space<semaphore_mem>>)
      %dma_wait3A_114 = arith.constant 3 : i32
      %dma_wait3A_115 = arith.constant 0 : i32
      %dma_wait3A_116 = tpu.memref_slice %arg7[%dma_wait3A_114, %dma_wait3A_115] : memref<5x80xi32, #tpu.memory_space<vmem>> -> memref<1x80xi32, #tpu.memory_space<vmem>>
      %dma_wait3A_117 = tpu.memref_squeeze %dma_wait3A_116 : memref<1x80xi32, #tpu.memory_space<vmem>> -> memref<80xi32, #tpu.memory_space<vmem>>
      %dma_wait3A_118 = arith.constant 0 : i32
      %dma_wait3A_119 = arith.constant 0 : i32
      %dma_wait3A_120 = tpu.memref_slice %arg2[%dma_wait3A_118, %dma_wait3A_119] : memref<10000x128xf32, #tpu.memory_space<hbm>> -> memref<10000x128xf32, #tpu.memory_space<hbm>>
      tpu.wait_indirect_dma semaphore(%arg13 : memref<!tpu.dma_semaphore, #tpu.memory_space<semaphore_mem>>) src(%dma_wait3A_120 : memref<10000x128xf32, #tpu.memory_space<hbm>>) dst(%arg10 : memref<80x128xf32, #tpu.memory_space<vmem>>)
      %run_scoped3A_121 = arith.constant 3 : i32
      "tpu.region"() ({
        %run_scoped3A_130 = tpu.sem_alloc : memref<!tpu.dma_semaphore, #tpu.memory_space<semaphore_mem>>
        %dma_start3A_131 = arith.constant 0 : i32
        %dma_start3A_132 = tpu.memref_slice %arg8[%run_scoped3A_121, %dma_start3A_131] : memref<5x80xi32, #tpu.memory_space<vmem>> -> memref<1x80xi32, #tpu.memory_space<vmem>>
        %dma_start3A_133 = tpu.memref_squeeze %dma_start3A_132 : memref<1x80xi32, #tpu.memory_space<vmem>> -> memref<80xi32, #tpu.memory_space<vmem>>
        %dma_start3A_134 = arith.constant 0 : i32
        %dma_start3A_135 = arith.constant 0 : i32
        %dma_start3A_136 = tpu.memref_slice %arg11[%dma_start3A_134, %dma_start3A_135] : memref<10240x128xf32, #tpu.memory_space<vmem_shared>> -> memref<10240x128xf32, #tpu.memory_space<vmem_shared>>
        tpu.enqueue_indirect_dma source(%arg10 : memref<80x128xf32, #tpu.memory_space<vmem>>) target(%dma_start3A_136 : memref<10240x128xf32, #tpu.memory_space<vmem_shared>>) offsets(%dma_start3A_133 : memref<80xi32, #tpu.memory_space<vmem>>) semaphore(%run_scoped3A_130 : memref<!tpu.dma_semaphore, #tpu.memory_space<semaphore_mem>>) {add = true}
        %dma_wait3A_137 = arith.constant 0 : i32
        %dma_wait3A_138 = tpu.memref_slice %arg8[%run_scoped3A_121, %dma_wait3A_137] : memref<5x80xi32, #tpu.memory_space<vmem>> -> memref<1x80xi32, #tpu.memory_space<vmem>>
        %dma_wait3A_139 = tpu.memref_squeeze %dma_wait3A_138 : memref<1x80xi32, #tpu.memory_space<vmem>> -> memref<80xi32, #tpu.memory_space<vmem>>
        %dma_wait3A_140 = arith.constant 0 : i32
        %dma_wait3A_141 = arith.constant 0 : i32
        %dma_wait3A_142 = tpu.memref_slice %arg11[%dma_wait3A_140, %dma_wait3A_141] : memref<10240x128xf32, #tpu.memory_space<vmem_shared>> -> memref<10240x128xf32, #tpu.memory_space<vmem_shared>>
        tpu.wait_indirect_dma semaphore(%run_scoped3A_130 : memref<!tpu.dma_semaphore, #tpu.memory_space<semaphore_mem>>) src(%arg10 : memref<80x128xf32, #tpu.memory_space<vmem>>) dst(%dma_wait3A_142 : memref<10240x128xf32, #tpu.memory_space<vmem_shared>>)
        tpu.yield
      }) : () -> ()
      %dma_wait3A_122 = arith.constant 4 : i32
      %dma_wait3A_123 = arith.constant 0 : i32
      %dma_wait3A_124 = tpu.memref_slice %arg7[%dma_wait3A_122, %dma_wait3A_123] : memref<5x80xi32, #tpu.memory_space<vmem>> -> memref<1x80xi32, #tpu.memory_space<vmem>>
      %dma_wait3A_125 = tpu.memref_squeeze %dma_wait3A_124 : memref<1x80xi32, #tpu.memory_space<vmem>> -> memref<80xi32, #tpu.memory_space<vmem>>
      %dma_wait3A_126 = arith.constant 0 : i32
      %dma_wait3A_127 = arith.constant 0 : i32
      %dma_wait3A_128 = tpu.memref_slice %arg2[%dma_wait3A_126, %dma_wait3A_127] : memref<10000x128xf32, #tpu.memory_space<hbm>> -> memref<10000x128xf32, #tpu.memory_space<hbm>>
      tpu.wait_indirect_dma semaphore(%arg12 : memref<!tpu.dma_semaphore, #tpu.memory_space<semaphore_mem>>) src(%dma_wait3A_128 : memref<10000x128xf32, #tpu.memory_space<hbm>>) dst(%arg9 : memref<80x128xf32, #tpu.memory_space<vmem>>)
      %run_scoped3A_129 = arith.constant 4 : i32
      "tpu.region"() ({
        %run_scoped3A_130 = tpu.sem_alloc : memref<!tpu.dma_semaphore, #tpu.memory_space<semaphore_mem>>
        %dma_start3A_131 = arith.constant 0 : i32
        %dma_start3A_132 = tpu.memref_slice %arg8[%run_scoped3A_129, %dma_start3A_131] : memref<5x80xi32, #tpu.memory_space<vmem>> -> memref<1x80xi32, #tpu.memory_space<vmem>>
        %dma_start3A_133 = tpu.memref_squeeze %dma_start3A_132 : memref<1x80xi32, #tpu.memory_space<vmem>> -> memref<80xi32, #tpu.memory_space<vmem>>
        %dma_start3A_134 = arith.constant 0 : i32
        %dma_start3A_135 = arith.constant 0 : i32
        %dma_start3A_136 = tpu.memref_slice %arg11[%dma_start3A_134, %dma_start3A_135] : memref<10240x128xf32, #tpu.memory_space<vmem_shared>> -> memref<10240x128xf32, #tpu.memory_space<vmem_shared>>
        tpu.enqueue_indirect_dma source(%arg9 : memref<80x128xf32, #tpu.memory_space<vmem>>) target(%dma_start3A_136 : memref<10240x128xf32, #tpu.memory_space<vmem_shared>>) offsets(%dma_start3A_133 : memref<80xi32, #tpu.memory_space<vmem>>) semaphore(%run_scoped3A_130 : memref<!tpu.dma_semaphore, #tpu.memory_space<semaphore_mem>>) {add = true}
        %dma_wait3A_137 = arith.constant 0 : i32
        %dma_wait3A_138 = tpu.memref_slice %arg8[%run_scoped3A_129, %dma_wait3A_137] : memref<5x80xi32, #tpu.memory_space<vmem>> -> memref<1x80xi32, #tpu.memory_space<vmem>>
        %dma_wait3A_139 = tpu.memref_squeeze %dma_wait3A_138 : memref<1x80xi32, #tpu.memory_space<vmem>> -> memref<80xi32, #tpu.memory_space<vmem>>
        %dma_wait3A_140 = arith.constant 0 : i32
        %dma_wait3A_141 = arith.constant 0 : i32
        %dma_wait3A_142 = tpu.memref_slice %arg11[%dma_wait3A_140, %dma_wait3A_141] : memref<10240x128xf32, #tpu.memory_space<vmem_shared>> -> memref<10240x128xf32, #tpu.memory_space<vmem_shared>>
        tpu.wait_indirect_dma semaphore(%run_scoped3A_130 : memref<!tpu.dma_semaphore, #tpu.memory_space<semaphore_mem>>) src(%arg9 : memref<80x128xf32, #tpu.memory_space<vmem>>) dst(%dma_wait3A_142 : memref<10240x128xf32, #tpu.memory_space<vmem_shared>>)
        tpu.yield
      }) : () -> ()
    }
    %scan3A_23 = arith.constant 25 : i32
    %barrier3A_24 = arith.constant 0 : index
    tpu.barrier barrier_id(%barrier3A_24)
    %add3A_25 = arith.constant 0 : i32
    %add3A_26 = arith.addi %mul3A_2, %add3A_25 : i32
    "tpu.region"() ({
      %run_scoped3A = tpu.sem_alloc : memref<!tpu.dma_semaphore, #tpu.memory_space<semaphore_mem>>
      %dma_start3A = arith.constant 0 : i32
      %dma_start3A_57 = tpu.memref_slice %arg11[%add3A_26, %dma_start3A] : memref<10240x128xf32, #tpu.memory_space<vmem_shared>> -> memref<80x128xf32, #tpu.memory_space<vmem_shared>>
      %dma_start3A_58 = arith.constant 0 : i32
      %dma_start3A_59 = tpu.memref_slice %arg11[%add3A_26, %dma_start3A_58] : memref<10240x128xf32, #tpu.memory_space<vmem_shared>> -> memref<80x128xf32, #tpu.memory_space<vmem_shared>>
      tpu.enqueue_dma source(%dma_start3A_59 : memref<80x128xf32, #tpu.memory_space<vmem_shared>>) target(%arg9 : memref<80x128xf32, #tpu.memory_space<vmem>>) target_semaphore(%run_scoped3A : memref<!tpu.dma_semaphore, #tpu.memory_space<semaphore_mem>>)
      %dma_wait3A = arith.constant 0 : i32
      %dma_wait3A_60 = tpu.memref_slice %arg11[%add3A_26, %dma_wait3A] : memref<10240x128xf32, #tpu.memory_space<vmem_shared>> -> memref<80x128xf32, #tpu.memory_space<vmem_shared>>
      %dma_wait3A_61 = arith.constant 0 : i32
      %dma_wait3A_62 = tpu.memref_slice %arg11[%add3A_26, %dma_wait3A_61] : memref<10240x128xf32, #tpu.memory_space<vmem_shared>> -> memref<80x128xf32, #tpu.memory_space<vmem_shared>>
      tpu.wait_dma2 semaphore(%run_scoped3A : memref<!tpu.dma_semaphore, #tpu.memory_space<semaphore_mem>>) src(%dma_wait3A_62 : memref<80x128xf32, #tpu.memory_space<vmem_shared>>) dst(%arg9 : memref<80x128xf32, #tpu.memory_space<vmem>>)
      tpu.yield
    }) : () -> ()
    %add3A_27 = arith.constant 0 : i32
    %add3A_28 = arith.addi %mul3A_2, %add3A_27 : i32
    "tpu.region"() ({
      %run_scoped3A = tpu.sem_alloc : memref<!tpu.dma_semaphore, #tpu.memory_space<semaphore_mem>>
      %dma_start3A = arith.constant 0 : i32
      %dma_start3A_57 = tpu.memref_slice %arg6[%arg0, %add3A_28, %dma_start3A] : memref<2x10240x128xf32, #tpu.memory_space<hbm>> -> memref<1x80x128xf32, #tpu.memory_space<hbm>>
      %dma_start3A_58 = tpu.memref_squeeze %dma_start3A_57 : memref<1x80x128xf32, #tpu.memory_space<hbm>> -> memref<80x128xf32, #tpu.memory_space<hbm>>
      %dma_start3A_59 = arith.constant 0 : i32
      %dma_start3A_60 = tpu.memref_slice %arg6[%arg0, %add3A_28, %dma_start3A_59] : memref<2x10240x128xf32, #tpu.memory_space<hbm>> -> memref<1x80x128xf32, #tpu.memory_space<hbm>>
      %dma_start3A_61 = tpu.memref_squeeze %dma_start3A_60 : memref<1x80x128xf32, #tpu.memory_space<hbm>> -> memref<80x128xf32, #tpu.memory_space<hbm>>
      tpu.enqueue_dma source(%arg9 : memref<80x128xf32, #tpu.memory_space<vmem>>) target(%dma_start3A_61 : memref<80x128xf32, #tpu.memory_space<hbm>>) target_semaphore(%run_scoped3A : memref<!tpu.dma_semaphore, #tpu.memory_space<semaphore_mem>>)
      %dma_wait3A = arith.constant 0 : i32
      %dma_wait3A_62 = tpu.memref_slice %arg6[%arg0, %add3A_28, %dma_wait3A] : memref<2x10240x128xf32, #tpu.memory_space<hbm>> -> memref<1x80x128xf32, #tpu.memory_space<hbm>>
      %dma_wait3A_63 = tpu.memref_squeeze %dma_wait3A_62 : memref<1x80x128xf32, #tpu.memory_space<hbm>> -> memref<80x128xf32, #tpu.memory_space<hbm>>
      %dma_wait3A_64 = arith.constant 0 : i32
      %dma_wait3A_65 = tpu.memref_slice %arg6[%arg0, %add3A_28, %dma_wait3A_64] : memref<2x10240x128xf32, #tpu.memory_space<hbm>> -> memref<1x80x128xf32, #tpu.memory_space<hbm>>
      %dma_wait3A_66 = tpu.memref_squeeze %dma_wait3A_65 : memref<1x80x128xf32, #tpu.memory_space<hbm>> -> memref<80x128xf32, #tpu.memory_space<hbm>>
      tpu.wait_dma2 semaphore(%run_scoped3A : memref<!tpu.dma_semaphore, #tpu.memory_space<semaphore_mem>>) src(%arg9 : memref<80x128xf32, #tpu.memory_space<vmem>>) dst(%dma_wait3A_66 : memref<80x128xf32, #tpu.memory_space<hbm>>)
      tpu.yield
    }) : () -> ()
    %add3A_29 = arith.constant 80 : i32
    %add3A_30 = arith.addi %mul3A_2, %add3A_29 : i32
    "tpu.region"() ({
      %run_scoped3A = tpu.sem_alloc : memref<!tpu.dma_semaphore, #tpu.memory_space<semaphore_mem>>
      %dma_start3A = arith.constant 0 : i32
      %dma_start3A_57 = tpu.memref_slice %arg11[%add3A_30, %dma_start3A] : memref<10240x128xf32, #tpu.memory_space<vmem_shared>> -> memref<80x128xf32, #tpu.memory_space<vmem_shared>>
      %dma_start3A_58 = arith.constant 0 : i32
      %dma_start3A_59 = tpu.memref_slice %arg11[%add3A_30, %dma_start3A_58] : memref<10240x128xf32, #tpu.memory_space<vmem_shared>> -> memref<80x128xf32, #tpu.memory_space<vmem_shared>>
      tpu.enqueue_dma source(%dma_start3A_59 : memref<80x128xf32, #tpu.memory_space<vmem_shared>>) target(%arg9 : memref<80x128xf32, #tpu.memory_space<vmem>>) target_semaphore(%run_scoped3A : memref<!tpu.dma_semaphore, #tpu.memory_space<semaphore_mem>>)
      %dma_wait3A = arith.constant 0 : i32
      %dma_wait3A_60 = tpu.memref_slice %arg11[%add3A_30, %dma_wait3A] : memref<10240x128xf32, #tpu.memory_space<vmem_shared>> -> memref<80x128xf32, #tpu.memory_space<vmem_shared>>
      %dma_wait3A_61 = arith.constant 0 : i32
      %dma_wait3A_62 = tpu.memref_slice %arg11[%add3A_30, %dma_wait3A_61] : memref<10240x128xf32, #tpu.memory_space<vmem_shared>> -> memref<80x128xf32, #tpu.memory_space<vmem_shared>>
      tpu.wait_dma2 semaphore(%run_scoped3A : memref<!tpu.dma_semaphore, #tpu.memory_space<semaphore_mem>>) src(%dma_wait3A_62 : memref<80x128xf32, #tpu.memory_space<vmem_shared>>) dst(%arg9 : memref<80x128xf32, #tpu.memory_space<vmem>>)
      tpu.yield
    }) : () -> ()
    %add3A_31 = arith.constant 80 : i32
    %add3A_32 = arith.addi %mul3A_2, %add3A_31 : i32
    "tpu.region"() ({
      %run_scoped3A = tpu.sem_alloc : memref<!tpu.dma_semaphore, #tpu.memory_space<semaphore_mem>>
      %dma_start3A = arith.constant 0 : i32
      %dma_start3A_57 = tpu.memref_slice %arg6[%arg0, %add3A_32, %dma_start3A] : memref<2x10240x128xf32, #tpu.memory_space<hbm>> -> memref<1x80x128xf32, #tpu.memory_space<hbm>>
      %dma_start3A_58 = tpu.memref_squeeze %dma_start3A_57 : memref<1x80x128xf32, #tpu.memory_space<hbm>> -> memref<80x128xf32, #tpu.memory_space<hbm>>
      %dma_start3A_59 = arith.constant 0 : i32
      %dma_start3A_60 = tpu.memref_slice %arg6[%arg0, %add3A_32, %dma_start3A_59] : memref<2x10240x128xf32, #tpu.memory_space<hbm>> -> memref<1x80x128xf32, #tpu.memory_space<hbm>>
      %dma_start3A_61 = tpu.memref_squeeze %dma_start3A_60 : memref<1x80x128xf32, #tpu.memory_space<hbm>> -> memref<80x128xf32, #tpu.memory_space<hbm>>
      tpu.enqueue_dma source(%arg9 : memref<80x128xf32, #tpu.memory_space<vmem>>) target(%dma_start3A_61 : memref<80x128xf32, #tpu.memory_space<hbm>>) target_semaphore(%run_scoped3A : memref<!tpu.dma_semaphore, #tpu.memory_space<semaphore_mem>>)
      %dma_wait3A = arith.constant 0 : i32
      %dma_wait3A_62 = tpu.memref_slice %arg6[%arg0, %add3A_32, %dma_wait3A] : memref<2x10240x128xf32, #tpu.memory_space<hbm>> -> memref<1x80x128xf32, #tpu.memory_space<hbm>>
      %dma_wait3A_63 = tpu.memref_squeeze %dma_wait3A_62 : memref<1x80x128xf32, #tpu.memory_space<hbm>> -> memref<80x128xf32, #tpu.memory_space<hbm>>
      %dma_wait3A_64 = arith.constant 0 : i32
      %dma_wait3A_65 = tpu.memref_slice %arg6[%arg0, %add3A_32, %dma_wait3A_64] : memref<2x10240x128xf32, #tpu.memory_space<hbm>> -> memref<1x80x128xf32, #tpu.memory_space<hbm>>
      %dma_wait3A_66 = tpu.memref_squeeze %dma_wait3A_65 : memref<1x80x128xf32, #tpu.memory_space<hbm>> -> memref<80x128xf32, #tpu.memory_space<hbm>>
      tpu.wait_dma2 semaphore(%run_scoped3A : memref<!tpu.dma_semaphore, #tpu.memory_space<semaphore_mem>>) src(%arg9 : memref<80x128xf32, #tpu.memory_space<vmem>>) dst(%dma_wait3A_66 : memref<80x128xf32, #tpu.memory_space<hbm>>)
      tpu.yield
    }) : () -> ()
    %add3A_33 = arith.constant 160 : i32
    %add3A_34 = arith.addi %mul3A_2, %add3A_33 : i32
    "tpu.region"() ({
      %run_scoped3A = tpu.sem_alloc : memref<!tpu.dma_semaphore, #tpu.memory_space<semaphore_mem>>
      %dma_start3A = arith.constant 0 : i32
      %dma_start3A_57 = tpu.memref_slice %arg11[%add3A_34, %dma_start3A] : memref<10240x128xf32, #tpu.memory_space<vmem_shared>> -> memref<80x128xf32, #tpu.memory_space<vmem_shared>>
      %dma_start3A_58 = arith.constant 0 : i32
      %dma_start3A_59 = tpu.memref_slice %arg11[%add3A_34, %dma_start3A_58] : memref<10240x128xf32, #tpu.memory_space<vmem_shared>> -> memref<80x128xf32, #tpu.memory_space<vmem_shared>>
      tpu.enqueue_dma source(%dma_start3A_59 : memref<80x128xf32, #tpu.memory_space<vmem_shared>>) target(%arg9 : memref<80x128xf32, #tpu.memory_space<vmem>>) target_semaphore(%run_scoped3A : memref<!tpu.dma_semaphore, #tpu.memory_space<semaphore_mem>>)
      %dma_wait3A = arith.constant 0 : i32
      %dma_wait3A_60 = tpu.memref_slice %arg11[%add3A_34, %dma_wait3A] : memref<10240x128xf32, #tpu.memory_space<vmem_shared>> -> memref<80x128xf32, #tpu.memory_space<vmem_shared>>
      %dma_wait3A_61 = arith.constant 0 : i32
      %dma_wait3A_62 = tpu.memref_slice %arg11[%add3A_34, %dma_wait3A_61] : memref<10240x128xf32, #tpu.memory_space<vmem_shared>> -> memref<80x128xf32, #tpu.memory_space<vmem_shared>>
      tpu.wait_dma2 semaphore(%run_scoped3A : memref<!tpu.dma_semaphore, #tpu.memory_space<semaphore_mem>>) src(%dma_wait3A_62 : memref<80x128xf32, #tpu.memory_space<vmem_shared>>) dst(%arg9 : memref<80x128xf32, #tpu.memory_space<vmem>>)
      tpu.yield
    }) : () -> ()
    %add3A_35 = arith.constant 160 : i32
    %add3A_36 = arith.addi %mul3A_2, %add3A_35 : i32
    "tpu.region"() ({
      %run_scoped3A = tpu.sem_alloc : memref<!tpu.dma_semaphore, #tpu.memory_space<semaphore_mem>>
      %dma_start3A = arith.constant 0 : i32
      %dma_start3A_57 = tpu.memref_slice %arg6[%arg0, %add3A_36, %dma_start3A] : memref<2x10240x128xf32, #tpu.memory_space<hbm>> -> memref<1x80x128xf32, #tpu.memory_space<hbm>>
      %dma_start3A_58 = tpu.memref_squeeze %dma_start3A_57 : memref<1x80x128xf32, #tpu.memory_space<hbm>> -> memref<80x128xf32, #tpu.memory_space<hbm>>
      %dma_start3A_59 = arith.constant 0 : i32
      %dma_start3A_60 = tpu.memref_slice %arg6[%arg0, %add3A_36, %dma_start3A_59] : memref<2x10240x128xf32, #tpu.memory_space<hbm>> -> memref<1x80x128xf32, #tpu.memory_space<hbm>>
      %dma_start3A_61 = tpu.memref_squeeze %dma_start3A_60 : memref<1x80x128xf32, #tpu.memory_space<hbm>> -> memref<80x128xf32, #tpu.memory_space<hbm>>
      tpu.enqueue_dma source(%arg9 : memref<80x128xf32, #tpu.memory_space<vmem>>) target(%dma_start3A_61 : memref<80x128xf32, #tpu.memory_space<hbm>>) target_semaphore(%run_scoped3A : memref<!tpu.dma_semaphore, #tpu.memory_space<semaphore_mem>>)
      %dma_wait3A = arith.constant 0 : i32
      %dma_wait3A_62 = tpu.memref_slice %arg6[%arg0, %add3A_36, %dma_wait3A] : memref<2x10240x128xf32, #tpu.memory_space<hbm>> -> memref<1x80x128xf32, #tpu.memory_space<hbm>>
      %dma_wait3A_63 = tpu.memref_squeeze %dma_wait3A_62 : memref<1x80x128xf32, #tpu.memory_space<hbm>> -> memref<80x128xf32, #tpu.memory_space<hbm>>
      %dma_wait3A_64 = arith.constant 0 : i32
      %dma_wait3A_65 = tpu.memref_slice %arg6[%arg0, %add3A_36, %dma_wait3A_64] : memref<2x10240x128xf32, #tpu.memory_space<hbm>> -> memref<1x80x128xf32, #tpu.memory_space<hbm>>
      %dma_wait3A_66 = tpu.memref_squeeze %dma_wait3A_65 : memref<1x80x128xf32, #tpu.memory_space<hbm>> -> memref<80x128xf32, #tpu.memory_space<hbm>>
      tpu.wait_dma2 semaphore(%run_scoped3A : memref<!tpu.dma_semaphore, #tpu.memory_space<semaphore_mem>>) src(%arg9 : memref<80x128xf32, #tpu.memory_space<vmem>>) dst(%dma_wait3A_66 : memref<80x128xf32, #tpu.memory_space<hbm>>)
      tpu.yield
    }) : () -> ()
    %add3A_37 = arith.constant 240 : i32
    %add3A_38 = arith.addi %mul3A_2, %add3A_37 : i32
    "tpu.region"() ({
      %run_scoped3A = tpu.sem_alloc : memref<!tpu.dma_semaphore, #tpu.memory_space<semaphore_mem>>
      %dma_start3A = arith.constant 0 : i32
      %dma_start3A_57 = tpu.memref_slice %arg11[%add3A_38, %dma_start3A] : memref<10240x128xf32, #tpu.memory_space<vmem_shared>> -> memref<80x128xf32, #tpu.memory_space<vmem_shared>>
      %dma_start3A_58 = arith.constant 0 : i32
      %dma_start3A_59 = tpu.memref_slice %arg11[%add3A_38, %dma_start3A_58] : memref<10240x128xf32, #tpu.memory_space<vmem_shared>> -> memref<80x128xf32, #tpu.memory_space<vmem_shared>>
      tpu.enqueue_dma source(%dma_start3A_59 : memref<80x128xf32, #tpu.memory_space<vmem_shared>>) target(%arg9 : memref<80x128xf32, #tpu.memory_space<vmem>>) target_semaphore(%run_scoped3A : memref<!tpu.dma_semaphore, #tpu.memory_space<semaphore_mem>>)
      %dma_wait3A = arith.constant 0 : i32
      %dma_wait3A_60 = tpu.memref_slice %arg11[%add3A_38, %dma_wait3A] : memref<10240x128xf32, #tpu.memory_space<vmem_shared>> -> memref<80x128xf32, #tpu.memory_space<vmem_shared>>
      %dma_wait3A_61 = arith.constant 0 : i32
      %dma_wait3A_62 = tpu.memref_slice %arg11[%add3A_38, %dma_wait3A_61] : memref<10240x128xf32, #tpu.memory_space<vmem_shared>> -> memref<80x128xf32, #tpu.memory_space<vmem_shared>>
      tpu.wait_dma2 semaphore(%run_scoped3A : memref<!tpu.dma_semaphore, #tpu.memory_space<semaphore_mem>>) src(%dma_wait3A_62 : memref<80x128xf32, #tpu.memory_space<vmem_shared>>) dst(%arg9 : memref<80x128xf32, #tpu.memory_space<vmem>>)
      tpu.yield
    }) : () -> ()
    %add3A_39 = arith.constant 240 : i32
    %add3A_40 = arith.addi %mul3A_2, %add3A_39 : i32
    "tpu.region"() ({
      %run_scoped3A = tpu.sem_alloc : memref<!tpu.dma_semaphore, #tpu.memory_space<semaphore_mem>>
      %dma_start3A = arith.constant 0 : i32
      %dma_start3A_57 = tpu.memref_slice %arg6[%arg0, %add3A_40, %dma_start3A] : memref<2x10240x128xf32, #tpu.memory_space<hbm>> -> memref<1x80x128xf32, #tpu.memory_space<hbm>>
      %dma_start3A_58 = tpu.memref_squeeze %dma_start3A_57 : memref<1x80x128xf32, #tpu.memory_space<hbm>> -> memref<80x128xf32, #tpu.memory_space<hbm>>
      %dma_start3A_59 = arith.constant 0 : i32
      %dma_start3A_60 = tpu.memref_slice %arg6[%arg0, %add3A_40, %dma_start3A_59] : memref<2x10240x128xf32, #tpu.memory_space<hbm>> -> memref<1x80x128xf32, #tpu.memory_space<hbm>>
      %dma_start3A_61 = tpu.memref_squeeze %dma_start3A_60 : memref<1x80x128xf32, #tpu.memory_space<hbm>> -> memref<80x128xf32, #tpu.memory_space<hbm>>
      tpu.enqueue_dma source(%arg9 : memref<80x128xf32, #tpu.memory_space<vmem>>) target(%dma_start3A_61 : memref<80x128xf32, #tpu.memory_space<hbm>>) target_semaphore(%run_scoped3A : memref<!tpu.dma_semaphore, #tpu.memory_space<semaphore_mem>>)
      %dma_wait3A = arith.constant 0 : i32
      %dma_wait3A_62 = tpu.memref_slice %arg6[%arg0, %add3A_40, %dma_wait3A] : memref<2x10240x128xf32, #tpu.memory_space<hbm>> -> memref<1x80x128xf32, #tpu.memory_space<hbm>>
      %dma_wait3A_63 = tpu.memref_squeeze %dma_wait3A_62 : memref<1x80x128xf32, #tpu.memory_space<hbm>> -> memref<80x128xf32, #tpu.memory_space<hbm>>
      %dma_wait3A_64 = arith.constant 0 : i32
      %dma_wait3A_65 = tpu.memref_slice %arg6[%arg0, %add3A_40, %dma_wait3A_64] : memref<2x10240x128xf32, #tpu.memory_space<hbm>> -> memref<1x80x128xf32, #tpu.memory_space<hbm>>
      %dma_wait3A_66 = tpu.memref_squeeze %dma_wait3A_65 : memref<1x80x128xf32, #tpu.memory_space<hbm>> -> memref<80x128xf32, #tpu.memory_space<hbm>>
      tpu.wait_dma2 semaphore(%run_scoped3A : memref<!tpu.dma_semaphore, #tpu.memory_space<semaphore_mem>>) src(%arg9 : memref<80x128xf32, #tpu.memory_space<vmem>>) dst(%dma_wait3A_66 : memref<80x128xf32, #tpu.memory_space<hbm>>)
      tpu.yield
    }) : () -> ()
    %add3A_41 = arith.constant 320 : i32
    %add3A_42 = arith.addi %mul3A_2, %add3A_41 : i32
    "tpu.region"() ({
      %run_scoped3A = tpu.sem_alloc : memref<!tpu.dma_semaphore, #tpu.memory_space<semaphore_mem>>
      %dma_start3A = arith.constant 0 : i32
      %dma_start3A_57 = tpu.memref_slice %arg11[%add3A_42, %dma_start3A] : memref<10240x128xf32, #tpu.memory_space<vmem_shared>> -> memref<80x128xf32, #tpu.memory_space<vmem_shared>>
      %dma_start3A_58 = arith.constant 0 : i32
      %dma_start3A_59 = tpu.memref_slice %arg11[%add3A_42, %dma_start3A_58] : memref<10240x128xf32, #tpu.memory_space<vmem_shared>> -> memref<80x128xf32, #tpu.memory_space<vmem_shared>>
      tpu.enqueue_dma source(%dma_start3A_59 : memref<80x128xf32, #tpu.memory_space<vmem_shared>>) target(%arg9 : memref<80x128xf32, #tpu.memory_space<vmem>>) target_semaphore(%run_scoped3A : memref<!tpu.dma_semaphore, #tpu.memory_space<semaphore_mem>>)
      %dma_wait3A = arith.constant 0 : i32
      %dma_wait3A_60 = tpu.memref_slice %arg11[%add3A_42, %dma_wait3A] : memref<10240x128xf32, #tpu.memory_space<vmem_shared>> -> memref<80x128xf32, #tpu.memory_space<vmem_shared>>
      %dma_wait3A_61 = arith.constant 0 : i32
      %dma_wait3A_62 = tpu.memref_slice %arg11[%add3A_42, %dma_wait3A_61] : memref<10240x128xf32, #tpu.memory_space<vmem_shared>> -> memref<80x128xf32, #tpu.memory_space<vmem_shared>>
      tpu.wait_dma2 semaphore(%run_scoped3A : memref<!tpu.dma_semaphore, #tpu.memory_space<semaphore_mem>>) src(%dma_wait3A_62 : memref<80x128xf32, #tpu.memory_space<vmem_shared>>) dst(%arg9 : memref<80x128xf32, #tpu.memory_space<vmem>>)
      tpu.yield
    }) : () -> ()
    %add3A_43 = arith.constant 320 : i32
    %add3A_44 = arith.addi %mul3A_2, %add3A_43 : i32
    "tpu.region"() ({
      %run_scoped3A = tpu.sem_alloc : memref<!tpu.dma_semaphore, #tpu.memory_space<semaphore_mem>>
      %dma_start3A = arith.constant 0 : i32
      %dma_start3A_57 = tpu.memref_slice %arg6[%arg0, %add3A_44, %dma_start3A] : memref<2x10240x128xf32, #tpu.memory_space<hbm>> -> memref<1x80x128xf32, #tpu.memory_space<hbm>>
      %dma_start3A_58 = tpu.memref_squeeze %dma_start3A_57 : memref<1x80x128xf32, #tpu.memory_space<hbm>> -> memref<80x128xf32, #tpu.memory_space<hbm>>
      %dma_start3A_59 = arith.constant 0 : i32
      %dma_start3A_60 = tpu.memref_slice %arg6[%arg0, %add3A_44, %dma_start3A_59] : memref<2x10240x128xf32, #tpu.memory_space<hbm>> -> memref<1x80x128xf32, #tpu.memory_space<hbm>>
      %dma_start3A_61 = tpu.memref_squeeze %dma_start3A_60 : memref<1x80x128xf32, #tpu.memory_space<hbm>> -> memref<80x128xf32, #tpu.memory_space<hbm>>
      tpu.enqueue_dma source(%arg9 : memref<80x128xf32, #tpu.memory_space<vmem>>) target(%dma_start3A_61 : memref<80x128xf32, #tpu.memory_space<hbm>>) target_semaphore(%run_scoped3A : memref<!tpu.dma_semaphore, #tpu.memory_space<semaphore_mem>>)
      %dma_wait3A = arith.constant 0 : i32
      %dma_wait3A_62 = tpu.memref_slice %arg6[%arg0, %add3A_44, %dma_wait3A] : memref<2x10240x128xf32, #tpu.memory_space<hbm>> -> memref<1x80x128xf32, #tpu.memory_space<hbm>>
      %dma_wait3A_63 = tpu.memref_squeeze %dma_wait3A_62 : memref<1x80x128xf32, #tpu.memory_space<hbm>> -> memref<80x128xf32, #tpu.memory_space<hbm>>
      %dma_wait3A_64 = arith.constant 0 : i32
      %dma_wait3A_65 = tpu.memref_slice %arg6[%arg0, %add3A_44, %dma_wait3A_64] : memref<2x10240x128xf32, #tpu.memory_space<hbm>> -> memref<1x80x128xf32, #tpu.memory_space<hbm>>
      %dma_wait3A_66 = tpu.memref_squeeze %dma_wait3A_65 : memref<1x80x128xf32, #tpu.memory_space<hbm>> -> memref<80x128xf32, #tpu.memory_space<hbm>>
      tpu.wait_dma2 semaphore(%run_scoped3A : memref<!tpu.dma_semaphore, #tpu.memory_space<semaphore_mem>>) src(%arg9 : memref<80x128xf32, #tpu.memory_space<vmem>>) dst(%dma_wait3A_66 : memref<80x128xf32, #tpu.memory_space<hbm>>)
      tpu.yield
    }) : () -> ()
    %add3A_45 = arith.constant 400 : i32
    %add3A_46 = arith.addi %mul3A_2, %add3A_45 : i32
    "tpu.region"() ({
      %run_scoped3A = tpu.sem_alloc : memref<!tpu.dma_semaphore, #tpu.memory_space<semaphore_mem>>
      %dma_start3A = arith.constant 0 : i32
      %dma_start3A_57 = tpu.memref_slice %arg11[%add3A_46, %dma_start3A] : memref<10240x128xf32, #tpu.memory_space<vmem_shared>> -> memref<80x128xf32, #tpu.memory_space<vmem_shared>>
      %dma_start3A_58 = arith.constant 0 : i32
      %dma_start3A_59 = tpu.memref_slice %arg11[%add3A_46, %dma_start3A_58] : memref<10240x128xf32, #tpu.memory_space<vmem_shared>> -> memref<80x128xf32, #tpu.memory_space<vmem_shared>>
      tpu.enqueue_dma source(%dma_start3A_59 : memref<80x128xf32, #tpu.memory_space<vmem_shared>>) target(%arg9 : memref<80x128xf32, #tpu.memory_space<vmem>>) target_semaphore(%run_scoped3A : memref<!tpu.dma_semaphore, #tpu.memory_space<semaphore_mem>>)
      %dma_wait3A = arith.constant 0 : i32
      %dma_wait3A_60 = tpu.memref_slice %arg11[%add3A_46, %dma_wait3A] : memref<10240x128xf32, #tpu.memory_space<vmem_shared>> -> memref<80x128xf32, #tpu.memory_space<vmem_shared>>
      %dma_wait3A_61 = arith.constant 0 : i32
      %dma_wait3A_62 = tpu.memref_slice %arg11[%add3A_46, %dma_wait3A_61] : memref<10240x128xf32, #tpu.memory_space<vmem_shared>> -> memref<80x128xf32, #tpu.memory_space<vmem_shared>>
      tpu.wait_dma2 semaphore(%run_scoped3A : memref<!tpu.dma_semaphore, #tpu.memory_space<semaphore_mem>>) src(%dma_wait3A_62 : memref<80x128xf32, #tpu.memory_space<vmem_shared>>) dst(%arg9 : memref<80x128xf32, #tpu.memory_space<vmem>>)
      tpu.yield
    }) : () -> ()
    %add3A_47 = arith.constant 400 : i32
    %add3A_48 = arith.addi %mul3A_2, %add3A_47 : i32
    "tpu.region"() ({
      %run_scoped3A = tpu.sem_alloc : memref<!tpu.dma_semaphore, #tpu.memory_space<semaphore_mem>>
      %dma_start3A = arith.constant 0 : i32
      %dma_start3A_57 = tpu.memref_slice %arg6[%arg0, %add3A_48, %dma_start3A] : memref<2x10240x128xf32, #tpu.memory_space<hbm>> -> memref<1x80x128xf32, #tpu.memory_space<hbm>>
      %dma_start3A_58 = tpu.memref_squeeze %dma_start3A_57 : memref<1x80x128xf32, #tpu.memory_space<hbm>> -> memref<80x128xf32, #tpu.memory_space<hbm>>
      %dma_start3A_59 = arith.constant 0 : i32
      %dma_start3A_60 = tpu.memref_slice %arg6[%arg0, %add3A_48, %dma_start3A_59] : memref<2x10240x128xf32, #tpu.memory_space<hbm>> -> memref<1x80x128xf32, #tpu.memory_space<hbm>>
      %dma_start3A_61 = tpu.memref_squeeze %dma_start3A_60 : memref<1x80x128xf32, #tpu.memory_space<hbm>> -> memref<80x128xf32, #tpu.memory_space<hbm>>
      tpu.enqueue_dma source(%arg9 : memref<80x128xf32, #tpu.memory_space<vmem>>) target(%dma_start3A_61 : memref<80x128xf32, #tpu.memory_space<hbm>>) target_semaphore(%run_scoped3A : memref<!tpu.dma_semaphore, #tpu.memory_space<semaphore_mem>>)
      %dma_wait3A = arith.constant 0 : i32
      %dma_wait3A_62 = tpu.memref_slice %arg6[%arg0, %add3A_48, %dma_wait3A] : memref<2x10240x128xf32, #tpu.memory_space<hbm>> -> memref<1x80x128xf32, #tpu.memory_space<hbm>>
      %dma_wait3A_63 = tpu.memref_squeeze %dma_wait3A_62 : memref<1x80x128xf32, #tpu.memory_space<hbm>> -> memref<80x128xf32, #tpu.memory_space<hbm>>
      %dma_wait3A_64 = arith.constant 0 : i32
      %dma_wait3A_65 = tpu.memref_slice %arg6[%arg0, %add3A_48, %dma_wait3A_64] : memref<2x10240x128xf32, #tpu.memory_space<hbm>> -> memref<1x80x128xf32, #tpu.memory_space<hbm>>
      %dma_wait3A_66 = tpu.memref_squeeze %dma_wait3A_65 : memref<1x80x128xf32, #tpu.memory_space<hbm>> -> memref<80x128xf32, #tpu.memory_space<hbm>>
      tpu.wait_dma2 semaphore(%run_scoped3A : memref<!tpu.dma_semaphore, #tpu.memory_space<semaphore_mem>>) src(%arg9 : memref<80x128xf32, #tpu.memory_space<vmem>>) dst(%dma_wait3A_66 : memref<80x128xf32, #tpu.memory_space<hbm>>)
      tpu.yield
    }) : () -> ()
    %add3A_49 = arith.constant 480 : i32
    %add3A_50 = arith.addi %mul3A_2, %add3A_49 : i32
    "tpu.region"() ({
      %run_scoped3A = tpu.sem_alloc : memref<!tpu.dma_semaphore, #tpu.memory_space<semaphore_mem>>
      %dma_start3A = arith.constant 0 : i32
      %dma_start3A_57 = tpu.memref_slice %arg11[%add3A_50, %dma_start3A] : memref<10240x128xf32, #tpu.memory_space<vmem_shared>> -> memref<80x128xf32, #tpu.memory_space<vmem_shared>>
      %dma_start3A_58 = arith.constant 0 : i32
      %dma_start3A_59 = tpu.memref_slice %arg11[%add3A_50, %dma_start3A_58] : memref<10240x128xf32, #tpu.memory_space<vmem_shared>> -> memref<80x128xf32, #tpu.memory_space<vmem_shared>>
      tpu.enqueue_dma source(%dma_start3A_59 : memref<80x128xf32, #tpu.memory_space<vmem_shared>>) target(%arg9 : memref<80x128xf32, #tpu.memory_space<vmem>>) target_semaphore(%run_scoped3A : memref<!tpu.dma_semaphore, #tpu.memory_space<semaphore_mem>>)
      %dma_wait3A = arith.constant 0 : i32
      %dma_wait3A_60 = tpu.memref_slice %arg11[%add3A_50, %dma_wait3A] : memref<10240x128xf32, #tpu.memory_space<vmem_shared>> -> memref<80x128xf32, #tpu.memory_space<vmem_shared>>
      %dma_wait3A_61 = arith.constant 0 : i32
      %dma_wait3A_62 = tpu.memref_slice %arg11[%add3A_50, %dma_wait3A_61] : memref<10240x128xf32, #tpu.memory_space<vmem_shared>> -> memref<80x128xf32, #tpu.memory_space<vmem_shared>>
      tpu.wait_dma2 semaphore(%run_scoped3A : memref<!tpu.dma_semaphore, #tpu.memory_space<semaphore_mem>>) src(%dma_wait3A_62 : memref<80x128xf32, #tpu.memory_space<vmem_shared>>) dst(%arg9 : memref<80x128xf32, #tpu.memory_space<vmem>>)
      tpu.yield
    }) : () -> ()
    %add3A_51 = arith.constant 480 : i32
    %add3A_52 = arith.addi %mul3A_2, %add3A_51 : i32
    "tpu.region"() ({
      %run_scoped3A = tpu.sem_alloc : memref<!tpu.dma_semaphore, #tpu.memory_space<semaphore_mem>>
      %dma_start3A = arith.constant 0 : i32
      %dma_start3A_57 = tpu.memref_slice %arg6[%arg0, %add3A_52, %dma_start3A] : memref<2x10240x128xf32, #tpu.memory_space<hbm>> -> memref<1x80x128xf32, #tpu.memory_space<hbm>>
      %dma_start3A_58 = tpu.memref_squeeze %dma_start3A_57 : memref<1x80x128xf32, #tpu.memory_space<hbm>> -> memref<80x128xf32, #tpu.memory_space<hbm>>
      %dma_start3A_59 = arith.constant 0 : i32
      %dma_start3A_60 = tpu.memref_slice %arg6[%arg0, %add3A_52, %dma_start3A_59] : memref<2x10240x128xf32, #tpu.memory_space<hbm>> -> memref<1x80x128xf32, #tpu.memory_space<hbm>>
      %dma_start3A_61 = tpu.memref_squeeze %dma_start3A_60 : memref<1x80x128xf32, #tpu.memory_space<hbm>> -> memref<80x128xf32, #tpu.memory_space<hbm>>
      tpu.enqueue_dma source(%arg9 : memref<80x128xf32, #tpu.memory_space<vmem>>) target(%dma_start3A_61 : memref<80x128xf32, #tpu.memory_space<hbm>>) target_semaphore(%run_scoped3A : memref<!tpu.dma_semaphore, #tpu.memory_space<semaphore_mem>>)
      %dma_wait3A = arith.constant 0 : i32
      %dma_wait3A_62 = tpu.memref_slice %arg6[%arg0, %add3A_52, %dma_wait3A] : memref<2x10240x128xf32, #tpu.memory_space<hbm>> -> memref<1x80x128xf32, #tpu.memory_space<hbm>>
      %dma_wait3A_63 = tpu.memref_squeeze %dma_wait3A_62 : memref<1x80x128xf32, #tpu.memory_space<hbm>> -> memref<80x128xf32, #tpu.memory_space<hbm>>
      %dma_wait3A_64 = arith.constant 0 : i32
      %dma_wait3A_65 = tpu.memref_slice %arg6[%arg0, %add3A_52, %dma_wait3A_64] : memref<2x10240x128xf32, #tpu.memory_space<hbm>> -> memref<1x80x128xf32, #tpu.memory_space<hbm>>
      %dma_wait3A_66 = tpu.memref_squeeze %dma_wait3A_65 : memref<1x80x128xf32, #tpu.memory_space<hbm>> -> memref<80x128xf32, #tpu.memory_space<hbm>>
      tpu.wait_dma2 semaphore(%run_scoped3A : memref<!tpu.dma_semaphore, #tpu.memory_space<semaphore_mem>>) src(%arg9 : memref<80x128xf32, #tpu.memory_space<vmem>>) dst(%dma_wait3A_66 : memref<80x128xf32, #tpu.memory_space<hbm>>)
      tpu.yield
    }) : () -> ()
    %add3A_53 = arith.constant 560 : i32
    %add3A_54 = arith.addi %mul3A_2, %add3A_53 : i32
    "tpu.region"() ({
      %run_scoped3A = tpu.sem_alloc : memref<!tpu.dma_semaphore, #tpu.memory_space<semaphore_mem>>
      %dma_start3A = arith.constant 0 : i32
      %dma_start3A_57 = tpu.memref_slice %arg11[%add3A_54, %dma_start3A] : memref<10240x128xf32, #tpu.memory_space<vmem_shared>> -> memref<80x128xf32, #tpu.memory_space<vmem_shared>>
      %dma_start3A_58 = arith.constant 0 : i32
      %dma_start3A_59 = tpu.memref_slice %arg11[%add3A_54, %dma_start3A_58] : memref<10240x128xf32, #tpu.memory_space<vmem_shared>> -> memref<80x128xf32, #tpu.memory_space<vmem_shared>>
      tpu.enqueue_dma source(%dma_start3A_59 : memref<80x128xf32, #tpu.memory_space<vmem_shared>>) target(%arg9 : memref<80x128xf32, #tpu.memory_space<vmem>>) target_semaphore(%run_scoped3A : memref<!tpu.dma_semaphore, #tpu.memory_space<semaphore_mem>>)
      %dma_wait3A = arith.constant 0 : i32
      %dma_wait3A_60 = tpu.memref_slice %arg11[%add3A_54, %dma_wait3A] : memref<10240x128xf32, #tpu.memory_space<vmem_shared>> -> memref<80x128xf32, #tpu.memory_space<vmem_shared>>
      %dma_wait3A_61 = arith.constant 0 : i32
      %dma_wait3A_62 = tpu.memref_slice %arg11[%add3A_54, %dma_wait3A_61] : memref<10240x128xf32, #tpu.memory_space<vmem_shared>> -> memref<80x128xf32, #tpu.memory_space<vmem_shared>>
      tpu.wait_dma2 semaphore(%run_scoped3A : memref<!tpu.dma_semaphore, #tpu.memory_space<semaphore_mem>>) src(%dma_wait3A_62 : memref<80x128xf32, #tpu.memory_space<vmem_shared>>) dst(%arg9 : memref<80x128xf32, #tpu.memory_space<vmem>>)
      tpu.yield
    }) : () -> ()
    %add3A_55 = arith.constant 560 : i32
    %add3A_56 = arith.addi %mul3A_2, %add3A_55 : i32
    "tpu.region"() ({
      %run_scoped3A = tpu.sem_alloc : memref<!tpu.dma_semaphore, #tpu.memory_space<semaphore_mem>>
      %dma_start3A = arith.constant 0 : i32
      %dma_start3A_57 = tpu.memref_slice %arg6[%arg0, %add3A_56, %dma_start3A] : memref<2x10240x128xf32, #tpu.memory_space<hbm>> -> memref<1x80x128xf32, #tpu.memory_space<hbm>>
      %dma_start3A_58 = tpu.memref_squeeze %dma_start3A_57 : memref<1x80x128xf32, #tpu.memory_space<hbm>> -> memref<80x128xf32, #tpu.memory_space<hbm>>
      %dma_start3A_59 = arith.constant 0 : i32
      %dma_start3A_60 = tpu.memref_slice %arg6[%arg0, %add3A_56, %dma_start3A_59] : memref<2x10240x128xf32, #tpu.memory_space<hbm>> -> memref<1x80x128xf32, #tpu.memory_space<hbm>>
      %dma_start3A_61 = tpu.memref_squeeze %dma_start3A_60 : memref<1x80x128xf32, #tpu.memory_space<hbm>> -> memref<80x128xf32, #tpu.memory_space<hbm>>
      tpu.enqueue_dma source(%arg9 : memref<80x128xf32, #tpu.memory_space<vmem>>) target(%dma_start3A_61 : memref<80x128xf32, #tpu.memory_space<hbm>>) target_semaphore(%run_scoped3A : memref<!tpu.dma_semaphore, #tpu.memory_space<semaphore_mem>>)
      %dma_wait3A = arith.constant 0 : i32
      %dma_wait3A_62 = tpu.memref_slice %arg6[%arg0, %add3A_56, %dma_wait3A] : memref<2x10240x128xf32, #tpu.memory_space<hbm>> -> memref<1x80x128xf32, #tpu.memory_space<hbm>>
      %dma_wait3A_63 = tpu.memref_squeeze %dma_wait3A_62 : memref<1x80x128xf32, #tpu.memory_space<hbm>> -> memref<80x128xf32, #tpu.memory_space<hbm>>
      %dma_wait3A_64 = arith.constant 0 : i32
      %dma_wait3A_65 = tpu.memref_slice %arg6[%arg0, %add3A_56, %dma_wait3A_64] : memref<2x10240x128xf32, #tpu.memory_space<hbm>> -> memref<1x80x128xf32, #tpu.memory_space<hbm>>
      %dma_wait3A_66 = tpu.memref_squeeze %dma_wait3A_65 : memref<1x80x128xf32, #tpu.memory_space<hbm>> -> memref<80x128xf32, #tpu.memory_space<hbm>>
      tpu.wait_dma2 semaphore(%run_scoped3A : memref<!tpu.dma_semaphore, #tpu.memory_space<semaphore_mem>>) src(%arg9 : memref<80x128xf32, #tpu.memory_space<vmem>>) dst(%dma_wait3A_66 : memref<80x128xf32, #tpu.memory_space<hbm>>)
      tpu.yield
    }) : () -> ()
    return
  }
}

#map = affine_map<(d0, d1) -> (0, 0, 0, 0)>
#map1 = affine_map<(d0, d1) -> (0, 0)>
#map2 = affine_map<(d0, d1) -> (0, 0, 0)>
module attributes {stable_mosaic.version = 14 : i64} {
  func.func @_sc_deg_body(%arg0: i32, %arg1: i32, %arg2: memref<32x25x5x80xi32, #tpu.memory_space<hbm>>, %arg3: memref<80x128xf32, #tpu.memory_space<hbm>>, %arg4: memref<80x128xf32, #tpu.memory_space<hbm>>, %arg5: memref<2x10240x128xf32, #tpu.memory_space<hbm>>, %arg6: memref<5x80xi32, #tpu.memory_space<vmem>>, %arg7: memref<80x128xf32, #tpu.memory_space<vmem>>, %arg8: memref<10240x128xf32, #tpu.memory_space<vmem_shared>>, %arg9: memref<!tpu.dma_semaphore, #tpu.memory_space<semaphore_mem>>) attributes {dimension_semantics = [#tpu.dimension_semantics<core_parallel>, #tpu.dimension_semantics<subcore_parallel>], iteration_bounds = array<i64: 2, 16>, scalar_prefetch = 0 : i64, scratch_operands = 4 : i64, tpu.core_type = #tpu.core_type<sc_vector_subcore>, window_params = [{transform_indices = #map}, {transform_indices = #map1}, {transform_indices = #map1}, {transform_indices = #map2}]} {
    %mul3A = arith.constant 16 : i32
    %mul3A_0 = arith.muli %arg0, %mul3A : i32
    %add3A = arith.addi %mul3A_0, %arg1 : i32
    %mul3A_1 = arith.constant 640 : i32
    %mul3A_2 = arith.muli %arg1, %mul3A_1 : i32
    "tpu.region"() ({
      %run_scoped3A = tpu.sem_alloc : memref<!tpu.dma_semaphore, #tpu.memory_space<semaphore_mem>>
      tpu.enqueue_dma source(%arg3 : memref<80x128xf32, #tpu.memory_space<hbm>>) target(%arg7 : memref<80x128xf32, #tpu.memory_space<vmem>>) target_semaphore(%run_scoped3A : memref<!tpu.dma_semaphore, #tpu.memory_space<semaphore_mem>>)
      tpu.wait_dma2 semaphore(%run_scoped3A : memref<!tpu.dma_semaphore, #tpu.memory_space<semaphore_mem>>) src(%arg3 : memref<80x128xf32, #tpu.memory_space<hbm>>) dst(%arg7 : memref<80x128xf32, #tpu.memory_space<vmem>>)
      tpu.yield
    }) : () -> ()
    %add3A_3 = arith.constant 0 : i32
    %add3A_4 = arith.addi %mul3A_2, %add3A_3 : i32
    "tpu.region"() ({
      %run_scoped3A = tpu.sem_alloc : memref<!tpu.dma_semaphore, #tpu.memory_space<semaphore_mem>>
      %dma_start3A = arith.constant 0 : i32
      %dma_start3A_57 = tpu.memref_slice %arg8[%add3A_4, %dma_start3A] : memref<10240x128xf32, #tpu.memory_space<vmem_shared>> -> memref<80x128xf32, #tpu.memory_space<vmem_shared>>
      %dma_start3A_58 = arith.constant 0 : i32
      %dma_start3A_59 = tpu.memref_slice %arg8[%add3A_4, %dma_start3A_58] : memref<10240x128xf32, #tpu.memory_space<vmem_shared>> -> memref<80x128xf32, #tpu.memory_space<vmem_shared>>
      tpu.enqueue_dma source(%arg7 : memref<80x128xf32, #tpu.memory_space<vmem>>) target(%dma_start3A_59 : memref<80x128xf32, #tpu.memory_space<vmem_shared>>) target_semaphore(%run_scoped3A : memref<!tpu.dma_semaphore, #tpu.memory_space<semaphore_mem>>)
      %dma_wait3A = arith.constant 0 : i32
      %dma_wait3A_60 = tpu.memref_slice %arg8[%add3A_4, %dma_wait3A] : memref<10240x128xf32, #tpu.memory_space<vmem_shared>> -> memref<80x128xf32, #tpu.memory_space<vmem_shared>>
      %dma_wait3A_61 = arith.constant 0 : i32
      %dma_wait3A_62 = tpu.memref_slice %arg8[%add3A_4, %dma_wait3A_61] : memref<10240x128xf32, #tpu.memory_space<vmem_shared>> -> memref<80x128xf32, #tpu.memory_space<vmem_shared>>
      tpu.wait_dma2 semaphore(%run_scoped3A : memref<!tpu.dma_semaphore, #tpu.memory_space<semaphore_mem>>) src(%arg7 : memref<80x128xf32, #tpu.memory_space<vmem>>) dst(%dma_wait3A_62 : memref<80x128xf32, #tpu.memory_space<vmem_shared>>)
      tpu.yield
    }) : () -> ()
    %add3A_5 = arith.constant 80 : i32
    %add3A_6 = arith.addi %mul3A_2, %add3A_5 : i32
    "tpu.region"() ({
      %run_scoped3A = tpu.sem_alloc : memref<!tpu.dma_semaphore, #tpu.memory_space<semaphore_mem>>
      %dma_start3A = arith.constant 0 : i32
      %dma_start3A_57 = tpu.memref_slice %arg8[%add3A_6, %dma_start3A] : memref<10240x128xf32, #tpu.memory_space<vmem_shared>> -> memref<80x128xf32, #tpu.memory_space<vmem_shared>>
      %dma_start3A_58 = arith.constant 0 : i32
      %dma_start3A_59 = tpu.memref_slice %arg8[%add3A_6, %dma_start3A_58] : memref<10240x128xf32, #tpu.memory_space<vmem_shared>> -> memref<80x128xf32, #tpu.memory_space<vmem_shared>>
      tpu.enqueue_dma source(%arg7 : memref<80x128xf32, #tpu.memory_space<vmem>>) target(%dma_start3A_59 : memref<80x128xf32, #tpu.memory_space<vmem_shared>>) target_semaphore(%run_scoped3A : memref<!tpu.dma_semaphore, #tpu.memory_space<semaphore_mem>>)
      %dma_wait3A = arith.constant 0 : i32
      %dma_wait3A_60 = tpu.memref_slice %arg8[%add3A_6, %dma_wait3A] : memref<10240x128xf32, #tpu.memory_space<vmem_shared>> -> memref<80x128xf32, #tpu.memory_space<vmem_shared>>
      %dma_wait3A_61 = arith.constant 0 : i32
      %dma_wait3A_62 = tpu.memref_slice %arg8[%add3A_6, %dma_wait3A_61] : memref<10240x128xf32, #tpu.memory_space<vmem_shared>> -> memref<80x128xf32, #tpu.memory_space<vmem_shared>>
      tpu.wait_dma2 semaphore(%run_scoped3A : memref<!tpu.dma_semaphore, #tpu.memory_space<semaphore_mem>>) src(%arg7 : memref<80x128xf32, #tpu.memory_space<vmem>>) dst(%dma_wait3A_62 : memref<80x128xf32, #tpu.memory_space<vmem_shared>>)
      tpu.yield
    }) : () -> ()
    %add3A_7 = arith.constant 160 : i32
    %add3A_8 = arith.addi %mul3A_2, %add3A_7 : i32
    "tpu.region"() ({
      %run_scoped3A = tpu.sem_alloc : memref<!tpu.dma_semaphore, #tpu.memory_space<semaphore_mem>>
      %dma_start3A = arith.constant 0 : i32
      %dma_start3A_57 = tpu.memref_slice %arg8[%add3A_8, %dma_start3A] : memref<10240x128xf32, #tpu.memory_space<vmem_shared>> -> memref<80x128xf32, #tpu.memory_space<vmem_shared>>
      %dma_start3A_58 = arith.constant 0 : i32
      %dma_start3A_59 = tpu.memref_slice %arg8[%add3A_8, %dma_start3A_58] : memref<10240x128xf32, #tpu.memory_space<vmem_shared>> -> memref<80x128xf32, #tpu.memory_space<vmem_shared>>
      tpu.enqueue_dma source(%arg7 : memref<80x128xf32, #tpu.memory_space<vmem>>) target(%dma_start3A_59 : memref<80x128xf32, #tpu.memory_space<vmem_shared>>) target_semaphore(%run_scoped3A : memref<!tpu.dma_semaphore, #tpu.memory_space<semaphore_mem>>)
      %dma_wait3A = arith.constant 0 : i32
      %dma_wait3A_60 = tpu.memref_slice %arg8[%add3A_8, %dma_wait3A] : memref<10240x128xf32, #tpu.memory_space<vmem_shared>> -> memref<80x128xf32, #tpu.memory_space<vmem_shared>>
      %dma_wait3A_61 = arith.constant 0 : i32
      %dma_wait3A_62 = tpu.memref_slice %arg8[%add3A_8, %dma_wait3A_61] : memref<10240x128xf32, #tpu.memory_space<vmem_shared>> -> memref<80x128xf32, #tpu.memory_space<vmem_shared>>
      tpu.wait_dma2 semaphore(%run_scoped3A : memref<!tpu.dma_semaphore, #tpu.memory_space<semaphore_mem>>) src(%arg7 : memref<80x128xf32, #tpu.memory_space<vmem>>) dst(%dma_wait3A_62 : memref<80x128xf32, #tpu.memory_space<vmem_shared>>)
      tpu.yield
    }) : () -> ()
    %add3A_9 = arith.constant 240 : i32
    %add3A_10 = arith.addi %mul3A_2, %add3A_9 : i32
    "tpu.region"() ({
      %run_scoped3A = tpu.sem_alloc : memref<!tpu.dma_semaphore, #tpu.memory_space<semaphore_mem>>
      %dma_start3A = arith.constant 0 : i32
      %dma_start3A_57 = tpu.memref_slice %arg8[%add3A_10, %dma_start3A] : memref<10240x128xf32, #tpu.memory_space<vmem_shared>> -> memref<80x128xf32, #tpu.memory_space<vmem_shared>>
      %dma_start3A_58 = arith.constant 0 : i32
      %dma_start3A_59 = tpu.memref_slice %arg8[%add3A_10, %dma_start3A_58] : memref<10240x128xf32, #tpu.memory_space<vmem_shared>> -> memref<80x128xf32, #tpu.memory_space<vmem_shared>>
      tpu.enqueue_dma source(%arg7 : memref<80x128xf32, #tpu.memory_space<vmem>>) target(%dma_start3A_59 : memref<80x128xf32, #tpu.memory_space<vmem_shared>>) target_semaphore(%run_scoped3A : memref<!tpu.dma_semaphore, #tpu.memory_space<semaphore_mem>>)
      %dma_wait3A = arith.constant 0 : i32
      %dma_wait3A_60 = tpu.memref_slice %arg8[%add3A_10, %dma_wait3A] : memref<10240x128xf32, #tpu.memory_space<vmem_shared>> -> memref<80x128xf32, #tpu.memory_space<vmem_shared>>
      %dma_wait3A_61 = arith.constant 0 : i32
      %dma_wait3A_62 = tpu.memref_slice %arg8[%add3A_10, %dma_wait3A_61] : memref<10240x128xf32, #tpu.memory_space<vmem_shared>> -> memref<80x128xf32, #tpu.memory_space<vmem_shared>>
      tpu.wait_dma2 semaphore(%run_scoped3A : memref<!tpu.dma_semaphore, #tpu.memory_space<semaphore_mem>>) src(%arg7 : memref<80x128xf32, #tpu.memory_space<vmem>>) dst(%dma_wait3A_62 : memref<80x128xf32, #tpu.memory_space<vmem_shared>>)
      tpu.yield
    }) : () -> ()
    %add3A_11 = arith.constant 320 : i32
    %add3A_12 = arith.addi %mul3A_2, %add3A_11 : i32
    "tpu.region"() ({
      %run_scoped3A = tpu.sem_alloc : memref<!tpu.dma_semaphore, #tpu.memory_space<semaphore_mem>>
      %dma_start3A = arith.constant 0 : i32
      %dma_start3A_57 = tpu.memref_slice %arg8[%add3A_12, %dma_start3A] : memref<10240x128xf32, #tpu.memory_space<vmem_shared>> -> memref<80x128xf32, #tpu.memory_space<vmem_shared>>
      %dma_start3A_58 = arith.constant 0 : i32
      %dma_start3A_59 = tpu.memref_slice %arg8[%add3A_12, %dma_start3A_58] : memref<10240x128xf32, #tpu.memory_space<vmem_shared>> -> memref<80x128xf32, #tpu.memory_space<vmem_shared>>
      tpu.enqueue_dma source(%arg7 : memref<80x128xf32, #tpu.memory_space<vmem>>) target(%dma_start3A_59 : memref<80x128xf32, #tpu.memory_space<vmem_shared>>) target_semaphore(%run_scoped3A : memref<!tpu.dma_semaphore, #tpu.memory_space<semaphore_mem>>)
      %dma_wait3A = arith.constant 0 : i32
      %dma_wait3A_60 = tpu.memref_slice %arg8[%add3A_12, %dma_wait3A] : memref<10240x128xf32, #tpu.memory_space<vmem_shared>> -> memref<80x128xf32, #tpu.memory_space<vmem_shared>>
      %dma_wait3A_61 = arith.constant 0 : i32
      %dma_wait3A_62 = tpu.memref_slice %arg8[%add3A_12, %dma_wait3A_61] : memref<10240x128xf32, #tpu.memory_space<vmem_shared>> -> memref<80x128xf32, #tpu.memory_space<vmem_shared>>
      tpu.wait_dma2 semaphore(%run_scoped3A : memref<!tpu.dma_semaphore, #tpu.memory_space<semaphore_mem>>) src(%arg7 : memref<80x128xf32, #tpu.memory_space<vmem>>) dst(%dma_wait3A_62 : memref<80x128xf32, #tpu.memory_space<vmem_shared>>)
      tpu.yield
    }) : () -> ()
    %add3A_13 = arith.constant 400 : i32
    %add3A_14 = arith.addi %mul3A_2, %add3A_13 : i32
    "tpu.region"() ({
      %run_scoped3A = tpu.sem_alloc : memref<!tpu.dma_semaphore, #tpu.memory_space<semaphore_mem>>
      %dma_start3A = arith.constant 0 : i32
      %dma_start3A_57 = tpu.memref_slice %arg8[%add3A_14, %dma_start3A] : memref<10240x128xf32, #tpu.memory_space<vmem_shared>> -> memref<80x128xf32, #tpu.memory_space<vmem_shared>>
      %dma_start3A_58 = arith.constant 0 : i32
      %dma_start3A_59 = tpu.memref_slice %arg8[%add3A_14, %dma_start3A_58] : memref<10240x128xf32, #tpu.memory_space<vmem_shared>> -> memref<80x128xf32, #tpu.memory_space<vmem_shared>>
      tpu.enqueue_dma source(%arg7 : memref<80x128xf32, #tpu.memory_space<vmem>>) target(%dma_start3A_59 : memref<80x128xf32, #tpu.memory_space<vmem_shared>>) target_semaphore(%run_scoped3A : memref<!tpu.dma_semaphore, #tpu.memory_space<semaphore_mem>>)
      %dma_wait3A = arith.constant 0 : i32
      %dma_wait3A_60 = tpu.memref_slice %arg8[%add3A_14, %dma_wait3A] : memref<10240x128xf32, #tpu.memory_space<vmem_shared>> -> memref<80x128xf32, #tpu.memory_space<vmem_shared>>
      %dma_wait3A_61 = arith.constant 0 : i32
      %dma_wait3A_62 = tpu.memref_slice %arg8[%add3A_14, %dma_wait3A_61] : memref<10240x128xf32, #tpu.memory_space<vmem_shared>> -> memref<80x128xf32, #tpu.memory_space<vmem_shared>>
      tpu.wait_dma2 semaphore(%run_scoped3A : memref<!tpu.dma_semaphore, #tpu.memory_space<semaphore_mem>>) src(%arg7 : memref<80x128xf32, #tpu.memory_space<vmem>>) dst(%dma_wait3A_62 : memref<80x128xf32, #tpu.memory_space<vmem_shared>>)
      tpu.yield
    }) : () -> ()
    %add3A_15 = arith.constant 480 : i32
    %add3A_16 = arith.addi %mul3A_2, %add3A_15 : i32
    "tpu.region"() ({
      %run_scoped3A = tpu.sem_alloc : memref<!tpu.dma_semaphore, #tpu.memory_space<semaphore_mem>>
      %dma_start3A = arith.constant 0 : i32
      %dma_start3A_57 = tpu.memref_slice %arg8[%add3A_16, %dma_start3A] : memref<10240x128xf32, #tpu.memory_space<vmem_shared>> -> memref<80x128xf32, #tpu.memory_space<vmem_shared>>
      %dma_start3A_58 = arith.constant 0 : i32
      %dma_start3A_59 = tpu.memref_slice %arg8[%add3A_16, %dma_start3A_58] : memref<10240x128xf32, #tpu.memory_space<vmem_shared>> -> memref<80x128xf32, #tpu.memory_space<vmem_shared>>
      tpu.enqueue_dma source(%arg7 : memref<80x128xf32, #tpu.memory_space<vmem>>) target(%dma_start3A_59 : memref<80x128xf32, #tpu.memory_space<vmem_shared>>) target_semaphore(%run_scoped3A : memref<!tpu.dma_semaphore, #tpu.memory_space<semaphore_mem>>)
      %dma_wait3A = arith.constant 0 : i32
      %dma_wait3A_60 = tpu.memref_slice %arg8[%add3A_16, %dma_wait3A] : memref<10240x128xf32, #tpu.memory_space<vmem_shared>> -> memref<80x128xf32, #tpu.memory_space<vmem_shared>>
      %dma_wait3A_61 = arith.constant 0 : i32
      %dma_wait3A_62 = tpu.memref_slice %arg8[%add3A_16, %dma_wait3A_61] : memref<10240x128xf32, #tpu.memory_space<vmem_shared>> -> memref<80x128xf32, #tpu.memory_space<vmem_shared>>
      tpu.wait_dma2 semaphore(%run_scoped3A : memref<!tpu.dma_semaphore, #tpu.memory_space<semaphore_mem>>) src(%arg7 : memref<80x128xf32, #tpu.memory_space<vmem>>) dst(%dma_wait3A_62 : memref<80x128xf32, #tpu.memory_space<vmem_shared>>)
      tpu.yield
    }) : () -> ()
    %add3A_17 = arith.constant 560 : i32
    %add3A_18 = arith.addi %mul3A_2, %add3A_17 : i32
    "tpu.region"() ({
      %run_scoped3A = tpu.sem_alloc : memref<!tpu.dma_semaphore, #tpu.memory_space<semaphore_mem>>
      %dma_start3A = arith.constant 0 : i32
      %dma_start3A_57 = tpu.memref_slice %arg8[%add3A_18, %dma_start3A] : memref<10240x128xf32, #tpu.memory_space<vmem_shared>> -> memref<80x128xf32, #tpu.memory_space<vmem_shared>>
      %dma_start3A_58 = arith.constant 0 : i32
      %dma_start3A_59 = tpu.memref_slice %arg8[%add3A_18, %dma_start3A_58] : memref<10240x128xf32, #tpu.memory_space<vmem_shared>> -> memref<80x128xf32, #tpu.memory_space<vmem_shared>>
      tpu.enqueue_dma source(%arg7 : memref<80x128xf32, #tpu.memory_space<vmem>>) target(%dma_start3A_59 : memref<80x128xf32, #tpu.memory_space<vmem_shared>>) target_semaphore(%run_scoped3A : memref<!tpu.dma_semaphore, #tpu.memory_space<semaphore_mem>>)
      %dma_wait3A = arith.constant 0 : i32
      %dma_wait3A_60 = tpu.memref_slice %arg8[%add3A_18, %dma_wait3A] : memref<10240x128xf32, #tpu.memory_space<vmem_shared>> -> memref<80x128xf32, #tpu.memory_space<vmem_shared>>
      %dma_wait3A_61 = arith.constant 0 : i32
      %dma_wait3A_62 = tpu.memref_slice %arg8[%add3A_18, %dma_wait3A_61] : memref<10240x128xf32, #tpu.memory_space<vmem_shared>> -> memref<80x128xf32, #tpu.memory_space<vmem_shared>>
      tpu.wait_dma2 semaphore(%run_scoped3A : memref<!tpu.dma_semaphore, #tpu.memory_space<semaphore_mem>>) src(%arg7 : memref<80x128xf32, #tpu.memory_space<vmem>>) dst(%dma_wait3A_62 : memref<80x128xf32, #tpu.memory_space<vmem_shared>>)
      tpu.yield
    }) : () -> ()
    "tpu.region"() ({
      %run_scoped3A = tpu.sem_alloc : memref<!tpu.dma_semaphore, #tpu.memory_space<semaphore_mem>>
      tpu.enqueue_dma source(%arg4 : memref<80x128xf32, #tpu.memory_space<hbm>>) target(%arg7 : memref<80x128xf32, #tpu.memory_space<vmem>>) target_semaphore(%run_scoped3A : memref<!tpu.dma_semaphore, #tpu.memory_space<semaphore_mem>>)
      tpu.wait_dma2 semaphore(%run_scoped3A : memref<!tpu.dma_semaphore, #tpu.memory_space<semaphore_mem>>) src(%arg4 : memref<80x128xf32, #tpu.memory_space<hbm>>) dst(%arg7 : memref<80x128xf32, #tpu.memory_space<vmem>>)
      tpu.yield
    }) : () -> ()
    %barrier3A = arith.constant 0 : index
    tpu.barrier barrier_id(%barrier3A)
    %scan3A = arith.constant 0 : i32
    %scan3A_19 = arith.constant 0 : i32
    %scan3A_20 = arith.constant 25 : i32
    %scan3A_21 = arith.addi %scan3A_19, %scan3A_20 : i32
    %scan3A_22 = arith.constant 1 : i32
    scf.for %scan3A_57 = %scan3A_19 to %scan3A_21 step %scan3A_22  : i32 {
      "tpu.region"() ({
        %run_scoped3A_62 = tpu.sem_alloc : memref<!tpu.dma_semaphore, #tpu.memory_space<semaphore_mem>>
        %dma_start3A = arith.constant 0 : i32
        %dma_start3A_63 = arith.constant 0 : i32
        %dma_start3A_64 = tpu.memref_slice %arg2[%add3A, %scan3A_57, %dma_start3A, %dma_start3A_63] : memref<32x25x5x80xi32, #tpu.memory_space<hbm>> -> memref<1x1x5x80xi32, #tpu.memory_space<hbm>>
        %dma_start3A_65 = tpu.memref_squeeze %dma_start3A_64 : memref<1x1x5x80xi32, #tpu.memory_space<hbm>> -> memref<5x80xi32, #tpu.memory_space<hbm>>
        %dma_start3A_66 = arith.constant 0 : i32
        %dma_start3A_67 = arith.constant 0 : i32
        %dma_start3A_68 = tpu.memref_slice %arg2[%add3A, %scan3A_57, %dma_start3A_66, %dma_start3A_67] : memref<32x25x5x80xi32, #tpu.memory_space<hbm>> -> memref<1x1x5x80xi32, #tpu.memory_space<hbm>>
        %dma_start3A_69 = tpu.memref_squeeze %dma_start3A_68 : memref<1x1x5x80xi32, #tpu.memory_space<hbm>> -> memref<5x80xi32, #tpu.memory_space<hbm>>
        tpu.enqueue_dma source(%dma_start3A_69 : memref<5x80xi32, #tpu.memory_space<hbm>>) target(%arg6 : memref<5x80xi32, #tpu.memory_space<vmem>>) target_semaphore(%run_scoped3A_62 : memref<!tpu.dma_semaphore, #tpu.memory_space<semaphore_mem>>)
        %dma_wait3A = arith.constant 0 : i32
        %dma_wait3A_70 = arith.constant 0 : i32
        %dma_wait3A_71 = tpu.memref_slice %arg2[%add3A, %scan3A_57, %dma_wait3A, %dma_wait3A_70] : memref<32x25x5x80xi32, #tpu.memory_space<hbm>> -> memref<1x1x5x80xi32, #tpu.memory_space<hbm>>
        %dma_wait3A_72 = tpu.memref_squeeze %dma_wait3A_71 : memref<1x1x5x80xi32, #tpu.memory_space<hbm>> -> memref<5x80xi32, #tpu.memory_space<hbm>>
        %dma_wait3A_73 = arith.constant 0 : i32
        %dma_wait3A_74 = arith.constant 0 : i32
        %dma_wait3A_75 = tpu.memref_slice %arg2[%add3A, %scan3A_57, %dma_wait3A_73, %dma_wait3A_74] : memref<32x25x5x80xi32, #tpu.memory_space<hbm>> -> memref<1x1x5x80xi32, #tpu.memory_space<hbm>>
        %dma_wait3A_76 = tpu.memref_squeeze %dma_wait3A_75 : memref<1x1x5x80xi32, #tpu.memory_space<hbm>> -> memref<5x80xi32, #tpu.memory_space<hbm>>
        tpu.wait_dma2 semaphore(%run_scoped3A_62 : memref<!tpu.dma_semaphore, #tpu.memory_space<semaphore_mem>>) src(%dma_wait3A_76 : memref<5x80xi32, #tpu.memory_space<hbm>>) dst(%arg6 : memref<5x80xi32, #tpu.memory_space<vmem>>)
        tpu.yield
      }) : () -> ()
      %run_scoped3A = arith.constant 0 : i32
      "tpu.region"() ({
        %run_scoped3A_62 = tpu.sem_alloc : memref<!tpu.dma_semaphore, #tpu.memory_space<semaphore_mem>>
        %dma_start3A = arith.constant 0 : i32
        %dma_start3A_63 = tpu.memref_slice %arg6[%run_scoped3A, %dma_start3A] : memref<5x80xi32, #tpu.memory_space<vmem>> -> memref<1x80xi32, #tpu.memory_space<vmem>>
        %dma_start3A_64 = tpu.memref_squeeze %dma_start3A_63 : memref<1x80xi32, #tpu.memory_space<vmem>> -> memref<80xi32, #tpu.memory_space<vmem>>
        %dma_start3A_65 = arith.constant 0 : i32
        %dma_start3A_66 = arith.constant 0 : i32
        %dma_start3A_67 = tpu.memref_slice %arg8[%dma_start3A_65, %dma_start3A_66] : memref<10240x128xf32, #tpu.memory_space<vmem_shared>> -> memref<10240x128xf32, #tpu.memory_space<vmem_shared>>
        tpu.enqueue_indirect_dma source(%arg7 : memref<80x128xf32, #tpu.memory_space<vmem>>) target(%dma_start3A_67 : memref<10240x128xf32, #tpu.memory_space<vmem_shared>>) offsets(%dma_start3A_64 : memref<80xi32, #tpu.memory_space<vmem>>) semaphore(%run_scoped3A_62 : memref<!tpu.dma_semaphore, #tpu.memory_space<semaphore_mem>>) {add = true}
        %dma_wait3A = arith.constant 0 : i32
        %dma_wait3A_68 = tpu.memref_slice %arg6[%run_scoped3A, %dma_wait3A] : memref<5x80xi32, #tpu.memory_space<vmem>> -> memref<1x80xi32, #tpu.memory_space<vmem>>
        %dma_wait3A_69 = tpu.memref_squeeze %dma_wait3A_68 : memref<1x80xi32, #tpu.memory_space<vmem>> -> memref<80xi32, #tpu.memory_space<vmem>>
        %dma_wait3A_70 = arith.constant 0 : i32
        %dma_wait3A_71 = arith.constant 0 : i32
        %dma_wait3A_72 = tpu.memref_slice %arg8[%dma_wait3A_70, %dma_wait3A_71] : memref<10240x128xf32, #tpu.memory_space<vmem_shared>> -> memref<10240x128xf32, #tpu.memory_space<vmem_shared>>
        tpu.wait_indirect_dma semaphore(%run_scoped3A_62 : memref<!tpu.dma_semaphore, #tpu.memory_space<semaphore_mem>>) src(%arg7 : memref<80x128xf32, #tpu.memory_space<vmem>>) dst(%dma_wait3A_72 : memref<10240x128xf32, #tpu.memory_space<vmem_shared>>)
        tpu.yield
      }) : () -> ()
      %run_scoped3A_58 = arith.constant 1 : i32
      "tpu.region"() ({
        %run_scoped3A_62 = tpu.sem_alloc : memref<!tpu.dma_semaphore, #tpu.memory_space<semaphore_mem>>
        %dma_start3A = arith.constant 0 : i32
        %dma_start3A_63 = tpu.memref_slice %arg6[%run_scoped3A_58, %dma_start3A] : memref<5x80xi32, #tpu.memory_space<vmem>> -> memref<1x80xi32, #tpu.memory_space<vmem>>
        %dma_start3A_64 = tpu.memref_squeeze %dma_start3A_63 : memref<1x80xi32, #tpu.memory_space<vmem>> -> memref<80xi32, #tpu.memory_space<vmem>>
        %dma_start3A_65 = arith.constant 0 : i32
        %dma_start3A_66 = arith.constant 0 : i32
        %dma_start3A_67 = tpu.memref_slice %arg8[%dma_start3A_65, %dma_start3A_66] : memref<10240x128xf32, #tpu.memory_space<vmem_shared>> -> memref<10240x128xf32, #tpu.memory_space<vmem_shared>>
        tpu.enqueue_indirect_dma source(%arg7 : memref<80x128xf32, #tpu.memory_space<vmem>>) target(%dma_start3A_67 : memref<10240x128xf32, #tpu.memory_space<vmem_shared>>) offsets(%dma_start3A_64 : memref<80xi32, #tpu.memory_space<vmem>>) semaphore(%run_scoped3A_62 : memref<!tpu.dma_semaphore, #tpu.memory_space<semaphore_mem>>) {add = true}
        %dma_wait3A = arith.constant 0 : i32
        %dma_wait3A_68 = tpu.memref_slice %arg6[%run_scoped3A_58, %dma_wait3A] : memref<5x80xi32, #tpu.memory_space<vmem>> -> memref<1x80xi32, #tpu.memory_space<vmem>>
        %dma_wait3A_69 = tpu.memref_squeeze %dma_wait3A_68 : memref<1x80xi32, #tpu.memory_space<vmem>> -> memref<80xi32, #tpu.memory_space<vmem>>
        %dma_wait3A_70 = arith.constant 0 : i32
        %dma_wait3A_71 = arith.constant 0 : i32
        %dma_wait3A_72 = tpu.memref_slice %arg8[%dma_wait3A_70, %dma_wait3A_71] : memref<10240x128xf32, #tpu.memory_space<vmem_shared>> -> memref<10240x128xf32, #tpu.memory_space<vmem_shared>>
        tpu.wait_indirect_dma semaphore(%run_scoped3A_62 : memref<!tpu.dma_semaphore, #tpu.memory_space<semaphore_mem>>) src(%arg7 : memref<80x128xf32, #tpu.memory_space<vmem>>) dst(%dma_wait3A_72 : memref<10240x128xf32, #tpu.memory_space<vmem_shared>>)
        tpu.yield
      }) : () -> ()
      %run_scoped3A_59 = arith.constant 2 : i32
      "tpu.region"() ({
        %run_scoped3A_62 = tpu.sem_alloc : memref<!tpu.dma_semaphore, #tpu.memory_space<semaphore_mem>>
        %dma_start3A = arith.constant 0 : i32
        %dma_start3A_63 = tpu.memref_slice %arg6[%run_scoped3A_59, %dma_start3A] : memref<5x80xi32, #tpu.memory_space<vmem>> -> memref<1x80xi32, #tpu.memory_space<vmem>>
        %dma_start3A_64 = tpu.memref_squeeze %dma_start3A_63 : memref<1x80xi32, #tpu.memory_space<vmem>> -> memref<80xi32, #tpu.memory_space<vmem>>
        %dma_start3A_65 = arith.constant 0 : i32
        %dma_start3A_66 = arith.constant 0 : i32
        %dma_start3A_67 = tpu.memref_slice %arg8[%dma_start3A_65, %dma_start3A_66] : memref<10240x128xf32, #tpu.memory_space<vmem_shared>> -> memref<10240x128xf32, #tpu.memory_space<vmem_shared>>
        tpu.enqueue_indirect_dma source(%arg7 : memref<80x128xf32, #tpu.memory_space<vmem>>) target(%dma_start3A_67 : memref<10240x128xf32, #tpu.memory_space<vmem_shared>>) offsets(%dma_start3A_64 : memref<80xi32, #tpu.memory_space<vmem>>) semaphore(%run_scoped3A_62 : memref<!tpu.dma_semaphore, #tpu.memory_space<semaphore_mem>>) {add = true}
        %dma_wait3A = arith.constant 0 : i32
        %dma_wait3A_68 = tpu.memref_slice %arg6[%run_scoped3A_59, %dma_wait3A] : memref<5x80xi32, #tpu.memory_space<vmem>> -> memref<1x80xi32, #tpu.memory_space<vmem>>
        %dma_wait3A_69 = tpu.memref_squeeze %dma_wait3A_68 : memref<1x80xi32, #tpu.memory_space<vmem>> -> memref<80xi32, #tpu.memory_space<vmem>>
        %dma_wait3A_70 = arith.constant 0 : i32
        %dma_wait3A_71 = arith.constant 0 : i32
        %dma_wait3A_72 = tpu.memref_slice %arg8[%dma_wait3A_70, %dma_wait3A_71] : memref<10240x128xf32, #tpu.memory_space<vmem_shared>> -> memref<10240x128xf32, #tpu.memory_space<vmem_shared>>
        tpu.wait_indirect_dma semaphore(%run_scoped3A_62 : memref<!tpu.dma_semaphore, #tpu.memory_space<semaphore_mem>>) src(%arg7 : memref<80x128xf32, #tpu.memory_space<vmem>>) dst(%dma_wait3A_72 : memref<10240x128xf32, #tpu.memory_space<vmem_shared>>)
        tpu.yield
      }) : () -> ()
      %run_scoped3A_60 = arith.constant 3 : i32
      "tpu.region"() ({
        %run_scoped3A_62 = tpu.sem_alloc : memref<!tpu.dma_semaphore, #tpu.memory_space<semaphore_mem>>
        %dma_start3A = arith.constant 0 : i32
        %dma_start3A_63 = tpu.memref_slice %arg6[%run_scoped3A_60, %dma_start3A] : memref<5x80xi32, #tpu.memory_space<vmem>> -> memref<1x80xi32, #tpu.memory_space<vmem>>
        %dma_start3A_64 = tpu.memref_squeeze %dma_start3A_63 : memref<1x80xi32, #tpu.memory_space<vmem>> -> memref<80xi32, #tpu.memory_space<vmem>>
        %dma_start3A_65 = arith.constant 0 : i32
        %dma_start3A_66 = arith.constant 0 : i32
        %dma_start3A_67 = tpu.memref_slice %arg8[%dma_start3A_65, %dma_start3A_66] : memref<10240x128xf32, #tpu.memory_space<vmem_shared>> -> memref<10240x128xf32, #tpu.memory_space<vmem_shared>>
        tpu.enqueue_indirect_dma source(%arg7 : memref<80x128xf32, #tpu.memory_space<vmem>>) target(%dma_start3A_67 : memref<10240x128xf32, #tpu.memory_space<vmem_shared>>) offsets(%dma_start3A_64 : memref<80xi32, #tpu.memory_space<vmem>>) semaphore(%run_scoped3A_62 : memref<!tpu.dma_semaphore, #tpu.memory_space<semaphore_mem>>) {add = true}
        %dma_wait3A = arith.constant 0 : i32
        %dma_wait3A_68 = tpu.memref_slice %arg6[%run_scoped3A_60, %dma_wait3A] : memref<5x80xi32, #tpu.memory_space<vmem>> -> memref<1x80xi32, #tpu.memory_space<vmem>>
        %dma_wait3A_69 = tpu.memref_squeeze %dma_wait3A_68 : memref<1x80xi32, #tpu.memory_space<vmem>> -> memref<80xi32, #tpu.memory_space<vmem>>
        %dma_wait3A_70 = arith.constant 0 : i32
        %dma_wait3A_71 = arith.constant 0 : i32
        %dma_wait3A_72 = tpu.memref_slice %arg8[%dma_wait3A_70, %dma_wait3A_71] : memref<10240x128xf32, #tpu.memory_space<vmem_shared>> -> memref<10240x128xf32, #tpu.memory_space<vmem_shared>>
        tpu.wait_indirect_dma semaphore(%run_scoped3A_62 : memref<!tpu.dma_semaphore, #tpu.memory_space<semaphore_mem>>) src(%arg7 : memref<80x128xf32, #tpu.memory_space<vmem>>) dst(%dma_wait3A_72 : memref<10240x128xf32, #tpu.memory_space<vmem_shared>>)
        tpu.yield
      }) : () -> ()
      %run_scoped3A_61 = arith.constant 4 : i32
      "tpu.region"() ({
        %run_scoped3A_62 = tpu.sem_alloc : memref<!tpu.dma_semaphore, #tpu.memory_space<semaphore_mem>>
        %dma_start3A = arith.constant 0 : i32
        %dma_start3A_63 = tpu.memref_slice %arg6[%run_scoped3A_61, %dma_start3A] : memref<5x80xi32, #tpu.memory_space<vmem>> -> memref<1x80xi32, #tpu.memory_space<vmem>>
        %dma_start3A_64 = tpu.memref_squeeze %dma_start3A_63 : memref<1x80xi32, #tpu.memory_space<vmem>> -> memref<80xi32, #tpu.memory_space<vmem>>
        %dma_start3A_65 = arith.constant 0 : i32
        %dma_start3A_66 = arith.constant 0 : i32
        %dma_start3A_67 = tpu.memref_slice %arg8[%dma_start3A_65, %dma_start3A_66] : memref<10240x128xf32, #tpu.memory_space<vmem_shared>> -> memref<10240x128xf32, #tpu.memory_space<vmem_shared>>
        tpu.enqueue_indirect_dma source(%arg7 : memref<80x128xf32, #tpu.memory_space<vmem>>) target(%dma_start3A_67 : memref<10240x128xf32, #tpu.memory_space<vmem_shared>>) offsets(%dma_start3A_64 : memref<80xi32, #tpu.memory_space<vmem>>) semaphore(%run_scoped3A_62 : memref<!tpu.dma_semaphore, #tpu.memory_space<semaphore_mem>>) {add = true}
        %dma_wait3A = arith.constant 0 : i32
        %dma_wait3A_68 = tpu.memref_slice %arg6[%run_scoped3A_61, %dma_wait3A] : memref<5x80xi32, #tpu.memory_space<vmem>> -> memref<1x80xi32, #tpu.memory_space<vmem>>
        %dma_wait3A_69 = tpu.memref_squeeze %dma_wait3A_68 : memref<1x80xi32, #tpu.memory_space<vmem>> -> memref<80xi32, #tpu.memory_space<vmem>>
        %dma_wait3A_70 = arith.constant 0 : i32
        %dma_wait3A_71 = arith.constant 0 : i32
        %dma_wait3A_72 = tpu.memref_slice %arg8[%dma_wait3A_70, %dma_wait3A_71] : memref<10240x128xf32, #tpu.memory_space<vmem_shared>> -> memref<10240x128xf32, #tpu.memory_space<vmem_shared>>
        tpu.wait_indirect_dma semaphore(%run_scoped3A_62 : memref<!tpu.dma_semaphore, #tpu.memory_space<semaphore_mem>>) src(%arg7 : memref<80x128xf32, #tpu.memory_space<vmem>>) dst(%dma_wait3A_72 : memref<10240x128xf32, #tpu.memory_space<vmem_shared>>)
        tpu.yield
      }) : () -> ()
    }
    %scan3A_23 = arith.constant 25 : i32
    %barrier3A_24 = arith.constant 0 : index
    tpu.barrier barrier_id(%barrier3A_24)
    %add3A_25 = arith.constant 0 : i32
    %add3A_26 = arith.addi %mul3A_2, %add3A_25 : i32
    "tpu.region"() ({
      %run_scoped3A = tpu.sem_alloc : memref<!tpu.dma_semaphore, #tpu.memory_space<semaphore_mem>>
      %dma_start3A = arith.constant 0 : i32
      %dma_start3A_57 = tpu.memref_slice %arg8[%add3A_26, %dma_start3A] : memref<10240x128xf32, #tpu.memory_space<vmem_shared>> -> memref<80x128xf32, #tpu.memory_space<vmem_shared>>
      %dma_start3A_58 = arith.constant 0 : i32
      %dma_start3A_59 = tpu.memref_slice %arg8[%add3A_26, %dma_start3A_58] : memref<10240x128xf32, #tpu.memory_space<vmem_shared>> -> memref<80x128xf32, #tpu.memory_space<vmem_shared>>
      tpu.enqueue_dma source(%dma_start3A_59 : memref<80x128xf32, #tpu.memory_space<vmem_shared>>) target(%arg7 : memref<80x128xf32, #tpu.memory_space<vmem>>) target_semaphore(%run_scoped3A : memref<!tpu.dma_semaphore, #tpu.memory_space<semaphore_mem>>)
      %dma_wait3A = arith.constant 0 : i32
      %dma_wait3A_60 = tpu.memref_slice %arg8[%add3A_26, %dma_wait3A] : memref<10240x128xf32, #tpu.memory_space<vmem_shared>> -> memref<80x128xf32, #tpu.memory_space<vmem_shared>>
      %dma_wait3A_61 = arith.constant 0 : i32
      %dma_wait3A_62 = tpu.memref_slice %arg8[%add3A_26, %dma_wait3A_61] : memref<10240x128xf32, #tpu.memory_space<vmem_shared>> -> memref<80x128xf32, #tpu.memory_space<vmem_shared>>
      tpu.wait_dma2 semaphore(%run_scoped3A : memref<!tpu.dma_semaphore, #tpu.memory_space<semaphore_mem>>) src(%dma_wait3A_62 : memref<80x128xf32, #tpu.memory_space<vmem_shared>>) dst(%arg7 : memref<80x128xf32, #tpu.memory_space<vmem>>)
      tpu.yield
    }) : () -> ()
    %add3A_27 = arith.constant 0 : i32
    %add3A_28 = arith.addi %mul3A_2, %add3A_27 : i32
    "tpu.region"() ({
      %run_scoped3A = tpu.sem_alloc : memref<!tpu.dma_semaphore, #tpu.memory_space<semaphore_mem>>
      %dma_start3A = arith.constant 0 : i32
      %dma_start3A_57 = tpu.memref_slice %arg5[%arg0, %add3A_28, %dma_start3A] : memref<2x10240x128xf32, #tpu.memory_space<hbm>> -> memref<1x80x128xf32, #tpu.memory_space<hbm>>
      %dma_start3A_58 = tpu.memref_squeeze %dma_start3A_57 : memref<1x80x128xf32, #tpu.memory_space<hbm>> -> memref<80x128xf32, #tpu.memory_space<hbm>>
      %dma_start3A_59 = arith.constant 0 : i32
      %dma_start3A_60 = tpu.memref_slice %arg5[%arg0, %add3A_28, %dma_start3A_59] : memref<2x10240x128xf32, #tpu.memory_space<hbm>> -> memref<1x80x128xf32, #tpu.memory_space<hbm>>
      %dma_start3A_61 = tpu.memref_squeeze %dma_start3A_60 : memref<1x80x128xf32, #tpu.memory_space<hbm>> -> memref<80x128xf32, #tpu.memory_space<hbm>>
      tpu.enqueue_dma source(%arg7 : memref<80x128xf32, #tpu.memory_space<vmem>>) target(%dma_start3A_61 : memref<80x128xf32, #tpu.memory_space<hbm>>) target_semaphore(%run_scoped3A : memref<!tpu.dma_semaphore, #tpu.memory_space<semaphore_mem>>)
      %dma_wait3A = arith.constant 0 : i32
      %dma_wait3A_62 = tpu.memref_slice %arg5[%arg0, %add3A_28, %dma_wait3A] : memref<2x10240x128xf32, #tpu.memory_space<hbm>> -> memref<1x80x128xf32, #tpu.memory_space<hbm>>
      %dma_wait3A_63 = tpu.memref_squeeze %dma_wait3A_62 : memref<1x80x128xf32, #tpu.memory_space<hbm>> -> memref<80x128xf32, #tpu.memory_space<hbm>>
      %dma_wait3A_64 = arith.constant 0 : i32
      %dma_wait3A_65 = tpu.memref_slice %arg5[%arg0, %add3A_28, %dma_wait3A_64] : memref<2x10240x128xf32, #tpu.memory_space<hbm>> -> memref<1x80x128xf32, #tpu.memory_space<hbm>>
      %dma_wait3A_66 = tpu.memref_squeeze %dma_wait3A_65 : memref<1x80x128xf32, #tpu.memory_space<hbm>> -> memref<80x128xf32, #tpu.memory_space<hbm>>
      tpu.wait_dma2 semaphore(%run_scoped3A : memref<!tpu.dma_semaphore, #tpu.memory_space<semaphore_mem>>) src(%arg7 : memref<80x128xf32, #tpu.memory_space<vmem>>) dst(%dma_wait3A_66 : memref<80x128xf32, #tpu.memory_space<hbm>>)
      tpu.yield
    }) : () -> ()
    %add3A_29 = arith.constant 80 : i32
    %add3A_30 = arith.addi %mul3A_2, %add3A_29 : i32
    "tpu.region"() ({
      %run_scoped3A = tpu.sem_alloc : memref<!tpu.dma_semaphore, #tpu.memory_space<semaphore_mem>>
      %dma_start3A = arith.constant 0 : i32
      %dma_start3A_57 = tpu.memref_slice %arg8[%add3A_30, %dma_start3A] : memref<10240x128xf32, #tpu.memory_space<vmem_shared>> -> memref<80x128xf32, #tpu.memory_space<vmem_shared>>
      %dma_start3A_58 = arith.constant 0 : i32
      %dma_start3A_59 = tpu.memref_slice %arg8[%add3A_30, %dma_start3A_58] : memref<10240x128xf32, #tpu.memory_space<vmem_shared>> -> memref<80x128xf32, #tpu.memory_space<vmem_shared>>
      tpu.enqueue_dma source(%dma_start3A_59 : memref<80x128xf32, #tpu.memory_space<vmem_shared>>) target(%arg7 : memref<80x128xf32, #tpu.memory_space<vmem>>) target_semaphore(%run_scoped3A : memref<!tpu.dma_semaphore, #tpu.memory_space<semaphore_mem>>)
      %dma_wait3A = arith.constant 0 : i32
      %dma_wait3A_60 = tpu.memref_slice %arg8[%add3A_30, %dma_wait3A] : memref<10240x128xf32, #tpu.memory_space<vmem_shared>> -> memref<80x128xf32, #tpu.memory_space<vmem_shared>>
      %dma_wait3A_61 = arith.constant 0 : i32
      %dma_wait3A_62 = tpu.memref_slice %arg8[%add3A_30, %dma_wait3A_61] : memref<10240x128xf32, #tpu.memory_space<vmem_shared>> -> memref<80x128xf32, #tpu.memory_space<vmem_shared>>
      tpu.wait_dma2 semaphore(%run_scoped3A : memref<!tpu.dma_semaphore, #tpu.memory_space<semaphore_mem>>) src(%dma_wait3A_62 : memref<80x128xf32, #tpu.memory_space<vmem_shared>>) dst(%arg7 : memref<80x128xf32, #tpu.memory_space<vmem>>)
      tpu.yield
    }) : () -> ()
    %add3A_31 = arith.constant 80 : i32
    %add3A_32 = arith.addi %mul3A_2, %add3A_31 : i32
    "tpu.region"() ({
      %run_scoped3A = tpu.sem_alloc : memref<!tpu.dma_semaphore, #tpu.memory_space<semaphore_mem>>
      %dma_start3A = arith.constant 0 : i32
      %dma_start3A_57 = tpu.memref_slice %arg5[%arg0, %add3A_32, %dma_start3A] : memref<2x10240x128xf32, #tpu.memory_space<hbm>> -> memref<1x80x128xf32, #tpu.memory_space<hbm>>
      %dma_start3A_58 = tpu.memref_squeeze %dma_start3A_57 : memref<1x80x128xf32, #tpu.memory_space<hbm>> -> memref<80x128xf32, #tpu.memory_space<hbm>>
      %dma_start3A_59 = arith.constant 0 : i32
      %dma_start3A_60 = tpu.memref_slice %arg5[%arg0, %add3A_32, %dma_start3A_59] : memref<2x10240x128xf32, #tpu.memory_space<hbm>> -> memref<1x80x128xf32, #tpu.memory_space<hbm>>
      %dma_start3A_61 = tpu.memref_squeeze %dma_start3A_60 : memref<1x80x128xf32, #tpu.memory_space<hbm>> -> memref<80x128xf32, #tpu.memory_space<hbm>>
      tpu.enqueue_dma source(%arg7 : memref<80x128xf32, #tpu.memory_space<vmem>>) target(%dma_start3A_61 : memref<80x128xf32, #tpu.memory_space<hbm>>) target_semaphore(%run_scoped3A : memref<!tpu.dma_semaphore, #tpu.memory_space<semaphore_mem>>)
      %dma_wait3A = arith.constant 0 : i32
      %dma_wait3A_62 = tpu.memref_slice %arg5[%arg0, %add3A_32, %dma_wait3A] : memref<2x10240x128xf32, #tpu.memory_space<hbm>> -> memref<1x80x128xf32, #tpu.memory_space<hbm>>
      %dma_wait3A_63 = tpu.memref_squeeze %dma_wait3A_62 : memref<1x80x128xf32, #tpu.memory_space<hbm>> -> memref<80x128xf32, #tpu.memory_space<hbm>>
      %dma_wait3A_64 = arith.constant 0 : i32
      %dma_wait3A_65 = tpu.memref_slice %arg5[%arg0, %add3A_32, %dma_wait3A_64] : memref<2x10240x128xf32, #tpu.memory_space<hbm>> -> memref<1x80x128xf32, #tpu.memory_space<hbm>>
      %dma_wait3A_66 = tpu.memref_squeeze %dma_wait3A_65 : memref<1x80x128xf32, #tpu.memory_space<hbm>> -> memref<80x128xf32, #tpu.memory_space<hbm>>
      tpu.wait_dma2 semaphore(%run_scoped3A : memref<!tpu.dma_semaphore, #tpu.memory_space<semaphore_mem>>) src(%arg7 : memref<80x128xf32, #tpu.memory_space<vmem>>) dst(%dma_wait3A_66 : memref<80x128xf32, #tpu.memory_space<hbm>>)
      tpu.yield
    }) : () -> ()
    %add3A_33 = arith.constant 160 : i32
    %add3A_34 = arith.addi %mul3A_2, %add3A_33 : i32
    "tpu.region"() ({
      %run_scoped3A = tpu.sem_alloc : memref<!tpu.dma_semaphore, #tpu.memory_space<semaphore_mem>>
      %dma_start3A = arith.constant 0 : i32
      %dma_start3A_57 = tpu.memref_slice %arg8[%add3A_34, %dma_start3A] : memref<10240x128xf32, #tpu.memory_space<vmem_shared>> -> memref<80x128xf32, #tpu.memory_space<vmem_shared>>
      %dma_start3A_58 = arith.constant 0 : i32
      %dma_start3A_59 = tpu.memref_slice %arg8[%add3A_34, %dma_start3A_58] : memref<10240x128xf32, #tpu.memory_space<vmem_shared>> -> memref<80x128xf32, #tpu.memory_space<vmem_shared>>
      tpu.enqueue_dma source(%dma_start3A_59 : memref<80x128xf32, #tpu.memory_space<vmem_shared>>) target(%arg7 : memref<80x128xf32, #tpu.memory_space<vmem>>) target_semaphore(%run_scoped3A : memref<!tpu.dma_semaphore, #tpu.memory_space<semaphore_mem>>)
      %dma_wait3A = arith.constant 0 : i32
      %dma_wait3A_60 = tpu.memref_slice %arg8[%add3A_34, %dma_wait3A] : memref<10240x128xf32, #tpu.memory_space<vmem_shared>> -> memref<80x128xf32, #tpu.memory_space<vmem_shared>>
      %dma_wait3A_61 = arith.constant 0 : i32
      %dma_wait3A_62 = tpu.memref_slice %arg8[%add3A_34, %dma_wait3A_61] : memref<10240x128xf32, #tpu.memory_space<vmem_shared>> -> memref<80x128xf32, #tpu.memory_space<vmem_shared>>
      tpu.wait_dma2 semaphore(%run_scoped3A : memref<!tpu.dma_semaphore, #tpu.memory_space<semaphore_mem>>) src(%dma_wait3A_62 : memref<80x128xf32, #tpu.memory_space<vmem_shared>>) dst(%arg7 : memref<80x128xf32, #tpu.memory_space<vmem>>)
      tpu.yield
    }) : () -> ()
    %add3A_35 = arith.constant 160 : i32
    %add3A_36 = arith.addi %mul3A_2, %add3A_35 : i32
    "tpu.region"() ({
      %run_scoped3A = tpu.sem_alloc : memref<!tpu.dma_semaphore, #tpu.memory_space<semaphore_mem>>
      %dma_start3A = arith.constant 0 : i32
      %dma_start3A_57 = tpu.memref_slice %arg5[%arg0, %add3A_36, %dma_start3A] : memref<2x10240x128xf32, #tpu.memory_space<hbm>> -> memref<1x80x128xf32, #tpu.memory_space<hbm>>
      %dma_start3A_58 = tpu.memref_squeeze %dma_start3A_57 : memref<1x80x128xf32, #tpu.memory_space<hbm>> -> memref<80x128xf32, #tpu.memory_space<hbm>>
      %dma_start3A_59 = arith.constant 0 : i32
      %dma_start3A_60 = tpu.memref_slice %arg5[%arg0, %add3A_36, %dma_start3A_59] : memref<2x10240x128xf32, #tpu.memory_space<hbm>> -> memref<1x80x128xf32, #tpu.memory_space<hbm>>
      %dma_start3A_61 = tpu.memref_squeeze %dma_start3A_60 : memref<1x80x128xf32, #tpu.memory_space<hbm>> -> memref<80x128xf32, #tpu.memory_space<hbm>>
      tpu.enqueue_dma source(%arg7 : memref<80x128xf32, #tpu.memory_space<vmem>>) target(%dma_start3A_61 : memref<80x128xf32, #tpu.memory_space<hbm>>) target_semaphore(%run_scoped3A : memref<!tpu.dma_semaphore, #tpu.memory_space<semaphore_mem>>)
      %dma_wait3A = arith.constant 0 : i32
      %dma_wait3A_62 = tpu.memref_slice %arg5[%arg0, %add3A_36, %dma_wait3A] : memref<2x10240x128xf32, #tpu.memory_space<hbm>> -> memref<1x80x128xf32, #tpu.memory_space<hbm>>
      %dma_wait3A_63 = tpu.memref_squeeze %dma_wait3A_62 : memref<1x80x128xf32, #tpu.memory_space<hbm>> -> memref<80x128xf32, #tpu.memory_space<hbm>>
      %dma_wait3A_64 = arith.constant 0 : i32
      %dma_wait3A_65 = tpu.memref_slice %arg5[%arg0, %add3A_36, %dma_wait3A_64] : memref<2x10240x128xf32, #tpu.memory_space<hbm>> -> memref<1x80x128xf32, #tpu.memory_space<hbm>>
      %dma_wait3A_66 = tpu.memref_squeeze %dma_wait3A_65 : memref<1x80x128xf32, #tpu.memory_space<hbm>> -> memref<80x128xf32, #tpu.memory_space<hbm>>
      tpu.wait_dma2 semaphore(%run_scoped3A : memref<!tpu.dma_semaphore, #tpu.memory_space<semaphore_mem>>) src(%arg7 : memref<80x128xf32, #tpu.memory_space<vmem>>) dst(%dma_wait3A_66 : memref<80x128xf32, #tpu.memory_space<hbm>>)
      tpu.yield
    }) : () -> ()
    %add3A_37 = arith.constant 240 : i32
    %add3A_38 = arith.addi %mul3A_2, %add3A_37 : i32
    "tpu.region"() ({
      %run_scoped3A = tpu.sem_alloc : memref<!tpu.dma_semaphore, #tpu.memory_space<semaphore_mem>>
      %dma_start3A = arith.constant 0 : i32
      %dma_start3A_57 = tpu.memref_slice %arg8[%add3A_38, %dma_start3A] : memref<10240x128xf32, #tpu.memory_space<vmem_shared>> -> memref<80x128xf32, #tpu.memory_space<vmem_shared>>
      %dma_start3A_58 = arith.constant 0 : i32
      %dma_start3A_59 = tpu.memref_slice %arg8[%add3A_38, %dma_start3A_58] : memref<10240x128xf32, #tpu.memory_space<vmem_shared>> -> memref<80x128xf32, #tpu.memory_space<vmem_shared>>
      tpu.enqueue_dma source(%dma_start3A_59 : memref<80x128xf32, #tpu.memory_space<vmem_shared>>) target(%arg7 : memref<80x128xf32, #tpu.memory_space<vmem>>) target_semaphore(%run_scoped3A : memref<!tpu.dma_semaphore, #tpu.memory_space<semaphore_mem>>)
      %dma_wait3A = arith.constant 0 : i32
      %dma_wait3A_60 = tpu.memref_slice %arg8[%add3A_38, %dma_wait3A] : memref<10240x128xf32, #tpu.memory_space<vmem_shared>> -> memref<80x128xf32, #tpu.memory_space<vmem_shared>>
      %dma_wait3A_61 = arith.constant 0 : i32
      %dma_wait3A_62 = tpu.memref_slice %arg8[%add3A_38, %dma_wait3A_61] : memref<10240x128xf32, #tpu.memory_space<vmem_shared>> -> memref<80x128xf32, #tpu.memory_space<vmem_shared>>
      tpu.wait_dma2 semaphore(%run_scoped3A : memref<!tpu.dma_semaphore, #tpu.memory_space<semaphore_mem>>) src(%dma_wait3A_62 : memref<80x128xf32, #tpu.memory_space<vmem_shared>>) dst(%arg7 : memref<80x128xf32, #tpu.memory_space<vmem>>)
      tpu.yield
    }) : () -> ()
    %add3A_39 = arith.constant 240 : i32
    %add3A_40 = arith.addi %mul3A_2, %add3A_39 : i32
    "tpu.region"() ({
      %run_scoped3A = tpu.sem_alloc : memref<!tpu.dma_semaphore, #tpu.memory_space<semaphore_mem>>
      %dma_start3A = arith.constant 0 : i32
      %dma_start3A_57 = tpu.memref_slice %arg5[%arg0, %add3A_40, %dma_start3A] : memref<2x10240x128xf32, #tpu.memory_space<hbm>> -> memref<1x80x128xf32, #tpu.memory_space<hbm>>
      %dma_start3A_58 = tpu.memref_squeeze %dma_start3A_57 : memref<1x80x128xf32, #tpu.memory_space<hbm>> -> memref<80x128xf32, #tpu.memory_space<hbm>>
      %dma_start3A_59 = arith.constant 0 : i32
      %dma_start3A_60 = tpu.memref_slice %arg5[%arg0, %add3A_40, %dma_start3A_59] : memref<2x10240x128xf32, #tpu.memory_space<hbm>> -> memref<1x80x128xf32, #tpu.memory_space<hbm>>
      %dma_start3A_61 = tpu.memref_squeeze %dma_start3A_60 : memref<1x80x128xf32, #tpu.memory_space<hbm>> -> memref<80x128xf32, #tpu.memory_space<hbm>>
      tpu.enqueue_dma source(%arg7 : memref<80x128xf32, #tpu.memory_space<vmem>>) target(%dma_start3A_61 : memref<80x128xf32, #tpu.memory_space<hbm>>) target_semaphore(%run_scoped3A : memref<!tpu.dma_semaphore, #tpu.memory_space<semaphore_mem>>)
      %dma_wait3A = arith.constant 0 : i32
      %dma_wait3A_62 = tpu.memref_slice %arg5[%arg0, %add3A_40, %dma_wait3A] : memref<2x10240x128xf32, #tpu.memory_space<hbm>> -> memref<1x80x128xf32, #tpu.memory_space<hbm>>
      %dma_wait3A_63 = tpu.memref_squeeze %dma_wait3A_62 : memref<1x80x128xf32, #tpu.memory_space<hbm>> -> memref<80x128xf32, #tpu.memory_space<hbm>>
      %dma_wait3A_64 = arith.constant 0 : i32
      %dma_wait3A_65 = tpu.memref_slice %arg5[%arg0, %add3A_40, %dma_wait3A_64] : memref<2x10240x128xf32, #tpu.memory_space<hbm>> -> memref<1x80x128xf32, #tpu.memory_space<hbm>>
      %dma_wait3A_66 = tpu.memref_squeeze %dma_wait3A_65 : memref<1x80x128xf32, #tpu.memory_space<hbm>> -> memref<80x128xf32, #tpu.memory_space<hbm>>
      tpu.wait_dma2 semaphore(%run_scoped3A : memref<!tpu.dma_semaphore, #tpu.memory_space<semaphore_mem>>) src(%arg7 : memref<80x128xf32, #tpu.memory_space<vmem>>) dst(%dma_wait3A_66 : memref<80x128xf32, #tpu.memory_space<hbm>>)
      tpu.yield
    }) : () -> ()
    %add3A_41 = arith.constant 320 : i32
    %add3A_42 = arith.addi %mul3A_2, %add3A_41 : i32
    "tpu.region"() ({
      %run_scoped3A = tpu.sem_alloc : memref<!tpu.dma_semaphore, #tpu.memory_space<semaphore_mem>>
      %dma_start3A = arith.constant 0 : i32
      %dma_start3A_57 = tpu.memref_slice %arg8[%add3A_42, %dma_start3A] : memref<10240x128xf32, #tpu.memory_space<vmem_shared>> -> memref<80x128xf32, #tpu.memory_space<vmem_shared>>
      %dma_start3A_58 = arith.constant 0 : i32
      %dma_start3A_59 = tpu.memref_slice %arg8[%add3A_42, %dma_start3A_58] : memref<10240x128xf32, #tpu.memory_space<vmem_shared>> -> memref<80x128xf32, #tpu.memory_space<vmem_shared>>
      tpu.enqueue_dma source(%dma_start3A_59 : memref<80x128xf32, #tpu.memory_space<vmem_shared>>) target(%arg7 : memref<80x128xf32, #tpu.memory_space<vmem>>) target_semaphore(%run_scoped3A : memref<!tpu.dma_semaphore, #tpu.memory_space<semaphore_mem>>)
      %dma_wait3A = arith.constant 0 : i32
      %dma_wait3A_60 = tpu.memref_slice %arg8[%add3A_42, %dma_wait3A] : memref<10240x128xf32, #tpu.memory_space<vmem_shared>> -> memref<80x128xf32, #tpu.memory_space<vmem_shared>>
      %dma_wait3A_61 = arith.constant 0 : i32
      %dma_wait3A_62 = tpu.memref_slice %arg8[%add3A_42, %dma_wait3A_61] : memref<10240x128xf32, #tpu.memory_space<vmem_shared>> -> memref<80x128xf32, #tpu.memory_space<vmem_shared>>
      tpu.wait_dma2 semaphore(%run_scoped3A : memref<!tpu.dma_semaphore, #tpu.memory_space<semaphore_mem>>) src(%dma_wait3A_62 : memref<80x128xf32, #tpu.memory_space<vmem_shared>>) dst(%arg7 : memref<80x128xf32, #tpu.memory_space<vmem>>)
      tpu.yield
    }) : () -> ()
    %add3A_43 = arith.constant 320 : i32
    %add3A_44 = arith.addi %mul3A_2, %add3A_43 : i32
    "tpu.region"() ({
      %run_scoped3A = tpu.sem_alloc : memref<!tpu.dma_semaphore, #tpu.memory_space<semaphore_mem>>
      %dma_start3A = arith.constant 0 : i32
      %dma_start3A_57 = tpu.memref_slice %arg5[%arg0, %add3A_44, %dma_start3A] : memref<2x10240x128xf32, #tpu.memory_space<hbm>> -> memref<1x80x128xf32, #tpu.memory_space<hbm>>
      %dma_start3A_58 = tpu.memref_squeeze %dma_start3A_57 : memref<1x80x128xf32, #tpu.memory_space<hbm>> -> memref<80x128xf32, #tpu.memory_space<hbm>>
      %dma_start3A_59 = arith.constant 0 : i32
      %dma_start3A_60 = tpu.memref_slice %arg5[%arg0, %add3A_44, %dma_start3A_59] : memref<2x10240x128xf32, #tpu.memory_space<hbm>> -> memref<1x80x128xf32, #tpu.memory_space<hbm>>
      %dma_start3A_61 = tpu.memref_squeeze %dma_start3A_60 : memref<1x80x128xf32, #tpu.memory_space<hbm>> -> memref<80x128xf32, #tpu.memory_space<hbm>>
      tpu.enqueue_dma source(%arg7 : memref<80x128xf32, #tpu.memory_space<vmem>>) target(%dma_start3A_61 : memref<80x128xf32, #tpu.memory_space<hbm>>) target_semaphore(%run_scoped3A : memref<!tpu.dma_semaphore, #tpu.memory_space<semaphore_mem>>)
      %dma_wait3A = arith.constant 0 : i32
      %dma_wait3A_62 = tpu.memref_slice %arg5[%arg0, %add3A_44, %dma_wait3A] : memref<2x10240x128xf32, #tpu.memory_space<hbm>> -> memref<1x80x128xf32, #tpu.memory_space<hbm>>
      %dma_wait3A_63 = tpu.memref_squeeze %dma_wait3A_62 : memref<1x80x128xf32, #tpu.memory_space<hbm>> -> memref<80x128xf32, #tpu.memory_space<hbm>>
      %dma_wait3A_64 = arith.constant 0 : i32
      %dma_wait3A_65 = tpu.memref_slice %arg5[%arg0, %add3A_44, %dma_wait3A_64] : memref<2x10240x128xf32, #tpu.memory_space<hbm>> -> memref<1x80x128xf32, #tpu.memory_space<hbm>>
      %dma_wait3A_66 = tpu.memref_squeeze %dma_wait3A_65 : memref<1x80x128xf32, #tpu.memory_space<hbm>> -> memref<80x128xf32, #tpu.memory_space<hbm>>
      tpu.wait_dma2 semaphore(%run_scoped3A : memref<!tpu.dma_semaphore, #tpu.memory_space<semaphore_mem>>) src(%arg7 : memref<80x128xf32, #tpu.memory_space<vmem>>) dst(%dma_wait3A_66 : memref<80x128xf32, #tpu.memory_space<hbm>>)
      tpu.yield
    }) : () -> ()
    %add3A_45 = arith.constant 400 : i32
    %add3A_46 = arith.addi %mul3A_2, %add3A_45 : i32
    "tpu.region"() ({
      %run_scoped3A = tpu.sem_alloc : memref<!tpu.dma_semaphore, #tpu.memory_space<semaphore_mem>>
      %dma_start3A = arith.constant 0 : i32
      %dma_start3A_57 = tpu.memref_slice %arg8[%add3A_46, %dma_start3A] : memref<10240x128xf32, #tpu.memory_space<vmem_shared>> -> memref<80x128xf32, #tpu.memory_space<vmem_shared>>
      %dma_start3A_58 = arith.constant 0 : i32
      %dma_start3A_59 = tpu.memref_slice %arg8[%add3A_46, %dma_start3A_58] : memref<10240x128xf32, #tpu.memory_space<vmem_shared>> -> memref<80x128xf32, #tpu.memory_space<vmem_shared>>
      tpu.enqueue_dma source(%dma_start3A_59 : memref<80x128xf32, #tpu.memory_space<vmem_shared>>) target(%arg7 : memref<80x128xf32, #tpu.memory_space<vmem>>) target_semaphore(%run_scoped3A : memref<!tpu.dma_semaphore, #tpu.memory_space<semaphore_mem>>)
      %dma_wait3A = arith.constant 0 : i32
      %dma_wait3A_60 = tpu.memref_slice %arg8[%add3A_46, %dma_wait3A] : memref<10240x128xf32, #tpu.memory_space<vmem_shared>> -> memref<80x128xf32, #tpu.memory_space<vmem_shared>>
      %dma_wait3A_61 = arith.constant 0 : i32
      %dma_wait3A_62 = tpu.memref_slice %arg8[%add3A_46, %dma_wait3A_61] : memref<10240x128xf32, #tpu.memory_space<vmem_shared>> -> memref<80x128xf32, #tpu.memory_space<vmem_shared>>
      tpu.wait_dma2 semaphore(%run_scoped3A : memref<!tpu.dma_semaphore, #tpu.memory_space<semaphore_mem>>) src(%dma_wait3A_62 : memref<80x128xf32, #tpu.memory_space<vmem_shared>>) dst(%arg7 : memref<80x128xf32, #tpu.memory_space<vmem>>)
      tpu.yield
    }) : () -> ()
    %add3A_47 = arith.constant 400 : i32
    %add3A_48 = arith.addi %mul3A_2, %add3A_47 : i32
    "tpu.region"() ({
      %run_scoped3A = tpu.sem_alloc : memref<!tpu.dma_semaphore, #tpu.memory_space<semaphore_mem>>
      %dma_start3A = arith.constant 0 : i32
      %dma_start3A_57 = tpu.memref_slice %arg5[%arg0, %add3A_48, %dma_start3A] : memref<2x10240x128xf32, #tpu.memory_space<hbm>> -> memref<1x80x128xf32, #tpu.memory_space<hbm>>
      %dma_start3A_58 = tpu.memref_squeeze %dma_start3A_57 : memref<1x80x128xf32, #tpu.memory_space<hbm>> -> memref<80x128xf32, #tpu.memory_space<hbm>>
      %dma_start3A_59 = arith.constant 0 : i32
      %dma_start3A_60 = tpu.memref_slice %arg5[%arg0, %add3A_48, %dma_start3A_59] : memref<2x10240x128xf32, #tpu.memory_space<hbm>> -> memref<1x80x128xf32, #tpu.memory_space<hbm>>
      %dma_start3A_61 = tpu.memref_squeeze %dma_start3A_60 : memref<1x80x128xf32, #tpu.memory_space<hbm>> -> memref<80x128xf32, #tpu.memory_space<hbm>>
      tpu.enqueue_dma source(%arg7 : memref<80x128xf32, #tpu.memory_space<vmem>>) target(%dma_start3A_61 : memref<80x128xf32, #tpu.memory_space<hbm>>) target_semaphore(%run_scoped3A : memref<!tpu.dma_semaphore, #tpu.memory_space<semaphore_mem>>)
      %dma_wait3A = arith.constant 0 : i32
      %dma_wait3A_62 = tpu.memref_slice %arg5[%arg0, %add3A_48, %dma_wait3A] : memref<2x10240x128xf32, #tpu.memory_space<hbm>> -> memref<1x80x128xf32, #tpu.memory_space<hbm>>
      %dma_wait3A_63 = tpu.memref_squeeze %dma_wait3A_62 : memref<1x80x128xf32, #tpu.memory_space<hbm>> -> memref<80x128xf32, #tpu.memory_space<hbm>>
      %dma_wait3A_64 = arith.constant 0 : i32
      %dma_wait3A_65 = tpu.memref_slice %arg5[%arg0, %add3A_48, %dma_wait3A_64] : memref<2x10240x128xf32, #tpu.memory_space<hbm>> -> memref<1x80x128xf32, #tpu.memory_space<hbm>>
      %dma_wait3A_66 = tpu.memref_squeeze %dma_wait3A_65 : memref<1x80x128xf32, #tpu.memory_space<hbm>> -> memref<80x128xf32, #tpu.memory_space<hbm>>
      tpu.wait_dma2 semaphore(%run_scoped3A : memref<!tpu.dma_semaphore, #tpu.memory_space<semaphore_mem>>) src(%arg7 : memref<80x128xf32, #tpu.memory_space<vmem>>) dst(%dma_wait3A_66 : memref<80x128xf32, #tpu.memory_space<hbm>>)
      tpu.yield
    }) : () -> ()
    %add3A_49 = arith.constant 480 : i32
    %add3A_50 = arith.addi %mul3A_2, %add3A_49 : i32
    "tpu.region"() ({
      %run_scoped3A = tpu.sem_alloc : memref<!tpu.dma_semaphore, #tpu.memory_space<semaphore_mem>>
      %dma_start3A = arith.constant 0 : i32
      %dma_start3A_57 = tpu.memref_slice %arg8[%add3A_50, %dma_start3A] : memref<10240x128xf32, #tpu.memory_space<vmem_shared>> -> memref<80x128xf32, #tpu.memory_space<vmem_shared>>
      %dma_start3A_58 = arith.constant 0 : i32
      %dma_start3A_59 = tpu.memref_slice %arg8[%add3A_50, %dma_start3A_58] : memref<10240x128xf32, #tpu.memory_space<vmem_shared>> -> memref<80x128xf32, #tpu.memory_space<vmem_shared>>
      tpu.enqueue_dma source(%dma_start3A_59 : memref<80x128xf32, #tpu.memory_space<vmem_shared>>) target(%arg7 : memref<80x128xf32, #tpu.memory_space<vmem>>) target_semaphore(%run_scoped3A : memref<!tpu.dma_semaphore, #tpu.memory_space<semaphore_mem>>)
      %dma_wait3A = arith.constant 0 : i32
      %dma_wait3A_60 = tpu.memref_slice %arg8[%add3A_50, %dma_wait3A] : memref<10240x128xf32, #tpu.memory_space<vmem_shared>> -> memref<80x128xf32, #tpu.memory_space<vmem_shared>>
      %dma_wait3A_61 = arith.constant 0 : i32
      %dma_wait3A_62 = tpu.memref_slice %arg8[%add3A_50, %dma_wait3A_61] : memref<10240x128xf32, #tpu.memory_space<vmem_shared>> -> memref<80x128xf32, #tpu.memory_space<vmem_shared>>
      tpu.wait_dma2 semaphore(%run_scoped3A : memref<!tpu.dma_semaphore, #tpu.memory_space<semaphore_mem>>) src(%dma_wait3A_62 : memref<80x128xf32, #tpu.memory_space<vmem_shared>>) dst(%arg7 : memref<80x128xf32, #tpu.memory_space<vmem>>)
      tpu.yield
    }) : () -> ()
    %add3A_51 = arith.constant 480 : i32
    %add3A_52 = arith.addi %mul3A_2, %add3A_51 : i32
    "tpu.region"() ({
      %run_scoped3A = tpu.sem_alloc : memref<!tpu.dma_semaphore, #tpu.memory_space<semaphore_mem>>
      %dma_start3A = arith.constant 0 : i32
      %dma_start3A_57 = tpu.memref_slice %arg5[%arg0, %add3A_52, %dma_start3A] : memref<2x10240x128xf32, #tpu.memory_space<hbm>> -> memref<1x80x128xf32, #tpu.memory_space<hbm>>
      %dma_start3A_58 = tpu.memref_squeeze %dma_start3A_57 : memref<1x80x128xf32, #tpu.memory_space<hbm>> -> memref<80x128xf32, #tpu.memory_space<hbm>>
      %dma_start3A_59 = arith.constant 0 : i32
      %dma_start3A_60 = tpu.memref_slice %arg5[%arg0, %add3A_52, %dma_start3A_59] : memref<2x10240x128xf32, #tpu.memory_space<hbm>> -> memref<1x80x128xf32, #tpu.memory_space<hbm>>
      %dma_start3A_61 = tpu.memref_squeeze %dma_start3A_60 : memref<1x80x128xf32, #tpu.memory_space<hbm>> -> memref<80x128xf32, #tpu.memory_space<hbm>>
      tpu.enqueue_dma source(%arg7 : memref<80x128xf32, #tpu.memory_space<vmem>>) target(%dma_start3A_61 : memref<80x128xf32, #tpu.memory_space<hbm>>) target_semaphore(%run_scoped3A : memref<!tpu.dma_semaphore, #tpu.memory_space<semaphore_mem>>)
      %dma_wait3A = arith.constant 0 : i32
      %dma_wait3A_62 = tpu.memref_slice %arg5[%arg0, %add3A_52, %dma_wait3A] : memref<2x10240x128xf32, #tpu.memory_space<hbm>> -> memref<1x80x128xf32, #tpu.memory_space<hbm>>
      %dma_wait3A_63 = tpu.memref_squeeze %dma_wait3A_62 : memref<1x80x128xf32, #tpu.memory_space<hbm>> -> memref<80x128xf32, #tpu.memory_space<hbm>>
      %dma_wait3A_64 = arith.constant 0 : i32
      %dma_wait3A_65 = tpu.memref_slice %arg5[%arg0, %add3A_52, %dma_wait3A_64] : memref<2x10240x128xf32, #tpu.memory_space<hbm>> -> memref<1x80x128xf32, #tpu.memory_space<hbm>>
      %dma_wait3A_66 = tpu.memref_squeeze %dma_wait3A_65 : memref<1x80x128xf32, #tpu.memory_space<hbm>> -> memref<80x128xf32, #tpu.memory_space<hbm>>
      tpu.wait_dma2 semaphore(%run_scoped3A : memref<!tpu.dma_semaphore, #tpu.memory_space<semaphore_mem>>) src(%arg7 : memref<80x128xf32, #tpu.memory_space<vmem>>) dst(%dma_wait3A_66 : memref<80x128xf32, #tpu.memory_space<hbm>>)
      tpu.yield
    }) : () -> ()
    %add3A_53 = arith.constant 560 : i32
    %add3A_54 = arith.addi %mul3A_2, %add3A_53 : i32
    "tpu.region"() ({
      %run_scoped3A = tpu.sem_alloc : memref<!tpu.dma_semaphore, #tpu.memory_space<semaphore_mem>>
      %dma_start3A = arith.constant 0 : i32
      %dma_start3A_57 = tpu.memref_slice %arg8[%add3A_54, %dma_start3A] : memref<10240x128xf32, #tpu.memory_space<vmem_shared>> -> memref<80x128xf32, #tpu.memory_space<vmem_shared>>
      %dma_start3A_58 = arith.constant 0 : i32
      %dma_start3A_59 = tpu.memref_slice %arg8[%add3A_54, %dma_start3A_58] : memref<10240x128xf32, #tpu.memory_space<vmem_shared>> -> memref<80x128xf32, #tpu.memory_space<vmem_shared>>
      tpu.enqueue_dma source(%dma_start3A_59 : memref<80x128xf32, #tpu.memory_space<vmem_shared>>) target(%arg7 : memref<80x128xf32, #tpu.memory_space<vmem>>) target_semaphore(%run_scoped3A : memref<!tpu.dma_semaphore, #tpu.memory_space<semaphore_mem>>)
      %dma_wait3A = arith.constant 0 : i32
      %dma_wait3A_60 = tpu.memref_slice %arg8[%add3A_54, %dma_wait3A] : memref<10240x128xf32, #tpu.memory_space<vmem_shared>> -> memref<80x128xf32, #tpu.memory_space<vmem_shared>>
      %dma_wait3A_61 = arith.constant 0 : i32
      %dma_wait3A_62 = tpu.memref_slice %arg8[%add3A_54, %dma_wait3A_61] : memref<10240x128xf32, #tpu.memory_space<vmem_shared>> -> memref<80x128xf32, #tpu.memory_space<vmem_shared>>
      tpu.wait_dma2 semaphore(%run_scoped3A : memref<!tpu.dma_semaphore, #tpu.memory_space<semaphore_mem>>) src(%dma_wait3A_62 : memref<80x128xf32, #tpu.memory_space<vmem_shared>>) dst(%arg7 : memref<80x128xf32, #tpu.memory_space<vmem>>)
      tpu.yield
    }) : () -> ()
    %add3A_55 = arith.constant 560 : i32
    %add3A_56 = arith.addi %mul3A_2, %add3A_55 : i32
    "tpu.region"() ({
      %run_scoped3A = tpu.sem_alloc : memref<!tpu.dma_semaphore, #tpu.memory_space<semaphore_mem>>
      %dma_start3A = arith.constant 0 : i32
      %dma_start3A_57 = tpu.memref_slice %arg5[%arg0, %add3A_56, %dma_start3A] : memref<2x10240x128xf32, #tpu.memory_space<hbm>> -> memref<1x80x128xf32, #tpu.memory_space<hbm>>
      %dma_start3A_58 = tpu.memref_squeeze %dma_start3A_57 : memref<1x80x128xf32, #tpu.memory_space<hbm>> -> memref<80x128xf32, #tpu.memory_space<hbm>>
      %dma_start3A_59 = arith.constant 0 : i32
      %dma_start3A_60 = tpu.memref_slice %arg5[%arg0, %add3A_56, %dma_start3A_59] : memref<2x10240x128xf32, #tpu.memory_space<hbm>> -> memref<1x80x128xf32, #tpu.memory_space<hbm>>
      %dma_start3A_61 = tpu.memref_squeeze %dma_start3A_60 : memref<1x80x128xf32, #tpu.memory_space<hbm>> -> memref<80x128xf32, #tpu.memory_space<hbm>>
      tpu.enqueue_dma source(%arg7 : memref<80x128xf32, #tpu.memory_space<vmem>>) target(%dma_start3A_61 : memref<80x128xf32, #tpu.memory_space<hbm>>) target_semaphore(%run_scoped3A : memref<!tpu.dma_semaphore, #tpu.memory_space<semaphore_mem>>)
      %dma_wait3A = arith.constant 0 : i32
      %dma_wait3A_62 = tpu.memref_slice %arg5[%arg0, %add3A_56, %dma_wait3A] : memref<2x10240x128xf32, #tpu.memory_space<hbm>> -> memref<1x80x128xf32, #tpu.memory_space<hbm>>
      %dma_wait3A_63 = tpu.memref_squeeze %dma_wait3A_62 : memref<1x80x128xf32, #tpu.memory_space<hbm>> -> memref<80x128xf32, #tpu.memory_space<hbm>>
      %dma_wait3A_64 = arith.constant 0 : i32
      %dma_wait3A_65 = tpu.memref_slice %arg5[%arg0, %add3A_56, %dma_wait3A_64] : memref<2x10240x128xf32, #tpu.memory_space<hbm>> -> memref<1x80x128xf32, #tpu.memory_space<hbm>>
      %dma_wait3A_66 = tpu.memref_squeeze %dma_wait3A_65 : memref<1x80x128xf32, #tpu.memory_space<hbm>> -> memref<80x128xf32, #tpu.memory_space<hbm>>
      tpu.wait_dma2 semaphore(%run_scoped3A : memref<!tpu.dma_semaphore, #tpu.memory_space<semaphore_mem>>) src(%arg7 : memref<80x128xf32, #tpu.memory_space<vmem>>) dst(%dma_wait3A_66 : memref<80x128xf32, #tpu.memory_space<hbm>>)
      tpu.yield
    }) : () -> ()
    return
  }
}

module attributes {stable_mosaic.version = 14 : i64} {
  func.func @body(%arg0: i32, %arg1: memref<2x400x128xf32, #tpu.memory_space<vmem>>, %arg2: memref<2x400x128xf32, #tpu.memory_space<vmem>>, %arg3: memref<400x128xf32, #tpu.memory_space<vmem>>, %arg4: memref<128x128xf32, #tpu.memory_space<vmem>>, %arg5: memref<128x128xf32, #tpu.memory_space<vmem>>, %arg6: memref<1x128xf32, #tpu.memory_space<vmem>>, %arg7: memref<400x128xf32, #tpu.memory_space<vmem>>) attributes {dimension_semantics = [#tpu.dimension_semantics<arbitrary>], iteration_bounds = array<i64: 25>, scalar_prefetch = 0 : i64, scratch_operands = 0 : i64, tpu.core_type = #tpu.core_type<tc>, window_params = [{transform_indices = @transform_0, window_bounds = array<i64: 2, 400, 128>}, {transform_indices = @transform_1, window_bounds = array<i64: 2, 400, 128>}, {transform_indices = @transform_2, window_bounds = array<i64: 400, 128>}, {pipeline_mode = #tpu.pipeline_mode<synchronous>, transform_indices = @transform_3, window_bounds = array<i64: 128, 128>}, {pipeline_mode = #tpu.pipeline_mode<synchronous>, transform_indices = @transform_4, window_bounds = array<i64: 128, 128>}, {pipeline_mode = #tpu.pipeline_mode<synchronous>, transform_indices = @transform_5, window_bounds = array<i64: 1, 128>}, {transform_indices = @transform_6, window_bounds = array<i64: 400, 128>}]} {
    %get3A = arith.constant 0 : index
    %get3A_0 = arith.constant 0 : index
    %get3A_1 = arith.constant 0 : index
    %get3A_2 = vector.load %arg1[%get3A, %get3A_0, %get3A_1] : memref<2x400x128xf32, #tpu.memory_space<vmem>>, vector<1x400x128xf32>
    %get3A_3 = vector.shape_cast %get3A_2 : vector<1x400x128xf32> to vector<400x128xf32>
    %get3A_4 = arith.constant 1 : index
    %get3A_5 = arith.constant 0 : index
    %get3A_6 = arith.constant 0 : index
    %get3A_7 = vector.load %arg1[%get3A_4, %get3A_5, %get3A_6] : memref<2x400x128xf32, #tpu.memory_space<vmem>>, vector<1x400x128xf32>
    %get3A_8 = vector.shape_cast %get3A_7 : vector<1x400x128xf32> to vector<400x128xf32>
    %add3A = arith.addf %get3A_3, %get3A_8 : vector<400x128xf32>
    %get3A_9 = arith.constant 0 : index
    %get3A_10 = arith.constant 0 : index
    %get3A_11 = arith.constant 0 : index
    %get3A_12 = vector.load %arg2[%get3A_9, %get3A_10, %get3A_11] : memref<2x400x128xf32, #tpu.memory_space<vmem>>, vector<1x400x1xf32>
    %get3A_13 = vector.shape_cast %get3A_12 : vector<1x400x1xf32> to vector<400x1xf32>
    %get3A_14 = arith.constant 1 : index
    %get3A_15 = arith.constant 0 : index
    %get3A_16 = arith.constant 0 : index
    %get3A_17 = vector.load %arg2[%get3A_14, %get3A_15, %get3A_16] : memref<2x400x128xf32, #tpu.memory_space<vmem>>, vector<1x400x1xf32>
    %get3A_18 = vector.shape_cast %get3A_17 : vector<1x400x1xf32> to vector<400x1xf32>
    %add3A_19 = arith.addf %get3A_13, %get3A_18 : vector<400x1xf32>
    %max3A = arith.constant 1.000000e+00 : f32
    %max3A_20 = vector.broadcast %max3A : f32 to vector<400x1xf32>
    %max3A_21 = arith.maximumf %add3A_19, %max3A_20 : vector<400x1xf32>
    %div3A = arith.constant 1.000000e+00 : f32
    %div3A_22 = vector.broadcast %div3A : f32 to vector<400x1xf32>
    %div3A_23 = arith.divf %div3A_22, %max3A_21 : vector<400x1xf32>
    %mul3A = vector.broadcast %div3A_23 : vector<400x1xf32> to vector<400x128xf32>
    %mul3A_24 = arith.mulf %add3A, %mul3A : vector<400x128xf32>
    %get3A_25 = arith.constant 0 : index
    %get3A_26 = arith.constant 0 : index
    %get3A_27 = vector.load %arg4[%get3A_25, %get3A_26] : memref<128x128xf32, #tpu.memory_space<vmem>>, vector<128x128xf32>
    %dot_general3A = arith.constant dense<0.000000e+00> : vector<400x128xf32>
    %dot_general3A_28 = tpu.matmul %mul3A_24, %get3A_27, %dot_general3A {dimension_numbers = #tpu.dot_dimension_numbers<[1], [0], [0], [1], [0, 0, 1, 1], [], []>, transpose_lhs_hint = false} : vector<400x128xf32>, vector<128x128xf32>, vector<400x128xf32> -> vector<400x128xf32>
    %get3A_29 = arith.constant 0 : index
    %get3A_30 = arith.constant 0 : index
    %get3A_31 = vector.load %arg3[%get3A_29, %get3A_30] : memref<400x128xf32, #tpu.memory_space<vmem>>, vector<400x128xf32>
    %get3A_32 = arith.constant 0 : index
    %get3A_33 = arith.constant 0 : index
    %get3A_34 = vector.load %arg5[%get3A_32, %get3A_33] : memref<128x128xf32, #tpu.memory_space<vmem>>, vector<128x128xf32>
    %dot_general3A_35 = arith.constant dense<0.000000e+00> : vector<400x128xf32>
    %dot_general3A_36 = tpu.matmul %get3A_31, %get3A_34, %dot_general3A_35 {dimension_numbers = #tpu.dot_dimension_numbers<[1], [0], [0], [1], [0, 0, 1, 1], [], []>, transpose_lhs_hint = false} : vector<400x128xf32>, vector<128x128xf32>, vector<400x128xf32> -> vector<400x128xf32>
    %add3A_37 = arith.addf %dot_general3A_28, %dot_general3A_36 : vector<400x128xf32>
    %get3A_38 = arith.constant 0 : index
    %get3A_39 = arith.constant 0 : index
    %get3A_40 = vector.load %arg6[%get3A_38, %get3A_39] : memref<1x128xf32, #tpu.memory_space<vmem>>, vector<1x128xf32>
    %add3A_41 = vector.broadcast %get3A_40 : vector<1x128xf32> to vector<400x128xf32>
    %add3A_42 = arith.addf %add3A_37, %add3A_41 : vector<400x128xf32>
    %max3A_43 = arith.constant 0.000000e+00 : f32
    %max3A_44 = vector.broadcast %max3A_43 : f32 to vector<400x128xf32>
    %max3A_45 = arith.maximumf %add3A_42, %max3A_44 : vector<400x128xf32>
    %swap3A = arith.constant 0 : index
    %swap3A_46 = arith.constant 0 : index
    %swap3A_47 = vector.load %arg7[%swap3A, %swap3A_46] : memref<400x128xf32, #tpu.memory_space<vmem>>, vector<400x128xf32>
    tpu.vector_store %arg7[%swap3A, %swap3A_46], %max3A_45 {strides = array<i32>} : memref<400x128xf32, #tpu.memory_space<vmem>>, vector<400x128xf32>,
    return
  }
  func.func @transform_0(%arg0: i32) -> (i32, i32, i32) {
    %c0_i32 = arith.constant 0 : i32
    %c0_i32_0 = arith.constant 0 : i32
    %c0_i32_1 = arith.constant 0 : i32
    return %c0_i32, %arg0, %c0_i32_0 : i32, i32, i32
  }
  func.func @transform_1(%arg0: i32) -> (i32, i32, i32) {
    %c0_i32 = arith.constant 0 : i32
    %c0_i32_0 = arith.constant 0 : i32
    %c0_i32_1 = arith.constant 0 : i32
    return %c0_i32, %arg0, %c0_i32_0 : i32, i32, i32
  }
  func.func @transform_2(%arg0: i32) -> (i32, i32) {
    %c0_i32 = arith.constant 0 : i32
    %c0_i32_0 = arith.constant 0 : i32
    return %arg0, %c0_i32 : i32, i32
  }
  func.func @transform_3(%arg0: i32) -> (i32, i32) {
    %c0_i32 = arith.constant 0 : i32
    %c0_i32_0 = arith.constant 0 : i32
    %c0_i32_1 = arith.constant 0 : i32
    return %c0_i32, %c0_i32_0 : i32, i32
  }
  func.func @transform_4(%arg0: i32) -> (i32, i32) {
    %c0_i32 = arith.constant 0 : i32
    %c0_i32_0 = arith.constant 0 : i32
    %c0_i32_1 = arith.constant 0 : i32
    return %c0_i32, %c0_i32_0 : i32, i32
  }
  func.func @transform_5(%arg0: i32) -> (i32, i32) {
    %c0_i32 = arith.constant 0 : i32
    %c0_i32_0 = arith.constant 0 : i32
    %c0_i32_1 = arith.constant 0 : i32
    return %c0_i32, %c0_i32_0 : i32, i32
  }
  func.func @transform_6(%arg0: i32) -> (i32, i32) {
    %c0_i32 = arith.constant 0 : i32
    %c0_i32_0 = arith.constant 0 : i32
    return %arg0, %c0_i32 : i32, i32
  }
}

module attributes {stable_mosaic.version = 14 : i64} {
  func.func @body(%arg0: i32, %arg1: memref<2x400x128xf32, #tpu.memory_space<vmem>>, %arg2: memref<2x400x128xf32, #tpu.memory_space<vmem>>, %arg3: memref<400x128xf32, #tpu.memory_space<vmem>>, %arg4: memref<128x128xf32, #tpu.memory_space<vmem>>, %arg5: memref<128x128xf32, #tpu.memory_space<vmem>>, %arg6: memref<1x128xf32, #tpu.memory_space<vmem>>, %arg7: memref<400x128xf32, #tpu.memory_space<vmem>>) attributes {dimension_semantics = [#tpu.dimension_semantics<arbitrary>], iteration_bounds = array<i64: 25>, scalar_prefetch = 0 : i64, scratch_operands = 0 : i64, tpu.core_type = #tpu.core_type<tc>, window_params = [{transform_indices = @transform_0, window_bounds = array<i64: 2, 400, 128>}, {transform_indices = @transform_1, window_bounds = array<i64: 2, 400, 128>}, {transform_indices = @transform_2, window_bounds = array<i64: 400, 128>}, {pipeline_mode = #tpu.pipeline_mode<synchronous>, transform_indices = @transform_3, window_bounds = array<i64: 128, 128>}, {pipeline_mode = #tpu.pipeline_mode<synchronous>, transform_indices = @transform_4, window_bounds = array<i64: 128, 128>}, {pipeline_mode = #tpu.pipeline_mode<synchronous>, transform_indices = @transform_5, window_bounds = array<i64: 1, 128>}, {transform_indices = @transform_6, window_bounds = array<i64: 400, 128>}]} {
    %get3A = arith.constant 0 : index
    %get3A_0 = arith.constant 0 : index
    %get3A_1 = arith.constant 0 : index
    %get3A_2 = vector.load %arg1[%get3A, %get3A_0, %get3A_1] : memref<2x400x128xf32, #tpu.memory_space<vmem>>, vector<1x400x128xf32>
    %get3A_3 = vector.shape_cast %get3A_2 : vector<1x400x128xf32> to vector<400x128xf32>
    %get3A_4 = arith.constant 1 : index
    %get3A_5 = arith.constant 0 : index
    %get3A_6 = arith.constant 0 : index
    %get3A_7 = vector.load %arg1[%get3A_4, %get3A_5, %get3A_6] : memref<2x400x128xf32, #tpu.memory_space<vmem>>, vector<1x400x128xf32>
    %get3A_8 = vector.shape_cast %get3A_7 : vector<1x400x128xf32> to vector<400x128xf32>
    %add3A = arith.addf %get3A_3, %get3A_8 : vector<400x128xf32>
    %get3A_9 = arith.constant 0 : index
    %get3A_10 = arith.constant 0 : index
    %get3A_11 = arith.constant 0 : index
    %get3A_12 = vector.load %arg2[%get3A_9, %get3A_10, %get3A_11] : memref<2x400x128xf32, #tpu.memory_space<vmem>>, vector<1x400x1xf32>
    %get3A_13 = vector.shape_cast %get3A_12 : vector<1x400x1xf32> to vector<400x1xf32>
    %get3A_14 = arith.constant 1 : index
    %get3A_15 = arith.constant 0 : index
    %get3A_16 = arith.constant 0 : index
    %get3A_17 = vector.load %arg2[%get3A_14, %get3A_15, %get3A_16] : memref<2x400x128xf32, #tpu.memory_space<vmem>>, vector<1x400x1xf32>
    %get3A_18 = vector.shape_cast %get3A_17 : vector<1x400x1xf32> to vector<400x1xf32>
    %add3A_19 = arith.addf %get3A_13, %get3A_18 : vector<400x1xf32>
    %max3A = arith.constant 1.000000e+00 : f32
    %max3A_20 = vector.broadcast %max3A : f32 to vector<400x1xf32>
    %max3A_21 = arith.maximumf %add3A_19, %max3A_20 : vector<400x1xf32>
    %div3A = arith.constant 1.000000e+00 : f32
    %div3A_22 = vector.broadcast %div3A : f32 to vector<400x1xf32>
    %div3A_23 = arith.divf %div3A_22, %max3A_21 : vector<400x1xf32>
    %mul3A = vector.broadcast %div3A_23 : vector<400x1xf32> to vector<400x128xf32>
    %mul3A_24 = arith.mulf %add3A, %mul3A : vector<400x128xf32>
    %get3A_25 = arith.constant 0 : index
    %get3A_26 = arith.constant 0 : index
    %get3A_27 = vector.load %arg4[%get3A_25, %get3A_26] : memref<128x128xf32, #tpu.memory_space<vmem>>, vector<128x128xf32>
    %dot_general3A = arith.constant dense<0.000000e+00> : vector<400x128xf32>
    %dot_general3A_28 = tpu.matmul %mul3A_24, %get3A_27, %dot_general3A {dimension_numbers = #tpu.dot_dimension_numbers<[1], [0], [0], [1], [0, 0, 1, 1], [], []>, transpose_lhs_hint = false} : vector<400x128xf32>, vector<128x128xf32>, vector<400x128xf32> -> vector<400x128xf32>
    %get3A_29 = arith.constant 0 : index
    %get3A_30 = arith.constant 0 : index
    %get3A_31 = vector.load %arg3[%get3A_29, %get3A_30] : memref<400x128xf32, #tpu.memory_space<vmem>>, vector<400x128xf32>
    %get3A_32 = arith.constant 0 : index
    %get3A_33 = arith.constant 0 : index
    %get3A_34 = vector.load %arg5[%get3A_32, %get3A_33] : memref<128x128xf32, #tpu.memory_space<vmem>>, vector<128x128xf32>
    %dot_general3A_35 = arith.constant dense<0.000000e+00> : vector<400x128xf32>
    %dot_general3A_36 = tpu.matmul %get3A_31, %get3A_34, %dot_general3A_35 {dimension_numbers = #tpu.dot_dimension_numbers<[1], [0], [0], [1], [0, 0, 1, 1], [], []>, transpose_lhs_hint = false} : vector<400x128xf32>, vector<128x128xf32>, vector<400x128xf32> -> vector<400x128xf32>
    %add3A_37 = arith.addf %dot_general3A_28, %dot_general3A_36 : vector<400x128xf32>
    %get3A_38 = arith.constant 0 : index
    %get3A_39 = arith.constant 0 : index
    %get3A_40 = vector.load %arg6[%get3A_38, %get3A_39] : memref<1x128xf32, #tpu.memory_space<vmem>>, vector<1x128xf32>
    %add3A_41 = vector.broadcast %get3A_40 : vector<1x128xf32> to vector<400x128xf32>
    %add3A_42 = arith.addf %add3A_37, %add3A_41 : vector<400x128xf32>
    %swap3A = arith.constant 0 : index
    %swap3A_43 = arith.constant 0 : index
    %swap3A_44 = vector.load %arg7[%swap3A, %swap3A_43] : memref<400x128xf32, #tpu.memory_space<vmem>>, vector<400x128xf32>
    tpu.vector_store %arg7[%swap3A, %swap3A_43], %add3A_42 {strides = array<i32>} : memref<400x128xf32, #tpu.memory_space<vmem>>, vector<400x128xf32>,
    return
  }
  func.func @transform_0(%arg0: i32) -> (i32, i32, i32) {
    %c0_i32 = arith.constant 0 : i32
    %c0_i32_0 = arith.constant 0 : i32
    %c0_i32_1 = arith.constant 0 : i32
    return %c0_i32, %arg0, %c0_i32_0 : i32, i32, i32
  }
  func.func @transform_1(%arg0: i32) -> (i32, i32, i32) {
    %c0_i32 = arith.constant 0 : i32
    %c0_i32_0 = arith.constant 0 : i32
    %c0_i32_1 = arith.constant 0 : i32
    return %c0_i32, %arg0, %c0_i32_0 : i32, i32, i32
  }
  func.func @transform_2(%arg0: i32) -> (i32, i32) {
    %c0_i32 = arith.constant 0 : i32
    %c0_i32_0 = arith.constant 0 : i32
    return %arg0, %c0_i32 : i32, i32
  }
  func.func @transform_3(%arg0: i32) -> (i32, i32) {
    %c0_i32 = arith.constant 0 : i32
    %c0_i32_0 = arith.constant 0 : i32
    %c0_i32_1 = arith.constant 0 : i32
    return %c0_i32, %c0_i32_0 : i32, i32
  }
  func.func @transform_4(%arg0: i32) -> (i32, i32) {
    %c0_i32 = arith.constant 0 : i32
    %c0_i32_0 = arith.constant 0 : i32
    %c0_i32_1 = arith.constant 0 : i32
    return %c0_i32, %c0_i32_0 : i32, i32
  }
  func.func @transform_5(%arg0: i32) -> (i32, i32) {
    %c0_i32 = arith.constant 0 : i32
    %c0_i32_0 = arith.constant 0 : i32
    %c0_i32_1 = arith.constant 0 : i32
    return %c0_i32, %c0_i32_0 : i32, i32
  }
  func.func @transform_6(%arg0: i32) -> (i32, i32) {
    %c0_i32 = arith.constant 0 : i32
    %c0_i32_0 = arith.constant 0 : i32
    return %arg0, %c0_i32 : i32, i32
  }
}

</mosaic_0001>

<sc_bundles>
// kernel: kernel.10.cloned.1.call-start
scs
__scs_entry_jumppad:
0x0: {  	(pc) =	sbr.rel $0x88, $3  }
0x1: {  	(tag) =	ssettag $0x0;
	lr =	simm.s32 $0x1  }
0x2: {  	[smem:$0x3F99] =	sst lr;
	_ =	strace $0xD0000000  }
0x3: {  	_ = 	snop  }
0x4: {  	_ = 	snop  }
0x5: {  	_ = 	snop  }
0x6: {  	_ = 	snop  }
0x7: {  	_ = 	snop  }
__scs_overlays_trampoline_lowered:
0x8: {  	[smem:$0x3FA8] =	sst s0  }
0x9: {  	[smem:$0x3FA9] =	sst s1  }
0xa: {  	[smem:$0x3FAA] =	sst s2  }
0xb: {  	[smem:$0x3FAB] =	sst s3  }
0xc: {  	[smem:$0x3FAC] =	sst s4  }
0xd: {  	[smem:$0x3FAD] =	sst s5  }
0xe: {  	[smem:$0x3FAE] =	sst s6  }
0xf: {  	[smem:$0x3FAF] =	sst s7  }
0x10: {  	[smem:$0x3FB0] =	sst s8  }
0x11: {  	[smem:$0x3FB1] =	sst s9;
	s0 =	simm.s32 @!p0 $0x0  }
0x12: {  	s1 =	sld [smem:$0x3F97];
	s0 =	simm.s32 @p0 $0x1  }
0x13: {  	[smem:$0x3FB2] =	sst s0;
	s0 =	simm.s32 @!p1 $0x0  }
0x14: {  	s2 =	sld [smem:$0x3F96];
	s0 =	simm.s32 @p1 $0x1  }
0x15: {  	[smem:$0x3FB3] =	sst s0;
	s0 =	simm.s32 @!p2 $0x0  }
0x16: {  	s3 =	sld [smem:$0x3FDB];
	s0 =	simm.s32 @p2 $0x1  }
0x17: {  	s4 =	simm.s32 $0x1BF5;
	[smem:$0x3FB5] =	sst s0  }
0x18: {  	s0 =	sld [smem:$0x3F98];
	_ =	swait.ge [sflag:s4], $0x0  }
0x19: {  	s7 =	sld [smem:$0x3F99]  }
0x1a: {  	s8 =	sadd.s32 $0xFFFFE003, lr  }
0x1b: {  	s9 =	sadd.s32 $0xFFFFFEF7, lr;
	s5 =	simm.s32 $0xFFFFFFFF;
	p2 =	slt.u32 s8, $0xFFFFF086  }
0x1c: {  	p1 =	slt.u32 s9, $0xF7A;
	s5 =	simm.s32 @!p2 $0x0  }
0x1d: {  	s5 =	simm.s32 @p1 $0x1;
	p0 =	seq.s32 s7, s2  }
0x1e: {  	s7 =	smul.u32 @!p0 $0xF7A, s2;
	p2 =	seq.s32 @!p0 s5, $0x0  }
0x1f: {  	s9 =	smul.u32 $0xF7A, s1;
	s8 =	simm.s32 @!p0 $0x1BF5;
	p2 =	por !p2, p0  }
0x20: {  	[sflag:s8] =	ssyncset.s32 @!p0 $0xFFFFF086;
	s6 =	sadd.s32 @!p0 s3, s7;
	s7 =	simm.s32 @!p0 $0x108  }
0x21: {  	s3 =	sadd.s32 s3, s9;
	s6 =	sadd.s32 @!p0 $0x88, s6;
	s7 =	simm.s32 @p2 $0x1082  }
0x22: {  	[simem:s7], [sflag:s8] =	dma.local @!p0 [hbm:s6], $0xF7A  }
0x23: {  	s9 =	sor.u32 $0xD0000000, s2;
	s6 =	simm.s32 $0x108;
	_ =	swait.ge @!p0 [sflag:s8], $0x0  }
0x24: {  	s3 =	sadd.s32 $0x88, s3;
	s6 =	simm.s32 @!p1 $0x1082;
	[sflag:s4] =	ssyncset.s32 $0xFFFFF086  }
0x25: {  	[simem:s6], [sflag:s4] =	dma.local [hbm:s3], $0xF7A  }
0x26: {  	[smem:$0x3F99] =	sst s1;
	(tag) =	ssettag s2;
	_ =	strace s9  }
0x27: {  	s1 =	sld [smem:$0x3FA9]  }
0x28: {  	s2 =	sld [smem:$0x3FAA]  }
0x29: {  	s4 =	sld [smem:$0x3FAC]  }
0x2a: {  	p0 =	seq.s32 s5, $0x0;
	s5 =	sld [smem:$0x3FAD]  }
0x2b: {  	s6 =	sld [smem:$0x3FAE]  }
0x2c: {  	s7 =	sld [smem:$0x3FAF]  }
0x2d: {  	s3 =	simm.s32 $0x108;
	s8 =	sld [smem:$0x3FB0]  }
0x2e: {  	s3 =	simm.s32 @!p0 $0x1082;
	s9 =	sld [smem:$0x3FB1]  }
0x2f: {  	lr =	sadd.s32 s0, s3;
	s0 =	sld [smem:$0x3FA8]  }
0x30: {  	s3 =	sld [smem:$0x3FAB]  }
0x31: {  	[smem:$0x3FB4] =	sst s10  }
0x32: {  	s10 =	sld [smem:$0x3FB2];
	_ =	sdelay $0x3  }
0x33: {  	p0 =	seq.s32 s10, $0x1;
	s10 =	sld [smem:$0x3FB4];
	_ =	sdelay $0x3  }
0x34: {  	[smem:$0x3FB4] =	sst s10  }
0x35: {  	s10 =	sld [smem:$0x3FB3];
	_ =	sdelay $0x3  }
0x36: {  	p1 =	seq.s32 s10, $0x1;
	s10 =	sld [smem:$0x3FB4];
	_ =	sdelay $0x3  }
0x37: {  	[smem:$0x3FB4] =	sst s10  }
0x38: {  	s10 =	sld [smem:$0x3FB5]  }
0x39: {  	_ = 	snop;
	(pc) =	sbr.ind lr, $3  }
0x3a: {  	_ = 	snop  }
0x3b: {  	_ = 	snop  }
0x3c: {  	p2 =	seq.s32 s10, $0x1;
	s10 =	sld [smem:$0x3FB4]  }
0x3d: {  	_ =	shalt  }
0x3e: {  	_ =	shalt  }
0x3f: {  	_ =	shalt  }
0x40: {  	_ =	shalt  }
0x41: {  	_ =	shalt  }
0x42: {  	_ =	shalt  }
0x43: {  	_ =	shalt  }
0x44: {  	_ =	shalt  }
0x45: {  	_ =	shalt  }
0x46: {  	_ =	shalt  }
0x47: {  	_ =	shalt  }
0x48: {  	_ =	shalt  }
0x49: {  	_ =	shalt  }
0x4a: {  	_ =	shalt  }
0x4b: {  	_ =	shalt  }
0x4c: {  	_ =	shalt  }
0x4d: {  	_ =	shalt  }
0x4e: {  	_ =	shalt  }
0x4f: {  	_ =	shalt  }
0x50: {  	_ =	shalt  }
0x51: {  	_ =	shalt  }
0x52: {  	_ =	shalt  }
0x53: {  	_ =	shalt  }
0x54: {  	_ =	shalt  }
0x55: {  	_ =	shalt  }
0x56: {  	_ =	shalt  }
0x57: {  	_ =	shalt  }
0x58: {  	_ =	shalt  }
0x59: {  	_ =	shalt  }
0x5a: {  	_ =	shalt  }
0x5b: {  	_ =	shalt  }
0x5c: {  	_ =	shalt  }
0x5d: {  	_ =	shalt  }
0x5e: {  	_ =	shalt  }
0x5f: {  	_ =	shalt  }
0x60: {  	_ =	shalt  }
0x61: {  	_ =	shalt  }
0x62: {  	_ =	shalt  }
0x63: {  	_ =	shalt  }
0x64: {  	_ =	shalt  }
0x65: {  	_ =	shalt  }
0x66: {  	_ =	shalt  }
0x67: {  	_ =	shalt  }
0x68: {  	_ =	shalt  }
0x69: {  	_ =	shalt  }
0x6a: {  	_ =	shalt  }
0x6b: {  	_ =	shalt  }
0x6c: {  	_ =	shalt  }
0x6d: {  	_ =	shalt  }
0x6e: {  	_ =	shalt  }
0x6f: {  	_ =	shalt  }
0x70: {  	_ =	shalt  }
0x71: {  	_ =	shalt  }
0x72: {  	_ =	shalt  }
0x73: {  	_ =	shalt  }
0x74: {  	_ =	shalt  }
0x75: {  	_ =	shalt  }
0x76: {  	_ =	shalt  }
0x77: {  	_ =	shalt  }
0x78: {  	_ =	shalt  }
0x79: {  	_ =	shalt  }
0x7a: {  	_ =	shalt  }
0x7b: {  	_ =	shalt  }
0x7c: {  	_ =	shalt  }
0x7d: {  	_ =	shalt  }
0x7e: {  	_ =	shalt  }
0x7f: {  	_ =	shalt  }
0x80: {  	_ =	shalt  }
0x81: {  	_ =	shalt  }
0x82: {  	_ =	shalt  }
0x83: {  	_ =	shalt  }
0x84: {  	_ =	shalt  }
0x85: {  	_ =	shalt  }
0x86: {  	_ =	shalt  }
0x87: {  	_ =	shalt  }
.Lfunc_end0:
.L_simem_size_0:
called_computation.1_lowered:
.L_overlay_start_0:
0x88: {  	s2 =	sld [smem:$0x3FD9]  }
0x89: {  	s3 =	sld [smem:$0x3FFE];
	_ =	sdelay $0x1  }
0x8a: {  	s1 =	srdreg.scid  }
0x8b: {  	s0 =	sand.u32 $0x1, s1  }
0x8c: {  	s17 =	sshll.u32 s0, $0xA;
	s2 =	sadd.s32 s3, s2  }
0x8d: {  	s2 =	sadd.s32 s2, s17  }
0x8e: {  	[smem:$0x3FC0] =	sst s2  }
0x8f: {  	_ = 	snop  }
0x90: {  	s18 =	sld [smem:$0x3FD0];
	(tm) =	ssettm $0x1  }
0x91: {  	s19 =	sld [smem:$0x3FFB];
	_ =	sdelay $0x3  }
0x92: {  	_ =	strace s19  }
0x93: {  	s2 =	sld [smem:$0x3FFC];
	_ =	sdelay $0x3  }
0x94: {  	_ =	strace s2  }
0x95: {  	s2 =	sld [smem:$0x3FFD];
	_ =	sdelay $0x3  }
0x96: {  	_ =	strace s2  }
0x97: {  	_ =	strace $0x8FFFFFFF  }
0x98: {  	s20 =	sld [smem:$0x3FDB];
	_ =	sdelay $0x1  }
0x99: {  	s4 =	simm.s32 $_scs_section_size  }
0x9a: {  	s5 =	simm.s32 $_size__tile_overlayer_lowered;
	s6 =	simm.s32 $_tile_overlayer_lowered  }
0x9b: {  	s7 =	simm.s32 $0x1BFF;
	s21 =	sshll.u32 s6, $0x1;
	s4 =	sadd.s32 s4, s20  }
0x9c: {  	s22 =	simm.s32 $0x0;
	s5 =	sshll.u32 s5, $0x1;
	s6 =	sadd.s32 s21, s4  }
0x9d: {  	[timem:s22], [sflag:s7] =	dma.local [hbm:s6], s5  }
0x9e: {  	_ =	swait.ge [sflag:s7], s5  }
0x9f: {  	s5 =	ssub.s32 $0x0, s5;
	[sflag:s7] =	ssyncset.done $0x0  }
0xa0: {  	[sflag:s7] =	ssyncadd.s32 s5;
	_ =	sdelay $0x1  }
0xa1: {  	s23 =	simm.s32 $0x1B8B  }
0xa2: {  	_ =	swait.ge [sflag:s23], $0x1  }
0xa3: {  	[sflag:s23] =	ssyncset.done $0x0  }
0xa4: {  	[sflag:s23] =	ssyncadd.s32 $0xFFFFFFFF  }
0xa5: {  	s5 =	sld [smem:$0x0]  }
0xa6: {  	s6 =	sand.u32 $0xFFFFFFFE, s1  }
0xa7: {  	p0 =	sne.s32 s1, s6  }
0xa8: {  	s6 =	sshll.u32 @p0 s6, $0xE  }
0xa9: {  	s6 =	sadd.s32 @p0 $0x11B8D, s6;
	s7 =	sshll.u32 @p0 s5, $0x11  }
0xaa: {  	s6 =	sor.u32 @p0 s7, s6  }
0xab: {  	[sflag:s6] =	ssyncadd.remote.s32 @p0 $0x1;
	_ =	sdelay $0x1  }
0xac: {  	s6 =	simm.s32 @p0 $0x1B8D  }
0xad: {  	_ =	swait.eq @p0 [sflag:s6], $0x1  }
0xae: {  	[sflag:s6] =	ssyncadd.s32 @p0 $0xFFFFFFFF  }
0xaf: {  	s7 =	sshll.u32 @!p0 s1, $0xE  }
0xb0: {  	s7 =	sor.u32 @!p0 $0x4000, s7;
	s6 =	simm.s32 @!p0 $0x1B8D  }
0xb1: {  	s5 =	sshll.u32 @!p0 s5, $0x11;
	s7 =	sadd.s32 @!p0 $0x11B8D, s7;
	_ =	swait.eq @!p0 [sflag:s6], $0x1  }
0xb2: {  	s5 =	sor.u32 @!p0 s5, s7;
	[sflag:s6] =	ssyncadd.s32 @!p0 $0xFFFFFFFF  }
0xb3: {  	s25 =	simm.s32 $0x1B8E;
	s24 =	sld [smem:$0x3FFE];
	[sflag:s5] =	ssyncadd.remote.s32 @!p0 $0x1  }
0xb4: {  	s26 =	simm.s32 $execute0_lowered;
	[smem:$0x3FD2] =	sst s25  }
0xb5: {  	s6 =	sshll.u32 s26, $0x1;
	_ =	strace $0x80000049;
	[dreg:$0x1] =	wrdreg $0xFFFFFFFF  }
0xb6: {  	s28 =	simm.s32 $_size_execute0_lowered;
	s4 =	sadd.s32 s4, s6;
	[dreg:$0x0] =	wrdreg $0x0  }
0xb7: {  	s6 =	sshll.u32 s28, $0x1;
	[dreg:$0x2] =	wrdreg s4  }
0xb8: {  	[dreg:$0x3] =	wrdreg s6  }
0xb9: {  	[dreg:$0x4] =	wrdreg $0xC0  }
0xba: {  	_ =	task [dreg:s22], $0x5FFFF  }
0xbb: {  	[dreg:$0x1] =	wrdreg $0xFFFFFFFF  }
0xbc: {  	[dreg:$0x0] =	wrdreg $0x60  }
0xbd: {  	[dreg:$0x2] =	wrdreg s24  }
0xbe: {  	[dreg:$0x3] =	wrdreg s18  }
0xbf: {  	[dreg:$0x4] =	wrdreg $0x2C000  }
0xc0: {  	[dreg:$0x5] =	wrdreg $0xA  }
0xc1: {  	_ =	task.clear_ibuf [dreg:s22], $0x6FFFF;
	_ =	strace $0x90000049  }
0xc2: {  	s29 =	simm.s32 $0xA;
	_ =	strace $0x8000004B  }
0xc3: {  	_ =	swait.ge [sflag:s29], $0x1  }
0xc4: {  	[sflag:s29] =	ssyncadd.s32 $0xFFFFFFFF  }
0xc5: {  	_ =	strace $0x9000004B  }
0xc6: {  	_ =	sfence  }
0xc7: {  	s30 =	sld [smem:$0x0];
	_ =	sdelay $0x2  }
0xc8: {  	s31 =	sshll.u32 s1, $0xD;
	s1 =	sshrl.u32 s1, $0x2  }
0xc9: {  	s4 =	sand.u32 $0x4000, s31;
	s1 =	sadd.s32 s1, s30  }
0xca: {  	s0 =	sor.u32 s4, s0;
	s1 =	sshll.u32 s1, $0x11  }
0xcb: {  	s0 =	sor.u32 s1, s0  }
0xcc: {  	s0 =	sadd.s32 $0x8F2B, s0  }
0xcd: {  	[sflag:s0] =	ssyncadd.remote.s32 $0x1  }
0xce: {  	_ =	sfence.sel $0xFFFF  }
0xcf: {  	[dreg:$0x0] =	wrdreg $0xFFFFFFFF;
	(pc) =	sbr.abs _section_cstart, $3  }
0xd0: {  	[dreg:$0x1] =	wrdreg $0xFFFFFFFF  }
0xd1: {  	_ =	task.clear_ibuf [dreg:s22], $0x2FFFF;
	_ =	strace $0x9FFFFFFF  }
0xd2: {  	(tm) =	ssettm $0x7FFFFFFF  }
0xd3: {  	_ =	shalt  }
tec
execute0_lowered:
.L_overlay_start_1:
0x0: {  	(tag) =	ssettag $0x1  }
0x1: {  	s0 =	srdreg.scid;
	s1 =	rddreg [dreg:$0x0]  }
0x2: {  	s8 =	stileid.u32;
	s3 =	rddreg [dreg:$0x2]  }
0x3: {  	s4 =	simm.s32 $0x0;
	s28 =	simm.s32 $0x80;
	s5 =	smul.u32 $0x6400, s8  }
0x4: {  	s29 =	simm.s32 $0x100;
	s30 =	simm.s32 $0x180;
	s6 =	smul.u32 $0x50000, s8  }
0x5: {  	s31 =	simm.s32 $0x200;
	s0 =	sand.u32 $0x1, s0;
	s13 =	smul.u32 $0x14000, s8  }
0x6: {  	[smem:$0x7FF] =	sst s4;
	s24 =	sadd.s32 $0x34000, s1;
	s2 =	smul.u32 $0x64000, s0  }
0x7: {  	_ =	strace $0x8000004A;
	[dreg:$0x4] =	wrdreg s24;
	s7 =	ssub.s32 $0x2, s0  }
0x8: {  	s0 =	smul.u32 $0x140000, s0;
	s24 =	simm.s32 $0x400;
	s25 =	sshrl.u32 s7, $0x1  }
0x9: {  	s6 =	sshrl.u32 s6, $0x2;
	s14 =	sor.u32 $0x2800, s13;
	s16 =	sadd.s32 $0x5000, s13  }
0xa: {  	s17 =	sadd.s32 $0x7800, s13;
	s18 =	sadd.s32 $0xA000, s13;
	s19 =	sadd.s32 $0xC800, s13  }
0xb: {  	s20 =	sadd.s32 $0xF000, s13;
	s21 =	sadd.s32 $0x11800, s13;
	s2 =	sadd.s32 s5, s2  }
0xc: {  	s22 =	ssub.s32 s7, s25;
	s6 =	sadd.s32 s6, s3;
	s7 =	sadd.s32 s14, s3  }
0xd: {  	s8 =	sadd.s32 s16, s3;
	s9 =	sadd.s32 s17, s3;
	s10 =	sadd.s32 s18, s3  }
0xe: {  	s11 =	sadd.s32 s19, s3;
	s12 =	sadd.s32 s20, s3;
	s15 =	sadd.s32 s13, s0  }
0xf: {  	s14 =	sadd.s32 s0, s14;
	s13 =	sadd.s32 s21, s3;
	s16 =	sadd.s32 s0, s16  }
0x10: {  	s17 =	sadd.s32 s0, s17;
	s18 =	sadd.s32 s0, s18;
	s19 =	sadd.s32 s0, s19  }
0x11: {  	s20 =	sadd.s32 s0, s20;
	s0 =	sadd.s32 s0, s21;
	s25 =	simm.s32 $0x1  }
0x12: {  	s2 =	sshrl.u32 s2, $0x3;
	s15 =	sshrl.u32 s15, $0x3;
	s23 =	sshrl.u32 s14, $0x3  }
0x13: {  	s16 =	sshrl.u32 s16, $0x3;
	s17 =	sshrl.u32 s17, $0x3;
	s18 =	sshrl.u32 s18, $0x3  }
0x14: {  	s19 =	sshrl.u32 s19, $0x3;
	s20 =	sshrl.u32 s20, $0x3;
	s0 =	sshrl.u32 s0, $0x3  }
0x15: {  	s22 =	smax.u32 s22, $0x1;
	s2 =	sadd.s32 s2, s1;
	s1 =	sadd.s32 $0x84600, s1  }
0x16: {  	s26 =	sadd.s32 s1, s15;
	s15 =	sadd.s32 s1, s23;
	s16 =	sadd.s32 s1, s16  }
0x17: {  	s17 =	sadd.s32 s1, s17;
	s18 =	sadd.s32 s1, s18;
	s19 =	sadd.s32 s1, s19  }
0x18: {  	s20 =	sadd.s32 s1, s20;
	s21 =	sadd.s32 s1, s0;
	s23 =	sadd.s32 $0x2000, s2  }
0x19: {  	s1 =	simm.s32 $0x0;
	[dreg:$0x5] =	wrdreg s26;
	s26 =	simm.s32 $0x50  }
.LBB2_1:
0x1a: {  	s0 =	rddreg [dreg:$0x4]  }
0x1b: {  	[tilespmem:s24], [sflag:$0x1] =	stream.linear.gather [hbm4b:s0+s4], $0x2800, $0x38;
	[tilespmem:$0x16C00] =	vst v63  }
0x1c: {  	_ =	swait.ge [sflag:s25], $0x2800  }
0x1d: {  	[sflag:s25] =	ssyncset.done $0x0  }
0x1e: {  	[sflag:s25] =	ssyncadd.s32 $0xFFFFD800  }
0x1f: {  	[spmem:s6] =	stream.linear.scatter [tilespmem:s24], [sflag:$0x1], $0x2800, $0x38;
	[tilespmem:$0x16C00] =	vst v63  }
0x20: {  	_ =	swait.ge [sflag:s25], $0x2800  }
0x21: {  	[sflag:s25] =	ssyncset.done $0x0  }
0x22: {  	[sflag:s25] =	ssyncadd.s32 $0xFFFFD800  }
0x23: {  	[spmem:s7] =	stream.linear.scatter [tilespmem:s24], [sflag:$0x1], $0x2800, $0x38;
	[tilespmem:$0x16C00] =	vst v63  }
0x24: {  	_ =	swait.ge [sflag:s25], $0x2800  }
0x25: {  	[sflag:s25] =	ssyncset.done $0x0  }
0x26: {  	[sflag:s25] =	ssyncadd.s32 $0xFFFFD800  }
0x27: {  	[spmem:s8] =	stream.linear.scatter [tilespmem:s24], [sflag:$0x1], $0x2800, $0x38;
	[tilespmem:$0x16C00] =	vst v63  }
0x28: {  	_ =	swait.ge [sflag:s25], $0x2800  }
0x29: {  	[sflag:s25] =	ssyncset.done $0x0  }
0x2a: {  	[sflag:s25] =	ssyncadd.s32 $0xFFFFD800  }
0x2b: {  	[spmem:s9] =	stream.linear.scatter [tilespmem:s24], [sflag:$0x1], $0x2800, $0x38;
	[tilespmem:$0x16C00] =	vst v63  }
0x2c: {  	_ =	swait.ge [sflag:s25], $0x2800  }
0x2d: {  	[sflag:s25] =	ssyncset.done $0x0  }
0x2e: {  	[sflag:s25] =	ssyncadd.s32 $0xFFFFD800  }
0x2f: {  	[spmem:s10] =	stream.linear.scatter [tilespmem:s24], [sflag:$0x1], $0x2800, $0x38;
	[tilespmem:$0x16C00] =	vst v63  }
0x30: {  	_ =	swait.ge [sflag:s25], $0x2800  }
0x31: {  	[sflag:s25] =	ssyncset.done $0x0  }
0x32: {  	[sflag:s25] =	ssyncadd.s32 $0xFFFFD800  }
0x33: {  	[spmem:s11] =	stream.linear.scatter [tilespmem:s24], [sflag:$0x1], $0x2800, $0x38;
	[tilespmem:$0x16C00] =	vst v63  }
0x34: {  	_ =	swait.ge [sflag:s25], $0x2800  }
0x35: {  	[sflag:s25] =	ssyncset.done $0x0  }
0x36: {  	[sflag:s25] =	ssyncadd.s32 $0xFFFFD800  }
0x37: {  	[spmem:s12] =	stream.linear.scatter [tilespmem:s24], [sflag:$0x1], $0x2800, $0x38;
	[tilespmem:$0x16C00] =	vst v63  }
0x38: {  	_ =	swait.ge [sflag:s25], $0x2800  }
0x39: {  	[sflag:s25] =	ssyncset.done $0x0  }
0x3a: {  	[sflag:s25] =	ssyncadd.s32 $0xFFFFD800  }
0x3b: {  	[spmem:s13] =	stream.linear.scatter [tilespmem:s24], [sflag:$0x1], $0x2800, $0x38;
	[tilespmem:$0x16C00] =	vst v63  }
0x3c: {  	_ =	swait.ge [sflag:s25], $0x2800  }
0x3d: {  	[sflag:s25] =	ssyncset.done $0x0  }
0x3e: {  	[sflag:s25] =	ssyncadd.s32 $0xFFFFD800  }
0x3f: {  	s5 =	rddreg [dreg:$0x1]  }
0x40: {  	[tilespmem:s24], [sflag:$0x1] =	stream.linear.gather [hbm4b:s5+s4], $0x2800, $0x38;
	[tilespmem:$0x16C00] =	vst v63  }
0x41: {  	_ =	swait.ge [sflag:s25], $0x2800  }
0x42: {  	[sflag:s25] =	ssyncset.done $0x0  }
0x43: {  	[sflag:s25] =	ssyncadd.s32 $0xFFFFD800  }
0x44: {  	s14 =	sadd.s32 $0x0, s23;
	[bflag:$0x0] =	sbarrier.arrive $0xFFFF  }
0x45: {  	[tilespmem:s4], [sflag:$0x1] =	stream.linear.gather [hbm4b:s14+s4], $0x280, $0x38;
	[tilespmem:$0x16C00] =	vst v63  }
0x46: {  	_ =	swait.ge [sflag:s25], $0x280  }
0x47: {  	[sflag:s25] =	ssyncset.done $0x0  }
0x48: {  	[sflag:s25] =	ssyncadd.s32 $0xFFFFFD80  }
0x49: {  	[spmem:s3] =	stream.indirect.scatter.add.f32 [tilespmem:s24], [sflag:$0x1], $0x80, s4, s26, $0xb8;
	[tilespmem:$0x16C00] =	vst v63  }
0x4a: {  	_ =	swait.ge [sflag:s25], $0x2800  }
0x4b: {  	[sflag:s25] =	ssyncset.done $0x0  }
0x4c: {  	[sflag:s25] =	ssyncadd.s32 $0xFFFFD800  }
0x4d: {  	[spmem:s3] =	stream.indirect.scatter.add.f32 [tilespmem:s24], [sflag:$0x1], $0x80, s28, s26, $0xb8;
	[tilespmem:$0x16C00] =	vst v63  }
0x4e: {  	_ =	swait.ge [sflag:s25], $0x2800  }
0x4f: {  	[sflag:s25] =	ssyncset.done $0x0  }
0x50: {  	[sflag:s25] =	ssyncadd.s32 $0xFFFFD800  }
0x51: {  	[spmem:s3] =	stream.indirect.scatter.add.f32 [tilespmem:s24], [sflag:$0x1], $0x80, s29, s26, $0xb8;
	[tilespmem:$0x16C00] =	vst v63  }
0x52: {  	_ =	swait.ge [sflag:s25], $0x2800  }
0x53: {  	[sflag:s25] =	ssyncset.done $0x0  }
0x54: {  	[sflag:s25] =	ssyncadd.s32 $0xFFFFD800  }
0x55: {  	[spmem:s3] =	stream.indirect.scatter.add.f32 [tilespmem:s24], [sflag:$0x1], $0x80, s30, s26, $0xb8;
	[tilespmem:$0x16C00] =	vst v63  }
0x56: {  	_ =	swait.ge [sflag:s25], $0x2800  }
0x57: {  	[sflag:s25] =	ssyncset.done $0x0  }
0x58: {  	[sflag:s25] =	ssyncadd.s32 $0xFFFFD800  }
0x59: {  	[spmem:s3] =	stream.indirect.scatter.add.f32 [tilespmem:s24], [sflag:$0x1], $0x80, s31, s26, $0xb8;
	[tilespmem:$0x16C00] =	vst v63  }
0x5a: {  	_ =	swait.ge [sflag:s25], $0x2800  }
0x5b: {  	s2 =	simm.s32 $0x100;
	s0 =	simm.s32 $0x80;
	[sflag:s25] =	ssyncset.done $0x0  }
.LBB2_2:
0x5c: {  	s5 =	sadd.s32 s0, s23  }
0x5d: {  	[sflag:s25] =	ssyncadd.s32 $0xFFFFD800;
	s0 =	smov.u32 s2;
	s14 =	sadd.s32 $0x80, s2  }
0x5e: {  	[tilespmem:s4], [sflag:$0x1] =	stream.linear.gather [hbm4b:s5+s4], $0x280, $0x38;
	[tilespmem:$0x16C00] =	vst v63  }
0x5f: {  	p0 =	sne.s32 s2, $0xC00;
	_ =	swait.ge [sflag:s25], $0x280  }
0x60: {  	[sflag:s25] =	ssyncset.done $0x0  }
0x61: {  	[sflag:s25] =	ssyncadd.s32 $0xFFFFFD80  }
0x62: {  	[spmem:s3] =	stream.indirect.scatter.add.f32 [tilespmem:s24], [sflag:$0x1], $0x80, s4, s26, $0xb8;
	[tilespmem:$0x16C00] =	vst v63  }
0x63: {  	_ =	swait.ge [sflag:s25], $0x2800  }
0x64: {  	[sflag:s25] =	ssyncset.done $0x0  }
0x65: {  	[sflag:s25] =	ssyncadd.s32 $0xFFFFD800  }
0x66: {  	[spmem:s3] =	stream.indirect.scatter.add.f32 [tilespmem:s24], [sflag:$0x1], $0x80, s28, s26, $0xb8;
	[tilespmem:$0x16C00] =	vst v63  }
0x67: {  	_ =	swait.ge [sflag:s25], $0x2800  }
0x68: {  	[sflag:s25] =	ssyncset.done $0x0  }
0x69: {  	[sflag:s25] =	ssyncadd.s32 $0xFFFFD800  }
0x6a: {  	[spmem:s3] =	stream.indirect.scatter.add.f32 [tilespmem:s24], [sflag:$0x1], $0x80, s29, s26, $0xb8;
	[tilespmem:$0x16C00] =	vst v63  }
0x6b: {  	_ =	swait.ge [sflag:s25], $0x2800  }
0x6c: {  	[sflag:s25] =	ssyncset.done $0x0  }
0x6d: {  	[sflag:s25] =	ssyncadd.s32 $0xFFFFD800  }
0x6e: {  	[spmem:s3] =	stream.indirect.scatter.add.f32 [tilespmem:s24], [sflag:$0x1], $0x80, s30, s26, $0xb8;
	[tilespmem:$0x16C00] =	vst v63  }
0x6f: {  	_ =	swait.ge [sflag:s25], $0x2800  }
.Ltmp0:
0x70: {  	[sflag:s25] =	ssyncset.done $0x0;
	(pc) =	sbr.rel @p0 .LBB2_2-.Ltmp0, $4  }
0x71: {  	[sflag:s25] =	ssyncadd.s32 $0xFFFFD800  }
0x72: {  	[spmem:s3] =	stream.indirect.scatter.add.f32 [tilespmem:s24], [sflag:$0x1], $0x80, s31, s26, $0xb8;
	[tilespmem:$0x16C00] =	vst v63  }
0x73: {  	_ =	swait.ge [sflag:s25], $0x2800  }
0x74: {  	s2 =	smov.u32 s14;
	[sflag:s25] =	ssyncset.done $0x0  }
0x75: {  	s0 =	sadd.s32 s0, s23;
	[sflag:s25] =	ssyncadd.s32 $0xFFFFD800  }
0x76: {  	[tilespmem:s4], [sflag:$0x1] =	stream.linear.gather [hbm4b:s0+s4], $0x280, $0x38;
	[tilespmem:$0x16C00] =	vst v63  }
0x77: {  	_ =	swait.ge [sflag:s25], $0x280  }
0x78: {  	[sflag:s25] =	ssyncset.done $0x0  }
0x79: {  	[sflag:s25] =	ssyncadd.s32 $0xFFFFFD80  }
0x7a: {  	[spmem:s3] =	stream.indirect.scatter.add.f32 [tilespmem:s24], [sflag:$0x1], $0x80, s4, s26, $0xb8;
	[tilespmem:$0x16C00] =	vst v63  }
0x7b: {  	_ =	swait.ge [sflag:s25], $0x2800  }
0x7c: {  	[sflag:s25] =	ssyncset.done $0x0  }
0x7d: {  	[sflag:s25] =	ssyncadd.s32 $0xFFFFD800  }
0x7e: {  	[spmem:s3] =	stream.indirect.scatter.add.f32 [tilespmem:s24], [sflag:$0x1], $0x80, s28, s26, $0xb8;
	[tilespmem:$0x16C00] =	vst v63  }
0x7f: {  	_ =	swait.ge [sflag:s25], $0x2800  }
0x80: {  	[sflag:s25] =	ssyncset.done $0x0  }
0x81: {  	[sflag:s25] =	ssyncadd.s32 $0xFFFFD800  }
0x82: {  	[spmem:s3] =	stream.indirect.scatter.add.f32 [tilespmem:s24], [sflag:$0x1], $0x80, s29, s26, $0xb8;
	[tilespmem:$0x16C00] =	vst v63  }
0x83: {  	_ =	swait.ge [sflag:s25], $0x2800  }
0x84: {  	[sflag:s25] =	ssyncset.done $0x0  }
0x85: {  	[sflag:s25] =	ssyncadd.s32 $0xFFFFD800  }
0x86: {  	[spmem:s3] =	stream.indirect.scatter.add.f32 [tilespmem:s24], [sflag:$0x1], $0x80, s30, s26, $0xb8;
	[tilespmem:$0x16C00] =	vst v63  }
0x87: {  	_ =	swait.ge [sflag:s25], $0x2800  }
0x88: {  	[sflag:s25] =	ssyncset.done $0x0  }
0x89: {  	[sflag:s25] =	ssyncadd.s32 $0xFFFFD800  }
0x8a: {  	[spmem:s3] =	stream.indirect.scatter.add.f32 [tilespmem:s24], [sflag:$0x1], $0x80, s31, s26, $0xb8;
	[tilespmem:$0x16C00] =	vst v63  }
0x8b: {  	_ =	swait.ge [sflag:s25], $0x2800  }
0x8c: {  	[sflag:s25] =	ssyncset.done $0x0  }
0x8d: {  	[sflag:s25] =	ssyncadd.s32 $0xFFFFD800  }
0x8e: {  	[bflag:$0x0] =	sbarrier.arrive $0xFFFF  }
0x8f: {  	[tilespmem:s24], [sflag:$0x1] =	stream.linear.gather [spmem:s6], $0x2800, $0x38;
	[tilespmem:$0x16C00] =	vst v63  }
0x90: {  	_ =	swait.ge [sflag:s25], $0x2800  }
0x91: {  	[sflag:s25] =	ssyncset.done $0x0  }
0x92: {  	s14 =	rddreg [dreg:$0x5];
	[sflag:s25] =	ssyncadd.s32 $0xFFFFD800  }
0x93: {  	[hbm4b:s14+s4] =	stream.linear.scatter [tilespmem:s24], [sflag:$0x1], $0x2800, $0x38;
	[tilespmem:$0x16C00] =	vst v63  }
0x94: {  	_ =	swait.ge [sflag:s25], $0x2800  }
0x95: {  	[sflag:s25] =	ssyncset.done $0x0  }
0x96: {  	[sflag:s25] =	ssyncadd.s32 $0xFFFFD800  }
0x97: {  	[tilespmem:s24], [sflag:$0x1] =	stream.linear.gather [spmem:s7], $0x2800, $0x38;
	[tilespmem:$0x16C00] =	vst v63  }
0x98: {  	_ =	swait.ge [sflag:s25], $0x2800  }
0x99: {  	[sflag:s25] =	ssyncset.done $0x0  }
0x9a: {  	[sflag:s25] =	ssyncadd.s32 $0xFFFFD800  }
0x9b: {  	[hbm4b:s15+s4] =	stream.linear.scatter [tilespmem:s24], [sflag:$0x1], $0x2800, $0x38;
	[tilespmem:$0x16C00] =	vst v63  }
0x9c: {  	_ =	swait.ge [sflag:s25], $0x2800  }
0x9d: {  	[sflag:s25] =	ssyncset.done $0x0  }
0x9e: {  	[sflag:s25] =	ssyncadd.s32 $0xFFFFD800  }
0x9f: {  	[tilespmem:s24], [sflag:$0x1] =	stream.linear.gather [spmem:s8], $0x2800, $0x38;
	[tilespmem:$0x16C00] =	vst v63  }
0xa0: {  	_ =	swait.ge [sflag:s25], $0x2800  }
0xa1: {  	[sflag:s25] =	ssyncset.done $0x0  }
0xa2: {  	[sflag:s25] =	ssyncadd.s32 $0xFFFFD800  }
0xa3: {  	[hbm4b:s16+s4] =	stream.linear.scatter [tilespmem:s24], [sflag:$0x1], $0x2800, $0x38;
	[tilespmem:$0x16C00] =	vst v63  }
0xa4: {  	_ =	swait.ge [sflag:s25], $0x2800  }
0xa5: {  	[sflag:s25] =	ssyncset.done $0x0  }
0xa6: {  	[sflag:s25] =	ssyncadd.s32 $0xFFFFD800  }
0xa7: {  	[tilespmem:s24], [sflag:$0x1] =	stream.linear.gather [spmem:s9], $0x2800, $0x38;
	[tilespmem:$0x16C00] =	vst v63  }
0xa8: {  	_ =	swait.ge [sflag:s25], $0x2800  }
0xa9: {  	[sflag:s25] =	ssyncset.done $0x0  }
0xaa: {  	[sflag:s25] =	ssyncadd.s32 $0xFFFFD800  }
0xab: {  	[hbm4b:s17+s4] =	stream.linear.scatter [tilespmem:s24], [sflag:$0x1], $0x2800, $0x38;
	[tilespmem:$0x16C00] =	vst v63  }
0xac: {  	_ =	swait.ge [sflag:s25], $0x2800  }
0xad: {  	[sflag:s25] =	ssyncset.done $0x0  }
0xae: {  	[sflag:s25] =	ssyncadd.s32 $0xFFFFD800  }
0xaf: {  	[tilespmem:s24], [sflag:$0x1] =	stream.linear.gather [spmem:s10], $0x2800, $0x38;
	[tilespmem:$0x16C00] =	vst v63  }
0xb0: {  	_ =	swait.ge [sflag:s25], $0x2800  }
0xb1: {  	[sflag:s25] =	ssyncset.done $0x0  }
0xb2: {  	[sflag:s25] =	ssyncadd.s32 $0xFFFFD800  }
0xb3: {  	[hbm4b:s18+s4] =	stream.linear.scatter [tilespmem:s24], [sflag:$0x1], $0x2800, $0x38;
	[tilespmem:$0x16C00] =	vst v63  }
0xb4: {  	_ =	swait.ge [sflag:s25], $0x2800  }
0xb5: {  	[sflag:s25] =	ssyncset.done $0x0  }
0xb6: {  	[sflag:s25] =	ssyncadd.s32 $0xFFFFD800  }
0xb7: {  	[tilespmem:s24], [sflag:$0x1] =	stream.linear.gather [spmem:s11], $0x2800, $0x38;
	[tilespmem:$0x16C00] =	vst v63  }
0xb8: {  	_ =	swait.ge [sflag:s25], $0x2800  }
0xb9: {  	[sflag:s25] =	ssyncset.done $0x0  }
0xba: {  	[sflag:s25] =	ssyncadd.s32 $0xFFFFD800  }
0xbb: {  	[hbm4b:s19+s4] =	stream.linear.scatter [tilespmem:s24], [sflag:$0x1], $0x2800, $0x38;
	[tilespmem:$0x16C00] =	vst v63  }
0xbc: {  	_ =	swait.ge [sflag:s25], $0x2800  }
0xbd: {  	[sflag:s25] =	ssyncset.done $0x0  }
0xbe: {  	[sflag:s25] =	ssyncadd.s32 $0xFFFFD800  }
0xbf: {  	[tilespmem:s24], [sflag:$0x1] =	stream.linear.gather [spmem:s12], $0x2800, $0x38;
	[tilespmem:$0x16C00] =	vst v63  }
0xc0: {  	_ =	swait.ge [sflag:s25], $0x2800  }
0xc1: {  	[sflag:s25] =	ssyncset.done $0x0  }
0xc2: {  	[sflag:s25] =	ssyncadd.s32 $0xFFFFD800  }
0xc3: {  	[hbm4b:s20+s4] =	stream.linear.scatter [tilespmem:s24], [sflag:$0x1], $0x2800, $0x38;
	[tilespmem:$0x16C00] =	vst v63  }
0xc4: {  	_ =	swait.ge [sflag:s25], $0x2800  }
0xc5: {  	[sflag:s25] =	ssyncset.done $0x0  }
0xc6: {  	[sflag:s25] =	ssyncadd.s32 $0xFFFFD800  }
0xc7: {  	[tilespmem:s24], [sflag:$0x1] =	stream.linear.gather [spmem:s13], $0x2800, $0x38;
	[tilespmem:$0x16C00] =	vst v63  }
0xc8: {  	s1 =	sadd.s32 $0x1, s1;
	_ =	swait.ge [sflag:s25], $0x2800  }
0xc9: {  	p0 =	sne.s32 s1, s22;
	[sflag:s25] =	ssyncset.done $0x0  }
.Ltmp1:
0xca: {  	[sflag:s25] =	ssyncadd.s32 $0xFFFFD800;
	(pc) =	sbr.rel @p0 .LBB2_1-.Ltmp1, $4  }
0xcb: {  	[hbm4b:s21+s4] =	stream.linear.scatter [tilespmem:s24], [sflag:$0x1], $0x2800, $0x38;
	[tilespmem:$0x16C00] =	vst v63  }
0xcc: {  	_ =	swait.ge [sflag:s25], $0x2800  }
0xcd: {  	[sflag:s25] =	ssyncset.done $0x0  }
0xce: {  	[sflag:s25] =	ssyncadd.s32 $0xFFFFD800  }
0xcf: {  	_ =	sfence.sel $0x180000  }
0xd0: {  	[bflag:$0x0] =	sbarrier.arrive $0xFFFF  }
0xd1: {  	_ =	strace $0x9000004A  }
0xd2: {  	s0 =	stileid.u32;
	[bflag:$0x2] =	sbarrier.arrive $0xFFFF  }
0xd3: {  	p0 =	sne.s32 s0, $0x0;
	s0 =	rddreg [dreg:$0x3]  }
0xd4: {  	s0 =	sadd.s32 @!p0 $0x100000, s0  }
0xd5: {  	[sflag:s0] =	ssyncadd.tile.s32 @!p0 $0x1;
	_ =	shalt  }
.Lfunc_end2:
_tile_overlayer_lowered:
.L_overlay_start_2:
0xd6: {  	(tag) =	ssettag $0x2  }
0xd7: {  	s0 =	rddreg [dreg:$0x0];
	s2 =	stileid.u32  }
0xd8: {  	s1 =	rddreg [dreg:$0x1];
	p0 =	sne.s32 s2, $0x0  }
0xd9: {  	s3 =	rddreg [dreg:$0x2];
	[bflag:$0x3] =	sbarrier.arrive $0xFFFF;
	s2 =	simm.s32 @!p0 $0x1C01  }
0xda: {  	[timem:s3], [sflag:s2] =	dma.local @!p0 [hbm:s0], s1  }
0xdb: {  	s0 =	simm.s32 @!p0 $0x1  }
0xdc: {  	_ =	swait.ge @!p0 [sflag:s0], s1  }
0xdd: {  	s1 =	ssub.s32 @!p0 $0x0, s1;
	[sflag:s0] =	ssyncset.done @!p0 $0x0  }
0xde: {  	[sflag:s0] =	ssyncadd.s32 @!p0 s1  }
0xdf: {  	[bflag:$0x3] =	sbarrier.arrive $0xFFFF  }
0xe0: {  	_ =	shalt  }

// kernel: kernel.13.cloned.1.call-start
scs
__scs_entry_jumppad:
0x0: {  	(pc) =	sbr.rel $0x88, $3  }
0x1: {  	(tag) =	ssettag $0x0;
	lr =	simm.s32 $0x1  }
0x2: {  	[smem:$0x3F99] =	sst lr;
	_ =	strace $0xD0000000  }
0x3: {  	_ = 	snop  }
0x4: {  	_ = 	snop  }
0x5: {  	_ = 	snop  }
0x6: {  	_ = 	snop  }
0x7: {  	_ = 	snop  }
__scs_overlays_trampoline_lowered:
0x8: {  	[smem:$0x3FA8] =	sst s0  }
0x9: {  	[smem:$0x3FA9] =	sst s1  }
0xa: {  	[smem:$0x3FAA] =	sst s2  }
0xb: {  	[smem:$0x3FAB] =	sst s3  }
0xc: {  	[smem:$0x3FAC] =	sst s4  }
0xd: {  	[smem:$0x3FAD] =	sst s5  }
0xe: {  	[smem:$0x3FAE] =	sst s6  }
0xf: {  	[smem:$0x3FAF] =	sst s7  }
0x10: {  	[smem:$0x3FB0] =	sst s8  }
0x11: {  	[smem:$0x3FB1] =	sst s9;
	s0 =	simm.s32 @!p0 $0x0  }
0x12: {  	s1 =	sld [smem:$0x3F97];
	s0 =	simm.s32 @p0 $0x1  }
0x13: {  	[smem:$0x3FB2] =	sst s0;
	s0 =	simm.s32 @!p1 $0x0  }
0x14: {  	s2 =	sld [smem:$0x3F96];
	s0 =	simm.s32 @p1 $0x1  }
0x15: {  	[smem:$0x3FB3] =	sst s0;
	s0 =	simm.s32 @!p2 $0x0  }
0x16: {  	s3 =	sld [smem:$0x3FDB];
	s0 =	simm.s32 @p2 $0x1  }
0x17: {  	s4 =	simm.s32 $0x1BF5;
	[smem:$0x3FB5] =	sst s0  }
0x18: {  	s0 =	sld [smem:$0x3F98];
	_ =	swait.ge [sflag:s4], $0x0  }
0x19: {  	s7 =	sld [smem:$0x3F99]  }
0x1a: {  	s8 =	sadd.s32 $0xFFFFE003, lr  }
0x1b: {  	s9 =	sadd.s32 $0xFFFFFEF7, lr;
	s5 =	simm.s32 $0xFFFFFFFF;
	p2 =	slt.u32 s8, $0xFFFFF086  }
0x1c: {  	p1 =	slt.u32 s9, $0xF7A;
	s5 =	simm.s32 @!p2 $0x0  }
0x1d: {  	s5 =	simm.s32 @p1 $0x1;
	p0 =	seq.s32 s7, s2  }
0x1e: {  	s7 =	smul.u32 @!p0 $0xF7A, s2;
	p2 =	seq.s32 @!p0 s5, $0x0  }
0x1f: {  	s9 =	smul.u32 $0xF7A, s1;
	s8 =	simm.s32 @!p0 $0x1BF5;
	p2 =	por !p2, p0  }
0x20: {  	[sflag:s8] =	ssyncset.s32 @!p0 $0xFFFFF086;
	s6 =	sadd.s32 @!p0 s3, s7;
	s7 =	simm.s32 @!p0 $0x108  }
0x21: {  	s3 =	sadd.s32 s3, s9;
	s6 =	sadd.s32 @!p0 $0x88, s6;
	s7 =	simm.s32 @p2 $0x1082  }
0x22: {  	[simem:s7], [sflag:s8] =	dma.local @!p0 [hbm:s6], $0xF7A  }
0x23: {  	s9 =	sor.u32 $0xD0000000, s2;
	s6 =	simm.s32 $0x108;
	_ =	swait.ge @!p0 [sflag:s8], $0x0  }
0x24: {  	s3 =	sadd.s32 $0x88, s3;
	s6 =	simm.s32 @!p1 $0x1082;
	[sflag:s4] =	ssyncset.s32 $0xFFFFF086  }
0x25: {  	[simem:s6], [sflag:s4] =	dma.local [hbm:s3], $0xF7A  }
0x26: {  	[smem:$0x3F99] =	sst s1;
	(tag) =	ssettag s2;
	_ =	strace s9  }
0x27: {  	s1 =	sld [smem:$0x3FA9]  }
0x28: {  	s2 =	sld [smem:$0x3FAA]  }
0x29: {  	s4 =	sld [smem:$0x3FAC]  }
0x2a: {  	p0 =	seq.s32 s5, $0x0;
	s5 =	sld [smem:$0x3FAD]  }
0x2b: {  	s6 =	sld [smem:$0x3FAE]  }
0x2c: {  	s7 =	sld [smem:$0x3FAF]  }
0x2d: {  	s3 =	simm.s32 $0x108;
	s8 =	sld [smem:$0x3FB0]  }
0x2e: {  	s3 =	simm.s32 @!p0 $0x1082;
	s9 =	sld [smem:$0x3FB1]  }
0x2f: {  	lr =	sadd.s32 s0, s3;
	s0 =	sld [smem:$0x3FA8]  }
0x30: {  	s3 =	sld [smem:$0x3FAB]  }
0x31: {  	[smem:$0x3FB4] =	sst s10  }
0x32: {  	s10 =	sld [smem:$0x3FB2];
	_ =	sdelay $0x3  }
0x33: {  	p0 =	seq.s32 s10, $0x1;
	s10 =	sld [smem:$0x3FB4];
	_ =	sdelay $0x3  }
0x34: {  	[smem:$0x3FB4] =	sst s10  }
0x35: {  	s10 =	sld [smem:$0x3FB3];
	_ =	sdelay $0x3  }
0x36: {  	p1 =	seq.s32 s10, $0x1;
	s10 =	sld [smem:$0x3FB4];
	_ =	sdelay $0x3  }
0x37: {  	[smem:$0x3FB4] =	sst s10  }
0x38: {  	s10 =	sld [smem:$0x3FB5]  }
0x39: {  	_ = 	snop;
	(pc) =	sbr.ind lr, $3  }
0x3a: {  	_ = 	snop  }
0x3b: {  	_ = 	snop  }
0x3c: {  	p2 =	seq.s32 s10, $0x1;
	s10 =	sld [smem:$0x3FB4]  }
0x3d: {  	_ =	shalt  }
0x3e: {  	_ =	shalt  }
0x3f: {  	_ =	shalt  }
0x40: {  	_ =	shalt  }
0x41: {  	_ =	shalt  }
0x42: {  	_ =	shalt  }
0x43: {  	_ =	shalt  }
0x44: {  	_ =	shalt  }
0x45: {  	_ =	shalt  }
0x46: {  	_ =	shalt  }
0x47: {  	_ =	shalt  }
0x48: {  	_ =	shalt  }
0x49: {  	_ =	shalt  }
0x4a: {  	_ =	shalt  }
0x4b: {  	_ =	shalt  }
0x4c: {  	_ =	shalt  }
0x4d: {  	_ =	shalt  }
0x4e: {  	_ =	shalt  }
0x4f: {  	_ =	shalt  }
0x50: {  	_ =	shalt  }
0x51: {  	_ =	shalt  }
0x52: {  	_ =	shalt  }
0x53: {  	_ =	shalt  }
0x54: {  	_ =	shalt  }
0x55: {  	_ =	shalt  }
0x56: {  	_ =	shalt  }
0x57: {  	_ =	shalt  }
0x58: {  	_ =	shalt  }
0x59: {  	_ =	shalt  }
0x5a: {  	_ =	shalt  }
0x5b: {  	_ =	shalt  }
0x5c: {  	_ =	shalt  }
0x5d: {  	_ =	shalt  }
0x5e: {  	_ =	shalt  }
0x5f: {  	_ =	shalt  }
0x60: {  	_ =	shalt  }
0x61: {  	_ =	shalt  }
0x62: {  	_ =	shalt  }
0x63: {  	_ =	shalt  }
0x64: {  	_ =	shalt  }
0x65: {  	_ =	shalt  }
0x66: {  	_ =	shalt  }
0x67: {  	_ =	shalt  }
0x68: {  	_ =	shalt  }
0x69: {  	_ =	shalt  }
0x6a: {  	_ =	shalt  }
0x6b: {  	_ =	shalt  }
0x6c: {  	_ =	shalt  }
0x6d: {  	_ =	shalt  }
0x6e: {  	_ =	shalt  }
0x6f: {  	_ =	shalt  }
0x70: {  	_ =	shalt  }
0x71: {  	_ =	shalt  }
0x72: {  	_ =	shalt  }
0x73: {  	_ =	shalt  }
0x74: {  	_ =	shalt  }
0x75: {  	_ =	shalt  }
0x76: {  	_ =	shalt  }
0x77: {  	_ =	shalt  }
0x78: {  	_ =	shalt  }
0x79: {  	_ =	shalt  }
0x7a: {  	_ =	shalt  }
0x7b: {  	_ =	shalt  }
0x7c: {  	_ =	shalt  }
0x7d: {  	_ =	shalt  }
0x7e: {  	_ =	shalt  }
0x7f: {  	_ =	shalt  }
0x80: {  	_ =	shalt  }
0x81: {  	_ =	shalt  }
0x82: {  	_ =	shalt  }
0x83: {  	_ =	shalt  }
0x84: {  	_ =	shalt  }
0x85: {  	_ =	shalt  }
0x86: {  	_ =	shalt  }
0x87: {  	_ =	shalt  }
.Lfunc_end0:
.L_simem_size_0:
called_computation.2_lowered:
.L_overlay_start_0:
0x88: {  	s2 =	sld [smem:$0x3FD9]  }
0x89: {  	s3 =	sld [smem:$0x3FFE];
	_ =	sdelay $0x1  }
0x8a: {  	s1 =	srdreg.scid  }
0x8b: {  	s0 =	sand.u32 $0x1, s1  }
0x8c: {  	s17 =	sshll.u32 s0, $0xA;
	s2 =	sadd.s32 s3, s2  }
0x8d: {  	s2 =	sadd.s32 s2, s17  }
0x8e: {  	[smem:$0x3FC0] =	sst s2  }
0x8f: {  	_ = 	snop  }
0x90: {  	s2 =	sld [smem:$0x3FD0];
	(tm) =	ssettm $0x1  }
0x91: {  	s18 =	sld [smem:$0x3FFB];
	_ =	sdelay $0x3  }
0x92: {  	_ =	strace s18  }
0x93: {  	s3 =	sld [smem:$0x3FFC];
	_ =	sdelay $0x3  }
0x94: {  	_ =	strace s3  }
0x95: {  	s3 =	sld [smem:$0x3FFD];
	_ =	sdelay $0x3  }
0x96: {  	_ =	strace s3  }
0x97: {  	_ =	strace $0x8FFFFFFF  }
0x98: {  	s19 =	sld [smem:$0x3FDB];
	_ =	sdelay $0x1  }
0x99: {  	s4 =	simm.s32 $_scs_section_size  }
0x9a: {  	s5 =	simm.s32 $_size__tile_overlayer_lowered;
	s6 =	simm.s32 $_tile_overlayer_lowered  }
0x9b: {  	s22 =	simm.s32 $0x1BFF;
	s21 =	sshll.u32 s6, $0x1;
	s3 =	sadd.s32 s4, s19  }
0x9c: {  	s7 =	simm.s32 $0x0;
	s20 =	sshll.u32 s5, $0x1;
	s5 =	sadd.s32 s21, s3  }
0x9d: {  	[timem:s7], [sflag:s22] =	dma.local [hbm:s5], s20  }
0x9e: {  	_ =	swait.ge [sflag:s22], s20  }
0x9f: {  	s4 =	ssub.s32 $0x0, s20;
	[sflag:s22] =	ssyncset.done $0x0  }
0xa0: {  	[sflag:s22] =	ssyncadd.s32 s4;
	_ =	sdelay $0x1  }
0xa1: {  	s23 =	simm.s32 $0x1B8B  }
0xa2: {  	_ =	swait.ge [sflag:s23], $0x1  }
0xa3: {  	[sflag:s23] =	ssyncset.done $0x0  }
0xa4: {  	s25 =	simm.s32 $0x1B8E;
	s24 =	sld [smem:$0x3FFE];
	[sflag:s23] =	ssyncadd.s32 $0xFFFFFFFF  }
0xa5: {  	s26 =	simm.s32 $execute0_lowered;
	[smem:$0x3FD2] =	sst s25  }
0xa6: {  	s5 =	sshll.u32 s26, $0x1;
	_ =	strace $0x8000004C;
	[dreg:$0x1] =	wrdreg $0xFFFFFFFF  }
0xa7: {  	s28 =	simm.s32 $_size_execute0_lowered;
	s3 =	sadd.s32 s3, s5;
	[dreg:$0x0] =	wrdreg $0x0  }
0xa8: {  	s5 =	sshll.u32 s28, $0x1;
	[dreg:$0x2] =	wrdreg s3  }
0xa9: {  	[dreg:$0x3] =	wrdreg s5  }
0xaa: {  	[dreg:$0x4] =	wrdreg $0xC0  }
0xab: {  	_ =	task [dreg:s7], $0x5FFFF  }
0xac: {  	[dreg:$0x1] =	wrdreg $0xFFFFFFFF  }
0xad: {  	[dreg:$0x0] =	wrdreg $0x60  }
0xae: {  	[dreg:$0x2] =	wrdreg s2  }
0xaf: {  	[dreg:$0x3] =	wrdreg s24  }
0xb0: {  	[dreg:$0x4] =	wrdreg $0x58000  }
0xb1: {  	[dreg:$0x5] =	wrdreg $0x9  }
0xb2: {  	_ =	task.clear_ibuf [dreg:s7], $0x6FFFF;
	_ =	strace $0x9000004C  }
0xb3: {  	s29 =	simm.s32 $0x9;
	_ =	strace $0x8000004E  }
0xb4: {  	_ =	swait.ge [sflag:s29], $0x1  }
0xb5: {  	[sflag:s29] =	ssyncadd.s32 $0xFFFFFFFF  }
0xb6: {  	_ =	strace $0x9000004E  }
0xb7: {  	_ =	sfence  }
0xb8: {  	s30 =	sld [smem:$0x0];
	_ =	sdelay $0x2  }
0xb9: {  	s31 =	sshll.u32 s1, $0xD;
	s1 =	sshrl.u32 s1, $0x2  }
0xba: {  	s3 =	sand.u32 $0x4000, s31;
	s1 =	sadd.s32 s1, s30  }
0xbb: {  	s0 =	sor.u32 s3, s0;
	s1 =	sshll.u32 s1, $0x11  }
0xbc: {  	s0 =	sor.u32 s1, s0  }
0xbd: {  	s0 =	sadd.s32 $0x8F2B, s0  }
0xbe: {  	[sflag:s0] =	ssyncadd.remote.s32 $0x1  }
0xbf: {  	_ =	sfence.sel $0xFFFF  }
0xc0: {  	[dreg:$0x0] =	wrdreg $0xFFFFFFFF;
	(pc) =	sbr.abs _section_cstart, $3  }
0xc1: {  	[dreg:$0x1] =	wrdreg $0xFFFFFFFF  }
0xc2: {  	_ =	task.clear_ibuf [dreg:s7], $0x2FFFF;
	_ =	strace $0x9FFFFFFF  }
0xc3: {  	(tm) =	ssettm $0x7FFFFFFF  }
tec
execute0_lowered:
.L_overlay_start_1:
0x0: {  	(tag) =	ssettag $0x1  }
0x1: {  	s1 =	rddreg [dreg:$0x0]  }
0x2: {  	s0 =	srdreg.scid;
	s5 =	rddreg [dreg:$0x1]  }
0x3: {  	s8 =	stileid.u32;
	s3 =	rddreg [dreg:$0x2]  }
0x4: {  	s4 =	simm.s32 $0x0;
	s28 =	simm.s32 $0x400;
	s6 =	smul.u32 $0x6400, s8  }
0x5: {  	s29 =	simm.s32 $0x50;
	s30 =	simm.s32 $0x80;
	s21 =	smul.u32 $0x50000, s8  }
0x6: {  	s31 =	simm.s32 $0x3000;
	s0 =	sand.u32 $0x1, s0;
	s13 =	smul.u32 $0x14000, s8  }
0x7: {  	[smem:$0x7FF] =	sst s4;
	s7 =	sadd.s32 $0x34000, s5;
	s2 =	smul.u32 $0x64000, s0  }
0x8: {  	_ =	strace $0x8000004D;
	[dreg:$0x4] =	wrdreg s7;
	s22 =	ssub.s32 $0x2, s0  }
0x9: {  	s0 =	smul.u32 $0x140000, s0;
	s23 =	sshrl.u32 s22, $0x1;
	s24 =	sor.u32 $0x2800, s13  }
0xa: {  	s15 =	sadd.s32 $0x5000, s13;
	s16 =	sadd.s32 $0x7800, s13;
	s17 =	sadd.s32 $0xA000, s13  }
0xb: {  	s18 =	sadd.s32 $0xC800, s13;
	s19 =	sadd.s32 $0xF000, s13;
	s20 =	sadd.s32 $0x11800, s13  }
0xc: {  	s2 =	sadd.s32 s6, s2;
	s6 =	sshrl.u32 s21, $0x2;
	s14 =	ssub.s32 s22, s23  }
0xd: {  	s8 =	sadd.s32 s24, s3;
	s22 =	sadd.s32 s15, s3;
	s9 =	sadd.s32 s16, s3  }
0xe: {  	s10 =	sadd.s32 s17, s3;
	s11 =	sadd.s32 s18, s3;
	s12 =	sadd.s32 s19, s3  }
0xf: {  	s21 =	sadd.s32 s13, s0;
	s13 =	sadd.s32 s20, s3;
	s25 =	sadd.s32 s0, s15  }
0x10: {  	s26 =	sadd.s32 s0, s16;
	s23 =	sadd.s32 s0, s18;
	s18 =	simm.s32 $0x580  }
0x11: {  	s2 =	sshrl.u32 s2, $0x3;
	s7 =	sadd.s32 s6, s3;
	s6 =	sadd.s32 s0, s24  }
0x12: {  	s21 =	sshrl.u32 s21, $0x3;
	s15 =	sshrl.u32 s26, $0x3;
	[dreg:$0x5] =	wrdreg s11  }
0x13: {  	s24 =	sadd.s32 s0, s19;
	s26 =	smax.u32 s14, $0x1;
	[dreg:$0x6] =	wrdreg s12  }
0x14: {  	s14 =	simm.s32 $0x480;
	s19 =	simm.s32 $0x600;
	[dreg:$0x7] =	wrdreg s13  }
0x15: {  	s2 =	sadd.s32 s2, s5;
	s5 =	sadd.s32 $0x34600, s5;
	s6 =	sshrl.u32 s6, $0x3  }
0x16: {  	[dreg:$0x10] =	wrdreg s26;
	s26 =	simm.s32 $0x3;
	s21 =	sadd.s32 s5, s21  }
0x17: {  	s6 =	sadd.s32 s5, s6;
	[dreg:$0x8] =	wrdreg s21;
	s21 =	smov.u32 s9  }
0x18: {  	[dreg:$0x9] =	wrdreg s6;
	s6 =	sshrl.u32 s25, $0x3;
	s9 =	sadd.s32 s0, s17  }
0x19: {  	s0 =	sadd.s32 s0, s20;
	s25 =	sshrl.u32 s24, $0x3;
	s24 =	sadd.s32 $0x1B000, s2  }
0x1a: {  	s20 =	simm.s32 $0x0;
	s6 =	sadd.s32 s5, s6;
	s16 =	sshrl.u32 s9, $0x3  }
0x1b: {  	s0 =	sshrl.u32 s0, $0x3;
	[dreg:$0xa] =	wrdreg s6;
	s6 =	sadd.s32 s5, s15  }
0x1c: {  	s17 =	sadd.s32 s5, s16;
	s0 =	sadd.s32 s5, s0;
	[dreg:$0xb] =	wrdreg s6  }
0x1d: {  	s15 =	simm.s32 $0x180;
	s16 =	simm.s32 $0x500;
	[dreg:$0xc] =	wrdreg s17  }
0x1e: {  	s6 =	sshrl.u32 s23, $0x3;
	[dreg:$0xf] =	wrdreg s0;
	s23 =	sadd.s32 $0x2000, s2  }
0x1f: {  	s2 =	simm.s32 $0x1;
	s0 =	simm.s32 $0x100;
	s6 =	sadd.s32 s5, s6  }
0x20: {  	s17 =	simm.s32 $0x200;
	[dreg:$0xd] =	wrdreg s6;
	s6 =	sadd.s32 s5, s25  }
0x21: {  	s25 =	simm.s32 $0x800;
	s5 =	simm.s32 $0x2;
	[dreg:$0xe] =	wrdreg s6  }
.LBB2_1:
0x22: {  	s6 =	rddreg [dreg:$0x4]  }
0x23: {  	[tilespmem:s25], [sflag:$0x3] =	stream.linear.gather [hbm4b:s6+s4], $0x2800, $0x38;
	[tilespmem:$0x19800] =	vst v63  }
0x24: {  	_ =	swait.ge [sflag:s26], $0x2800  }
0x25: {  	[sflag:s26] =	ssyncset.done $0x0  }
0x26: {  	[sflag:s26] =	ssyncadd.s32 $0xFFFFD800  }
0x27: {  	[spmem:s7] =	stream.linear.scatter [tilespmem:s25], [sflag:$0x3], $0x2800, $0x38;
	[tilespmem:$0x19800] =	vst v63  }
0x28: {  	_ =	swait.ge [sflag:s26], $0x2800  }
0x29: {  	[sflag:s26] =	ssyncset.done $0x0  }
0x2a: {  	[sflag:s26] =	ssyncadd.s32 $0xFFFFD800  }
0x2b: {  	[spmem:s8] =	stream.linear.scatter [tilespmem:s25], [sflag:$0x3], $0x2800, $0x38;
	[tilespmem:$0x19800] =	vst v63  }
0x2c: {  	_ =	swait.ge [sflag:s26], $0x2800  }
0x2d: {  	[sflag:s26] =	ssyncset.done $0x0  }
0x2e: {  	[sflag:s26] =	ssyncadd.s32 $0xFFFFD800  }
0x2f: {  	[spmem:s22] =	stream.linear.scatter [tilespmem:s25], [sflag:$0x3], $0x2800, $0x38;
	[tilespmem:$0x19800] =	vst v63  }
0x30: {  	_ =	swait.ge [sflag:s26], $0x2800  }
0x31: {  	[sflag:s26] =	ssyncset.done $0x0  }
0x32: {  	[sflag:s26] =	ssyncadd.s32 $0xFFFFD800  }
0x33: {  	[spmem:s21] =	stream.linear.scatter [tilespmem:s25], [sflag:$0x3], $0x2800, $0x38;
	[tilespmem:$0x19800] =	vst v63  }
0x34: {  	_ =	swait.ge [sflag:s26], $0x2800  }
0x35: {  	[sflag:s26] =	ssyncset.done $0x0  }
0x36: {  	s6 =	smov.u32 s10;
	[sflag:s26] =	ssyncadd.s32 $0xFFFFD800  }
0x37: {  	[spmem:s6] =	stream.linear.scatter [tilespmem:s25], [sflag:$0x3], $0x2800, $0x38;
	[tilespmem:$0x19800] =	vst v63  }
0x38: {  	_ =	swait.ge [sflag:s26], $0x2800  }
0x39: {  	[sflag:s26] =	ssyncset.done $0x0  }
0x3a: {  	s9 =	smov.u32 s7;
	s7 =	smov.u32 s11;
	[sflag:s26] =	ssyncadd.s32 $0xFFFFD800  }
0x3b: {  	[spmem:s7] =	stream.linear.scatter [tilespmem:s25], [sflag:$0x3], $0x2800, $0x38;
	[tilespmem:$0x19800] =	vst v63  }
0x3c: {  	_ =	swait.ge [sflag:s26], $0x2800  }
0x3d: {  	[sflag:s26] =	ssyncset.done $0x0  }
0x3e: {  	s10 =	smov.u32 s8;
	s8 =	smov.u32 s12;
	[sflag:s26] =	ssyncadd.s32 $0xFFFFD800  }
0x3f: {  	[spmem:s8] =	stream.linear.scatter [tilespmem:s25], [sflag:$0x3], $0x2800, $0x38;
	[tilespmem:$0x19800] =	vst v63  }
0x40: {  	_ =	swait.ge [sflag:s26], $0x2800  }
0x41: {  	[sflag:s26] =	ssyncset.done $0x0  }
0x42: {  	s11 =	smov.u32 s22;
	s22 =	smov.u32 s13;
	[sflag:s26] =	ssyncadd.s32 $0xFFFFD800  }
0x43: {  	[spmem:s22] =	stream.linear.scatter [tilespmem:s25], [sflag:$0x3], $0x2800, $0x38;
	[tilespmem:$0x19800] =	vst v63  }
0x44: {  	_ =	swait.ge [sflag:s26], $0x2800  }
0x45: {  	[sflag:s26] =	ssyncset.done $0x0  }
0x46: {  	[sflag:s26] =	ssyncadd.s32 $0xFFFFD800  }
0x47: {  	s12 =	smov.u32 s21;
	s21 =	sadd.s32 $0x0, s24;
	[bflag:$0x0] =	sbarrier.arrive $0xFFFF  }
0x48: {  	[tilespmem:s4], [sflag:$0x3] =	stream.linear.gather [hbm4b:s21+s4], $0x280, $0x38;
	[tilespmem:$0x19800] =	vst v63  }
0x49: {  	_ =	swait.ge [sflag:s26], $0x280  }
0x4a: {  	[sflag:s26] =	ssyncset.done $0x0  }
0x4b: {  	s22 =	sadd.s32 $0x0, s23;
	[sflag:s26] =	ssyncadd.s32 $0xFFFFFD80  }
0x4c: {  	[tilespmem:s28], [sflag:$0x3] =	stream.linear.gather [hbm4b:s22+s4], $0x280, $0x38;
	[tilespmem:$0x19800] =	vst v63  }
0x4d: {  	_ =	swait.ge [sflag:s26], $0x280  }
0x4e: {  	[sflag:s26] =	ssyncset.done $0x0  }
0x4f: {  	[sflag:s26] =	ssyncadd.s32 $0xFFFFFD80  }
0x50: {  	[tilespmem:s25], [sflag:$0x1] =	stream.indirect.gather [hbm4b:s1+s29], $0x80, s4, s29, $0xb8;
	[tilespmem:$0x19800] =	vst v63  }
0x51: {  	_ = 	snop  }
0x52: {  	[tilespmem:s31], [sflag:$0x2] =	stream.indirect.gather [hbm4b:s1+s29], $0x80, s30, s29, $0xb8;
	[tilespmem:$0x19800] =	vst v63  }
0x53: {  	_ =	swait.ge [sflag:s2], $0x2800  }
0x54: {  	[sflag:s2] =	ssyncset.done $0x0  }
0x55: {  	[sflag:s2] =	ssyncadd.s32 $0xFFFFD800  }
0x56: {  	[spmem:s3] =	stream.indirect.scatter.add.f32 [tilespmem:s25], [sflag:$0x3], $0x80, s28, s29, $0xb8;
	[tilespmem:$0x19800] =	vst v63  }
0x57: {  	_ =	swait.ge [sflag:s26], $0x2800  }
0x58: {  	[sflag:s26] =	ssyncset.done $0x0  }
0x59: {  	[sflag:s26] =	ssyncadd.s32 $0xFFFFD800  }
0x5a: {  	[tilespmem:s25], [sflag:$0x1] =	stream.indirect.gather [hbm4b:s1+s29], $0x80, s0, s29, $0xb8;
	[tilespmem:$0x19800] =	vst v63  }
0x5b: {  	_ =	swait.ge [sflag:s5], $0x2800  }
0x5c: {  	[sflag:s5] =	ssyncset.done $0x0  }
0x5d: {  	[sflag:s5] =	ssyncadd.s32 $0xFFFFD800  }
0x5e: {  	[spmem:s3] =	stream.indirect.scatter.add.f32 [tilespmem:s31], [sflag:$0x3], $0x80, s14, s29, $0xb8;
	[tilespmem:$0x19800] =	vst v63  }
0x5f: {  	_ =	swait.ge [sflag:s26], $0x2800  }
0x60: {  	[sflag:s26] =	ssyncset.done $0x0  }
0x61: {  	[sflag:s26] =	ssyncadd.s32 $0xFFFFD800  }
0x62: {  	[tilespmem:s31], [sflag:$0x2] =	stream.indirect.gather [hbm4b:s1+s29], $0x80, s15, s29, $0xb8;
	[tilespmem:$0x19800] =	vst v63  }
0x63: {  	_ =	swait.ge [sflag:s2], $0x2800  }
0x64: {  	[sflag:s2] =	ssyncset.done $0x0  }
0x65: {  	[sflag:s2] =	ssyncadd.s32 $0xFFFFD800  }
0x66: {  	[spmem:s3] =	stream.indirect.scatter.add.f32 [tilespmem:s25], [sflag:$0x3], $0x80, s16, s29, $0xb8;
	[tilespmem:$0x19800] =	vst v63  }
0x67: {  	_ =	swait.ge [sflag:s26], $0x2800  }
0x68: {  	[sflag:s26] =	ssyncset.done $0x0  }
0x69: {  	[sflag:s26] =	ssyncadd.s32 $0xFFFFD800  }
0x6a: {  	[tilespmem:s25], [sflag:$0x1] =	stream.indirect.gather [hbm4b:s1+s29], $0x80, s17, s29, $0xb8;
	[tilespmem:$0x19800] =	vst v63  }
0x6b: {  	_ =	swait.ge [sflag:s5], $0x2800  }
0x6c: {  	[sflag:s5] =	ssyncset.done $0x0  }
0x6d: {  	[sflag:s5] =	ssyncadd.s32 $0xFFFFD800  }
0x6e: {  	[spmem:s3] =	stream.indirect.scatter.add.f32 [tilespmem:s31], [sflag:$0x3], $0x80, s18, s29, $0xb8;
	[tilespmem:$0x19800] =	vst v63  }
0x6f: {  	_ =	swait.ge [sflag:s26], $0x2800  }
0x70: {  	[sflag:s26] =	ssyncset.done $0x0  }
0x71: {  	[sflag:s26] =	ssyncadd.s32 $0xFFFFD800  }
0x72: {  	_ =	swait.ge [sflag:s2], $0x2800  }
0x73: {  	[sflag:s2] =	ssyncset.done $0x0  }
0x74: {  	[sflag:s2] =	ssyncadd.s32 $0xFFFFD800  }
0x75: {  	[spmem:s3] =	stream.indirect.scatter.add.f32 [tilespmem:s25], [sflag:$0x3], $0x80, s19, s29, $0xb8;
	[tilespmem:$0x19800] =	vst v63  }
0x76: {  	s13 =	smov.u32 s6;
	_ =	swait.ge [sflag:s26], $0x2800  }
0x77: {  	s21 =	simm.s32 $0x80;
	s22 =	simm.s32 $0x100;
	[sflag:s26] =	ssyncset.done $0x0  }
.LBB2_2:
0x78: {  	s7 =	sadd.s32 s21, s24  }
0x79: {  	[sflag:s26] =	ssyncadd.s32 $0xFFFFD800;
	s8 =	smov.u32 s22;
	s6 =	sadd.s32 $0x80, s22  }
0x7a: {  	[tilespmem:s4], [sflag:$0x3] =	stream.linear.gather [hbm4b:s7+s4], $0x280, $0x38;
	[tilespmem:$0x19800] =	vst v63  }
0x7b: {  	p0 =	sne.s32 s22, $0xC00;
	_ =	swait.ge [sflag:s26], $0x280  }
0x7c: {  	[sflag:s26] =	ssyncset.done $0x0  }
0x7d: {  	s7 =	sadd.s32 s21, s23;
	s21 =	smov.u32 s8;
	[sflag:s26] =	ssyncadd.s32 $0xFFFFFD80  }
0x7e: {  	[tilespmem:s28], [sflag:$0x3] =	stream.linear.gather [hbm4b:s7+s4], $0x280, $0x38;
	[tilespmem:$0x19800] =	vst v63  }
0x7f: {  	_ =	swait.ge [sflag:s26], $0x280  }
0x80: {  	[sflag:s26] =	ssyncset.done $0x0  }
0x81: {  	[sflag:s26] =	ssyncadd.s32 $0xFFFFFD80  }
0x82: {  	[tilespmem:s25], [sflag:$0x1] =	stream.indirect.gather [hbm4b:s1+s29], $0x80, s4, s29, $0xb8;
	[tilespmem:$0x19800] =	vst v63  }
0x83: {  	_ = 	snop  }
0x84: {  	[tilespmem:s31], [sflag:$0x2] =	stream.indirect.gather [hbm4b:s1+s29], $0x80, s30, s29, $0xb8;
	[tilespmem:$0x19800] =	vst v63  }
0x85: {  	_ =	swait.ge [sflag:s2], $0x2800  }
0x86: {  	[sflag:s2] =	ssyncset.done $0x0  }
0x87: {  	[sflag:s2] =	ssyncadd.s32 $0xFFFFD800  }
0x88: {  	[spmem:s3] =	stream.indirect.scatter.add.f32 [tilespmem:s25], [sflag:$0x3], $0x80, s28, s29, $0xb8;
	[tilespmem:$0x19800] =	vst v63  }
0x89: {  	_ =	swait.ge [sflag:s26], $0x2800  }
0x8a: {  	[sflag:s26] =	ssyncset.done $0x0  }
0x8b: {  	[sflag:s26] =	ssyncadd.s32 $0xFFFFD800  }
0x8c: {  	[tilespmem:s25], [sflag:$0x1] =	stream.indirect.gather [hbm4b:s1+s29], $0x80, s0, s29, $0xb8;
	[tilespmem:$0x19800] =	vst v63  }
0x8d: {  	_ =	swait.ge [sflag:s5], $0x2800  }
0x8e: {  	[sflag:s5] =	ssyncset.done $0x0  }
0x8f: {  	[sflag:s5] =	ssyncadd.s32 $0xFFFFD800  }
0x90: {  	[spmem:s3] =	stream.indirect.scatter.add.f32 [tilespmem:s31], [sflag:$0x3], $0x80, s14, s29, $0xb8;
	[tilespmem:$0x19800] =	vst v63  }
0x91: {  	_ =	swait.ge [sflag:s26], $0x2800  }
0x92: {  	[sflag:s26] =	ssyncset.done $0x0  }
0x93: {  	[sflag:s26] =	ssyncadd.s32 $0xFFFFD800  }
0x94: {  	[tilespmem:s31], [sflag:$0x2] =	stream.indirect.gather [hbm4b:s1+s29], $0x80, s15, s29, $0xb8;
	[tilespmem:$0x19800] =	vst v63  }
0x95: {  	_ =	swait.ge [sflag:s2], $0x2800  }
0x96: {  	[sflag:s2] =	ssyncset.done $0x0  }
0x97: {  	[sflag:s2] =	ssyncadd.s32 $0xFFFFD800  }
0x98: {  	[spmem:s3] =	stream.indirect.scatter.add.f32 [tilespmem:s25], [sflag:$0x3], $0x80, s16, s29, $0xb8;
	[tilespmem:$0x19800] =	vst v63  }
0x99: {  	_ =	swait.ge [sflag:s26], $0x2800  }
0x9a: {  	[sflag:s26] =	ssyncset.done $0x0  }
0x9b: {  	[sflag:s26] =	ssyncadd.s32 $0xFFFFD800  }
0x9c: {  	[tilespmem:s25], [sflag:$0x1] =	stream.indirect.gather [hbm4b:s1+s29], $0x80, s17, s29, $0xb8;
	[tilespmem:$0x19800] =	vst v63  }
0x9d: {  	_ =	swait.ge [sflag:s5], $0x2800  }
0x9e: {  	[sflag:s5] =	ssyncset.done $0x0  }
0x9f: {  	[sflag:s5] =	ssyncadd.s32 $0xFFFFD800  }
0xa0: {  	[spmem:s3] =	stream.indirect.scatter.add.f32 [tilespmem:s31], [sflag:$0x3], $0x80, s18, s29, $0xb8;
	[tilespmem:$0x19800] =	vst v63  }
0xa1: {  	_ =	swait.ge [sflag:s26], $0x2800  }
0xa2: {  	[sflag:s26] =	ssyncset.done $0x0  }
0xa3: {  	[sflag:s26] =	ssyncadd.s32 $0xFFFFD800  }
0xa4: {  	_ =	swait.ge [sflag:s2], $0x2800  }
.Ltmp0:
0xa5: {  	[sflag:s2] =	ssyncset.done $0x0;
	(pc) =	sbr.rel @p0 .LBB2_2-.Ltmp0, $4  }
0xa6: {  	[sflag:s2] =	ssyncadd.s32 $0xFFFFD800  }
0xa7: {  	[spmem:s3] =	stream.indirect.scatter.add.f32 [tilespmem:s25], [sflag:$0x3], $0x80, s19, s29, $0xb8;
	[tilespmem:$0x19800] =	vst v63  }
0xa8: {  	_ =	swait.ge [sflag:s26], $0x2800  }
0xa9: {  	s22 =	smov.u32 s6;
	[sflag:s26] =	ssyncset.done $0x0  }
0xaa: {  	s6 =	sadd.s32 s21, s24;
	[sflag:s26] =	ssyncadd.s32 $0xFFFFD800  }
0xab: {  	[tilespmem:s4], [sflag:$0x3] =	stream.linear.gather [hbm4b:s6+s4], $0x280, $0x38;
	[tilespmem:$0x19800] =	vst v63  }
0xac: {  	_ =	swait.ge [sflag:s26], $0x280  }
0xad: {  	[sflag:s26] =	ssyncset.done $0x0  }
0xae: {  	s8 =	sadd.s32 s21, s23;
	[sflag:s26] =	ssyncadd.s32 $0xFFFFFD80  }
0xaf: {  	[tilespmem:s28], [sflag:$0x3] =	stream.linear.gather [hbm4b:s8+s4], $0x280, $0x38;
	[tilespmem:$0x19800] =	vst v63  }
0xb0: {  	_ =	swait.ge [sflag:s26], $0x280  }
0xb1: {  	[sflag:s26] =	ssyncset.done $0x0  }
0xb2: {  	[sflag:s26] =	ssyncadd.s32 $0xFFFFFD80  }
0xb3: {  	[tilespmem:s25], [sflag:$0x1] =	stream.indirect.gather [hbm4b:s1+s29], $0x80, s4, s29, $0xb8;
	[tilespmem:$0x19800] =	vst v63  }
0xb4: {  	_ = 	snop  }
0xb5: {  	[tilespmem:s31], [sflag:$0x2] =	stream.indirect.gather [hbm4b:s1+s29], $0x80, s30, s29, $0xb8;
	[tilespmem:$0x19800] =	vst v63  }
0xb6: {  	_ =	swait.ge [sflag:s2], $0x2800  }
0xb7: {  	[sflag:s2] =	ssyncset.done $0x0  }
0xb8: {  	[sflag:s2] =	ssyncadd.s32 $0xFFFFD800  }
0xb9: {  	[spmem:s3] =	stream.indirect.scatter.add.f32 [tilespmem:s25], [sflag:$0x3], $0x80, s28, s29, $0xb8;
	[tilespmem:$0x19800] =	vst v63  }
0xba: {  	_ =	swait.ge [sflag:s26], $0x2800  }
0xbb: {  	[sflag:s26] =	ssyncset.done $0x0  }
0xbc: {  	[sflag:s26] =	ssyncadd.s32 $0xFFFFD800  }
0xbd: {  	[tilespmem:s25], [sflag:$0x1] =	stream.indirect.gather [hbm4b:s1+s29], $0x80, s0, s29, $0xb8;
	[tilespmem:$0x19800] =	vst v63  }
0xbe: {  	_ =	swait.ge [sflag:s5], $0x2800  }
0xbf: {  	[sflag:s5] =	ssyncset.done $0x0  }
0xc0: {  	[sflag:s5] =	ssyncadd.s32 $0xFFFFD800  }
0xc1: {  	[spmem:s3] =	stream.indirect.scatter.add.f32 [tilespmem:s31], [sflag:$0x3], $0x80, s14, s29, $0xb8;
	[tilespmem:$0x19800] =	vst v63  }
0xc2: {  	_ =	swait.ge [sflag:s26], $0x2800  }
0xc3: {  	[sflag:s26] =	ssyncset.done $0x0  }
0xc4: {  	[sflag:s26] =	ssyncadd.s32 $0xFFFFD800  }
0xc5: {  	[tilespmem:s31], [sflag:$0x2] =	stream.indirect.gather [hbm4b:s1+s29], $0x80, s15, s29, $0xb8;
	[tilespmem:$0x19800] =	vst v63  }
0xc6: {  	_ =	swait.ge [sflag:s2], $0x2800  }
0xc7: {  	[sflag:s2] =	ssyncset.done $0x0  }
0xc8: {  	[sflag:s2] =	ssyncadd.s32 $0xFFFFD800  }
0xc9: {  	[spmem:s3] =	stream.indirect.scatter.add.f32 [tilespmem:s25], [sflag:$0x3], $0x80, s16, s29, $0xb8;
	[tilespmem:$0x19800] =	vst v63  }
0xca: {  	_ =	swait.ge [sflag:s26], $0x2800  }
0xcb: {  	[sflag:s26] =	ssyncset.done $0x0  }
0xcc: {  	[sflag:s26] =	ssyncadd.s32 $0xFFFFD800  }
0xcd: {  	[tilespmem:s25], [sflag:$0x1] =	stream.indirect.gather [hbm4b:s1+s29], $0x80, s17, s29, $0xb8;
	[tilespmem:$0x19800] =	vst v63  }
0xce: {  	_ =	swait.ge [sflag:s5], $0x2800  }
0xcf: {  	[sflag:s5] =	ssyncset.done $0x0  }
0xd0: {  	[sflag:s5] =	ssyncadd.s32 $0xFFFFD800  }
0xd1: {  	[spmem:s3] =	stream.indirect.scatter.add.f32 [tilespmem:s31], [sflag:$0x3], $0x80, s18, s29, $0xb8;
	[tilespmem:$0x19800] =	vst v63  }
0xd2: {  	_ =	swait.ge [sflag:s26], $0x2800  }
0xd3: {  	[sflag:s26] =	ssyncset.done $0x0  }
0xd4: {  	[sflag:s26] =	ssyncadd.s32 $0xFFFFD800  }
0xd5: {  	_ =	swait.ge [sflag:s2], $0x2800  }
0xd6: {  	[sflag:s2] =	ssyncset.done $0x0  }
0xd7: {  	[sflag:s2] =	ssyncadd.s32 $0xFFFFD800  }
0xd8: {  	[spmem:s3] =	stream.indirect.scatter.add.f32 [tilespmem:s25], [sflag:$0x3], $0x80, s19, s29, $0xb8;
	[tilespmem:$0x19800] =	vst v63  }
0xd9: {  	_ =	swait.ge [sflag:s26], $0x2800  }
0xda: {  	[sflag:s26] =	ssyncset.done $0x0  }
0xdb: {  	[sflag:s26] =	ssyncadd.s32 $0xFFFFD800  }
0xdc: {  	[bflag:$0x0] =	sbarrier.arrive $0xFFFF  }
0xdd: {  	[tilespmem:s25], [sflag:$0x3] =	stream.linear.gather [spmem:s9], $0x2800, $0x38;
	[tilespmem:$0x19800] =	vst v63  }
0xde: {  	_ =	swait.ge [sflag:s26], $0x2800  }
0xdf: {  	[sflag:s26] =	ssyncset.done $0x0  }
0xe0: {  	s21 =	rddreg [dreg:$0x8];
	[sflag:s26] =	ssyncadd.s32 $0xFFFFD800  }
0xe1: {  	[hbm4b:s21+s4] =	stream.linear.scatter [tilespmem:s25], [sflag:$0x3], $0x2800, $0x38;
	[tilespmem:$0x19800] =	vst v63  }
0xe2: {  	_ =	swait.ge [sflag:s26], $0x2800  }
0xe3: {  	[sflag:s26] =	ssyncset.done $0x0  }
0xe4: {  	[sflag:s26] =	ssyncadd.s32 $0xFFFFD800  }
0xe5: {  	[tilespmem:s25], [sflag:$0x3] =	stream.linear.gather [spmem:s10], $0x2800, $0x38;
	[tilespmem:$0x19800] =	vst v63  }
0xe6: {  	_ =	swait.ge [sflag:s26], $0x2800  }
0xe7: {  	[sflag:s26] =	ssyncset.done $0x0  }
0xe8: {  	s22 =	rddreg [dreg:$0x9];
	[sflag:s26] =	ssyncadd.s32 $0xFFFFD800  }
0xe9: {  	[hbm4b:s22+s4] =	stream.linear.scatter [tilespmem:s25], [sflag:$0x3], $0x2800, $0x38;
	[tilespmem:$0x19800] =	vst v63  }
0xea: {  	_ =	swait.ge [sflag:s26], $0x2800  }
0xeb: {  	[sflag:s26] =	ssyncset.done $0x0  }
0xec: {  	[sflag:s26] =	ssyncadd.s32 $0xFFFFD800  }
0xed: {  	[tilespmem:s25], [sflag:$0x3] =	stream.linear.gather [spmem:s11], $0x2800, $0x38;
	[tilespmem:$0x19800] =	vst v63  }
0xee: {  	_ =	swait.ge [sflag:s26], $0x2800  }
0xef: {  	[sflag:s26] =	ssyncset.done $0x0  }
0xf0: {  	s7 =	smov.u32 s9;
	s9 =	rddreg [dreg:$0xa];
	[sflag:s26] =	ssyncadd.s32 $0xFFFFD800  }
0xf1: {  	[hbm4b:s9+s4] =	stream.linear.scatter [tilespmem:s25], [sflag:$0x3], $0x2800, $0x38;
	[tilespmem:$0x19800] =	vst v63  }
0xf2: {  	_ =	swait.ge [sflag:s26], $0x2800  }
0xf3: {  	[sflag:s26] =	ssyncset.done $0x0  }
0xf4: {  	[sflag:s26] =	ssyncadd.s32 $0xFFFFD800  }
0xf5: {  	[tilespmem:s25], [sflag:$0x3] =	stream.linear.gather [spmem:s12], $0x2800, $0x38;
	[tilespmem:$0x19800] =	vst v63  }
0xf6: {  	_ =	swait.ge [sflag:s26], $0x2800  }
0xf7: {  	[sflag:s26] =	ssyncset.done $0x0  }
0xf8: {  	s8 =	smov.u32 s10;
	s10 =	rddreg [dreg:$0xb];
	[sflag:s26] =	ssyncadd.s32 $0xFFFFD800  }
0xf9: {  	[hbm4b:s10+s4] =	stream.linear.scatter [tilespmem:s25], [sflag:$0x3], $0x2800, $0x38;
	[tilespmem:$0x19800] =	vst v63  }
0xfa: {  	_ =	swait.ge [sflag:s26], $0x2800  }
0xfb: {  	[sflag:s26] =	ssyncset.done $0x0  }
0xfc: {  	[sflag:s26] =	ssyncadd.s32 $0xFFFFD800  }
0xfd: {  	[tilespmem:s25], [sflag:$0x3] =	stream.linear.gather [spmem:s13], $0x2800, $0x38;
	[tilespmem:$0x19800] =	vst v63  }
0xfe: {  	_ =	swait.ge [sflag:s26], $0x2800  }
0xff: {  	[sflag:s26] =	ssyncset.done $0x0  }
0x100: {  	s22 =	smov.u32 s11;
	s11 =	rddreg [dreg:$0xc];
	[sflag:s26] =	ssyncadd.s32 $0xFFFFD800  }
0x101: {  	[hbm4b:s11+s4] =	stream.linear.scatter [tilespmem:s25], [sflag:$0x3], $0x2800, $0x38;
	[tilespmem:$0x19800] =	vst v63  }
0x102: {  	_ =	swait.ge [sflag:s26], $0x2800  }
0x103: {  	[sflag:s26] =	ssyncset.done $0x0  }
0x104: {  	s11 =	rddreg [dreg:$0x5];
	[sflag:s26] =	ssyncadd.s32 $0xFFFFD800  }
0x105: {  	[tilespmem:s25], [sflag:$0x3] =	stream.linear.gather [spmem:s11], $0x2800, $0x38;
	[tilespmem:$0x19800] =	vst v63  }
0x106: {  	_ =	swait.ge [sflag:s26], $0x2800  }
0x107: {  	[sflag:s26] =	ssyncset.done $0x0  }
0x108: {  	s21 =	smov.u32 s12;
	s12 =	rddreg [dreg:$0xd];
	[sflag:s26] =	ssyncadd.s32 $0xFFFFD800  }
0x109: {  	[hbm4b:s12+s4] =	stream.linear.scatter [tilespmem:s25], [sflag:$0x3], $0x2800, $0x38;
	[tilespmem:$0x19800] =	vst v63  }
0x10a: {  	_ =	swait.ge [sflag:s26], $0x2800  }
0x10b: {  	[sflag:s26] =	ssyncset.done $0x0  }
0x10c: {  	s12 =	rddreg [dreg:$0x6];
	[sflag:s26] =	ssyncadd.s32 $0xFFFFD800  }
0x10d: {  	[tilespmem:s25], [sflag:$0x3] =	stream.linear.gather [spmem:s12], $0x2800, $0x38;
	[tilespmem:$0x19800] =	vst v63  }
0x10e: {  	_ =	swait.ge [sflag:s26], $0x2800  }
0x10f: {  	[sflag:s26] =	ssyncset.done $0x0  }
0x110: {  	s10 =	smov.u32 s13;
	s13 =	rddreg [dreg:$0xe];
	[sflag:s26] =	ssyncadd.s32 $0xFFFFD800  }
0x111: {  	[hbm4b:s13+s4] =	stream.linear.scatter [tilespmem:s25], [sflag:$0x3], $0x2800, $0x38;
	[tilespmem:$0x19800] =	vst v63  }
0x112: {  	_ =	swait.ge [sflag:s26], $0x2800  }
0x113: {  	[sflag:s26] =	ssyncset.done $0x0  }
0x114: {  	s13 =	rddreg [dreg:$0x7];
	[sflag:s26] =	ssyncadd.s32 $0xFFFFD800  }
0x115: {  	[tilespmem:s25], [sflag:$0x3] =	stream.linear.gather [spmem:s13], $0x2800, $0x38;
	[tilespmem:$0x19800] =	vst v63  }
0x116: {  	_ =	swait.ge [sflag:s26], $0x2800  }
0x117: {  	[sflag:s26] =	ssyncset.done $0x0  }
0x118: {  	s9 =	rddreg [dreg:$0xf];
	[sflag:s26] =	ssyncadd.s32 $0xFFFFD800  }
0x119: {  	[hbm4b:s9+s4] =	stream.linear.scatter [tilespmem:s25], [sflag:$0x3], $0x2800, $0x38;
	[tilespmem:$0x19800] =	vst v63  }
0x11a: {  	_ =	swait.ge [sflag:s26], $0x2800  }
0x11b: {  	s20 =	sadd.s32 $0x1, s20;
	s9 =	rddreg [dreg:$0x10]  }
0x11c: {  	p0 =	sne.s32 s20, s9  }
.Ltmp1:
0x11d: {  	_ = 	snop;
	(pc) =	sbr.rel @p0 .LBB2_1-.Ltmp1, $3  }
0x11e: {  	_ =	sdelay $0x1  }
0x11f: {  	[sflag:s26] =	ssyncset.done $0x0  }
0x120: {  	[sflag:s26] =	ssyncadd.s32 $0xFFFFD800  }
0x121: {  	_ =	sfence.sel $0x180000  }
0x122: {  	[bflag:$0x0] =	sbarrier.arrive $0xFFFF  }
0x123: {  	_ =	strace $0x9000004D  }
0x124: {  	s0 =	stileid.u32;
	[bflag:$0x2] =	sbarrier.arrive $0xFFFF  }
0x125: {  	p0 =	sne.s32 s0, $0x0;
	s0 =	rddreg [dreg:$0x3]  }
0x126: {  	s0 =	sadd.s32 @!p0 $0x100000, s0  }
0x127: {  	[sflag:s0] =	ssyncadd.tile.s32 @!p0 $0x1;
	_ =	shalt  }
.Lfunc_end2:
_tile_overlayer_lowered:
.L_overlay_start_2:
0x128: {  	(tag) =	ssettag $0x2  }
0x129: {  	s0 =	rddreg [dreg:$0x0];
	s2 =	stileid.u32  }
0x12a: {  	s1 =	rddreg [dreg:$0x1];
	p0 =	sne.s32 s2, $0x0  }
0x12b: {  	s3 =	rddreg [dreg:$0x2];
	[bflag:$0x3] =	sbarrier.arrive $0xFFFF;
	s2 =	simm.s32 @!p0 $0x1C03  }
0x12c: {  	[timem:s3], [sflag:s2] =	dma.local @!p0 [hbm:s0], s1  }
0x12d: {  	s0 =	simm.s32 @!p0 $0x3  }
0x12e: {  	_ =	swait.ge @!p0 [sflag:s0], s1  }
0x12f: {  	s1 =	ssub.s32 @!p0 $0x0, s1;
	[sflag:s0] =	ssyncset.done @!p0 $0x0  }
0x130: {  	[sflag:s0] =	ssyncadd.s32 @!p0 s1  }
0x131: {  	[bflag:$0x3] =	sbarrier.arrive $0xFFFF  }
0x132: {  	_ =	shalt  }

// kernel: kernel.7.cloned.1.call-start
scs
__scs_entry_jumppad:
0x0: {  	(pc) =	sbr.rel $0x88, $3  }
0x1: {  	(tag) =	ssettag $0x0;
	lr =	simm.s32 $0x1  }
0x2: {  	[smem:$0x3F99] =	sst lr;
	_ =	strace $0xD0000000  }
0x3: {  	_ = 	snop  }
0x4: {  	_ = 	snop  }
0x5: {  	_ = 	snop  }
0x6: {  	_ = 	snop  }
0x7: {  	_ = 	snop  }
__scs_overlays_trampoline_lowered:
0x8: {  	[smem:$0x3FA8] =	sst s0  }
0x9: {  	[smem:$0x3FA9] =	sst s1  }
0xa: {  	[smem:$0x3FAA] =	sst s2  }
0xb: {  	[smem:$0x3FAB] =	sst s3  }
0xc: {  	[smem:$0x3FAC] =	sst s4  }
0xd: {  	[smem:$0x3FAD] =	sst s5  }
0xe: {  	[smem:$0x3FAE] =	sst s6  }
0xf: {  	[smem:$0x3FAF] =	sst s7  }
0x10: {  	[smem:$0x3FB0] =	sst s8  }
0x11: {  	[smem:$0x3FB1] =	sst s9;
	s0 =	simm.s32 @!p0 $0x0  }
0x12: {  	s1 =	sld [smem:$0x3F97];
	s0 =	simm.s32 @p0 $0x1  }
0x13: {  	[smem:$0x3FB2] =	sst s0;
	s0 =	simm.s32 @!p1 $0x0  }
0x14: {  	s2 =	sld [smem:$0x3F96];
	s0 =	simm.s32 @p1 $0x1  }
0x15: {  	[smem:$0x3FB3] =	sst s0;
	s0 =	simm.s32 @!p2 $0x0  }
0x16: {  	s3 =	sld [smem:$0x3FDB];
	s0 =	simm.s32 @p2 $0x1  }
0x17: {  	s4 =	simm.s32 $0x1BF5;
	[smem:$0x3FB5] =	sst s0  }
0x18: {  	s0 =	sld [smem:$0x3F98];
	_ =	swait.ge [sflag:s4], $0x0  }
0x19: {  	s7 =	sld [smem:$0x3F99]  }
0x1a: {  	s8 =	sadd.s32 $0xFFFFE003, lr  }
0x1b: {  	s9 =	sadd.s32 $0xFFFFFEF7, lr;
	s5 =	simm.s32 $0xFFFFFFFF;
	p2 =	slt.u32 s8, $0xFFFFF086  }
0x1c: {  	p1 =	slt.u32 s9, $0xF7A;
	s5 =	simm.s32 @!p2 $0x0  }
0x1d: {  	s5 =	simm.s32 @p1 $0x1;
	p0 =	seq.s32 s7, s2  }
0x1e: {  	s7 =	smul.u32 @!p0 $0xF7A, s2;
	p2 =	seq.s32 @!p0 s5, $0x0  }
0x1f: {  	s9 =	smul.u32 $0xF7A, s1;
	s8 =	simm.s32 @!p0 $0x1BF5;
	p2 =	por !p2, p0  }
0x20: {  	[sflag:s8] =	ssyncset.s32 @!p0 $0xFFFFF086;
	s6 =	sadd.s32 @!p0 s3, s7;
	s7 =	simm.s32 @!p0 $0x108  }
0x21: {  	s3 =	sadd.s32 s3, s9;
	s6 =	sadd.s32 @!p0 $0x88, s6;
	s7 =	simm.s32 @p2 $0x1082  }
0x22: {  	[simem:s7], [sflag:s8] =	dma.local @!p0 [hbm:s6], $0xF7A  }
0x23: {  	s9 =	sor.u32 $0xD0000000, s2;
	s6 =	simm.s32 $0x108;
	_ =	swait.ge @!p0 [sflag:s8], $0x0  }
0x24: {  	s3 =	sadd.s32 $0x88, s3;
	s6 =	simm.s32 @!p1 $0x1082;
	[sflag:s4] =	ssyncset.s32 $0xFFFFF086  }
0x25: {  	[simem:s6], [sflag:s4] =	dma.local [hbm:s3], $0xF7A  }
0x26: {  	[smem:$0x3F99] =	sst s1;
	(tag) =	ssettag s2;
	_ =	strace s9  }
0x27: {  	s1 =	sld [smem:$0x3FA9]  }
0x28: {  	s2 =	sld [smem:$0x3FAA]  }
0x29: {  	s4 =	sld [smem:$0x3FAC]  }
0x2a: {  	p0 =	seq.s32 s5, $0x0;
	s5 =	sld [smem:$0x3FAD]  }
0x2b: {  	s6 =	sld [smem:$0x3FAE]  }
0x2c: {  	s7 =	sld [smem:$0x3FAF]  }
0x2d: {  	s3 =	simm.s32 $0x108;
	s8 =	sld [smem:$0x3FB0]  }
0x2e: {  	s3 =	simm.s32 @!p0 $0x1082;
	s9 =	sld [smem:$0x3FB1]  }
0x2f: {  	lr =	sadd.s32 s0, s3;
	s0 =	sld [smem:$0x3FA8]  }
0x30: {  	s3 =	sld [smem:$0x3FAB]  }
0x31: {  	[smem:$0x3FB4] =	sst s10  }
0x32: {  	s10 =	sld [smem:$0x3FB2];
	_ =	sdelay $0x3  }
0x33: {  	p0 =	seq.s32 s10, $0x1;
	s10 =	sld [smem:$0x3FB4];
	_ =	sdelay $0x3  }
0x34: {  	[smem:$0x3FB4] =	sst s10  }
0x35: {  	s10 =	sld [smem:$0x3FB3];
	_ =	sdelay $0x3  }
0x36: {  	p1 =	seq.s32 s10, $0x1;
	s10 =	sld [smem:$0x3FB4];
	_ =	sdelay $0x3  }
0x37: {  	[smem:$0x3FB4] =	sst s10  }
0x38: {  	s10 =	sld [smem:$0x3FB5]  }
0x39: {  	_ = 	snop;
	(pc) =	sbr.ind lr, $3  }
0x3a: {  	_ = 	snop  }
0x3b: {  	_ = 	snop  }
0x3c: {  	p2 =	seq.s32 s10, $0x1;
	s10 =	sld [smem:$0x3FB4]  }
0x3d: {  	_ =	shalt  }
0x3e: {  	_ =	shalt  }
0x3f: {  	_ =	shalt  }
0x40: {  	_ =	shalt  }
0x41: {  	_ =	shalt  }
0x42: {  	_ =	shalt  }
0x43: {  	_ =	shalt  }
0x44: {  	_ =	shalt  }
0x45: {  	_ =	shalt  }
0x46: {  	_ =	shalt  }
0x47: {  	_ =	shalt  }
0x48: {  	_ =	shalt  }
0x49: {  	_ =	shalt  }
0x4a: {  	_ =	shalt  }
0x4b: {  	_ =	shalt  }
0x4c: {  	_ =	shalt  }
0x4d: {  	_ =	shalt  }
0x4e: {  	_ =	shalt  }
0x4f: {  	_ =	shalt  }
0x50: {  	_ =	shalt  }
0x51: {  	_ =	shalt  }
0x52: {  	_ =	shalt  }
0x53: {  	_ =	shalt  }
0x54: {  	_ =	shalt  }
0x55: {  	_ =	shalt  }
0x56: {  	_ =	shalt  }
0x57: {  	_ =	shalt  }
0x58: {  	_ =	shalt  }
0x59: {  	_ =	shalt  }
0x5a: {  	_ =	shalt  }
0x5b: {  	_ =	shalt  }
0x5c: {  	_ =	shalt  }
0x5d: {  	_ =	shalt  }
0x5e: {  	_ =	shalt  }
0x5f: {  	_ =	shalt  }
0x60: {  	_ =	shalt  }
0x61: {  	_ =	shalt  }
0x62: {  	_ =	shalt  }
0x63: {  	_ =	shalt  }
0x64: {  	_ =	shalt  }
0x65: {  	_ =	shalt  }
0x66: {  	_ =	shalt  }
0x67: {  	_ =	shalt  }
0x68: {  	_ =	shalt  }
0x69: {  	_ =	shalt  }
0x6a: {  	_ =	shalt  }
0x6b: {  	_ =	shalt  }
0x6c: {  	_ =	shalt  }
0x6d: {  	_ =	shalt  }
0x6e: {  	_ =	shalt  }
0x6f: {  	_ =	shalt  }
0x70: {  	_ =	shalt  }
0x71: {  	_ =	shalt  }
0x72: {  	_ =	shalt  }
0x73: {  	_ =	shalt  }
0x74: {  	_ =	shalt  }
0x75: {  	_ =	shalt  }
0x76: {  	_ =	shalt  }
0x77: {  	_ =	shalt  }
0x78: {  	_ =	shalt  }
0x79: {  	_ =	shalt  }
0x7a: {  	_ =	shalt  }
0x7b: {  	_ =	shalt  }
0x7c: {  	_ =	shalt  }
0x7d: {  	_ =	shalt  }
0x7e: {  	_ =	shalt  }
0x7f: {  	_ =	shalt  }
0x80: {  	_ =	shalt  }
0x81: {  	_ =	shalt  }
0x82: {  	_ =	shalt  }
0x83: {  	_ =	shalt  }
0x84: {  	_ =	shalt  }
0x85: {  	_ =	shalt  }
0x86: {  	_ =	shalt  }
0x87: {  	_ =	shalt  }
.Lfunc_end0:
.L_simem_size_0:
called_computation_lowered:
.L_overlay_start_0:
0x88: {  	s2 =	sld [smem:$0x3FD9]  }
0x89: {  	s3 =	sld [smem:$0x3FFE];
	_ =	sdelay $0x1  }
0x8a: {  	s1 =	srdreg.scid  }
0x8b: {  	s0 =	sand.u32 $0x1, s1  }
0x8c: {  	s17 =	sshll.u32 s0, $0xA;
	s2 =	sadd.s32 s3, s2  }
0x8d: {  	s2 =	sadd.s32 s2, s17  }
0x8e: {  	[smem:$0x3FC0] =	sst s2  }
0x8f: {  	_ = 	snop  }
0x90: {  	s2 =	sld [smem:$0x3FC9];
	(tm) =	ssettm $0x1  }
0x91: {  	s18 =	sld [smem:$0x3FFB];
	_ =	sdelay $0x3  }
0x92: {  	_ =	strace s18  }
0x93: {  	s3 =	sld [smem:$0x3FFC];
	_ =	sdelay $0x3  }
0x94: {  	_ =	strace s3  }
0x95: {  	s3 =	sld [smem:$0x3FFD];
	_ =	sdelay $0x3  }
0x96: {  	_ =	strace s3  }
0x97: {  	_ =	strace $0x8FFFFFFF  }
0x98: {  	s19 =	sld [smem:$0x3FDB];
	_ =	sdelay $0x1  }
0x99: {  	s4 =	simm.s32 $_scs_section_size  }
0x9a: {  	s5 =	simm.s32 $_size__tile_overlayer_lowered;
	s6 =	simm.s32 $_tile_overlayer_lowered  }
0x9b: {  	s22 =	simm.s32 $0x1BFF;
	s21 =	sshll.u32 s6, $0x1;
	s3 =	sadd.s32 s4, s19  }
0x9c: {  	s7 =	simm.s32 $0x0;
	s20 =	sshll.u32 s5, $0x1;
	s5 =	sadd.s32 s21, s3  }
0x9d: {  	[timem:s7], [sflag:s22] =	dma.local [hbm:s5], s20  }
0x9e: {  	_ =	swait.ge [sflag:s22], s20  }
0x9f: {  	s4 =	ssub.s32 $0x0, s20;
	[sflag:s22] =	ssyncset.done $0x0  }
0xa0: {  	[sflag:s22] =	ssyncadd.s32 s4;
	_ =	sdelay $0x1  }
0xa1: {  	s23 =	simm.s32 $0x1B8B  }
0xa2: {  	_ =	swait.ge [sflag:s23], $0x1  }
0xa3: {  	[sflag:s23] =	ssyncset.done $0x0  }
0xa4: {  	s25 =	simm.s32 $0x1B8E;
	s24 =	sld [smem:$0x3FFE];
	[sflag:s23] =	ssyncadd.s32 $0xFFFFFFFF  }
0xa5: {  	s26 =	simm.s32 $execute0_lowered;
	[smem:$0x3FD2] =	sst s25  }
0xa6: {  	s5 =	sshll.u32 s26, $0x1;
	_ =	strace $0x80000046;
	[dreg:$0x1] =	wrdreg $0xFFFFFFFF  }
0xa7: {  	s28 =	simm.s32 $_size_execute0_lowered;
	s3 =	sadd.s32 s3, s5;
	[dreg:$0x0] =	wrdreg $0x0  }
0xa8: {  	s5 =	sshll.u32 s28, $0x1;
	[dreg:$0x2] =	wrdreg s3  }
0xa9: {  	[dreg:$0x3] =	wrdreg s5  }
0xaa: {  	[dreg:$0x4] =	wrdreg $0xC0  }
0xab: {  	_ =	task [dreg:s7], $0x5FFFF  }
0xac: {  	[dreg:$0x1] =	wrdreg $0xFFFFFFFF  }
0xad: {  	[dreg:$0x0] =	wrdreg $0x60  }
0xae: {  	[dreg:$0x2] =	wrdreg s2  }
0xaf: {  	[dreg:$0x3] =	wrdreg s24  }
0xb0: {  	[dreg:$0x4] =	wrdreg $0x58000  }
0xb1: {  	[dreg:$0x5] =	wrdreg $0x9  }
0xb2: {  	_ =	task.clear_ibuf [dreg:s7], $0x6FFFF;
	_ =	strace $0x90000046  }
0xb3: {  	s29 =	simm.s32 $0x9;
	_ =	strace $0x80000048  }
0xb4: {  	_ =	swait.ge [sflag:s29], $0x1  }
0xb5: {  	[sflag:s29] =	ssyncadd.s32 $0xFFFFFFFF  }
0xb6: {  	_ =	strace $0x90000048  }
0xb7: {  	_ =	sfence  }
0xb8: {  	s30 =	sld [smem:$0x0];
	_ =	sdelay $0x2  }
0xb9: {  	s31 =	sshll.u32 s1, $0xD;
	s1 =	sshrl.u32 s1, $0x2  }
0xba: {  	s3 =	sand.u32 $0x4000, s31;
	s1 =	sadd.s32 s1, s30  }
0xbb: {  	s0 =	sor.u32 s3, s0;
	s1 =	sshll.u32 s1, $0x11  }
0xbc: {  	s0 =	sor.u32 s1, s0  }
0xbd: {  	s0 =	sadd.s32 $0x8F2B, s0  }
0xbe: {  	[sflag:s0] =	ssyncadd.remote.s32 $0x1  }
0xbf: {  	_ =	sfence.sel $0xFFFF  }
0xc0: {  	[dreg:$0x0] =	wrdreg $0xFFFFFFFF;
	(pc) =	sbr.abs _section_cstart, $3  }
0xc1: {  	[dreg:$0x1] =	wrdreg $0xFFFFFFFF  }
0xc2: {  	_ =	task.clear_ibuf [dreg:s7], $0x2FFFF;
	_ =	strace $0x9FFFFFFF  }
0xc3: {  	(tm) =	ssettm $0x7FFFFFFF  }
tec
execute0_lowered:
.L_overlay_start_1:
0x0: {  	(tag) =	ssettag $0x1  }
0x1: {  	s1 =	rddreg [dreg:$0x0]  }
0x2: {  	s0 =	srdreg.scid;
	s5 =	rddreg [dreg:$0x1]  }
0x3: {  	s8 =	stileid.u32;
	s3 =	rddreg [dreg:$0x2]  }
0x4: {  	s4 =	simm.s32 $0x0;
	s28 =	simm.s32 $0x400;
	s6 =	smul.u32 $0x6400, s8  }
0x5: {  	s29 =	simm.s32 $0x50;
	s30 =	simm.s32 $0x80;
	s21 =	smul.u32 $0x50000, s8  }
0x6: {  	s31 =	simm.s32 $0x3000;
	s0 =	sand.u32 $0x1, s0;
	s13 =	smul.u32 $0x14000, s8  }
0x7: {  	[smem:$0x7FF] =	sst s4;
	s7 =	sadd.s32 $0x34000, s5;
	s2 =	smul.u32 $0x64000, s0  }
0x8: {  	_ =	strace $0x80000047;
	[dreg:$0x4] =	wrdreg s7;
	s22 =	ssub.s32 $0x2, s0  }
0x9: {  	s0 =	smul.u32 $0x140000, s0;
	s23 =	sshrl.u32 s22, $0x1;
	s24 =	sor.u32 $0x2800, s13  }
0xa: {  	s15 =	sadd.s32 $0x5000, s13;
	s16 =	sadd.s32 $0x7800, s13;
	s17 =	sadd.s32 $0xA000, s13  }
0xb: {  	s18 =	sadd.s32 $0xC800, s13;
	s19 =	sadd.s32 $0xF000, s13;
	s20 =	sadd.s32 $0x11800, s13  }
0xc: {  	s2 =	sadd.s32 s6, s2;
	s6 =	sshrl.u32 s21, $0x2;
	s14 =	ssub.s32 s22, s23  }
0xd: {  	s8 =	sadd.s32 s24, s3;
	s22 =	sadd.s32 s15, s3;
	s9 =	sadd.s32 s16, s3  }
0xe: {  	s10 =	sadd.s32 s17, s3;
	s11 =	sadd.s32 s18, s3;
	s12 =	sadd.s32 s19, s3  }
0xf: {  	s21 =	sadd.s32 s13, s0;
	s13 =	sadd.s32 s20, s3;
	s25 =	sadd.s32 s0, s15  }
0x10: {  	s26 =	sadd.s32 s0, s16;
	s23 =	sadd.s32 s0, s18;
	s18 =	simm.s32 $0x580  }
0x11: {  	s2 =	sshrl.u32 s2, $0x3;
	s7 =	sadd.s32 s6, s3;
	s6 =	sadd.s32 s0, s24  }
0x12: {  	s21 =	sshrl.u32 s21, $0x3;
	s15 =	sshrl.u32 s26, $0x3;
	[dreg:$0x5] =	wrdreg s11  }
0x13: {  	s24 =	sadd.s32 s0, s19;
	s26 =	smax.u32 s14, $0x1;
	[dreg:$0x6] =	wrdreg s12  }
0x14: {  	s14 =	simm.s32 $0x480;
	s19 =	simm.s32 $0x600;
	[dreg:$0x7] =	wrdreg s13  }
0x15: {  	s2 =	sadd.s32 s2, s5;
	s5 =	sadd.s32 $0x34600, s5;
	s6 =	sshrl.u32 s6, $0x3  }
0x16: {  	[dreg:$0x10] =	wrdreg s26;
	s26 =	simm.s32 $0x3;
	s21 =	sadd.s32 s5, s21  }
0x17: {  	s6 =	sadd.s32 s5, s6;
	[dreg:$0x8] =	wrdreg s21;
	s21 =	smov.u32 s9  }
0x18: {  	[dreg:$0x9] =	wrdreg s6;
	s6 =	sshrl.u32 s25, $0x3;
	s9 =	sadd.s32 s0, s17  }
0x19: {  	s0 =	sadd.s32 s0, s20;
	s25 =	sshrl.u32 s24, $0x3;
	s24 =	sadd.s32 $0x1B000, s2  }
0x1a: {  	s20 =	simm.s32 $0x0;
	s6 =	sadd.s32 s5, s6;
	s16 =	sshrl.u32 s9, $0x3  }
0x1b: {  	s0 =	sshrl.u32 s0, $0x3;
	[dreg:$0xa] =	wrdreg s6;
	s6 =	sadd.s32 s5, s15  }
0x1c: {  	s17 =	sadd.s32 s5, s16;
	s0 =	sadd.s32 s5, s0;
	[dreg:$0xb] =	wrdreg s6  }
0x1d: {  	s15 =	simm.s32 $0x180;
	s16 =	simm.s32 $0x500;
	[dreg:$0xc] =	wrdreg s17  }
0x1e: {  	s6 =	sshrl.u32 s23, $0x3;
	[dreg:$0xf] =	wrdreg s0;
	s23 =	sadd.s32 $0x2000, s2  }
0x1f: {  	s2 =	simm.s32 $0x1;
	s0 =	simm.s32 $0x100;
	s6 =	sadd.s32 s5, s6  }
0x20: {  	s17 =	simm.s32 $0x200;
	[dreg:$0xd] =	wrdreg s6;
	s6 =	sadd.s32 s5, s25  }
0x21: {  	s25 =	simm.s32 $0x800;
	s5 =	simm.s32 $0x2;
	[dreg:$0xe] =	wrdreg s6  }
.LBB2_1:
0x22: {  	s6 =	rddreg [dreg:$0x4]  }
0x23: {  	[tilespmem:s25], [sflag:$0x3] =	stream.linear.gather [hbm4b:s6+s4], $0x2800, $0x38;
	[tilespmem:$0x19800] =	vst v63  }
0x24: {  	_ =	swait.ge [sflag:s26], $0x2800  }
0x25: {  	[sflag:s26] =	ssyncset.done $0x0  }
0x26: {  	[sflag:s26] =	ssyncadd.s32 $0xFFFFD800  }
0x27: {  	[spmem:s7] =	stream.linear.scatter [tilespmem:s25], [sflag:$0x3], $0x2800, $0x38;
	[tilespmem:$0x19800] =	vst v63  }
0x28: {  	_ =	swait.ge [sflag:s26], $0x2800  }
0x29: {  	[sflag:s26] =	ssyncset.done $0x0  }
0x2a: {  	[sflag:s26] =	ssyncadd.s32 $0xFFFFD800  }
0x2b: {  	[spmem:s8] =	stream.linear.scatter [tilespmem:s25], [sflag:$0x3], $0x2800, $0x38;
	[tilespmem:$0x19800] =	vst v63  }
0x2c: {  	_ =	swait.ge [sflag:s26], $0x2800  }
0x2d: {  	[sflag:s26] =	ssyncset.done $0x0  }
0x2e: {  	[sflag:s26] =	ssyncadd.s32 $0xFFFFD800  }
0x2f: {  	[spmem:s22] =	stream.linear.scatter [tilespmem:s25], [sflag:$0x3], $0x2800, $0x38;
	[tilespmem:$0x19800] =	vst v63  }
0x30: {  	_ =	swait.ge [sflag:s26], $0x2800  }
0x31: {  	[sflag:s26] =	ssyncset.done $0x0  }
0x32: {  	[sflag:s26] =	ssyncadd.s32 $0xFFFFD800  }
0x33: {  	[spmem:s21] =	stream.linear.scatter [tilespmem:s25], [sflag:$0x3], $0x2800, $0x38;
	[tilespmem:$0x19800] =	vst v63  }
0x34: {  	_ =	swait.ge [sflag:s26], $0x2800  }
0x35: {  	[sflag:s26] =	ssyncset.done $0x0  }
0x36: {  	s6 =	smov.u32 s10;
	[sflag:s26] =	ssyncadd.s32 $0xFFFFD800  }
0x37: {  	[spmem:s6] =	stream.linear.scatter [tilespmem:s25], [sflag:$0x3], $0x2800, $0x38;
	[tilespmem:$0x19800] =	vst v63  }
0x38: {  	_ =	swait.ge [sflag:s26], $0x2800  }
0x39: {  	[sflag:s26] =	ssyncset.done $0x0  }
0x3a: {  	s9 =	smov.u32 s7;
	s7 =	smov.u32 s11;
	[sflag:s26] =	ssyncadd.s32 $0xFFFFD800  }
0x3b: {  	[spmem:s7] =	stream.linear.scatter [tilespmem:s25], [sflag:$0x3], $0x2800, $0x38;
	[tilespmem:$0x19800] =	vst v63  }
0x3c: {  	_ =	swait.ge [sflag:s26], $0x2800  }
0x3d: {  	[sflag:s26] =	ssyncset.done $0x0  }
0x3e: {  	s10 =	smov.u32 s8;
	s8 =	smov.u32 s12;
	[sflag:s26] =	ssyncadd.s32 $0xFFFFD800  }
0x3f: {  	[spmem:s8] =	stream.linear.scatter [tilespmem:s25], [sflag:$0x3], $0x2800, $0x38;
	[tilespmem:$0x19800] =	vst v63  }
0x40: {  	_ =	swait.ge [sflag:s26], $0x2800  }
0x41: {  	[sflag:s26] =	ssyncset.done $0x0  }
0x42: {  	s11 =	smov.u32 s22;
	s22 =	smov.u32 s13;
	[sflag:s26] =	ssyncadd.s32 $0xFFFFD800  }
0x43: {  	[spmem:s22] =	stream.linear.scatter [tilespmem:s25], [sflag:$0x3], $0x2800, $0x38;
	[tilespmem:$0x19800] =	vst v63  }
0x44: {  	_ =	swait.ge [sflag:s26], $0x2800  }
0x45: {  	[sflag:s26] =	ssyncset.done $0x0  }
0x46: {  	[sflag:s26] =	ssyncadd.s32 $0xFFFFD800  }
0x47: {  	s12 =	smov.u32 s21;
	s21 =	sadd.s32 $0x0, s24;
	[bflag:$0x0] =	sbarrier.arrive $0xFFFF  }
0x48: {  	[tilespmem:s4], [sflag:$0x3] =	stream.linear.gather [hbm4b:s21+s4], $0x280, $0x38;
	[tilespmem:$0x19800] =	vst v63  }
0x49: {  	_ =	swait.ge [sflag:s26], $0x280  }
0x4a: {  	[sflag:s26] =	ssyncset.done $0x0  }
0x4b: {  	s22 =	sadd.s32 $0x0, s23;
	[sflag:s26] =	ssyncadd.s32 $0xFFFFFD80  }
0x4c: {  	[tilespmem:s28], [sflag:$0x3] =	stream.linear.gather [hbm4b:s22+s4], $0x280, $0x38;
	[tilespmem:$0x19800] =	vst v63  }
0x4d: {  	_ =	swait.ge [sflag:s26], $0x280  }
0x4e: {  	[sflag:s26] =	ssyncset.done $0x0  }
0x4f: {  	[sflag:s26] =	ssyncadd.s32 $0xFFFFFD80  }
0x50: {  	[tilespmem:s25], [sflag:$0x1] =	stream.indirect.gather [hbm4b:s1+s29], $0x80, s4, s29, $0xb8;
	[tilespmem:$0x19800] =	vst v63  }
0x51: {  	_ = 	snop  }
0x52: {  	[tilespmem:s31], [sflag:$0x2] =	stream.indirect.gather [hbm4b:s1+s29], $0x80, s30, s29, $0xb8;
	[tilespmem:$0x19800] =	vst v63  }
0x53: {  	_ =	swait.ge [sflag:s2], $0x2800  }
0x54: {  	[sflag:s2] =	ssyncset.done $0x0  }
0x55: {  	[sflag:s2] =	ssyncadd.s32 $0xFFFFD800  }
0x56: {  	[spmem:s3] =	stream.indirect.scatter.add.f32 [tilespmem:s25], [sflag:$0x3], $0x80, s28, s29, $0xb8;
	[tilespmem:$0x19800] =	vst v63  }
0x57: {  	_ =	swait.ge [sflag:s26], $0x2800  }
0x58: {  	[sflag:s26] =	ssyncset.done $0x0  }
0x59: {  	[sflag:s26] =	ssyncadd.s32 $0xFFFFD800  }
0x5a: {  	[tilespmem:s25], [sflag:$0x1] =	stream.indirect.gather [hbm4b:s1+s29], $0x80, s0, s29, $0xb8;
	[tilespmem:$0x19800] =	vst v63  }
0x5b: {  	_ =	swait.ge [sflag:s5], $0x2800  }
0x5c: {  	[sflag:s5] =	ssyncset.done $0x0  }
0x5d: {  	[sflag:s5] =	ssyncadd.s32 $0xFFFFD800  }
0x5e: {  	[spmem:s3] =	stream.indirect.scatter.add.f32 [tilespmem:s31], [sflag:$0x3], $0x80, s14, s29, $0xb8;
	[tilespmem:$0x19800] =	vst v63  }
0x5f: {  	_ =	swait.ge [sflag:s26], $0x2800  }
0x60: {  	[sflag:s26] =	ssyncset.done $0x0  }
0x61: {  	[sflag:s26] =	ssyncadd.s32 $0xFFFFD800  }
0x62: {  	[tilespmem:s31], [sflag:$0x2] =	stream.indirect.gather [hbm4b:s1+s29], $0x80, s15, s29, $0xb8;
	[tilespmem:$0x19800] =	vst v63  }
0x63: {  	_ =	swait.ge [sflag:s2], $0x2800  }
0x64: {  	[sflag:s2] =	ssyncset.done $0x0  }
0x65: {  	[sflag:s2] =	ssyncadd.s32 $0xFFFFD800  }
0x66: {  	[spmem:s3] =	stream.indirect.scatter.add.f32 [tilespmem:s25], [sflag:$0x3], $0x80, s16, s29, $0xb8;
	[tilespmem:$0x19800] =	vst v63  }
0x67: {  	_ =	swait.ge [sflag:s26], $0x2800  }
0x68: {  	[sflag:s26] =	ssyncset.done $0x0  }
0x69: {  	[sflag:s26] =	ssyncadd.s32 $0xFFFFD800  }
0x6a: {  	[tilespmem:s25], [sflag:$0x1] =	stream.indirect.gather [hbm4b:s1+s29], $0x80, s17, s29, $0xb8;
	[tilespmem:$0x19800] =	vst v63  }
0x6b: {  	_ =	swait.ge [sflag:s5], $0x2800  }
0x6c: {  	[sflag:s5] =	ssyncset.done $0x0  }
0x6d: {  	[sflag:s5] =	ssyncadd.s32 $0xFFFFD800  }
0x6e: {  	[spmem:s3] =	stream.indirect.scatter.add.f32 [tilespmem:s31], [sflag:$0x3], $0x80, s18, s29, $0xb8;
	[tilespmem:$0x19800] =	vst v63  }
0x6f: {  	_ =	swait.ge [sflag:s26], $0x2800  }
0x70: {  	[sflag:s26] =	ssyncset.done $0x0  }
0x71: {  	[sflag:s26] =	ssyncadd.s32 $0xFFFFD800  }
0x72: {  	_ =	swait.ge [sflag:s2], $0x2800  }
0x73: {  	[sflag:s2] =	ssyncset.done $0x0  }
0x74: {  	[sflag:s2] =	ssyncadd.s32 $0xFFFFD800  }
0x75: {  	[spmem:s3] =	stream.indirect.scatter.add.f32 [tilespmem:s25], [sflag:$0x3], $0x80, s19, s29, $0xb8;
	[tilespmem:$0x19800] =	vst v63  }
0x76: {  	s13 =	smov.u32 s6;
	_ =	swait.ge [sflag:s26], $0x2800  }
0x77: {  	s21 =	simm.s32 $0x80;
	s22 =	simm.s32 $0x100;
	[sflag:s26] =	ssyncset.done $0x0  }
.LBB2_2:
0x78: {  	s7 =	sadd.s32 s21, s24  }
0x79: {  	[sflag:s26] =	ssyncadd.s32 $0xFFFFD800;
	s8 =	smov.u32 s22;
	s6 =	sadd.s32 $0x80, s22  }
0x7a: {  	[tilespmem:s4], [sflag:$0x3] =	stream.linear.gather [hbm4b:s7+s4], $0x280, $0x38;
	[tilespmem:$0x19800] =	vst v63  }
0x7b: {  	p0 =	sne.s32 s22, $0xC00;
	_ =	swait.ge [sflag:s26], $0x280  }
0x7c: {  	[sflag:s26] =	ssyncset.done $0x0  }
0x7d: {  	s7 =	sadd.s32 s21, s23;
	s21 =	smov.u32 s8;
	[sflag:s26] =	ssyncadd.s32 $0xFFFFFD80  }
0x7e: {  	[tilespmem:s28], [sflag:$0x3] =	stream.linear.gather [hbm4b:s7+s4], $0x280, $0x38;
	[tilespmem:$0x19800] =	vst v63  }
0x7f: {  	_ =	swait.ge [sflag:s26], $0x280  }
0x80: {  	[sflag:s26] =	ssyncset.done $0x0  }
0x81: {  	[sflag:s26] =	ssyncadd.s32 $0xFFFFFD80  }
0x82: {  	[tilespmem:s25], [sflag:$0x1] =	stream.indirect.gather [hbm4b:s1+s29], $0x80, s4, s29, $0xb8;
	[tilespmem:$0x19800] =	vst v63  }
0x83: {  	_ = 	snop  }
0x84: {  	[tilespmem:s31], [sflag:$0x2] =	stream.indirect.gather [hbm4b:s1+s29], $0x80, s30, s29, $0xb8;
	[tilespmem:$0x19800] =	vst v63  }
0x85: {  	_ =	swait.ge [sflag:s2], $0x2800  }
0x86: {  	[sflag:s2] =	ssyncset.done $0x0  }
0x87: {  	[sflag:s2] =	ssyncadd.s32 $0xFFFFD800  }
0x88: {  	[spmem:s3] =	stream.indirect.scatter.add.f32 [tilespmem:s25], [sflag:$0x3], $0x80, s28, s29, $0xb8;
	[tilespmem:$0x19800] =	vst v63  }
0x89: {  	_ =	swait.ge [sflag:s26], $0x2800  }
0x8a: {  	[sflag:s26] =	ssyncset.done $0x0  }
0x8b: {  	[sflag:s26] =	ssyncadd.s32 $0xFFFFD800  }
0x8c: {  	[tilespmem:s25], [sflag:$0x1] =	stream.indirect.gather [hbm4b:s1+s29], $0x80, s0, s29, $0xb8;
	[tilespmem:$0x19800] =	vst v63  }
0x8d: {  	_ =	swait.ge [sflag:s5], $0x2800  }
0x8e: {  	[sflag:s5] =	ssyncset.done $0x0  }
0x8f: {  	[sflag:s5] =	ssyncadd.s32 $0xFFFFD800  }
0x90: {  	[spmem:s3] =	stream.indirect.scatter.add.f32 [tilespmem:s31], [sflag:$0x3], $0x80, s14, s29, $0xb8;
	[tilespmem:$0x19800] =	vst v63  }
0x91: {  	_ =	swait.ge [sflag:s26], $0x2800  }
0x92: {  	[sflag:s26] =	ssyncset.done $0x0  }
0x93: {  	[sflag:s26] =	ssyncadd.s32 $0xFFFFD800  }
0x94: {  	[tilespmem:s31], [sflag:$0x2] =	stream.indirect.gather [hbm4b:s1+s29], $0x80, s15, s29, $0xb8;
	[tilespmem:$0x19800] =	vst v63  }
0x95: {  	_ =	swait.ge [sflag:s2], $0x2800  }
0x96: {  	[sflag:s2] =	ssyncset.done $0x0  }
0x97: {  	[sflag:s2] =	ssyncadd.s32 $0xFFFFD800  }
0x98: {  	[spmem:s3] =	stream.indirect.scatter.add.f32 [tilespmem:s25], [sflag:$0x3], $0x80, s16, s29, $0xb8;
	[tilespmem:$0x19800] =	vst v63  }
0x99: {  	_ =	swait.ge [sflag:s26], $0x2800  }
0x9a: {  	[sflag:s26] =	ssyncset.done $0x0  }
0x9b: {  	[sflag:s26] =	ssyncadd.s32 $0xFFFFD800  }
0x9c: {  	[tilespmem:s25], [sflag:$0x1] =	stream.indirect.gather [hbm4b:s1+s29], $0x80, s17, s29, $0xb8;
	[tilespmem:$0x19800] =	vst v63  }
0x9d: {  	_ =	swait.ge [sflag:s5], $0x2800  }
0x9e: {  	[sflag:s5] =	ssyncset.done $0x0  }
0x9f: {  	[sflag:s5] =	ssyncadd.s32 $0xFFFFD800  }
0xa0: {  	[spmem:s3] =	stream.indirect.scatter.add.f32 [tilespmem:s31], [sflag:$0x3], $0x80, s18, s29, $0xb8;
	[tilespmem:$0x19800] =	vst v63  }
0xa1: {  	_ =	swait.ge [sflag:s26], $0x2800  }
0xa2: {  	[sflag:s26] =	ssyncset.done $0x0  }
0xa3: {  	[sflag:s26] =	ssyncadd.s32 $0xFFFFD800  }
0xa4: {  	_ =	swait.ge [sflag:s2], $0x2800  }
.Ltmp0:
0xa5: {  	[sflag:s2] =	ssyncset.done $0x0;
	(pc) =	sbr.rel @p0 .LBB2_2-.Ltmp0, $4  }
0xa6: {  	[sflag:s2] =	ssyncadd.s32 $0xFFFFD800  }
0xa7: {  	[spmem:s3] =	stream.indirect.scatter.add.f32 [tilespmem:s25], [sflag:$0x3], $0x80, s19, s29, $0xb8;
	[tilespmem:$0x19800] =	vst v63  }
0xa8: {  	_ =	swait.ge [sflag:s26], $0x2800  }
0xa9: {  	s22 =	smov.u32 s6;
	[sflag:s26] =	ssyncset.done $0x0  }
0xaa: {  	s6 =	sadd.s32 s21, s24;
	[sflag:s26] =	ssyncadd.s32 $0xFFFFD800  }
0xab: {  	[tilespmem:s4], [sflag:$0x3] =	stream.linear.gather [hbm4b:s6+s4], $0x280, $0x38;
	[tilespmem:$0x19800] =	vst v63  }
0xac: {  	_ =	swait.ge [sflag:s26], $0x280  }
0xad: {  	[sflag:s26] =	ssyncset.done $0x0  }
0xae: {  	s8 =	sadd.s32 s21, s23;
	[sflag:s26] =	ssyncadd.s32 $0xFFFFFD80  }
0xaf: {  	[tilespmem:s28], [sflag:$0x3] =	stream.linear.gather [hbm4b:s8+s4], $0x280, $0x38;
	[tilespmem:$0x19800] =	vst v63  }
0xb0: {  	_ =	swait.ge [sflag:s26], $0x280  }
0xb1: {  	[sflag:s26] =	ssyncset.done $0x0  }
0xb2: {  	[sflag:s26] =	ssyncadd.s32 $0xFFFFFD80  }
0xb3: {  	[tilespmem:s25], [sflag:$0x1] =	stream.indirect.gather [hbm4b:s1+s29], $0x80, s4, s29, $0xb8;
	[tilespmem:$0x19800] =	vst v63  }
0xb4: {  	_ = 	snop  }
0xb5: {  	[tilespmem:s31], [sflag:$0x2] =	stream.indirect.gather [hbm4b:s1+s29], $0x80, s30, s29, $0xb8;
	[tilespmem:$0x19800] =	vst v63  }
0xb6: {  	_ =	swait.ge [sflag:s2], $0x2800  }
0xb7: {  	[sflag:s2] =	ssyncset.done $0x0  }
0xb8: {  	[sflag:s2] =	ssyncadd.s32 $0xFFFFD800  }
0xb9: {  	[spmem:s3] =	stream.indirect.scatter.add.f32 [tilespmem:s25], [sflag:$0x3], $0x80, s28, s29, $0xb8;
	[tilespmem:$0x19800] =	vst v63  }
0xba: {  	_ =	swait.ge [sflag:s26], $0x2800  }
0xbb: {  	[sflag:s26] =	ssyncset.done $0x0  }
0xbc: {  	[sflag:s26] =	ssyncadd.s32 $0xFFFFD800  }
0xbd: {  	[tilespmem:s25], [sflag:$0x1] =	stream.indirect.gather [hbm4b:s1+s29], $0x80, s0, s29, $0xb8;
	[tilespmem:$0x19800] =	vst v63  }
0xbe: {  	_ =	swait.ge [sflag:s5], $0x2800  }
0xbf: {  	[sflag:s5] =	ssyncset.done $0x0  }
0xc0: {  	[sflag:s5] =	ssyncadd.s32 $0xFFFFD800  }
0xc1: {  	[spmem:s3] =	stream.indirect.scatter.add.f32 [tilespmem:s31], [sflag:$0x3], $0x80, s14, s29, $0xb8;
	[tilespmem:$0x19800] =	vst v63  }
0xc2: {  	_ =	swait.ge [sflag:s26], $0x2800  }
0xc3: {  	[sflag:s26] =	ssyncset.done $0x0  }
0xc4: {  	[sflag:s26] =	ssyncadd.s32 $0xFFFFD800  }
0xc5: {  	[tilespmem:s31], [sflag:$0x2] =	stream.indirect.gather [hbm4b:s1+s29], $0x80, s15, s29, $0xb8;
	[tilespmem:$0x19800] =	vst v63  }
0xc6: {  	_ =	swait.ge [sflag:s2], $0x2800  }
0xc7: {  	[sflag:s2] =	ssyncset.done $0x0  }
0xc8: {  	[sflag:s2] =	ssyncadd.s32 $0xFFFFD800  }
0xc9: {  	[spmem:s3] =	stream.indirect.scatter.add.f32 [tilespmem:s25], [sflag:$0x3], $0x80, s16, s29, $0xb8;
	[tilespmem:$0x19800] =	vst v63  }
0xca: {  	_ =	swait.ge [sflag:s26], $0x2800  }
0xcb: {  	[sflag:s26] =	ssyncset.done $0x0  }
0xcc: {  	[sflag:s26] =	ssyncadd.s32 $0xFFFFD800  }
0xcd: {  	[tilespmem:s25], [sflag:$0x1] =	stream.indirect.gather [hbm4b:s1+s29], $0x80, s17, s29, $0xb8;
	[tilespmem:$0x19800] =	vst v63  }
0xce: {  	_ =	swait.ge [sflag:s5], $0x2800  }
0xcf: {  	[sflag:s5] =	ssyncset.done $0x0  }
0xd0: {  	[sflag:s5] =	ssyncadd.s32 $0xFFFFD800  }
0xd1: {  	[spmem:s3] =	stream.indirect.scatter.add.f32 [tilespmem:s31], [sflag:$0x3], $0x80, s18, s29, $0xb8;
	[tilespmem:$0x19800] =	vst v63  }
0xd2: {  	_ =	swait.ge [sflag:s26], $0x2800  }
0xd3: {  	[sflag:s26] =	ssyncset.done $0x0  }
0xd4: {  	[sflag:s26] =	ssyncadd.s32 $0xFFFFD800  }
0xd5: {  	_ =	swait.ge [sflag:s2], $0x2800  }
0xd6: {  	[sflag:s2] =	ssyncset.done $0x0  }
0xd7: {  	[sflag:s2] =	ssyncadd.s32 $0xFFFFD800  }
0xd8: {  	[spmem:s3] =	stream.indirect.scatter.add.f32 [tilespmem:s25], [sflag:$0x3], $0x80, s19, s29, $0xb8;
	[tilespmem:$0x19800] =	vst v63  }
0xd9: {  	_ =	swait.ge [sflag:s26], $0x2800  }
0xda: {  	[sflag:s26] =	ssyncset.done $0x0  }
0xdb: {  	[sflag:s26] =	ssyncadd.s32 $0xFFFFD800  }
0xdc: {  	[bflag:$0x0] =	sbarrier.arrive $0xFFFF  }
0xdd: {  	[tilespmem:s25], [sflag:$0x3] =	stream.linear.gather [spmem:s9], $0x2800, $0x38;
	[tilespmem:$0x19800] =	vst v63  }
0xde: {  	_ =	swait.ge [sflag:s26], $0x2800  }
0xdf: {  	[sflag:s26] =	ssyncset.done $0x0  }
0xe0: {  	s21 =	rddreg [dreg:$0x8];
	[sflag:s26] =	ssyncadd.s32 $0xFFFFD800  }
0xe1: {  	[hbm4b:s21+s4] =	stream.linear.scatter [tilespmem:s25], [sflag:$0x3], $0x2800, $0x38;
	[tilespmem:$0x19800] =	vst v63  }
0xe2: {  	_ =	swait.ge [sflag:s26], $0x2800  }
0xe3: {  	[sflag:s26] =	ssyncset.done $0x0  }
0xe4: {  	[sflag:s26] =	ssyncadd.s32 $0xFFFFD800  }
0xe5: {  	[tilespmem:s25], [sflag:$0x3] =	stream.linear.gather [spmem:s10], $0x2800, $0x38;
	[tilespmem:$0x19800] =	vst v63  }
0xe6: {  	_ =	swait.ge [sflag:s26], $0x2800  }
0xe7: {  	[sflag:s26] =	ssyncset.done $0x0  }
0xe8: {  	s22 =	rddreg [dreg:$0x9];
	[sflag:s26] =	ssyncadd.s32 $0xFFFFD800  }
0xe9: {  	[hbm4b:s22+s4] =	stream.linear.scatter [tilespmem:s25], [sflag:$0x3], $0x2800, $0x38;
	[tilespmem:$0x19800] =	vst v63  }
0xea: {  	_ =	swait.ge [sflag:s26], $0x2800  }
0xeb: {  	[sflag:s26] =	ssyncset.done $0x0  }
0xec: {  	[sflag:s26] =	ssyncadd.s32 $0xFFFFD800  }
0xed: {  	[tilespmem:s25], [sflag:$0x3] =	stream.linear.gather [spmem:s11], $0x2800, $0x38;
	[tilespmem:$0x19800] =	vst v63  }
0xee: {  	_ =	swait.ge [sflag:s26], $0x2800  }
0xef: {  	[sflag:s26] =	ssyncset.done $0x0  }
0xf0: {  	s7 =	smov.u32 s9;
	s9 =	rddreg [dreg:$0xa];
	[sflag:s26] =	ssyncadd.s32 $0xFFFFD800  }
0xf1: {  	[hbm4b:s9+s4] =	stream.linear.scatter [tilespmem:s25], [sflag:$0x3], $0x2800, $0x38;
	[tilespmem:$0x19800] =	vst v63  }
0xf2: {  	_ =	swait.ge [sflag:s26], $0x2800  }
0xf3: {  	[sflag:s26] =	ssyncset.done $0x0  }
0xf4: {  	[sflag:s26] =	ssyncadd.s32 $0xFFFFD800  }
0xf5: {  	[tilespmem:s25], [sflag:$0x3] =	stream.linear.gather [spmem:s12], $0x2800, $0x38;
	[tilespmem:$0x19800] =	vst v63  }
0xf6: {  	_ =	swait.ge [sflag:s26], $0x2800  }
0xf7: {  	[sflag:s26] =	ssyncset.done $0x0  }
0xf8: {  	s8 =	smov.u32 s10;
	s10 =	rddreg [dreg:$0xb];
	[sflag:s26] =	ssyncadd.s32 $0xFFFFD800  }
0xf9: {  	[hbm4b:s10+s4] =	stream.linear.scatter [tilespmem:s25], [sflag:$0x3], $0x2800, $0x38;
	[tilespmem:$0x19800] =	vst v63  }
0xfa: {  	_ =	swait.ge [sflag:s26], $0x2800  }
0xfb: {  	[sflag:s26] =	ssyncset.done $0x0  }
0xfc: {  	[sflag:s26] =	ssyncadd.s32 $0xFFFFD800  }
0xfd: {  	[tilespmem:s25], [sflag:$0x3] =	stream.linear.gather [spmem:s13], $0x2800, $0x38;
	[tilespmem:$0x19800] =	vst v63  }
0xfe: {  	_ =	swait.ge [sflag:s26], $0x2800  }
0xff: {  	[sflag:s26] =	ssyncset.done $0x0  }
0x100: {  	s22 =	smov.u32 s11;
	s11 =	rddreg [dreg:$0xc];
	[sflag:s26] =	ssyncadd.s32 $0xFFFFD800  }
0x101: {  	[hbm4b:s11+s4] =	stream.linear.scatter [tilespmem:s25], [sflag:$0x3], $0x2800, $0x38;
	[tilespmem:$0x19800] =	vst v63  }
0x102: {  	_ =	swait.ge [sflag:s26], $0x2800  }
0x103: {  	[sflag:s26] =	ssyncset.done $0x0  }
0x104: {  	s11 =	rddreg [dreg:$0x5];
	[sflag:s26] =	ssyncadd.s32 $0xFFFFD800  }
0x105: {  	[tilespmem:s25], [sflag:$0x3] =	stream.linear.gather [spmem:s11], $0x2800, $0x38;
	[tilespmem:$0x19800] =	vst v63  }
0x106: {  	_ =	swait.ge [sflag:s26], $0x2800  }
0x107: {  	[sflag:s26] =	ssyncset.done $0x0  }
0x108: {  	s21 =	smov.u32 s12;
	s12 =	rddreg [dreg:$0xd];
	[sflag:s26] =	ssyncadd.s32 $0xFFFFD800  }
0x109: {  	[hbm4b:s12+s4] =	stream.linear.scatter [tilespmem:s25], [sflag:$0x3], $0x2800, $0x38;
	[tilespmem:$0x19800] =	vst v63  }
0x10a: {  	_ =	swait.ge [sflag:s26], $0x2800  }
0x10b: {  	[sflag:s26] =	ssyncset.done $0x0  }
0x10c: {  	s12 =	rddreg [dreg:$0x6];
	[sflag:s26] =	ssyncadd.s32 $0xFFFFD800  }
0x10d: {  	[tilespmem:s25], [sflag:$0x3] =	stream.linear.gather [spmem:s12], $0x2800, $0x38;
	[tilespmem:$0x19800] =	vst v63  }
0x10e: {  	_ =	swait.ge [sflag:s26], $0x2800  }
0x10f: {  	[sflag:s26] =	ssyncset.done $0x0  }
0x110: {  	s10 =	smov.u32 s13;
	s13 =	rddreg [dreg:$0xe];
	[sflag:s26] =	ssyncadd.s32 $0xFFFFD800  }
0x111: {  	[hbm4b:s13+s4] =	stream.linear.scatter [tilespmem:s25], [sflag:$0x3], $0x2800, $0x38;
	[tilespmem:$0x19800] =	vst v63  }
0x112: {  	_ =	swait.ge [sflag:s26], $0x2800  }
0x113: {  	[sflag:s26] =	ssyncset.done $0x0  }
0x114: {  	s13 =	rddreg [dreg:$0x7];
	[sflag:s26] =	ssyncadd.s32 $0xFFFFD800  }
0x115: {  	[tilespmem:s25], [sflag:$0x3] =	stream.linear.gather [spmem:s13], $0x2800, $0x38;
	[tilespmem:$0x19800] =	vst v63  }
0x116: {  	_ =	swait.ge [sflag:s26], $0x2800  }
0x117: {  	[sflag:s26] =	ssyncset.done $0x0  }
0x118: {  	s9 =	rddreg [dreg:$0xf];
	[sflag:s26] =	ssyncadd.s32 $0xFFFFD800  }
0x119: {  	[hbm4b:s9+s4] =	stream.linear.scatter [tilespmem:s25], [sflag:$0x3], $0x2800, $0x38;
	[tilespmem:$0x19800] =	vst v63  }
0x11a: {  	_ =	swait.ge [sflag:s26], $0x2800  }
0x11b: {  	s20 =	sadd.s32 $0x1, s20;
	s9 =	rddreg [dreg:$0x10]  }
0x11c: {  	p0 =	sne.s32 s20, s9  }
.Ltmp1:
0x11d: {  	_ = 	snop;
	(pc) =	sbr.rel @p0 .LBB2_1-.Ltmp1, $3  }
0x11e: {  	_ =	sdelay $0x1  }
0x11f: {  	[sflag:s26] =	ssyncset.done $0x0  }
0x120: {  	[sflag:s26] =	ssyncadd.s32 $0xFFFFD800  }
0x121: {  	_ =	sfence.sel $0x180000  }
0x122: {  	[bflag:$0x0] =	sbarrier.arrive $0xFFFF  }
0x123: {  	_ =	strace $0x90000047  }
0x124: {  	s0 =	stileid.u32;
	[bflag:$0x2] =	sbarrier.arrive $0xFFFF  }
0x125: {  	p0 =	sne.s32 s0, $0x0;
	s0 =	rddreg [dreg:$0x3]  }
0x126: {  	s0 =	sadd.s32 @!p0 $0x100000, s0  }
0x127: {  	[sflag:s0] =	ssyncadd.tile.s32 @!p0 $0x1;
	_ =	shalt  }
.Lfunc_end2:
_tile_overlayer_lowered:
.L_overlay_start_2:
0x128: {  	(tag) =	ssettag $0x2  }
0x129: {  	s0 =	rddreg [dreg:$0x0];
	s2 =	stileid.u32  }
0x12a: {  	s1 =	rddreg [dreg:$0x1];
	p0 =	sne.s32 s2, $0x0  }
0x12b: {  	s3 =	rddreg [dreg:$0x2];
	[bflag:$0x3] =	sbarrier.arrive $0xFFFF;
	s2 =	simm.s32 @!p0 $0x1C03  }
0x12c: {  	[timem:s3], [sflag:s2] =	dma.local @!p0 [hbm:s0], s1  }
0x12d: {  	s0 =	simm.s32 @!p0 $0x3  }
0x12e: {  	_ =	swait.ge @!p0 [sflag:s0], s1  }
0x12f: {  	s1 =	ssub.s32 @!p0 $0x0, s1;
	[sflag:s0] =	ssyncset.done @!p0 $0x0  }
0x130: {  	[sflag:s0] =	ssyncadd.s32 @!p0 s1  }
0x131: {  	[bflag:$0x3] =	sbarrier.arrive $0xFFFF  }
0x132: {  	_ =	shalt  }

</sc_bundles>
